<compile_context>
chip_gen: v7x
topology: tpu7x:2x2x1
jax: 0.10.2.dev20260603
libtpu: 0.0.44.dev20260713+nightly
codegen_flags: <defaults>
</compile_context>

<pallas_src>
import functools

import jax
import jax.numpy as jnp
from jax import lax
from jax.experimental import pallas as pl
from jax.experimental.pallas import tpu as pltpu
from jax.experimental.pallas import tpu_sc as plsc

_EPS = 1e-5


def _sc_detile(tab2d, tail, g, v, d):
    nt = v // 128
    ub = 8
    upg = (nt + ub - 1) // ub
    last_vb = nt - ub
    units = g * upg
    info = plsc.get_sparse_core_info()
    nw = info.num_cores * info.num_subcores
    n_per_w = (units + nw - 1) // nw
    nbuf = 3
    n_batch = (n_per_w + nbuf - 1) // nbuf
    tail_w = (v - nt * 128) * d
    cw = ub * 128
    mesh = plsc.VectorSubcoreMesh(core_axis_name="c", subcore_axis_name="s")

    @functools.partial(
        pl.kernel,
        mesh=mesh,
        out_type=jax.ShapeDtypeStruct((g * v * d,), jnp.float32),
        compiler_params=pltpu.CompilerParams(
            use_tc_tiling_on_sc=True, needs_layout_passes=False),
        scratch_types=[
            pltpu.VMEM((nbuf, d, cw), jnp.float32),
            pltpu.VMEM((nbuf * cw * d,), jnp.float32),
            pltpu.VMEM((tail_w,), jnp.float32),
            pltpu.SemaphoreType.DMA((nbuf,)),
            pltpu.SemaphoreType.DMA((nbuf,)),
        ],
    )
    def detile(tab_hbm, tail_hbm, out_hbm, bufs, stages, tbuf, isem, osem):
        wid = lax.axis_index("s") * info.num_cores + lax.axis_index("c")
        b16 = lax.iota(jnp.int32, 16) * d
        b16d = [b16 + dd for dd in range(d)]

        def unit_slices(u):
            u = jnp.minimum(u, units - 1)
            gi = u // upg
            j = u - gi * upg
            vb0 = jnp.minimum(j * ub, last_vb)
            r0 = pl.multiple_of(gi * d, 8)
            c0 = pl.multiple_of(vb0 * 128, 128)
            e0 = pl.multiple_of((gi * v + vb0 * 128) * d, 128)
            return r0, c0, e0

        def batch_body(kk, carry):
            k0 = kk * nbuf
            ins = []
            for b in range(nbuf):
                r0, c0, _ = unit_slices(wid * n_per_w + k0 + b)
                ins.append(pltpu.async_copy(
                    tab_hbm.at[pl.ds(r0, d), pl.ds(c0, cw)],
                    bufs.at[b], isem.at[b]))
            outs = []
            for b in range(nbuf):
                _, _, e0 = unit_slices(wid * n_per_w + k0 + b)
                ins[b].wait()
                buf = bufs.at[b]
                stage = stages.at[pl.ds(b * cw * d, cw * d)]

                @plsc.parallel_loop(0, cw // 16, unroll=4)
                def _shuffle(c, buf=buf, stage=stage):
                    c0 = c * (16 * d)
                    for dd in range(d):
                        vals = buf[dd, pl.ds(c * 16, 16)]
                        plsc.store_scatter(stage, [b16d[dd] + c0], vals)
                outs.append(pltpu.async_copy(
                    stage, out_hbm.at[pl.ds(e0, cw * d)], osem.at[b]))
            for b in range(nbuf):
                outs[b].wait()
            return carry

        lax.fori_loop(0, n_batch, batch_body, 0)

        @pl.when(wid < g)
        def _():
            pltpu.sync_copy(tail_hbm.at[wid], tbuf)
            e0 = pl.multiple_of(wid * v * d + nt * 128 * d, 128)
            pltpu.sync_copy(tbuf, out_hbm.at[pl.ds(e0, tail_w)])

    return detile(tab2d, tail)


def _sc_gather(flat_idx, tables2d):
    n = flat_idx.shape[0]
    d = tables2d.shape[1]
    info = plsc.get_sparse_core_info()
    nw = info.num_cores * info.num_subcores
    per_w = n // nw
    ch = 1664
    n_ch = per_w // ch
    assert per_w % ch == 0

    mesh = plsc.VectorSubcoreMesh(core_axis_name="c", subcore_axis_name="s")

    @functools.partial(
        pl.kernel,
        mesh=mesh,
        out_type=jax.ShapeDtypeStruct((n, d), jnp.float32),
        compiler_params=pltpu.CompilerParams(use_tc_tiling_on_sc=False),
        scratch_types=[
            pltpu.VMEM((ch,), jnp.int32),
            pltpu.VMEM((ch, d), jnp.float32),
            pltpu.SemaphoreType.DMA,
        ],
    )
    def gather_kernel(idx_hbm, tab_hbm, out_hbm, idx_v, rows_v, sem):
        wid = lax.axis_index("s") * info.num_cores + lax.axis_index("c")
        base = wid * per_w

        def body(i, carry):
            off = base + i * ch
            pltpu.sync_copy(idx_hbm.at[pl.ds(off, ch)], idx_v)
            pltpu.async_copy(tab_hbm.at[idx_v], rows_v, sem).wait()
            pltpu.sync_copy(rows_v, out_hbm.at[pl.ds(off, ch)])
            return carry

        lax.fori_loop(0, n_ch, body, 0)

    return gather_kernel(flat_idx, tables2d)


def _mm_stats_body(x_ref, w_ref, b_ref, h_ref, s_ref, q_ref):
    j = pl.program_id(0)
    h = jnp.dot(x_ref[...], w_ref[...], preferred_element_type=jnp.float32)
    h = h + b_ref[...]
    h_ref[...] = h

    @pl.when(j == 0)
    def _():
        s_ref[...] = jnp.zeros_like(s_ref)
        q_ref[...] = jnp.zeros_like(q_ref)

    s_ref[...] += jnp.sum(h, axis=0, keepdims=True)
    q_ref[...] += jnp.sum(h * h, axis=0, keepdims=True)


def _bn_affine(s, q, ga, bea, gb, beb, nb):
    m = s / nb
    v = q / nb - m * m
    inv1 = lax.rsqrt(v + _EPS)
    sa = ga * inv1
    v2 = sa * sa * v
    inv2 = lax.rsqrt(v2 + _EPS)
    scale = sa * gb * inv2
    return m, scale


def _norm_mm_stats_body(h_ref, s_in, q_in, ga, bea, gb, beb, w_ref, b_ref,
                        h2_ref, s_ref, q_ref, *, nb):
    j = pl.program_id(0)
    m, scale = _bn_affine(s_in[...], q_in[...], ga[...], bea[...],
                          gb[...], beb[...], nb)
    z = jnp.maximum((h_ref[...] - m) * scale + beb[...], 0.0)
    h2 = jnp.dot(z, w_ref[...], preferred_element_type=jnp.float32)
    h2 = h2 + b_ref[...]
    h2_ref[...] = h2

    @pl.when(j == 0)
    def _():
        s_ref[...] = jnp.zeros_like(s_ref)
        q_ref[...] = jnp.zeros_like(q_ref)

    s_ref[...] += jnp.sum(h2, axis=0, keepdims=True)
    q_ref[...] += jnp.sum(h2 * h2, axis=0, keepdims=True)


def _norm_out_body(h_ref, s_in, q_in, ga, bea, gb, beb, w_ref, b_ref,
                   o_ref, *, nb):
    m, scale = _bn_affine(s_in[...], q_in[...], ga[...], bea[...],
                          gb[...], beb[...], nb)
    z = jnp.maximum((h_ref[...] - m) * scale + beb[...], 0.0)
    o = jnp.dot(z, w_ref[...], preferred_element_type=jnp.float32)
    o_ref[...] = jax.nn.sigmoid(o + b_ref[...])


def _row2(a):
    return a.reshape(1, -1)


def kernel(idx, tables, W1, b1, g1a, be1a, g1b, be1b, W2, b2, g2a, be2a,
           g2b, be2b, W3, b3):
    bsz, g = idx.shape
    _, v, d = tables.shape
    gd, h1d = W1.shape
    h2d = W2.shape[1]

    offs = (jnp.arange(g, dtype=jnp.int32) * v)[None, :]
    flat_idx = (idx.astype(jnp.int32) + offs).reshape(-1)
    tab2d = tables.transpose(0, 2, 1).reshape(g * d, v)
    nt = v // 128
    tail = tables[:, nt * 128:, :].reshape(g, (v - nt * 128) * d)
    packed = _sc_detile(tab2d, tail, g, v, d)
    rows = _sc_gather(flat_idx, packed.reshape(g * v, d))
    x = rows.reshape(bsz, gd)

    r = 2048
    nblk = bsz // r
    fullspec = lambda shp: pl.BlockSpec(shp, lambda j: (0, 0))

    h1, s1, q1 = pl.pallas_call(
        _mm_stats_body,
        grid=(nblk,),
        in_specs=[
            pl.BlockSpec((r, gd), lambda j: (j, 0)),
            fullspec((gd, h1d)),
            fullspec((1, h1d)),
        ],
        out_specs=[
            pl.BlockSpec((r, h1d), lambda j: (j, 0)),
            fullspec((1, h1d)),
            fullspec((1, h1d)),
        ],
        out_shape=[
            jax.ShapeDtypeStruct((bsz, h1d), jnp.float32),
            jax.ShapeDtypeStruct((1, h1d), jnp.float32),
            jax.ShapeDtypeStruct((1, h1d), jnp.float32),
        ],
    )(x, W1, _row2(b1))

    h2, s2, q2 = pl.pallas_call(
        functools.partial(_norm_mm_stats_body, nb=float(bsz)),
        grid=(nblk,),
        in_specs=[
            pl.BlockSpec((r, h1d), lambda j: (j, 0)),
            fullspec((1, h1d)), fullspec((1, h1d)),
            fullspec((1, h1d)), fullspec((1, h1d)),
            fullspec((1, h1d)), fullspec((1, h1d)),
            fullspec((h1d, h2d)),
            fullspec((1, h2d)),
        ],
        out_specs=[
            pl.BlockSpec((r, h2d), lambda j: (j, 0)),
            fullspec((1, h2d)),
            fullspec((1, h2d)),
        ],
        out_shape=[
            jax.ShapeDtypeStruct((bsz, h2d), jnp.float32),
            jax.ShapeDtypeStruct((1, h2d), jnp.float32),
            jax.ShapeDtypeStruct((1, h2d), jnp.float32),
        ],
    )(h1, s1, q1, _row2(g1a), _row2(be1a), _row2(g1b), _row2(be1b),
      W2, _row2(b2))

    out = pl.pallas_call(
        functools.partial(_norm_out_body, nb=float(bsz)),
        grid=(nblk,),
        in_specs=[
            pl.BlockSpec((r, h2d), lambda j: (j, 0)),
            fullspec((1, h2d)), fullspec((1, h2d)),
            fullspec((1, h2d)), fullspec((1, h2d)),
            fullspec((1, h2d)), fullspec((1, h2d)),
            fullspec((h2d, 1)),
            fullspec((1, 1)),
        ],
        out_specs=pl.BlockSpec((r, 1), lambda j: (j, 0)),
        out_shape=jax.ShapeDtypeStruct((bsz, 1), jnp.float32),
    )(h2, s2, q2, _row2(g2a), _row2(be2a), _row2(g2b), _row2(be2b),
      W3, _row2(b3))

    return out

# --- scband reference (transcript-rebuilt; emitter-appended) ---
"""Pipeline reference for scband-group-wise-embedding-network-32023276159585 (READ-ONLY COPY).

The authoritative reference and input builder live on the scoring server;
editing this copy changes nothing except your own understanding.
"""

import jax, jax.numpy as jnp
import numpy as np

G = 26
V = 100000
D = 16
B = 16384
H1 = 256
H2 = 128


def _bn(x, g, b):
    m = jnp.mean(x, axis=0)
    v = jnp.var(x, axis=0)
    return (x - m) / jnp.sqrt(v + 1e-5) * g + b


def setup_inputs(seed: int = 0):
    key = jax.random.key(seed)
    ks = jax.random.split(key, 8)
    idx = jax.random.randint(ks[0], (B, G), 0, V)
    tables = jax.random.normal(ks[1], (G, V, D), dtype=jnp.float32) * 1e-4
    W1 = jax.random.normal(ks[2], (G * D, H1), dtype=jnp.float32) * 0.05
    b1 = jnp.zeros((H1,), jnp.float32)
    g1a = jnp.ones((H1,), jnp.float32)
    be1a = jnp.zeros((H1,), jnp.float32)
    g1b = jnp.ones((H1,), jnp.float32)
    be1b = jnp.zeros((H1,), jnp.float32)
    W2 = jax.random.normal(ks[3], (H1, H2), dtype=jnp.float32) * 0.05
    b2 = jnp.zeros((H2,), jnp.float32)
    g2a = jnp.ones((H2,), jnp.float32)
    be2a = jnp.zeros((H2,), jnp.float32)
    g2b = jnp.ones((H2,), jnp.float32)
    be2b = jnp.zeros((H2,), jnp.float32)
    W3 = jax.random.normal(ks[4], (H2, 1), dtype=jnp.float32) * 0.05
    b3 = jnp.zeros((1,), jnp.float32)
    return {
        'idx': idx, 'tables': tables,
        'W1': W1, 'b1': b1, 'g1a': g1a, 'be1a': be1a, 'g1b': g1b, 'be1b': be1b,
        'W2': W2, 'b2': b2, 'g2a': g2a, 'be2a': be2a, 'g2b': g2b, 'be2b': be2b,
        'W3': W3, 'b3': b3,
    }


def reference(idx, tables, W1, b1, g1a, be1a, g1b, be1b, W2, b2, g2a, be2a, g2b, be2b, W3, b3):
    # group-wise embedding lookup: each field i gathers from its own table, then
    # the per-field [B, 1, D] lookup is summed over dim=1 (identity here) and concatenated.
    ws = [jnp.take(tables[i], idx[:, i], axis=0) for i in range(G)]
    x = jnp.concatenate(ws, axis=1)  # [B, G*D]
    h = x @ W1 + b1
    h = _bn(h, g1a, be1a)
    h = _bn(h, g1b, be1b)
    h = jax.nn.relu(h)
    # dropout is identity in inference
    h = h @ W2 + b2
    h = _bn(h, g2a, be2a)
    h = _bn(h, g2b, be2b)
    h = jax.nn.relu(h)
    h = h @ W3 + b3
    return jax.nn.sigmoid(h)

if __name__ == "__main__":
    import jax
    _d = setup_inputs()
    print(jax.jit(kernel)(*tuple(_d.values())))

</pallas_src>

<mosaic_0001>
#map = affine_map<(d0, d1) -> (0)>
#map1 = affine_map<(d0, d1) -> (0, 0)>
module attributes {stable_mosaic.version = 14 : i64} {
  func.func @gather_kernel(%arg0: i32, %arg1: i32, %arg2: memref<425984xi32, #tpu.memory_space<hbm>>, %arg3: memref<2600000x16xf32, #tpu.memory_space<hbm>>, %arg4: memref<425984x16xf32, #tpu.memory_space<hbm>>, %arg5: memref<1664xi32, #tpu.memory_space<vmem>>, %arg6: memref<1664x16xf32, #tpu.memory_space<vmem>>, %arg7: memref<!tpu.dma_semaphore, #tpu.memory_space<semaphore_mem>>) attributes {dimension_semantics = [#tpu.dimension_semantics<core_parallel>, #tpu.dimension_semantics<subcore_parallel>], iteration_bounds = array<i64: 2, 16>, scalar_prefetch = 0 : i64, scratch_operands = 3 : i64, tpu.core_type = #tpu.core_type<sc_vector_subcore>, window_params = [{transform_indices = #map}, {transform_indices = #map1}, {transform_indices = #map1}]} {
    %mul3A = arith.constant 2 : i32
    %mul3A_0 = arith.muli %arg1, %mul3A : i32
    %add3A = arith.addi %mul3A_0, %arg0 : i32
    %mul3A_1 = arith.constant 13312 : i32
    %mul3A_2 = arith.muli %add3A, %mul3A_1 : i32
    %scan3A = arith.constant 0 : i32
    %scan3A_3 = arith.constant 0 : i32
    %scan3A_4 = arith.constant 8 : i32
    %scan3A_5 = arith.addi %scan3A_3, %scan3A_4 : i32
    %scan3A_6 = arith.constant 1 : i32
    scf.for %scan3A_8 = %scan3A_3 to %scan3A_5 step %scan3A_6  : i32 {
      %mul3A_9 = arith.constant 1664 : i32
      %mul3A_10 = arith.muli %scan3A_8, %mul3A_9 : i32
      %add3A_11 = arith.addi %mul3A_2, %mul3A_10 : i32
      "tpu.region"() ({
        %run_scoped3A = tpu.sem_alloc : memref<!tpu.dma_semaphore, #tpu.memory_space<semaphore_mem>>
        %dma_start3A_16 = tpu.memref_slice %arg2[%add3A_11] : memref<425984xi32, #tpu.memory_space<hbm>> -> memref<1664xi32, #tpu.memory_space<hbm>>
        %dma_start3A_17 = tpu.memref_slice %arg2[%add3A_11] : memref<425984xi32, #tpu.memory_space<hbm>> -> memref<1664xi32, #tpu.memory_space<hbm>>
        tpu.enqueue_dma source(%dma_start3A_17 : memref<1664xi32, #tpu.memory_space<hbm>>) target(%arg5 : memref<1664xi32, #tpu.memory_space<vmem>>) target_semaphore(%run_scoped3A : memref<!tpu.dma_semaphore, #tpu.memory_space<semaphore_mem>>)
        %dma_wait3A_18 = tpu.memref_slice %arg2[%add3A_11] : memref<425984xi32, #tpu.memory_space<hbm>> -> memref<1664xi32, #tpu.memory_space<hbm>>
        %dma_wait3A_19 = tpu.memref_slice %arg2[%add3A_11] : memref<425984xi32, #tpu.memory_space<hbm>> -> memref<1664xi32, #tpu.memory_space<hbm>>
        tpu.wait_dma2 semaphore(%run_scoped3A : memref<!tpu.dma_semaphore, #tpu.memory_space<semaphore_mem>>) src(%dma_wait3A_19 : memref<1664xi32, #tpu.memory_space<hbm>>) dst(%arg5 : memref<1664xi32, #tpu.memory_space<vmem>>)
        tpu.yield
      }) : () -> ()
      %dma_start3A = arith.constant 0 : i32
      %dma_start3A_12 = arith.constant 0 : i32
      %dma_start3A_13 = tpu.memref_slice %arg3[%dma_start3A, %dma_start3A_12] : memref<2600000x16xf32, #tpu.memory_space<hbm>> -> memref<2600000x16xf32, #tpu.memory_space<hbm>>
      tpu.enqueue_indirect_dma source(%dma_start3A_13 : memref<2600000x16xf32, #tpu.memory_space<hbm>>) target(%arg6 : memref<1664x16xf32, #tpu.memory_space<vmem>>) offsets(%arg5 : memref<1664xi32, #tpu.memory_space<vmem>>) semaphore(%arg7 : memref<!tpu.dma_semaphore, #tpu.memory_space<semaphore_mem>>)
      %dma_wait3A = arith.constant 0 : i32
      %dma_wait3A_14 = arith.constant 0 : i32
      %dma_wait3A_15 = tpu.memref_slice %arg3[%dma_wait3A, %dma_wait3A_14] : memref<2600000x16xf32, #tpu.memory_space<hbm>> -> memref<2600000x16xf32, #tpu.memory_space<hbm>>
      tpu.wait_indirect_dma semaphore(%arg7 : memref<!tpu.dma_semaphore, #tpu.memory_space<semaphore_mem>>) src(%dma_wait3A_15 : memref<2600000x16xf32, #tpu.memory_space<hbm>>) dst(%arg6 : memref<1664x16xf32, #tpu.memory_space<vmem>>)
      "tpu.region"() ({
        %run_scoped3A = tpu.sem_alloc : memref<!tpu.dma_semaphore, #tpu.memory_space<semaphore_mem>>
        %dma_start3A_16 = arith.constant 0 : i32
        %dma_start3A_17 = tpu.memref_slice %arg4[%add3A_11, %dma_start3A_16] : memref<425984x16xf32, #tpu.memory_space<hbm>> -> memref<1664x16xf32, #tpu.memory_space<hbm>>
        %dma_start3A_18 = arith.constant 0 : i32
        %dma_start3A_19 = tpu.memref_slice %arg4[%add3A_11, %dma_start3A_18] : memref<425984x16xf32, #tpu.memory_space<hbm>> -> memref<1664x16xf32, #tpu.memory_space<hbm>>
        tpu.enqueue_dma source(%arg6 : memref<1664x16xf32, #tpu.memory_space<vmem>>) target(%dma_start3A_19 : memref<1664x16xf32, #tpu.memory_space<hbm>>) target_semaphore(%run_scoped3A : memref<!tpu.dma_semaphore, #tpu.memory_space<semaphore_mem>>)
        %dma_wait3A_20 = arith.constant 0 : i32
        %dma_wait3A_21 = tpu.memref_slice %arg4[%add3A_11, %dma_wait3A_20] : memref<425984x16xf32, #tpu.memory_space<hbm>> -> memref<1664x16xf32, #tpu.memory_space<hbm>>
        %dma_wait3A_22 = arith.constant 0 : i32
        %dma_wait3A_23 = tpu.memref_slice %arg4[%add3A_11, %dma_wait3A_22] : memref<425984x16xf32, #tpu.memory_space<hbm>> -> memref<1664x16xf32, #tpu.memory_space<hbm>>
        tpu.wait_dma2 semaphore(%run_scoped3A : memref<!tpu.dma_semaphore, #tpu.memory_space<semaphore_mem>>) src(%arg6 : memref<1664x16xf32, #tpu.memory_space<vmem>>) dst(%dma_wait3A_23 : memref<1664x16xf32, #tpu.memory_space<hbm>>)
        tpu.yield
      }) : () -> ()
    }
    %scan3A_7 = arith.constant 8 : i32
    return
  }
}

#map = affine_map<(d0, d1) -> (0, 0)>
#map1 = affine_map<(d0, d1) -> (0)>
module attributes {stable_mosaic.version = 14 : i64} {
  func.func @detile(%arg0: i32, %arg1: i32, %arg2: memref<416x100000xf32, #tpu.memory_space<hbm>>, %arg3: memref<26x512xf32, #tpu.memory_space<hbm>>, %arg4: memref<41600000xf32, #tpu.memory_space<hbm>>, %arg5: memref<3x16x1024xf32, #tpu.memory_space<vmem>>, %arg6: memref<49152xf32, #tpu.memory_space<vmem>>, %arg7: memref<512xf32, #tpu.memory_space<vmem>>, %arg8: memref<3x!tpu.dma_semaphore, #tpu.memory_space<semaphore_mem>>, %arg9: memref<3x!tpu.dma_semaphore, #tpu.memory_space<semaphore_mem>>) attributes {dimension_semantics = [#tpu.dimension_semantics<core_parallel>, #tpu.dimension_semantics<subcore_parallel>], iteration_bounds = array<i64: 2, 16>, scalar_prefetch = 0 : i64, scratch_operands = 5 : i64, tpu.core_type = #tpu.core_type<sc_vector_subcore>, window_params = [{transform_indices = #map}, {transform_indices = #map}, {transform_indices = #map1}]} {
    %mul3A = arith.constant 2 : i32
    %mul3A_0 = arith.muli %arg1, %mul3A : i32
    %add3A = arith.addi %mul3A_0, %arg0 : i32
    %iota3A = tpu.iota {dimensions = array<i32: 0>} : vector<16xi32>
    %mul3A_1 = arith.constant 16 : i32
    %mul3A_2 = vector.broadcast %mul3A_1 : i32 to vector<16xi32>
    %mul3A_3 = arith.muli %iota3A, %mul3A_2 : vector<16xi32>
    %add3A_4 = arith.constant 0 : i32
    %add3A_5 = vector.broadcast %add3A_4 : i32 to vector<16xi32>
    %add3A_6 = arith.addi %mul3A_3, %add3A_5 : vector<16xi32>
    %add3A_7 = arith.constant 1 : i32
    %add3A_8 = vector.broadcast %add3A_7 : i32 to vector<16xi32>
    %add3A_9 = arith.addi %mul3A_3, %add3A_8 : vector<16xi32>
    %add3A_10 = arith.constant 2 : i32
    %add3A_11 = vector.broadcast %add3A_10 : i32 to vector<16xi32>
    %add3A_12 = arith.addi %mul3A_3, %add3A_11 : vector<16xi32>
    %add3A_13 = arith.constant 3 : i32
    %add3A_14 = vector.broadcast %add3A_13 : i32 to vector<16xi32>
    %add3A_15 = arith.addi %mul3A_3, %add3A_14 : vector<16xi32>
    %add3A_16 = arith.constant 4 : i32
    %add3A_17 = vector.broadcast %add3A_16 : i32 to vector<16xi32>
    %add3A_18 = arith.addi %mul3A_3, %add3A_17 : vector<16xi32>
    %add3A_19 = arith.constant 5 : i32
    %add3A_20 = vector.broadcast %add3A_19 : i32 to vector<16xi32>
    %add3A_21 = arith.addi %mul3A_3, %add3A_20 : vector<16xi32>
    %add3A_22 = arith.constant 6 : i32
    %add3A_23 = vector.broadcast %add3A_22 : i32 to vector<16xi32>
    %add3A_24 = arith.addi %mul3A_3, %add3A_23 : vector<16xi32>
    %add3A_25 = arith.constant 7 : i32
    %add3A_26 = vector.broadcast %add3A_25 : i32 to vector<16xi32>
    %add3A_27 = arith.addi %mul3A_3, %add3A_26 : vector<16xi32>
    %add3A_28 = arith.constant 8 : i32
    %add3A_29 = vector.broadcast %add3A_28 : i32 to vector<16xi32>
    %add3A_30 = arith.addi %mul3A_3, %add3A_29 : vector<16xi32>
    %add3A_31 = arith.constant 9 : i32
    %add3A_32 = vector.broadcast %add3A_31 : i32 to vector<16xi32>
    %add3A_33 = arith.addi %mul3A_3, %add3A_32 : vector<16xi32>
    %add3A_34 = arith.constant 10 : i32
    %add3A_35 = vector.broadcast %add3A_34 : i32 to vector<16xi32>
    %add3A_36 = arith.addi %mul3A_3, %add3A_35 : vector<16xi32>
    %add3A_37 = arith.constant 11 : i32
    %add3A_38 = vector.broadcast %add3A_37 : i32 to vector<16xi32>
    %add3A_39 = arith.addi %mul3A_3, %add3A_38 : vector<16xi32>
    %add3A_40 = arith.constant 12 : i32
    %add3A_41 = vector.broadcast %add3A_40 : i32 to vector<16xi32>
    %add3A_42 = arith.addi %mul3A_3, %add3A_41 : vector<16xi32>
    %add3A_43 = arith.constant 13 : i32
    %add3A_44 = vector.broadcast %add3A_43 : i32 to vector<16xi32>
    %add3A_45 = arith.addi %mul3A_3, %add3A_44 : vector<16xi32>
    %add3A_46 = arith.constant 14 : i32
    %add3A_47 = vector.broadcast %add3A_46 : i32 to vector<16xi32>
    %add3A_48 = arith.addi %mul3A_3, %add3A_47 : vector<16xi32>
    %add3A_49 = arith.constant 15 : i32
    %add3A_50 = vector.broadcast %add3A_49 : i32 to vector<16xi32>
    %add3A_51 = arith.addi %mul3A_3, %add3A_50 : vector<16xi32>
    %scan3A = arith.constant 0 : i32
    %scan3A_52 = arith.constant 0 : i32
    %scan3A_53 = arith.constant 27 : i32
    %scan3A_54 = arith.addi %scan3A_52, %scan3A_53 : i32
    %scan3A_55 = arith.constant 1 : i32
    scf.for %scan3A_59 = %scan3A_52 to %scan3A_54 step %scan3A_55  : i32 {
      %mul3A_60 = arith.constant 3 : i32
      %mul3A_61 = arith.muli %scan3A_59, %mul3A_60 : i32
      %mul3A_62 = arith.constant 80 : i32
      %mul3A_63 = arith.muli %add3A, %mul3A_62 : i32
      %add3A_64 = arith.addi %mul3A_63, %mul3A_61 : i32
      %add3A_65 = arith.constant 0 : i32
      %add3A_66 = arith.addi %add3A_64, %add3A_65 : i32
      %min3A = arith.constant 2547 : i32
      %min3A_67 = arith.minsi %add3A_66, %min3A : i32
      %jit3A = arith.constant 98 : i32
      %div3A = arith.divsi %min3A_67, %jit3A : i32
      %sign3A = arith.constant 0 : i32
      %sign3A_68 = arith.cmpi sgt, %min3A_67, %sign3A : i32
      %sign3A_69 = arith.extui %sign3A_68 : i1 to i32
      %sign3A_70 = arith.constant 0 : i32
      %sign3A_71 = arith.cmpi slt, %min3A_67, %sign3A_70 : i32
      %sign3A_72 = arith.extui %sign3A_71 : i1 to i32
      %sign3A_73 = arith.subi %sign3A_69, %sign3A_72 : i32
      %sign3A_74 = arith.constant 0 : i32
      %sign3A_75 = arith.cmpi sgt, %jit3A, %sign3A_74 : i32
      %sign3A_76 = arith.extui %sign3A_75 : i1 to i32
      %sign3A_77 = arith.constant 0 : i32
      %sign3A_78 = arith.cmpi slt, %jit3A, %sign3A_77 : i32
      %sign3A_79 = arith.extui %sign3A_78 : i1 to i32
      %sign3A_80 = arith.subi %sign3A_76, %sign3A_79 : i32
      %ne3A = arith.cmpi ne, %sign3A_73, %sign3A_80 : i32
      %rem3A = arith.remsi %min3A_67, %jit3A : i32
      %ne3A_81 = arith.constant 0 : i32
      %ne3A_82 = arith.cmpi ne, %rem3A, %ne3A_81 : i32
      %and3A = arith.andi %ne3A, %ne3A_82 : i1
      %sub3A = arith.constant 1 : i32
      %sub3A_83 = arith.subi %div3A, %sub3A : i32
      %select_n3A = arith.select %and3A, %sub3A_83, %div3A : i32
      %mul3A_84 = arith.constant 98 : i32
      %mul3A_85 = arith.muli %select_n3A, %mul3A_84 : i32
      %sub3A_86 = arith.subi %min3A_67, %mul3A_85 : i32
      %mul3A_87 = arith.constant 8 : i32
      %mul3A_88 = arith.muli %sub3A_86, %mul3A_87 : i32
      %min3A_89 = arith.constant 773 : i32
      %min3A_90 = arith.minsi %mul3A_88, %min3A_89 : i32
      %mul3A_91 = arith.constant 16 : i32
      %mul3A_92 = arith.muli %select_n3A, %mul3A_91 : i32
      %multiple_of3A = tpu.assume_multiple %mul3A_92, 8 : i32
      %mul3A_93 = arith.constant 128 : i32
      %mul3A_94 = arith.muli %min3A_90, %mul3A_93 : i32
      %multiple_of3A_95 = tpu.assume_multiple %mul3A_94, 128 : i32
      %mul3A_96 = arith.constant 100000 : i32
      %mul3A_97 = arith.muli %select_n3A, %mul3A_96 : i32
      %mul3A_98 = arith.constant 128 : i32
      %mul3A_99 = arith.muli %min3A_90, %mul3A_98 : i32
      %add3A_100 = arith.addi %mul3A_97, %mul3A_99 : i32
      %mul3A_101 = arith.constant 16 : i32
      %mul3A_102 = arith.muli %add3A_100, %mul3A_101 : i32
      %multiple_of3A_103 = tpu.assume_multiple %mul3A_102, 128 : i32
      %dma_start3A = arith.constant 0 : i32
      %dma_start3A_104 = arith.constant 0 : i32
      %dma_start3A_105 = arith.constant 0 : i32
      %dma_start3A_106 = arith.constant 0 : i32
      %dma_start3A_107 = tpu.memref_slice %arg5[%dma_start3A, %dma_start3A_105, %dma_start3A_106] : memref<3x16x1024xf32, #tpu.memory_space<vmem>> -> memref<1x16x1024xf32, #tpu.memory_space<vmem>>
      %dma_start3A_108 = tpu.memref_squeeze %dma_start3A_107 : memref<1x16x1024xf32, #tpu.memory_space<vmem>> -> memref<16x1024xf32, #tpu.memory_space<vmem>>
      %dma_start3A_109 = tpu.memref_slice %arg2[%multiple_of3A, %multiple_of3A_95] : memref<416x100000xf32, #tpu.memory_space<hbm>> -> memref<16x1024xf32, #tpu.memory_space<hbm>>
      %dma_start3A_110 = tpu.memref_slice %arg8[%dma_start3A_104] : memref<3x!tpu.dma_semaphore, #tpu.memory_space<semaphore_mem>> -> memref<1x!tpu.dma_semaphore, #tpu.memory_space<semaphore_mem>>
      %dma_start3A_111 = tpu.memref_squeeze %dma_start3A_110 : memref<1x!tpu.dma_semaphore, #tpu.memory_space<semaphore_mem>> -> memref<!tpu.dma_semaphore, #tpu.memory_space<semaphore_mem>>
      %dma_start3A_112 = arith.constant 0 : i32
      %dma_start3A_113 = arith.constant 0 : i32
      %dma_start3A_114 = tpu.memref_slice %arg5[%dma_start3A, %dma_start3A_112, %dma_start3A_113] : memref<3x16x1024xf32, #tpu.memory_space<vmem>> -> memref<1x16x1024xf32, #tpu.memory_space<vmem>>
      %dma_start3A_115 = tpu.memref_squeeze %dma_start3A_114 : memref<1x16x1024xf32, #tpu.memory_space<vmem>> -> memref<16x1024xf32, #tpu.memory_space<vmem>>
      %dma_start3A_116 = tpu.memref_slice %arg2[%multiple_of3A, %multiple_of3A_95] : memref<416x100000xf32, #tpu.memory_space<hbm>> -> memref<16x1024xf32, #tpu.memory_space<hbm>>
      tpu.enqueue_dma source(%dma_start3A_116 : memref<16x1024xf32, #tpu.memory_space<hbm>>) target(%dma_start3A_115 : memref<16x1024xf32, #tpu.memory_space<vmem>>) target_semaphore(%dma_start3A_111 : memref<!tpu.dma_semaphore, #tpu.memory_space<semaphore_mem>>)
      %mul3A_117 = arith.constant 80 : i32
      %mul3A_118 = arith.muli %add3A, %mul3A_117 : i32
      %add3A_119 = arith.addi %mul3A_118, %mul3A_61 : i32
      %add3A_120 = arith.constant 1 : i32
      %add3A_121 = arith.addi %add3A_119, %add3A_120 : i32
      %min3A_122 = arith.constant 2547 : i32
      %min3A_123 = arith.minsi %add3A_121, %min3A_122 : i32
      %jit3A_124 = arith.constant 98 : i32
      %div3A_125 = arith.divsi %min3A_123, %jit3A_124 : i32
      %sign3A_126 = arith.constant 0 : i32
      %sign3A_127 = arith.cmpi sgt, %min3A_123, %sign3A_126 : i32
      %sign3A_128 = arith.extui %sign3A_127 : i1 to i32
      %sign3A_129 = arith.constant 0 : i32
      %sign3A_130 = arith.cmpi slt, %min3A_123, %sign3A_129 : i32
      %sign3A_131 = arith.extui %sign3A_130 : i1 to i32
      %sign3A_132 = arith.subi %sign3A_128, %sign3A_131 : i32
      %sign3A_133 = arith.constant 0 : i32
      %sign3A_134 = arith.cmpi sgt, %jit3A_124, %sign3A_133 : i32
      %sign3A_135 = arith.extui %sign3A_134 : i1 to i32
      %sign3A_136 = arith.constant 0 : i32
      %sign3A_137 = arith.cmpi slt, %jit3A_124, %sign3A_136 : i32
      %sign3A_138 = arith.extui %sign3A_137 : i1 to i32
      %sign3A_139 = arith.subi %sign3A_135, %sign3A_138 : i32
      %ne3A_140 = arith.cmpi ne, %sign3A_132, %sign3A_139 : i32
      %rem3A_141 = arith.remsi %min3A_123, %jit3A_124 : i32
      %ne3A_142 = arith.constant 0 : i32
      %ne3A_143 = arith.cmpi ne, %rem3A_141, %ne3A_142 : i32
      %and3A_144 = arith.andi %ne3A_140, %ne3A_143 : i1
      %sub3A_145 = arith.constant 1 : i32
      %sub3A_146 = arith.subi %div3A_125, %sub3A_145 : i32
      %select_n3A_147 = arith.select %and3A_144, %sub3A_146, %div3A_125 : i32
      %mul3A_148 = arith.constant 98 : i32
      %mul3A_149 = arith.muli %select_n3A_147, %mul3A_148 : i32
      %sub3A_150 = arith.subi %min3A_123, %mul3A_149 : i32
      %mul3A_151 = arith.constant 8 : i32
      %mul3A_152 = arith.muli %sub3A_150, %mul3A_151 : i32
      %min3A_153 = arith.constant 773 : i32
      %min3A_154 = arith.minsi %mul3A_152, %min3A_153 : i32
      %mul3A_155 = arith.constant 16 : i32
      %mul3A_156 = arith.muli %select_n3A_147, %mul3A_155 : i32
      %multiple_of3A_157 = tpu.assume_multiple %mul3A_156, 8 : i32
      %mul3A_158 = arith.constant 128 : i32
      %mul3A_159 = arith.muli %min3A_154, %mul3A_158 : i32
      %multiple_of3A_160 = tpu.assume_multiple %mul3A_159, 128 : i32
      %mul3A_161 = arith.constant 100000 : i32
      %mul3A_162 = arith.muli %select_n3A_147, %mul3A_161 : i32
      %mul3A_163 = arith.constant 128 : i32
      %mul3A_164 = arith.muli %min3A_154, %mul3A_163 : i32
      %add3A_165 = arith.addi %mul3A_162, %mul3A_164 : i32
      %mul3A_166 = arith.constant 16 : i32
      %mul3A_167 = arith.muli %add3A_165, %mul3A_166 : i32
      %multiple_of3A_168 = tpu.assume_multiple %mul3A_167, 128 : i32
      %dma_start3A_169 = arith.constant 1 : i32
      %dma_start3A_170 = arith.constant 1 : i32
      %dma_start3A_171 = arith.constant 0 : i32
      %dma_start3A_172 = arith.constant 0 : i32
      %dma_start3A_173 = tpu.memref_slice %arg5[%dma_start3A_169, %dma_start3A_171, %dma_start3A_172] : memref<3x16x1024xf32, #tpu.memory_space<vmem>> -> memref<1x16x1024xf32, #tpu.memory_space<vmem>>
      %dma_start3A_174 = tpu.memref_squeeze %dma_start3A_173 : memref<1x16x1024xf32, #tpu.memory_space<vmem>> -> memref<16x1024xf32, #tpu.memory_space<vmem>>
      %dma_start3A_175 = tpu.memref_slice %arg2[%multiple_of3A_157, %multiple_of3A_160] : memref<416x100000xf32, #tpu.memory_space<hbm>> -> memref<16x1024xf32, #tpu.memory_space<hbm>>
      %dma_start3A_176 = tpu.memref_slice %arg8[%dma_start3A_170] : memref<3x!tpu.dma_semaphore, #tpu.memory_space<semaphore_mem>> -> memref<1x!tpu.dma_semaphore, #tpu.memory_space<semaphore_mem>>
      %dma_start3A_177 = tpu.memref_squeeze %dma_start3A_176 : memref<1x!tpu.dma_semaphore, #tpu.memory_space<semaphore_mem>> -> memref<!tpu.dma_semaphore, #tpu.memory_space<semaphore_mem>>
      %dma_start3A_178 = arith.constant 0 : i32
      %dma_start3A_179 = arith.constant 0 : i32
      %dma_start3A_180 = tpu.memref_slice %arg5[%dma_start3A_169, %dma_start3A_178, %dma_start3A_179] : memref<3x16x1024xf32, #tpu.memory_space<vmem>> -> memref<1x16x1024xf32, #tpu.memory_space<vmem>>
      %dma_start3A_181 = tpu.memref_squeeze %dma_start3A_180 : memref<1x16x1024xf32, #tpu.memory_space<vmem>> -> memref<16x1024xf32, #tpu.memory_space<vmem>>
      %dma_start3A_182 = tpu.memref_slice %arg2[%multiple_of3A_157, %multiple_of3A_160] : memref<416x100000xf32, #tpu.memory_space<hbm>> -> memref<16x1024xf32, #tpu.memory_space<hbm>>
      tpu.enqueue_dma source(%dma_start3A_182 : memref<16x1024xf32, #tpu.memory_space<hbm>>) target(%dma_start3A_181 : memref<16x1024xf32, #tpu.memory_space<vmem>>) target_semaphore(%dma_start3A_177 : memref<!tpu.dma_semaphore, #tpu.memory_space<semaphore_mem>>)
      %mul3A_183 = arith.constant 80 : i32
      %mul3A_184 = arith.muli %add3A, %mul3A_183 : i32
      %add3A_185 = arith.addi %mul3A_184, %mul3A_61 : i32
      %add3A_186 = arith.constant 2 : i32
      %add3A_187 = arith.addi %add3A_185, %add3A_186 : i32
      %min3A_188 = arith.constant 2547 : i32
      %min3A_189 = arith.minsi %add3A_187, %min3A_188 : i32
      %jit3A_190 = arith.constant 98 : i32
      %div3A_191 = arith.divsi %min3A_189, %jit3A_190 : i32
      %sign3A_192 = arith.constant 0 : i32
      %sign3A_193 = arith.cmpi sgt, %min3A_189, %sign3A_192 : i32
      %sign3A_194 = arith.extui %sign3A_193 : i1 to i32
      %sign3A_195 = arith.constant 0 : i32
      %sign3A_196 = arith.cmpi slt, %min3A_189, %sign3A_195 : i32
      %sign3A_197 = arith.extui %sign3A_196 : i1 to i32
      %sign3A_198 = arith.subi %sign3A_194, %sign3A_197 : i32
      %sign3A_199 = arith.constant 0 : i32
      %sign3A_200 = arith.cmpi sgt, %jit3A_190, %sign3A_199 : i32
      %sign3A_201 = arith.extui %sign3A_200 : i1 to i32
      %sign3A_202 = arith.constant 0 : i32
      %sign3A_203 = arith.cmpi slt, %jit3A_190, %sign3A_202 : i32
      %sign3A_204 = arith.extui %sign3A_203 : i1 to i32
      %sign3A_205 = arith.subi %sign3A_201, %sign3A_204 : i32
      %ne3A_206 = arith.cmpi ne, %sign3A_198, %sign3A_205 : i32
      %rem3A_207 = arith.remsi %min3A_189, %jit3A_190 : i32
      %ne3A_208 = arith.constant 0 : i32
      %ne3A_209 = arith.cmpi ne, %rem3A_207, %ne3A_208 : i32
      %and3A_210 = arith.andi %ne3A_206, %ne3A_209 : i1
      %sub3A_211 = arith.constant 1 : i32
      %sub3A_212 = arith.subi %div3A_191, %sub3A_211 : i32
      %select_n3A_213 = arith.select %and3A_210, %sub3A_212, %div3A_191 : i32
      %mul3A_214 = arith.constant 98 : i32
      %mul3A_215 = arith.muli %select_n3A_213, %mul3A_214 : i32
      %sub3A_216 = arith.subi %min3A_189, %mul3A_215 : i32
      %mul3A_217 = arith.constant 8 : i32
      %mul3A_218 = arith.muli %sub3A_216, %mul3A_217 : i32
      %min3A_219 = arith.constant 773 : i32
      %min3A_220 = arith.minsi %mul3A_218, %min3A_219 : i32
      %mul3A_221 = arith.constant 16 : i32
      %mul3A_222 = arith.muli %select_n3A_213, %mul3A_221 : i32
      %multiple_of3A_223 = tpu.assume_multiple %mul3A_222, 8 : i32
      %mul3A_224 = arith.constant 128 : i32
      %mul3A_225 = arith.muli %min3A_220, %mul3A_224 : i32
      %multiple_of3A_226 = tpu.assume_multiple %mul3A_225, 128 : i32
      %mul3A_227 = arith.constant 100000 : i32
      %mul3A_228 = arith.muli %select_n3A_213, %mul3A_227 : i32
      %mul3A_229 = arith.constant 128 : i32
      %mul3A_230 = arith.muli %min3A_220, %mul3A_229 : i32
      %add3A_231 = arith.addi %mul3A_228, %mul3A_230 : i32
      %mul3A_232 = arith.constant 16 : i32
      %mul3A_233 = arith.muli %add3A_231, %mul3A_232 : i32
      %multiple_of3A_234 = tpu.assume_multiple %mul3A_233, 128 : i32
      %dma_start3A_235 = arith.constant 2 : i32
      %dma_start3A_236 = arith.constant 2 : i32
      %dma_start3A_237 = arith.constant 0 : i32
      %dma_start3A_238 = arith.constant 0 : i32
      %dma_start3A_239 = tpu.memref_slice %arg5[%dma_start3A_235, %dma_start3A_237, %dma_start3A_238] : memref<3x16x1024xf32, #tpu.memory_space<vmem>> -> memref<1x16x1024xf32, #tpu.memory_space<vmem>>
      %dma_start3A_240 = tpu.memref_squeeze %dma_start3A_239 : memref<1x16x1024xf32, #tpu.memory_space<vmem>> -> memref<16x1024xf32, #tpu.memory_space<vmem>>
      %dma_start3A_241 = tpu.memref_slice %arg2[%multiple_of3A_223, %multiple_of3A_226] : memref<416x100000xf32, #tpu.memory_space<hbm>> -> memref<16x1024xf32, #tpu.memory_space<hbm>>
      %dma_start3A_242 = tpu.memref_slice %arg8[%dma_start3A_236] : memref<3x!tpu.dma_semaphore, #tpu.memory_space<semaphore_mem>> -> memref<1x!tpu.dma_semaphore, #tpu.memory_space<semaphore_mem>>
      %dma_start3A_243 = tpu.memref_squeeze %dma_start3A_242 : memref<1x!tpu.dma_semaphore, #tpu.memory_space<semaphore_mem>> -> memref<!tpu.dma_semaphore, #tpu.memory_space<semaphore_mem>>
      %dma_start3A_244 = arith.constant 0 : i32
      %dma_start3A_245 = arith.constant 0 : i32
      %dma_start3A_246 = tpu.memref_slice %arg5[%dma_start3A_235, %dma_start3A_244, %dma_start3A_245] : memref<3x16x1024xf32, #tpu.memory_space<vmem>> -> memref<1x16x1024xf32, #tpu.memory_space<vmem>>
      %dma_start3A_247 = tpu.memref_squeeze %dma_start3A_246 : memref<1x16x1024xf32, #tpu.memory_space<vmem>> -> memref<16x1024xf32, #tpu.memory_space<vmem>>
      %dma_start3A_248 = tpu.memref_slice %arg2[%multiple_of3A_223, %multiple_of3A_226] : memref<416x100000xf32, #tpu.memory_space<hbm>> -> memref<16x1024xf32, #tpu.memory_space<hbm>>
      tpu.enqueue_dma source(%dma_start3A_248 : memref<16x1024xf32, #tpu.memory_space<hbm>>) target(%dma_start3A_247 : memref<16x1024xf32, #tpu.memory_space<vmem>>) target_semaphore(%dma_start3A_243 : memref<!tpu.dma_semaphore, #tpu.memory_space<semaphore_mem>>)
      %mul3A_249 = arith.constant 80 : i32
      %mul3A_250 = arith.muli %add3A, %mul3A_249 : i32
      %add3A_251 = arith.addi %mul3A_250, %mul3A_61 : i32
      %add3A_252 = arith.constant 0 : i32
      %add3A_253 = arith.addi %add3A_251, %add3A_252 : i32
      %min3A_254 = arith.constant 2547 : i32
      %min3A_255 = arith.minsi %add3A_253, %min3A_254 : i32
      %jit3A_256 = arith.constant 98 : i32
      %div3A_257 = arith.divsi %min3A_255, %jit3A_256 : i32
      %sign3A_258 = arith.constant 0 : i32
      %sign3A_259 = arith.cmpi sgt, %min3A_255, %sign3A_258 : i32
      %sign3A_260 = arith.extui %sign3A_259 : i1 to i32
      %sign3A_261 = arith.constant 0 : i32
      %sign3A_262 = arith.cmpi slt, %min3A_255, %sign3A_261 : i32
      %sign3A_263 = arith.extui %sign3A_262 : i1 to i32
      %sign3A_264 = arith.subi %sign3A_260, %sign3A_263 : i32
      %sign3A_265 = arith.constant 0 : i32
      %sign3A_266 = arith.cmpi sgt, %jit3A_256, %sign3A_265 : i32
      %sign3A_267 = arith.extui %sign3A_266 : i1 to i32
      %sign3A_268 = arith.constant 0 : i32
      %sign3A_269 = arith.cmpi slt, %jit3A_256, %sign3A_268 : i32
      %sign3A_270 = arith.extui %sign3A_269 : i1 to i32
      %sign3A_271 = arith.subi %sign3A_267, %sign3A_270 : i32
      %ne3A_272 = arith.cmpi ne, %sign3A_264, %sign3A_271 : i32
      %rem3A_273 = arith.remsi %min3A_255, %jit3A_256 : i32
      %ne3A_274 = arith.constant 0 : i32
      %ne3A_275 = arith.cmpi ne, %rem3A_273, %ne3A_274 : i32
      %and3A_276 = arith.andi %ne3A_272, %ne3A_275 : i1
      %sub3A_277 = arith.constant 1 : i32
      %sub3A_278 = arith.subi %div3A_257, %sub3A_277 : i32
      %select_n3A_279 = arith.select %and3A_276, %sub3A_278, %div3A_257 : i32
      %mul3A_280 = arith.constant 98 : i32
      %mul3A_281 = arith.muli %select_n3A_279, %mul3A_280 : i32
      %sub3A_282 = arith.subi %min3A_255, %mul3A_281 : i32
      %mul3A_283 = arith.constant 8 : i32
      %mul3A_284 = arith.muli %sub3A_282, %mul3A_283 : i32
      %min3A_285 = arith.constant 773 : i32
      %min3A_286 = arith.minsi %mul3A_284, %min3A_285 : i32
      %mul3A_287 = arith.constant 16 : i32
      %mul3A_288 = arith.muli %select_n3A_279, %mul3A_287 : i32
      %multiple_of3A_289 = tpu.assume_multiple %mul3A_288, 8 : i32
      %mul3A_290 = arith.constant 128 : i32
      %mul3A_291 = arith.muli %min3A_286, %mul3A_290 : i32
      %multiple_of3A_292 = tpu.assume_multiple %mul3A_291, 128 : i32
      %mul3A_293 = arith.constant 100000 : i32
      %mul3A_294 = arith.muli %select_n3A_279, %mul3A_293 : i32
      %mul3A_295 = arith.constant 128 : i32
      %mul3A_296 = arith.muli %min3A_286, %mul3A_295 : i32
      %add3A_297 = arith.addi %mul3A_294, %mul3A_296 : i32
      %mul3A_298 = arith.constant 16 : i32
      %mul3A_299 = arith.muli %add3A_297, %mul3A_298 : i32
      %multiple_of3A_300 = tpu.assume_multiple %mul3A_299, 128 : i32
      %dma_wait3A = arith.constant 0 : i32
      %dma_wait3A_301 = arith.constant 0 : i32
      %dma_wait3A_302 = arith.constant 0 : i32
      %dma_wait3A_303 = arith.constant 0 : i32
      %dma_wait3A_304 = tpu.memref_slice %arg5[%dma_wait3A, %dma_wait3A_302, %dma_wait3A_303] : memref<3x16x1024xf32, #tpu.memory_space<vmem>> -> memref<1x16x1024xf32, #tpu.memory_space<vmem>>
      %dma_wait3A_305 = tpu.memref_squeeze %dma_wait3A_304 : memref<1x16x1024xf32, #tpu.memory_space<vmem>> -> memref<16x1024xf32, #tpu.memory_space<vmem>>
      %dma_wait3A_306 = tpu.memref_slice %arg2[%multiple_of3A, %multiple_of3A_95] : memref<416x100000xf32, #tpu.memory_space<hbm>> -> memref<16x1024xf32, #tpu.memory_space<hbm>>
      %dma_wait3A_307 = tpu.memref_slice %arg8[%dma_wait3A_301] : memref<3x!tpu.dma_semaphore, #tpu.memory_space<semaphore_mem>> -> memref<1x!tpu.dma_semaphore, #tpu.memory_space<semaphore_mem>>
      %dma_wait3A_308 = tpu.memref_squeeze %dma_wait3A_307 : memref<1x!tpu.dma_semaphore, #tpu.memory_space<semaphore_mem>> -> memref<!tpu.dma_semaphore, #tpu.memory_space<semaphore_mem>>
      %dma_wait3A_309 = arith.constant 0 : i32
      %dma_wait3A_310 = arith.constant 0 : i32
      %dma_wait3A_311 = tpu.memref_slice %arg5[%dma_wait3A, %dma_wait3A_309, %dma_wait3A_310] : memref<3x16x1024xf32, #tpu.memory_space<vmem>> -> memref<1x16x1024xf32, #tpu.memory_space<vmem>>
      %dma_wait3A_312 = tpu.memref_squeeze %dma_wait3A_311 : memref<1x16x1024xf32, #tpu.memory_space<vmem>> -> memref<16x1024xf32, #tpu.memory_space<vmem>>
      %dma_wait3A_313 = tpu.memref_slice %arg2[%multiple_of3A, %multiple_of3A_95] : memref<416x100000xf32, #tpu.memory_space<hbm>> -> memref<16x1024xf32, #tpu.memory_space<hbm>>
      tpu.wait_dma2 semaphore(%dma_wait3A_308 : memref<!tpu.dma_semaphore, #tpu.memory_space<semaphore_mem>>) src(%dma_wait3A_313 : memref<16x1024xf32, #tpu.memory_space<hbm>>) dst(%dma_wait3A_312 : memref<16x1024xf32, #tpu.memory_space<vmem>>)
      %parallel_loop3A = arith.constant 0 : i32
      %parallel_loop3A_314 = arith.constant 64 : i32
      %parallel_loop3A_315 = arith.constant 1 : i32
      %parallel_loop3A_316 = arith.constant 0 : i32
      scf.for %parallel_loop3A_511 = %parallel_loop3A to %parallel_loop3A_314 step %parallel_loop3A_315  : i32 {
        %parallel_loop3A_512 = arith.constant 256 : i32
        %parallel_loop3A_513 = arith.muli %parallel_loop3A_511, %parallel_loop3A_512 : i32
        %parallel_loop3A_514 = arith.constant 16 : i32
        %parallel_loop3A_515 = arith.muli %parallel_loop3A_511, %parallel_loop3A_514 : i32
        %parallel_loop3A_516 = arith.constant 0 : i32
        %parallel_loop3A_517 = arith.constant 0 : i32
        %parallel_loop3A_518 = arith.constant 0 : i32
        %parallel_loop3A_519 = tpu.memref_slice %arg5[%parallel_loop3A_316, %parallel_loop3A_517, %parallel_loop3A_518] : memref<3x16x1024xf32, #tpu.memory_space<vmem>> -> memref<1x16x1024xf32, #tpu.memory_space<vmem>>
        %parallel_loop3A_520 = tpu.memref_squeeze %parallel_loop3A_519 : memref<1x16x1024xf32, #tpu.memory_space<vmem>> -> memref<16x1024xf32, #tpu.memory_space<vmem>>
        %parallel_loop3A_521 = arith.index_cast %parallel_loop3A_516 : i32 to index
        %parallel_loop3A_522 = arith.index_cast %parallel_loop3A_515 : i32 to index
        %parallel_loop3A_523 = tpu.vector_load %parallel_loop3A_520[%parallel_loop3A_521, %parallel_loop3A_522] {strides = array<i32>} : memref<16x1024xf32, #tpu.memory_space<vmem>>, vector<16xf32>,
        %parallel_loop3A_524 = vector.broadcast %parallel_loop3A_513 : i32 to vector<16xi32>
        %parallel_loop3A_525 = arith.addi %add3A_6, %parallel_loop3A_524 : vector<16xi32>
        %parallel_loop3A_526 = arith.constant 0 : i32
        %parallel_loop3A_527 = tpu.memref_slice %arg6[%parallel_loop3A_526] : memref<49152xf32, #tpu.memory_space<vmem>> -> memref<16384xf32, #tpu.memory_space<vmem>>
        tpu.vector_store_idx %parallel_loop3A_527[%parallel_loop3A_525], %parallel_loop3A_523 : memref<16384xf32, #tpu.memory_space<vmem>>[vector<16xi32>], vector<16xf32>,
        %parallel_loop3A_528 = arith.constant 16 : i32
        %parallel_loop3A_529 = arith.muli %parallel_loop3A_511, %parallel_loop3A_528 : i32
        %parallel_loop3A_530 = arith.constant 1 : i32
        %parallel_loop3A_531 = arith.constant 0 : i32
        %parallel_loop3A_532 = arith.constant 0 : i32
        %parallel_loop3A_533 = tpu.memref_slice %arg5[%parallel_loop3A_316, %parallel_loop3A_531, %parallel_loop3A_532] : memref<3x16x1024xf32, #tpu.memory_space<vmem>> -> memref<1x16x1024xf32, #tpu.memory_space<vmem>>
        %parallel_loop3A_534 = tpu.memref_squeeze %parallel_loop3A_533 : memref<1x16x1024xf32, #tpu.memory_space<vmem>> -> memref<16x1024xf32, #tpu.memory_space<vmem>>
        %parallel_loop3A_535 = arith.index_cast %parallel_loop3A_530 : i32 to index
        %parallel_loop3A_536 = arith.index_cast %parallel_loop3A_529 : i32 to index
        %parallel_loop3A_537 = tpu.vector_load %parallel_loop3A_534[%parallel_loop3A_535, %parallel_loop3A_536] {strides = array<i32>} : memref<16x1024xf32, #tpu.memory_space<vmem>>, vector<16xf32>,
        %parallel_loop3A_538 = vector.broadcast %parallel_loop3A_513 : i32 to vector<16xi32>
        %parallel_loop3A_539 = arith.addi %add3A_9, %parallel_loop3A_538 : vector<16xi32>
        %parallel_loop3A_540 = arith.constant 0 : i32
        %parallel_loop3A_541 = tpu.memref_slice %arg6[%parallel_loop3A_540] : memref<49152xf32, #tpu.memory_space<vmem>> -> memref<16384xf32, #tpu.memory_space<vmem>>
        tpu.vector_store_idx %parallel_loop3A_541[%parallel_loop3A_539], %parallel_loop3A_537 : memref<16384xf32, #tpu.memory_space<vmem>>[vector<16xi32>], vector<16xf32>,
        %parallel_loop3A_542 = arith.constant 16 : i32
        %parallel_loop3A_543 = arith.muli %parallel_loop3A_511, %parallel_loop3A_542 : i32
        %parallel_loop3A_544 = arith.constant 2 : i32
        %parallel_loop3A_545 = arith.constant 0 : i32
        %parallel_loop3A_546 = arith.constant 0 : i32
        %parallel_loop3A_547 = tpu.memref_slice %arg5[%parallel_loop3A_316, %parallel_loop3A_545, %parallel_loop3A_546] : memref<3x16x1024xf32, #tpu.memory_space<vmem>> -> memref<1x16x1024xf32, #tpu.memory_space<vmem>>
        %parallel_loop3A_548 = tpu.memref_squeeze %parallel_loop3A_547 : memref<1x16x1024xf32, #tpu.memory_space<vmem>> -> memref<16x1024xf32, #tpu.memory_space<vmem>>
        %parallel_loop3A_549 = arith.index_cast %parallel_loop3A_544 : i32 to index
        %parallel_loop3A_550 = arith.index_cast %parallel_loop3A_543 : i32 to index
        %parallel_loop3A_551 = tpu.vector_load %parallel_loop3A_548[%parallel_loop3A_549, %parallel_loop3A_550] {strides = array<i32>} : memref<16x1024xf32, #tpu.memory_space<vmem>>, vector<16xf32>,
        %parallel_loop3A_552 = vector.broadcast %parallel_loop3A_513 : i32 to vector<16xi32>
        %parallel_loop3A_553 = arith.addi %add3A_12, %parallel_loop3A_552 : vector<16xi32>
        %parallel_loop3A_554 = arith.constant 0 : i32
        %parallel_loop3A_555 = tpu.memref_slice %arg6[%parallel_loop3A_554] : memref<49152xf32, #tpu.memory_space<vmem>> -> memref<16384xf32, #tpu.memory_space<vmem>>
        tpu.vector_store_idx %parallel_loop3A_555[%parallel_loop3A_553], %parallel_loop3A_551 : memref<16384xf32, #tpu.memory_space<vmem>>[vector<16xi32>], vector<16xf32>,
        %parallel_loop3A_556 = arith.constant 16 : i32
        %parallel_loop3A_557 = arith.muli %parallel_loop3A_511, %parallel_loop3A_556 : i32
        %parallel_loop3A_558 = arith.constant 3 : i32
        %parallel_loop3A_559 = arith.constant 0 : i32
        %parallel_loop3A_560 = arith.constant 0 : i32
        %parallel_loop3A_561 = tpu.memref_slice %arg5[%parallel_loop3A_316, %parallel_loop3A_559, %parallel_loop3A_560] : memref<3x16x1024xf32, #tpu.memory_space<vmem>> -> memref<1x16x1024xf32, #tpu.memory_space<vmem>>
        %parallel_loop3A_562 = tpu.memref_squeeze %parallel_loop3A_561 : memref<1x16x1024xf32, #tpu.memory_space<vmem>> -> memref<16x1024xf32, #tpu.memory_space<vmem>>
        %parallel_loop3A_563 = arith.index_cast %parallel_loop3A_558 : i32 to index
        %parallel_loop3A_564 = arith.index_cast %parallel_loop3A_557 : i32 to index
        %parallel_loop3A_565 = tpu.vector_load %parallel_loop3A_562[%parallel_loop3A_563, %parallel_loop3A_564] {strides = array<i32>} : memref<16x1024xf32, #tpu.memory_space<vmem>>, vector<16xf32>,
        %parallel_loop3A_566 = vector.broadcast %parallel_loop3A_513 : i32 to vector<16xi32>
        %parallel_loop3A_567 = arith.addi %add3A_15, %parallel_loop3A_566 : vector<16xi32>
        %parallel_loop3A_568 = arith.constant 0 : i32
        %parallel_loop3A_569 = tpu.memref_slice %arg6[%parallel_loop3A_568] : memref<49152xf32, #tpu.memory_space<vmem>> -> memref<16384xf32, #tpu.memory_space<vmem>>
        tpu.vector_store_idx %parallel_loop3A_569[%parallel_loop3A_567], %parallel_loop3A_565 : memref<16384xf32, #tpu.memory_space<vmem>>[vector<16xi32>], vector<16xf32>,
        %parallel_loop3A_570 = arith.constant 16 : i32
        %parallel_loop3A_571 = arith.muli %parallel_loop3A_511, %parallel_loop3A_570 : i32
        %parallel_loop3A_572 = arith.constant 4 : i32
        %parallel_loop3A_573 = arith.constant 0 : i32
        %parallel_loop3A_574 = arith.constant 0 : i32
        %parallel_loop3A_575 = tpu.memref_slice %arg5[%parallel_loop3A_316, %parallel_loop3A_573, %parallel_loop3A_574] : memref<3x16x1024xf32, #tpu.memory_space<vmem>> -> memref<1x16x1024xf32, #tpu.memory_space<vmem>>
        %parallel_loop3A_576 = tpu.memref_squeeze %parallel_loop3A_575 : memref<1x16x1024xf32, #tpu.memory_space<vmem>> -> memref<16x1024xf32, #tpu.memory_space<vmem>>
        %parallel_loop3A_577 = arith.index_cast %parallel_loop3A_572 : i32 to index
        %parallel_loop3A_578 = arith.index_cast %parallel_loop3A_571 : i32 to index
        %parallel_loop3A_579 = tpu.vector_load %parallel_loop3A_576[%parallel_loop3A_577, %parallel_loop3A_578] {strides = array<i32>} : memref<16x1024xf32, #tpu.memory_space<vmem>>, vector<16xf32>,
        %parallel_loop3A_580 = vector.broadcast %parallel_loop3A_513 : i32 to vector<16xi32>
        %parallel_loop3A_581 = arith.addi %add3A_18, %parallel_loop3A_580 : vector<16xi32>
        %parallel_loop3A_582 = arith.constant 0 : i32
        %parallel_loop3A_583 = tpu.memref_slice %arg6[%parallel_loop3A_582] : memref<49152xf32, #tpu.memory_space<vmem>> -> memref<16384xf32, #tpu.memory_space<vmem>>
        tpu.vector_store_idx %parallel_loop3A_583[%parallel_loop3A_581], %parallel_loop3A_579 : memref<16384xf32, #tpu.memory_space<vmem>>[vector<16xi32>], vector<16xf32>,
        %parallel_loop3A_584 = arith.constant 16 : i32
        %parallel_loop3A_585 = arith.muli %parallel_loop3A_511, %parallel_loop3A_584 : i32
        %parallel_loop3A_586 = arith.constant 5 : i32
        %parallel_loop3A_587 = arith.constant 0 : i32
        %parallel_loop3A_588 = arith.constant 0 : i32
        %parallel_loop3A_589 = tpu.memref_slice %arg5[%parallel_loop3A_316, %parallel_loop3A_587, %parallel_loop3A_588] : memref<3x16x1024xf32, #tpu.memory_space<vmem>> -> memref<1x16x1024xf32, #tpu.memory_space<vmem>>
        %parallel_loop3A_590 = tpu.memref_squeeze %parallel_loop3A_589 : memref<1x16x1024xf32, #tpu.memory_space<vmem>> -> memref<16x1024xf32, #tpu.memory_space<vmem>>
        %parallel_loop3A_591 = arith.index_cast %parallel_loop3A_586 : i32 to index
        %parallel_loop3A_592 = arith.index_cast %parallel_loop3A_585 : i32 to index
        %parallel_loop3A_593 = tpu.vector_load %parallel_loop3A_590[%parallel_loop3A_591, %parallel_loop3A_592] {strides = array<i32>} : memref<16x1024xf32, #tpu.memory_space<vmem>>, vector<16xf32>,
        %parallel_loop3A_594 = vector.broadcast %parallel_loop3A_513 : i32 to vector<16xi32>
        %parallel_loop3A_595 = arith.addi %add3A_21, %parallel_loop3A_594 : vector<16xi32>
        %parallel_loop3A_596 = arith.constant 0 : i32
        %parallel_loop3A_597 = tpu.memref_slice %arg6[%parallel_loop3A_596] : memref<49152xf32, #tpu.memory_space<vmem>> -> memref<16384xf32, #tpu.memory_space<vmem>>
        tpu.vector_store_idx %parallel_loop3A_597[%parallel_loop3A_595], %parallel_loop3A_593 : memref<16384xf32, #tpu.memory_space<vmem>>[vector<16xi32>], vector<16xf32>,
        %parallel_loop3A_598 = arith.constant 16 : i32
        %parallel_loop3A_599 = arith.muli %parallel_loop3A_511, %parallel_loop3A_598 : i32
        %parallel_loop3A_600 = arith.constant 6 : i32
        %parallel_loop3A_601 = arith.constant 0 : i32
        %parallel_loop3A_602 = arith.constant 0 : i32
        %parallel_loop3A_603 = tpu.memref_slice %arg5[%parallel_loop3A_316, %parallel_loop3A_601, %parallel_loop3A_602] : memref<3x16x1024xf32, #tpu.memory_space<vmem>> -> memref<1x16x1024xf32, #tpu.memory_space<vmem>>
        %parallel_loop3A_604 = tpu.memref_squeeze %parallel_loop3A_603 : memref<1x16x1024xf32, #tpu.memory_space<vmem>> -> memref<16x1024xf32, #tpu.memory_space<vmem>>
        %parallel_loop3A_605 = arith.index_cast %parallel_loop3A_600 : i32 to index
        %parallel_loop3A_606 = arith.index_cast %parallel_loop3A_599 : i32 to index
        %parallel_loop3A_607 = tpu.vector_load %parallel_loop3A_604[%parallel_loop3A_605, %parallel_loop3A_606] {strides = array<i32>} : memref<16x1024xf32, #tpu.memory_space<vmem>>, vector<16xf32>,
        %parallel_loop3A_608 = vector.broadcast %parallel_loop3A_513 : i32 to vector<16xi32>
        %parallel_loop3A_609 = arith.addi %add3A_24, %parallel_loop3A_608 : vector<16xi32>
        %parallel_loop3A_610 = arith.constant 0 : i32
        %parallel_loop3A_611 = tpu.memref_slice %arg6[%parallel_loop3A_610] : memref<49152xf32, #tpu.memory_space<vmem>> -> memref<16384xf32, #tpu.memory_space<vmem>>
        tpu.vector_store_idx %parallel_loop3A_611[%parallel_loop3A_609], %parallel_loop3A_607 : memref<16384xf32, #tpu.memory_space<vmem>>[vector<16xi32>], vector<16xf32>,
        %parallel_loop3A_612 = arith.constant 16 : i32
        %parallel_loop3A_613 = arith.muli %parallel_loop3A_511, %parallel_loop3A_612 : i32
        %parallel_loop3A_614 = arith.constant 7 : i32
        %parallel_loop3A_615 = arith.constant 0 : i32
        %parallel_loop3A_616 = arith.constant 0 : i32
        %parallel_loop3A_617 = tpu.memref_slice %arg5[%parallel_loop3A_316, %parallel_loop3A_615, %parallel_loop3A_616] : memref<3x16x1024xf32, #tpu.memory_space<vmem>> -> memref<1x16x1024xf32, #tpu.memory_space<vmem>>
        %parallel_loop3A_618 = tpu.memref_squeeze %parallel_loop3A_617 : memref<1x16x1024xf32, #tpu.memory_space<vmem>> -> memref<16x1024xf32, #tpu.memory_space<vmem>>
        %parallel_loop3A_619 = arith.index_cast %parallel_loop3A_614 : i32 to index
        %parallel_loop3A_620 = arith.index_cast %parallel_loop3A_613 : i32 to index
        %parallel_loop3A_621 = tpu.vector_load %parallel_loop3A_618[%parallel_loop3A_619, %parallel_loop3A_620] {strides = array<i32>} : memref<16x1024xf32, #tpu.memory_space<vmem>>, vector<16xf32>,
        %parallel_loop3A_622 = vector.broadcast %parallel_loop3A_513 : i32 to vector<16xi32>
        %parallel_loop3A_623 = arith.addi %add3A_27, %parallel_loop3A_622 : vector<16xi32>
        %parallel_loop3A_624 = arith.constant 0 : i32
        %parallel_loop3A_625 = tpu.memref_slice %arg6[%parallel_loop3A_624] : memref<49152xf32, #tpu.memory_space<vmem>> -> memref<16384xf32, #tpu.memory_space<vmem>>
        tpu.vector_store_idx %parallel_loop3A_625[%parallel_loop3A_623], %parallel_loop3A_621 : memref<16384xf32, #tpu.memory_space<vmem>>[vector<16xi32>], vector<16xf32>,
        %parallel_loop3A_626 = arith.constant 16 : i32
        %parallel_loop3A_627 = arith.muli %parallel_loop3A_511, %parallel_loop3A_626 : i32
        %parallel_loop3A_628 = arith.constant 8 : i32
        %parallel_loop3A_629 = arith.constant 0 : i32
        %parallel_loop3A_630 = arith.constant 0 : i32
        %parallel_loop3A_631 = tpu.memref_slice %arg5[%parallel_loop3A_316, %parallel_loop3A_629, %parallel_loop3A_630] : memref<3x16x1024xf32, #tpu.memory_space<vmem>> -> memref<1x16x1024xf32, #tpu.memory_space<vmem>>
        %parallel_loop3A_632 = tpu.memref_squeeze %parallel_loop3A_631 : memref<1x16x1024xf32, #tpu.memory_space<vmem>> -> memref<16x1024xf32, #tpu.memory_space<vmem>>
        %parallel_loop3A_633 = arith.index_cast %parallel_loop3A_628 : i32 to index
        %parallel_loop3A_634 = arith.index_cast %parallel_loop3A_627 : i32 to index
        %parallel_loop3A_635 = tpu.vector_load %parallel_loop3A_632[%parallel_loop3A_633, %parallel_loop3A_634] {strides = array<i32>} : memref<16x1024xf32, #tpu.memory_space<vmem>>, vector<16xf32>,
        %parallel_loop3A_636 = vector.broadcast %parallel_loop3A_513 : i32 to vector<16xi32>
        %parallel_loop3A_637 = arith.addi %add3A_30, %parallel_loop3A_636 : vector<16xi32>
        %parallel_loop3A_638 = arith.constant 0 : i32
        %parallel_loop3A_639 = tpu.memref_slice %arg6[%parallel_loop3A_638] : memref<49152xf32, #tpu.memory_space<vmem>> -> memref<16384xf32, #tpu.memory_space<vmem>>
        tpu.vector_store_idx %parallel_loop3A_639[%parallel_loop3A_637], %parallel_loop3A_635 : memref<16384xf32, #tpu.memory_space<vmem>>[vector<16xi32>], vector<16xf32>,
        %parallel_loop3A_640 = arith.constant 16 : i32
        %parallel_loop3A_641 = arith.muli %parallel_loop3A_511, %parallel_loop3A_640 : i32
        %parallel_loop3A_642 = arith.constant 9 : i32
        %parallel_loop3A_643 = arith.constant 0 : i32
        %parallel_loop3A_644 = arith.constant 0 : i32
        %parallel_loop3A_645 = tpu.memref_slice %arg5[%parallel_loop3A_316, %parallel_loop3A_643, %parallel_loop3A_644] : memref<3x16x1024xf32, #tpu.memory_space<vmem>> -> memref<1x16x1024xf32, #tpu.memory_space<vmem>>
        %parallel_loop3A_646 = tpu.memref_squeeze %parallel_loop3A_645 : memref<1x16x1024xf32, #tpu.memory_space<vmem>> -> memref<16x1024xf32, #tpu.memory_space<vmem>>
        %parallel_loop3A_647 = arith.index_cast %parallel_loop3A_642 : i32 to index
        %parallel_loop3A_648 = arith.index_cast %parallel_loop3A_641 : i32 to index
        %parallel_loop3A_649 = tpu.vector_load %parallel_loop3A_646[%parallel_loop3A_647, %parallel_loop3A_648] {strides = array<i32>} : memref<16x1024xf32, #tpu.memory_space<vmem>>, vector<16xf32>,
        %parallel_loop3A_650 = vector.broadcast %parallel_loop3A_513 : i32 to vector<16xi32>
        %parallel_loop3A_651 = arith.addi %add3A_33, %parallel_loop3A_650 : vector<16xi32>
        %parallel_loop3A_652 = arith.constant 0 : i32
        %parallel_loop3A_653 = tpu.memref_slice %arg6[%parallel_loop3A_652] : memref<49152xf32, #tpu.memory_space<vmem>> -> memref<16384xf32, #tpu.memory_space<vmem>>
        tpu.vector_store_idx %parallel_loop3A_653[%parallel_loop3A_651], %parallel_loop3A_649 : memref<16384xf32, #tpu.memory_space<vmem>>[vector<16xi32>], vector<16xf32>,
        %parallel_loop3A_654 = arith.constant 16 : i32
        %parallel_loop3A_655 = arith.muli %parallel_loop3A_511, %parallel_loop3A_654 : i32
        %parallel_loop3A_656 = arith.constant 10 : i32
        %parallel_loop3A_657 = arith.constant 0 : i32
        %parallel_loop3A_658 = arith.constant 0 : i32
        %parallel_loop3A_659 = tpu.memref_slice %arg5[%parallel_loop3A_316, %parallel_loop3A_657, %parallel_loop3A_658] : memref<3x16x1024xf32, #tpu.memory_space<vmem>> -> memref<1x16x1024xf32, #tpu.memory_space<vmem>>
        %parallel_loop3A_660 = tpu.memref_squeeze %parallel_loop3A_659 : memref<1x16x1024xf32, #tpu.memory_space<vmem>> -> memref<16x1024xf32, #tpu.memory_space<vmem>>
        %parallel_loop3A_661 = arith.index_cast %parallel_loop3A_656 : i32 to index
        %parallel_loop3A_662 = arith.index_cast %parallel_loop3A_655 : i32 to index
        %parallel_loop3A_663 = tpu.vector_load %parallel_loop3A_660[%parallel_loop3A_661, %parallel_loop3A_662] {strides = array<i32>} : memref<16x1024xf32, #tpu.memory_space<vmem>>, vector<16xf32>,
        %parallel_loop3A_664 = vector.broadcast %parallel_loop3A_513 : i32 to vector<16xi32>
        %parallel_loop3A_665 = arith.addi %add3A_36, %parallel_loop3A_664 : vector<16xi32>
        %parallel_loop3A_666 = arith.constant 0 : i32
        %parallel_loop3A_667 = tpu.memref_slice %arg6[%parallel_loop3A_666] : memref<49152xf32, #tpu.memory_space<vmem>> -> memref<16384xf32, #tpu.memory_space<vmem>>
        tpu.vector_store_idx %parallel_loop3A_667[%parallel_loop3A_665], %parallel_loop3A_663 : memref<16384xf32, #tpu.memory_space<vmem>>[vector<16xi32>], vector<16xf32>,
        %parallel_loop3A_668 = arith.constant 16 : i32
        %parallel_loop3A_669 = arith.muli %parallel_loop3A_511, %parallel_loop3A_668 : i32
        %parallel_loop3A_670 = arith.constant 11 : i32
        %parallel_loop3A_671 = arith.constant 0 : i32
        %parallel_loop3A_672 = arith.constant 0 : i32
        %parallel_loop3A_673 = tpu.memref_slice %arg5[%parallel_loop3A_316, %parallel_loop3A_671, %parallel_loop3A_672] : memref<3x16x1024xf32, #tpu.memory_space<vmem>> -> memref<1x16x1024xf32, #tpu.memory_space<vmem>>
        %parallel_loop3A_674 = tpu.memref_squeeze %parallel_loop3A_673 : memref<1x16x1024xf32, #tpu.memory_space<vmem>> -> memref<16x1024xf32, #tpu.memory_space<vmem>>
        %parallel_loop3A_675 = arith.index_cast %parallel_loop3A_670 : i32 to index
        %parallel_loop3A_676 = arith.index_cast %parallel_loop3A_669 : i32 to index
        %parallel_loop3A_677 = tpu.vector_load %parallel_loop3A_674[%parallel_loop3A_675, %parallel_loop3A_676] {strides = array<i32>} : memref<16x1024xf32, #tpu.memory_space<vmem>>, vector<16xf32>,
        %parallel_loop3A_678 = vector.broadcast %parallel_loop3A_513 : i32 to vector<16xi32>
        %parallel_loop3A_679 = arith.addi %add3A_39, %parallel_loop3A_678 : vector<16xi32>
        %parallel_loop3A_680 = arith.constant 0 : i32
        %parallel_loop3A_681 = tpu.memref_slice %arg6[%parallel_loop3A_680] : memref<49152xf32, #tpu.memory_space<vmem>> -> memref<16384xf32, #tpu.memory_space<vmem>>
        tpu.vector_store_idx %parallel_loop3A_681[%parallel_loop3A_679], %parallel_loop3A_677 : memref<16384xf32, #tpu.memory_space<vmem>>[vector<16xi32>], vector<16xf32>,
        %parallel_loop3A_682 = arith.constant 16 : i32
        %parallel_loop3A_683 = arith.muli %parallel_loop3A_511, %parallel_loop3A_682 : i32
        %parallel_loop3A_684 = arith.constant 12 : i32
        %parallel_loop3A_685 = arith.constant 0 : i32
        %parallel_loop3A_686 = arith.constant 0 : i32
        %parallel_loop3A_687 = tpu.memref_slice %arg5[%parallel_loop3A_316, %parallel_loop3A_685, %parallel_loop3A_686] : memref<3x16x1024xf32, #tpu.memory_space<vmem>> -> memref<1x16x1024xf32, #tpu.memory_space<vmem>>
        %parallel_loop3A_688 = tpu.memref_squeeze %parallel_loop3A_687 : memref<1x16x1024xf32, #tpu.memory_space<vmem>> -> memref<16x1024xf32, #tpu.memory_space<vmem>>
        %parallel_loop3A_689 = arith.index_cast %parallel_loop3A_684 : i32 to index
        %parallel_loop3A_690 = arith.index_cast %parallel_loop3A_683 : i32 to index
        %parallel_loop3A_691 = tpu.vector_load %parallel_loop3A_688[%parallel_loop3A_689, %parallel_loop3A_690] {strides = array<i32>} : memref<16x1024xf32, #tpu.memory_space<vmem>>, vector<16xf32>,
        %parallel_loop3A_692 = vector.broadcast %parallel_loop3A_513 : i32 to vector<16xi32>
        %parallel_loop3A_693 = arith.addi %add3A_42, %parallel_loop3A_692 : vector<16xi32>
        %parallel_loop3A_694 = arith.constant 0 : i32
        %parallel_loop3A_695 = tpu.memref_slice %arg6[%parallel_loop3A_694] : memref<49152xf32, #tpu.memory_space<vmem>> -> memref<16384xf32, #tpu.memory_space<vmem>>
        tpu.vector_store_idx %parallel_loop3A_695[%parallel_loop3A_693], %parallel_loop3A_691 : memref<16384xf32, #tpu.memory_space<vmem>>[vector<16xi32>], vector<16xf32>,
        %parallel_loop3A_696 = arith.constant 16 : i32
        %parallel_loop3A_697 = arith.muli %parallel_loop3A_511, %parallel_loop3A_696 : i32
        %parallel_loop3A_698 = arith.constant 13 : i32
        %parallel_loop3A_699 = arith.constant 0 : i32
        %parallel_loop3A_700 = arith.constant 0 : i32
        %parallel_loop3A_701 = tpu.memref_slice %arg5[%parallel_loop3A_316, %parallel_loop3A_699, %parallel_loop3A_700] : memref<3x16x1024xf32, #tpu.memory_space<vmem>> -> memref<1x16x1024xf32, #tpu.memory_space<vmem>>
        %parallel_loop3A_702 = tpu.memref_squeeze %parallel_loop3A_701 : memref<1x16x1024xf32, #tpu.memory_space<vmem>> -> memref<16x1024xf32, #tpu.memory_space<vmem>>
        %parallel_loop3A_703 = arith.index_cast %parallel_loop3A_698 : i32 to index
        %parallel_loop3A_704 = arith.index_cast %parallel_loop3A_697 : i32 to index
        %parallel_loop3A_705 = tpu.vector_load %parallel_loop3A_702[%parallel_loop3A_703, %parallel_loop3A_704] {strides = array<i32>} : memref<16x1024xf32, #tpu.memory_space<vmem>>, vector<16xf32>,
        %parallel_loop3A_706 = vector.broadcast %parallel_loop3A_513 : i32 to vector<16xi32>
        %parallel_loop3A_707 = arith.addi %add3A_45, %parallel_loop3A_706 : vector<16xi32>
        %parallel_loop3A_708 = arith.constant 0 : i32
        %parallel_loop3A_709 = tpu.memref_slice %arg6[%parallel_loop3A_708] : memref<49152xf32, #tpu.memory_space<vmem>> -> memref<16384xf32, #tpu.memory_space<vmem>>
        tpu.vector_store_idx %parallel_loop3A_709[%parallel_loop3A_707], %parallel_loop3A_705 : memref<16384xf32, #tpu.memory_space<vmem>>[vector<16xi32>], vector<16xf32>,
        %parallel_loop3A_710 = arith.constant 16 : i32
        %parallel_loop3A_711 = arith.muli %parallel_loop3A_511, %parallel_loop3A_710 : i32
        %parallel_loop3A_712 = arith.constant 14 : i32
        %parallel_loop3A_713 = arith.constant 0 : i32
        %parallel_loop3A_714 = arith.constant 0 : i32
        %parallel_loop3A_715 = tpu.memref_slice %arg5[%parallel_loop3A_316, %parallel_loop3A_713, %parallel_loop3A_714] : memref<3x16x1024xf32, #tpu.memory_space<vmem>> -> memref<1x16x1024xf32, #tpu.memory_space<vmem>>
        %parallel_loop3A_716 = tpu.memref_squeeze %parallel_loop3A_715 : memref<1x16x1024xf32, #tpu.memory_space<vmem>> -> memref<16x1024xf32, #tpu.memory_space<vmem>>
        %parallel_loop3A_717 = arith.index_cast %parallel_loop3A_712 : i32 to index
        %parallel_loop3A_718 = arith.index_cast %parallel_loop3A_711 : i32 to index
        %parallel_loop3A_719 = tpu.vector_load %parallel_loop3A_716[%parallel_loop3A_717, %parallel_loop3A_718] {strides = array<i32>} : memref<16x1024xf32, #tpu.memory_space<vmem>>, vector<16xf32>,
        %parallel_loop3A_720 = vector.broadcast %parallel_loop3A_513 : i32 to vector<16xi32>
        %parallel_loop3A_721 = arith.addi %add3A_48, %parallel_loop3A_720 : vector<16xi32>
        %parallel_loop3A_722 = arith.constant 0 : i32
        %parallel_loop3A_723 = tpu.memref_slice %arg6[%parallel_loop3A_722] : memref<49152xf32, #tpu.memory_space<vmem>> -> memref<16384xf32, #tpu.memory_space<vmem>>
        tpu.vector_store_idx %parallel_loop3A_723[%parallel_loop3A_721], %parallel_loop3A_719 : memref<16384xf32, #tpu.memory_space<vmem>>[vector<16xi32>], vector<16xf32>,
        %parallel_loop3A_724 = arith.constant 16 : i32
        %parallel_loop3A_725 = arith.muli %parallel_loop3A_511, %parallel_loop3A_724 : i32
        %parallel_loop3A_726 = arith.constant 15 : i32
        %parallel_loop3A_727 = arith.constant 0 : i32
        %parallel_loop3A_728 = arith.constant 0 : i32
        %parallel_loop3A_729 = tpu.memref_slice %arg5[%parallel_loop3A_316, %parallel_loop3A_727, %parallel_loop3A_728] : memref<3x16x1024xf32, #tpu.memory_space<vmem>> -> memref<1x16x1024xf32, #tpu.memory_space<vmem>>
        %parallel_loop3A_730 = tpu.memref_squeeze %parallel_loop3A_729 : memref<1x16x1024xf32, #tpu.memory_space<vmem>> -> memref<16x1024xf32, #tpu.memory_space<vmem>>
        %parallel_loop3A_731 = arith.index_cast %parallel_loop3A_726 : i32 to index
        %parallel_loop3A_732 = arith.index_cast %parallel_loop3A_725 : i32 to index
        %parallel_loop3A_733 = tpu.vector_load %parallel_loop3A_730[%parallel_loop3A_731, %parallel_loop3A_732] {strides = array<i32>} : memref<16x1024xf32, #tpu.memory_space<vmem>>, vector<16xf32>,
        %parallel_loop3A_734 = vector.broadcast %parallel_loop3A_513 : i32 to vector<16xi32>
        %parallel_loop3A_735 = arith.addi %add3A_51, %parallel_loop3A_734 : vector<16xi32>
        %parallel_loop3A_736 = arith.constant 0 : i32
        %parallel_loop3A_737 = tpu.memref_slice %arg6[%parallel_loop3A_736] : memref<49152xf32, #tpu.memory_space<vmem>> -> memref<16384xf32, #tpu.memory_space<vmem>>
        tpu.vector_store_idx %parallel_loop3A_737[%parallel_loop3A_735], %parallel_loop3A_733 : memref<16384xf32, #tpu.memory_space<vmem>>[vector<16xi32>], vector<16xf32>,
      } {sc.loop_unroll_factor = 4 : i64, sc.parallel_access}
      %dma_start3A_317 = arith.constant 0 : i32
      %dma_start3A_318 = arith.constant 0 : i32
      %dma_start3A_319 = tpu.memref_slice %arg6[%dma_start3A_318] : memref<49152xf32, #tpu.memory_space<vmem>> -> memref<16384xf32, #tpu.memory_space<vmem>>
      %dma_start3A_320 = tpu.memref_slice %arg4[%multiple_of3A_300] : memref<41600000xf32, #tpu.memory_space<hbm>> -> memref<16384xf32, #tpu.memory_space<hbm>>
      %dma_start3A_321 = tpu.memref_slice %arg9[%dma_start3A_317] : memref<3x!tpu.dma_semaphore, #tpu.memory_space<semaphore_mem>> -> memref<1x!tpu.dma_semaphore, #tpu.memory_space<semaphore_mem>>
      %dma_start3A_322 = tpu.memref_squeeze %dma_start3A_321 : memref<1x!tpu.dma_semaphore, #tpu.memory_space<semaphore_mem>> -> memref<!tpu.dma_semaphore, #tpu.memory_space<semaphore_mem>>
      %dma_start3A_323 = tpu.memref_slice %arg4[%multiple_of3A_300] : memref<41600000xf32, #tpu.memory_space<hbm>> -> memref<16384xf32, #tpu.memory_space<hbm>>
      %dma_start3A_324 = arith.constant 0 : i32
      %dma_start3A_325 = tpu.memref_slice %arg6[%dma_start3A_324] : memref<49152xf32, #tpu.memory_space<vmem>> -> memref<16384xf32, #tpu.memory_space<vmem>>
      tpu.enqueue_dma source(%dma_start3A_325 : memref<16384xf32, #tpu.memory_space<vmem>>) target(%dma_start3A_323 : memref<16384xf32, #tpu.memory_space<hbm>>) target_semaphore(%dma_start3A_322 : memref<!tpu.dma_semaphore, #tpu.memory_space<semaphore_mem>>)
      %mul3A_326 = arith.constant 80 : i32
      %mul3A_327 = arith.muli %add3A, %mul3A_326 : i32
      %add3A_328 = arith.addi %mul3A_327, %mul3A_61 : i32
      %add3A_329 = arith.constant 1 : i32
      %add3A_330 = arith.addi %add3A_328, %add3A_329 : i32
      %min3A_331 = arith.constant 2547 : i32
      %min3A_332 = arith.minsi %add3A_330, %min3A_331 : i32
      %jit3A_333 = arith.constant 98 : i32
      %div3A_334 = arith.divsi %min3A_332, %jit3A_333 : i32
      %sign3A_335 = arith.constant 0 : i32
      %sign3A_336 = arith.cmpi sgt, %min3A_332, %sign3A_335 : i32
      %sign3A_337 = arith.extui %sign3A_336 : i1 to i32
      %sign3A_338 = arith.constant 0 : i32
      %sign3A_339 = arith.cmpi slt, %min3A_332, %sign3A_338 : i32
      %sign3A_340 = arith.extui %sign3A_339 : i1 to i32
      %sign3A_341 = arith.subi %sign3A_337, %sign3A_340 : i32
      %sign3A_342 = arith.constant 0 : i32
      %sign3A_343 = arith.cmpi sgt, %jit3A_333, %sign3A_342 : i32
      %sign3A_344 = arith.extui %sign3A_343 : i1 to i32
      %sign3A_345 = arith.constant 0 : i32
      %sign3A_346 = arith.cmpi slt, %jit3A_333, %sign3A_345 : i32
      %sign3A_347 = arith.extui %sign3A_346 : i1 to i32
      %sign3A_348 = arith.subi %sign3A_344, %sign3A_347 : i32
      %ne3A_349 = arith.cmpi ne, %sign3A_341, %sign3A_348 : i32
      %rem3A_350 = arith.remsi %min3A_332, %jit3A_333 : i32
      %ne3A_351 = arith.constant 0 : i32
      %ne3A_352 = arith.cmpi ne, %rem3A_350, %ne3A_351 : i32
      %and3A_353 = arith.andi %ne3A_349, %ne3A_352 : i1
      %sub3A_354 = arith.constant 1 : i32
      %sub3A_355 = arith.subi %div3A_334, %sub3A_354 : i32
      %select_n3A_356 = arith.select %and3A_353, %sub3A_355, %div3A_334 : i32
      %mul3A_357 = arith.constant 98 : i32
      %mul3A_358 = arith.muli %select_n3A_356, %mul3A_357 : i32
      %sub3A_359 = arith.subi %min3A_332, %mul3A_358 : i32
      %mul3A_360 = arith.constant 8 : i32
      %mul3A_361 = arith.muli %sub3A_359, %mul3A_360 : i32
      %min3A_362 = arith.constant 773 : i32
      %min3A_363 = arith.minsi %mul3A_361, %min3A_362 : i32
      %mul3A_364 = arith.constant 16 : i32
      %mul3A_365 = arith.muli %select_n3A_356, %mul3A_364 : i32
      %multiple_of3A_366 = tpu.assume_multiple %mul3A_365, 8 : i32
      %mul3A_367 = arith.constant 128 : i32
      %mul3A_368 = arith.muli %min3A_363, %mul3A_367 : i32
      %multiple_of3A_369 = tpu.assume_multiple %mul3A_368, 128 : i32
      %mul3A_370 = arith.constant 100000 : i32
      %mul3A_371 = arith.muli %select_n3A_356, %mul3A_370 : i32
      %mul3A_372 = arith.constant 128 : i32
      %mul3A_373 = arith.muli %min3A_363, %mul3A_372 : i32
      %add3A_374 = arith.addi %mul3A_371, %mul3A_373 : i32
      %mul3A_375 = arith.constant 16 : i32
      %mul3A_376 = arith.muli %add3A_374, %mul3A_375 : i32
      %multiple_of3A_377 = tpu.assume_multiple %mul3A_376, 128 : i32
      %dma_wait3A_378 = arith.constant 1 : i32
      %dma_wait3A_379 = arith.constant 1 : i32
      %dma_wait3A_380 = arith.constant 0 : i32
      %dma_wait3A_381 = arith.constant 0 : i32
      %dma_wait3A_382 = tpu.memref_slice %arg5[%dma_wait3A_378, %dma_wait3A_380, %dma_wait3A_381] : memref<3x16x1024xf32, #tpu.memory_space<vmem>> -> memref<1x16x1024xf32, #tpu.memory_space<vmem>>
      %dma_wait3A_383 = tpu.memref_squeeze %dma_wait3A_382 : memref<1x16x1024xf32, #tpu.memory_space<vmem>> -> memref<16x1024xf32, #tpu.memory_space<vmem>>
      %dma_wait3A_384 = tpu.memref_slice %arg2[%multiple_of3A_157, %multiple_of3A_160] : memref<416x100000xf32, #tpu.memory_space<hbm>> -> memref<16x1024xf32, #tpu.memory_space<hbm>>
      %dma_wait3A_385 = tpu.memref_slice %arg8[%dma_wait3A_379] : memref<3x!tpu.dma_semaphore, #tpu.memory_space<semaphore_mem>> -> memref<1x!tpu.dma_semaphore, #tpu.memory_space<semaphore_mem>>
      %dma_wait3A_386 = tpu.memref_squeeze %dma_wait3A_385 : memref<1x!tpu.dma_semaphore, #tpu.memory_space<semaphore_mem>> -> memref<!tpu.dma_semaphore, #tpu.memory_space<semaphore_mem>>
      %dma_wait3A_387 = arith.constant 0 : i32
      %dma_wait3A_388 = arith.constant 0 : i32
      %dma_wait3A_389 = tpu.memref_slice %arg5[%dma_wait3A_378, %dma_wait3A_387, %dma_wait3A_388] : memref<3x16x1024xf32, #tpu.memory_space<vmem>> -> memref<1x16x1024xf32, #tpu.memory_space<vmem>>
      %dma_wait3A_390 = tpu.memref_squeeze %dma_wait3A_389 : memref<1x16x1024xf32, #tpu.memory_space<vmem>> -> memref<16x1024xf32, #tpu.memory_space<vmem>>
      %dma_wait3A_391 = tpu.memref_slice %arg2[%multiple_of3A_157, %multiple_of3A_160] : memref<416x100000xf32, #tpu.memory_space<hbm>> -> memref<16x1024xf32, #tpu.memory_space<hbm>>
      tpu.wait_dma2 semaphore(%dma_wait3A_386 : memref<!tpu.dma_semaphore, #tpu.memory_space<semaphore_mem>>) src(%dma_wait3A_391 : memref<16x1024xf32, #tpu.memory_space<hbm>>) dst(%dma_wait3A_390 : memref<16x1024xf32, #tpu.memory_space<vmem>>)
      %parallel_loop3A_392 = arith.constant 0 : i32
      %parallel_loop3A_393 = arith.constant 64 : i32
      %parallel_loop3A_394 = arith.constant 1 : i32
      %parallel_loop3A_395 = arith.constant 1 : i32
      scf.for %parallel_loop3A_511 = %parallel_loop3A_392 to %parallel_loop3A_393 step %parallel_loop3A_394  : i32 {
        %parallel_loop3A_512 = arith.constant 256 : i32
        %parallel_loop3A_513 = arith.muli %parallel_loop3A_511, %parallel_loop3A_512 : i32
        %parallel_loop3A_514 = arith.constant 16 : i32
        %parallel_loop3A_515 = arith.muli %parallel_loop3A_511, %parallel_loop3A_514 : i32
        %parallel_loop3A_516 = arith.constant 0 : i32
        %parallel_loop3A_517 = arith.constant 0 : i32
        %parallel_loop3A_518 = arith.constant 0 : i32
        %parallel_loop3A_519 = tpu.memref_slice %arg5[%parallel_loop3A_395, %parallel_loop3A_517, %parallel_loop3A_518] : memref<3x16x1024xf32, #tpu.memory_space<vmem>> -> memref<1x16x1024xf32, #tpu.memory_space<vmem>>
        %parallel_loop3A_520 = tpu.memref_squeeze %parallel_loop3A_519 : memref<1x16x1024xf32, #tpu.memory_space<vmem>> -> memref<16x1024xf32, #tpu.memory_space<vmem>>
        %parallel_loop3A_521 = arith.index_cast %parallel_loop3A_516 : i32 to index
        %parallel_loop3A_522 = arith.index_cast %parallel_loop3A_515 : i32 to index
        %parallel_loop3A_523 = tpu.vector_load %parallel_loop3A_520[%parallel_loop3A_521, %parallel_loop3A_522] {strides = array<i32>} : memref<16x1024xf32, #tpu.memory_space<vmem>>, vector<16xf32>,
        %parallel_loop3A_524 = vector.broadcast %parallel_loop3A_513 : i32 to vector<16xi32>
        %parallel_loop3A_525 = arith.addi %add3A_6, %parallel_loop3A_524 : vector<16xi32>
        %parallel_loop3A_526 = arith.constant 16384 : i32
        %parallel_loop3A_527 = tpu.memref_slice %arg6[%parallel_loop3A_526] : memref<49152xf32, #tpu.memory_space<vmem>> -> memref<16384xf32, #tpu.memory_space<vmem>>
        tpu.vector_store_idx %parallel_loop3A_527[%parallel_loop3A_525], %parallel_loop3A_523 : memref<16384xf32, #tpu.memory_space<vmem>>[vector<16xi32>], vector<16xf32>,
        %parallel_loop3A_528 = arith.constant 16 : i32
        %parallel_loop3A_529 = arith.muli %parallel_loop3A_511, %parallel_loop3A_528 : i32
        %parallel_loop3A_530 = arith.constant 1 : i32
        %parallel_loop3A_531 = arith.constant 0 : i32
        %parallel_loop3A_532 = arith.constant 0 : i32
        %parallel_loop3A_533 = tpu.memref_slice %arg5[%parallel_loop3A_395, %parallel_loop3A_531, %parallel_loop3A_532] : memref<3x16x1024xf32, #tpu.memory_space<vmem>> -> memref<1x16x1024xf32, #tpu.memory_space<vmem>>
        %parallel_loop3A_534 = tpu.memref_squeeze %parallel_loop3A_533 : memref<1x16x1024xf32, #tpu.memory_space<vmem>> -> memref<16x1024xf32, #tpu.memory_space<vmem>>
        %parallel_loop3A_535 = arith.index_cast %parallel_loop3A_530 : i32 to index
        %parallel_loop3A_536 = arith.index_cast %parallel_loop3A_529 : i32 to index
        %parallel_loop3A_537 = tpu.vector_load %parallel_loop3A_534[%parallel_loop3A_535, %parallel_loop3A_536] {strides = array<i32>} : memref<16x1024xf32, #tpu.memory_space<vmem>>, vector<16xf32>,
        %parallel_loop3A_538 = vector.broadcast %parallel_loop3A_513 : i32 to vector<16xi32>
        %parallel_loop3A_539 = arith.addi %add3A_9, %parallel_loop3A_538 : vector<16xi32>
        %parallel_loop3A_540 = arith.constant 16384 : i32
        %parallel_loop3A_541 = tpu.memref_slice %arg6[%parallel_loop3A_540] : memref<49152xf32, #tpu.memory_space<vmem>> -> memref<16384xf32, #tpu.memory_space<vmem>>
        tpu.vector_store_idx %parallel_loop3A_541[%parallel_loop3A_539], %parallel_loop3A_537 : memref<16384xf32, #tpu.memory_space<vmem>>[vector<16xi32>], vector<16xf32>,
        %parallel_loop3A_542 = arith.constant 16 : i32
        %parallel_loop3A_543 = arith.muli %parallel_loop3A_511, %parallel_loop3A_542 : i32
        %parallel_loop3A_544 = arith.constant 2 : i32
        %parallel_loop3A_545 = arith.constant 0 : i32
        %parallel_loop3A_546 = arith.constant 0 : i32
        %parallel_loop3A_547 = tpu.memref_slice %arg5[%parallel_loop3A_395, %parallel_loop3A_545, %parallel_loop3A_546] : memref<3x16x1024xf32, #tpu.memory_space<vmem>> -> memref<1x16x1024xf32, #tpu.memory_space<vmem>>
        %parallel_loop3A_548 = tpu.memref_squeeze %parallel_loop3A_547 : memref<1x16x1024xf32, #tpu.memory_space<vmem>> -> memref<16x1024xf32, #tpu.memory_space<vmem>>
        %parallel_loop3A_549 = arith.index_cast %parallel_loop3A_544 : i32 to index
        %parallel_loop3A_550 = arith.index_cast %parallel_loop3A_543 : i32 to index
        %parallel_loop3A_551 = tpu.vector_load %parallel_loop3A_548[%parallel_loop3A_549, %parallel_loop3A_550] {strides = array<i32>} : memref<16x1024xf32, #tpu.memory_space<vmem>>, vector<16xf32>,
        %parallel_loop3A_552 = vector.broadcast %parallel_loop3A_513 : i32 to vector<16xi32>
        %parallel_loop3A_553 = arith.addi %add3A_12, %parallel_loop3A_552 : vector<16xi32>
        %parallel_loop3A_554 = arith.constant 16384 : i32
        %parallel_loop3A_555 = tpu.memref_slice %arg6[%parallel_loop3A_554] : memref<49152xf32, #tpu.memory_space<vmem>> -> memref<16384xf32, #tpu.memory_space<vmem>>
        tpu.vector_store_idx %parallel_loop3A_555[%parallel_loop3A_553], %parallel_loop3A_551 : memref<16384xf32, #tpu.memory_space<vmem>>[vector<16xi32>], vector<16xf32>,
        %parallel_loop3A_556 = arith.constant 16 : i32
        %parallel_loop3A_557 = arith.muli %parallel_loop3A_511, %parallel_loop3A_556 : i32
        %parallel_loop3A_558 = arith.constant 3 : i32
        %parallel_loop3A_559 = arith.constant 0 : i32
        %parallel_loop3A_560 = arith.constant 0 : i32
        %parallel_loop3A_561 = tpu.memref_slice %arg5[%parallel_loop3A_395, %parallel_loop3A_559, %parallel_loop3A_560] : memref<3x16x1024xf32, #tpu.memory_space<vmem>> -> memref<1x16x1024xf32, #tpu.memory_space<vmem>>
        %parallel_loop3A_562 = tpu.memref_squeeze %parallel_loop3A_561 : memref<1x16x1024xf32, #tpu.memory_space<vmem>> -> memref<16x1024xf32, #tpu.memory_space<vmem>>
        %parallel_loop3A_563 = arith.index_cast %parallel_loop3A_558 : i32 to index
        %parallel_loop3A_564 = arith.index_cast %parallel_loop3A_557 : i32 to index
        %parallel_loop3A_565 = tpu.vector_load %parallel_loop3A_562[%parallel_loop3A_563, %parallel_loop3A_564] {strides = array<i32>} : memref<16x1024xf32, #tpu.memory_space<vmem>>, vector<16xf32>,
        %parallel_loop3A_566 = vector.broadcast %parallel_loop3A_513 : i32 to vector<16xi32>
        %parallel_loop3A_567 = arith.addi %add3A_15, %parallel_loop3A_566 : vector<16xi32>
        %parallel_loop3A_568 = arith.constant 16384 : i32
        %parallel_loop3A_569 = tpu.memref_slice %arg6[%parallel_loop3A_568] : memref<49152xf32, #tpu.memory_space<vmem>> -> memref<16384xf32, #tpu.memory_space<vmem>>
        tpu.vector_store_idx %parallel_loop3A_569[%parallel_loop3A_567], %parallel_loop3A_565 : memref<16384xf32, #tpu.memory_space<vmem>>[vector<16xi32>], vector<16xf32>,
        %parallel_loop3A_570 = arith.constant 16 : i32
        %parallel_loop3A_571 = arith.muli %parallel_loop3A_511, %parallel_loop3A_570 : i32
        %parallel_loop3A_572 = arith.constant 4 : i32
        %parallel_loop3A_573 = arith.constant 0 : i32
        %parallel_loop3A_574 = arith.constant 0 : i32
        %parallel_loop3A_575 = tpu.memref_slice %arg5[%parallel_loop3A_395, %parallel_loop3A_573, %parallel_loop3A_574] : memref<3x16x1024xf32, #tpu.memory_space<vmem>> -> memref<1x16x1024xf32, #tpu.memory_space<vmem>>
        %parallel_loop3A_576 = tpu.memref_squeeze %parallel_loop3A_575 : memref<1x16x1024xf32, #tpu.memory_space<vmem>> -> memref<16x1024xf32, #tpu.memory_space<vmem>>
        %parallel_loop3A_577 = arith.index_cast %parallel_loop3A_572 : i32 to index
        %parallel_loop3A_578 = arith.index_cast %parallel_loop3A_571 : i32 to index
        %parallel_loop3A_579 = tpu.vector_load %parallel_loop3A_576[%parallel_loop3A_577, %parallel_loop3A_578] {strides = array<i32>} : memref<16x1024xf32, #tpu.memory_space<vmem>>, vector<16xf32>,
        %parallel_loop3A_580 = vector.broadcast %parallel_loop3A_513 : i32 to vector<16xi32>
        %parallel_loop3A_581 = arith.addi %add3A_18, %parallel_loop3A_580 : vector<16xi32>
        %parallel_loop3A_582 = arith.constant 16384 : i32
        %parallel_loop3A_583 = tpu.memref_slice %arg6[%parallel_loop3A_582] : memref<49152xf32, #tpu.memory_space<vmem>> -> memref<16384xf32, #tpu.memory_space<vmem>>
        tpu.vector_store_idx %parallel_loop3A_583[%parallel_loop3A_581], %parallel_loop3A_579 : memref<16384xf32, #tpu.memory_space<vmem>>[vector<16xi32>], vector<16xf32>,
        %parallel_loop3A_584 = arith.constant 16 : i32
        %parallel_loop3A_585 = arith.muli %parallel_loop3A_511, %parallel_loop3A_584 : i32
        %parallel_loop3A_586 = arith.constant 5 : i32
        %parallel_loop3A_587 = arith.constant 0 : i32
        %parallel_loop3A_588 = arith.constant 0 : i32
        %parallel_loop3A_589 = tpu.memref_slice %arg5[%parallel_loop3A_395, %parallel_loop3A_587, %parallel_loop3A_588] : memref<3x16x1024xf32, #tpu.memory_space<vmem>> -> memref<1x16x1024xf32, #tpu.memory_space<vmem>>
        %parallel_loop3A_590 = tpu.memref_squeeze %parallel_loop3A_589 : memref<1x16x1024xf32, #tpu.memory_space<vmem>> -> memref<16x1024xf32, #tpu.memory_space<vmem>>
        %parallel_loop3A_591 = arith.index_cast %parallel_loop3A_586 : i32 to index
        %parallel_loop3A_592 = arith.index_cast %parallel_loop3A_585 : i32 to index
        %parallel_loop3A_593 = tpu.vector_load %parallel_loop3A_590[%parallel_loop3A_591, %parallel_loop3A_592] {strides = array<i32>} : memref<16x1024xf32, #tpu.memory_space<vmem>>, vector<16xf32>,
        %parallel_loop3A_594 = vector.broadcast %parallel_loop3A_513 : i32 to vector<16xi32>
        %parallel_loop3A_595 = arith.addi %add3A_21, %parallel_loop3A_594 : vector<16xi32>
        %parallel_loop3A_596 = arith.constant 16384 : i32
        %parallel_loop3A_597 = tpu.memref_slice %arg6[%parallel_loop3A_596] : memref<49152xf32, #tpu.memory_space<vmem>> -> memref<16384xf32, #tpu.memory_space<vmem>>
        tpu.vector_store_idx %parallel_loop3A_597[%parallel_loop3A_595], %parallel_loop3A_593 : memref<16384xf32, #tpu.memory_space<vmem>>[vector<16xi32>], vector<16xf32>,
        %parallel_loop3A_598 = arith.constant 16 : i32
        %parallel_loop3A_599 = arith.muli %parallel_loop3A_511, %parallel_loop3A_598 : i32
        %parallel_loop3A_600 = arith.constant 6 : i32
        %parallel_loop3A_601 = arith.constant 0 : i32
        %parallel_loop3A_602 = arith.constant 0 : i32
        %parallel_loop3A_603 = tpu.memref_slice %arg5[%parallel_loop3A_395, %parallel_loop3A_601, %parallel_loop3A_602] : memref<3x16x1024xf32, #tpu.memory_space<vmem>> -> memref<1x16x1024xf32, #tpu.memory_space<vmem>>
        %parallel_loop3A_604 = tpu.memref_squeeze %parallel_loop3A_603 : memref<1x16x1024xf32, #tpu.memory_space<vmem>> -> memref<16x1024xf32, #tpu.memory_space<vmem>>
        %parallel_loop3A_605 = arith.index_cast %parallel_loop3A_600 : i32 to index
        %parallel_loop3A_606 = arith.index_cast %parallel_loop3A_599 : i32 to index
        %parallel_loop3A_607 = tpu.vector_load %parallel_loop3A_604[%parallel_loop3A_605, %parallel_loop3A_606] {strides = array<i32>} : memref<16x1024xf32, #tpu.memory_space<vmem>>, vector<16xf32>,
        %parallel_loop3A_608 = vector.broadcast %parallel_loop3A_513 : i32 to vector<16xi32>
        %parallel_loop3A_609 = arith.addi %add3A_24, %parallel_loop3A_608 : vector<16xi32>
        %parallel_loop3A_610 = arith.constant 16384 : i32
        %parallel_loop3A_611 = tpu.memref_slice %arg6[%parallel_loop3A_610] : memref<49152xf32, #tpu.memory_space<vmem>> -> memref<16384xf32, #tpu.memory_space<vmem>>
        tpu.vector_store_idx %parallel_loop3A_611[%parallel_loop3A_609], %parallel_loop3A_607 : memref<16384xf32, #tpu.memory_space<vmem>>[vector<16xi32>], vector<16xf32>,
        %parallel_loop3A_612 = arith.constant 16 : i32
        %parallel_loop3A_613 = arith.muli %parallel_loop3A_511, %parallel_loop3A_612 : i32
        %parallel_loop3A_614 = arith.constant 7 : i32
        %parallel_loop3A_615 = arith.constant 0 : i32
        %parallel_loop3A_616 = arith.constant 0 : i32
        %parallel_loop3A_617 = tpu.memref_slice %arg5[%parallel_loop3A_395, %parallel_loop3A_615, %parallel_loop3A_616] : memref<3x16x1024xf32, #tpu.memory_space<vmem>> -> memref<1x16x1024xf32, #tpu.memory_space<vmem>>
        %parallel_loop3A_618 = tpu.memref_squeeze %parallel_loop3A_617 : memref<1x16x1024xf32, #tpu.memory_space<vmem>> -> memref<16x1024xf32, #tpu.memory_space<vmem>>
        %parallel_loop3A_619 = arith.index_cast %parallel_loop3A_614 : i32 to index
        %parallel_loop3A_620 = arith.index_cast %parallel_loop3A_613 : i32 to index
        %parallel_loop3A_621 = tpu.vector_load %parallel_loop3A_618[%parallel_loop3A_619, %parallel_loop3A_620] {strides = array<i32>} : memref<16x1024xf32, #tpu.memory_space<vmem>>, vector<16xf32>,
        %parallel_loop3A_622 = vector.broadcast %parallel_loop3A_513 : i32 to vector<16xi32>
        %parallel_loop3A_623 = arith.addi %add3A_27, %parallel_loop3A_622 : vector<16xi32>
        %parallel_loop3A_624 = arith.constant 16384 : i32
        %parallel_loop3A_625 = tpu.memref_slice %arg6[%parallel_loop3A_624] : memref<49152xf32, #tpu.memory_space<vmem>> -> memref<16384xf32, #tpu.memory_space<vmem>>
        tpu.vector_store_idx %parallel_loop3A_625[%parallel_loop3A_623], %parallel_loop3A_621 : memref<16384xf32, #tpu.memory_space<vmem>>[vector<16xi32>], vector<16xf32>,
        %parallel_loop3A_626 = arith.constant 16 : i32
        %parallel_loop3A_627 = arith.muli %parallel_loop3A_511, %parallel_loop3A_626 : i32
        %parallel_loop3A_628 = arith.constant 8 : i32
        %parallel_loop3A_629 = arith.constant 0 : i32
        %parallel_loop3A_630 = arith.constant 0 : i32
        %parallel_loop3A_631 = tpu.memref_slice %arg5[%parallel_loop3A_395, %parallel_loop3A_629, %parallel_loop3A_630] : memref<3x16x1024xf32, #tpu.memory_space<vmem>> -> memref<1x16x1024xf32, #tpu.memory_space<vmem>>
        %parallel_loop3A_632 = tpu.memref_squeeze %parallel_loop3A_631 : memref<1x16x1024xf32, #tpu.memory_space<vmem>> -> memref<16x1024xf32, #tpu.memory_space<vmem>>
        %parallel_loop3A_633 = arith.index_cast %parallel_loop3A_628 : i32 to index
        %parallel_loop3A_634 = arith.index_cast %parallel_loop3A_627 : i32 to index
        %parallel_loop3A_635 = tpu.vector_load %parallel_loop3A_632[%parallel_loop3A_633, %parallel_loop3A_634] {strides = array<i32>} : memref<16x1024xf32, #tpu.memory_space<vmem>>, vector<16xf32>,
        %parallel_loop3A_636 = vector.broadcast %parallel_loop3A_513 : i32 to vector<16xi32>
        %parallel_loop3A_637 = arith.addi %add3A_30, %parallel_loop3A_636 : vector<16xi32>
        %parallel_loop3A_638 = arith.constant 16384 : i32
        %parallel_loop3A_639 = tpu.memref_slice %arg6[%parallel_loop3A_638] : memref<49152xf32, #tpu.memory_space<vmem>> -> memref<16384xf32, #tpu.memory_space<vmem>>
        tpu.vector_store_idx %parallel_loop3A_639[%parallel_loop3A_637], %parallel_loop3A_635 : memref<16384xf32, #tpu.memory_space<vmem>>[vector<16xi32>], vector<16xf32>,
        %parallel_loop3A_640 = arith.constant 16 : i32
        %parallel_loop3A_641 = arith.muli %parallel_loop3A_511, %parallel_loop3A_640 : i32
        %parallel_loop3A_642 = arith.constant 9 : i32
        %parallel_loop3A_643 = arith.constant 0 : i32
        %parallel_loop3A_644 = arith.constant 0 : i32
        %parallel_loop3A_645 = tpu.memref_slice %arg5[%parallel_loop3A_395, %parallel_loop3A_643, %parallel_loop3A_644] : memref<3x16x1024xf32, #tpu.memory_space<vmem>> -> memref<1x16x1024xf32, #tpu.memory_space<vmem>>
        %parallel_loop3A_646 = tpu.memref_squeeze %parallel_loop3A_645 : memref<1x16x1024xf32, #tpu.memory_space<vmem>> -> memref<16x1024xf32, #tpu.memory_space<vmem>>
        %parallel_loop3A_647 = arith.index_cast %parallel_loop3A_642 : i32 to index
        %parallel_loop3A_648 = arith.index_cast %parallel_loop3A_641 : i32 to index
        %parallel_loop3A_649 = tpu.vector_load %parallel_loop3A_646[%parallel_loop3A_647, %parallel_loop3A_648] {strides = array<i32>} : memref<16x1024xf32, #tpu.memory_space<vmem>>, vector<16xf32>,
        %parallel_loop3A_650 = vector.broadcast %parallel_loop3A_513 : i32 to vector<16xi32>
        %parallel_loop3A_651 = arith.addi %add3A_33, %parallel_loop3A_650 : vector<16xi32>
        %parallel_loop3A_652 = arith.constant 16384 : i32
        %parallel_loop3A_653 = tpu.memref_slice %arg6[%parallel_loop3A_652] : memref<49152xf32, #tpu.memory_space<vmem>> -> memref<16384xf32, #tpu.memory_space<vmem>>
        tpu.vector_store_idx %parallel_loop3A_653[%parallel_loop3A_651], %parallel_loop3A_649 : memref<16384xf32, #tpu.memory_space<vmem>>[vector<16xi32>], vector<16xf32>,
        %parallel_loop3A_654 = arith.constant 16 : i32
        %parallel_loop3A_655 = arith.muli %parallel_loop3A_511, %parallel_loop3A_654 : i32
        %parallel_loop3A_656 = arith.constant 10 : i32
        %parallel_loop3A_657 = arith.constant 0 : i32
        %parallel_loop3A_658 = arith.constant 0 : i32
        %parallel_loop3A_659 = tpu.memref_slice %arg5[%parallel_loop3A_395, %parallel_loop3A_657, %parallel_loop3A_658] : memref<3x16x1024xf32, #tpu.memory_space<vmem>> -> memref<1x16x1024xf32, #tpu.memory_space<vmem>>
        %parallel_loop3A_660 = tpu.memref_squeeze %parallel_loop3A_659 : memref<1x16x1024xf32, #tpu.memory_space<vmem>> -> memref<16x1024xf32, #tpu.memory_space<vmem>>
        %parallel_loop3A_661 = arith.index_cast %parallel_loop3A_656 : i32 to index
        %parallel_loop3A_662 = arith.index_cast %parallel_loop3A_655 : i32 to index
        %parallel_loop3A_663 = tpu.vector_load %parallel_loop3A_660[%parallel_loop3A_661, %parallel_loop3A_662] {strides = array<i32>} : memref<16x1024xf32, #tpu.memory_space<vmem>>, vector<16xf32>,
        %parallel_loop3A_664 = vector.broadcast %parallel_loop3A_513 : i32 to vector<16xi32>
        %parallel_loop3A_665 = arith.addi %add3A_36, %parallel_loop3A_664 : vector<16xi32>
        %parallel_loop3A_666 = arith.constant 16384 : i32
        %parallel_loop3A_667 = tpu.memref_slice %arg6[%parallel_loop3A_666] : memref<49152xf32, #tpu.memory_space<vmem>> -> memref<16384xf32, #tpu.memory_space<vmem>>
        tpu.vector_store_idx %parallel_loop3A_667[%parallel_loop3A_665], %parallel_loop3A_663 : memref<16384xf32, #tpu.memory_space<vmem>>[vector<16xi32>], vector<16xf32>,
        %parallel_loop3A_668 = arith.constant 16 : i32
        %parallel_loop3A_669 = arith.muli %parallel_loop3A_511, %parallel_loop3A_668 : i32
        %parallel_loop3A_670 = arith.constant 11 : i32
        %parallel_loop3A_671 = arith.constant 0 : i32
        %parallel_loop3A_672 = arith.constant 0 : i32
        %parallel_loop3A_673 = tpu.memref_slice %arg5[%parallel_loop3A_395, %parallel_loop3A_671, %parallel_loop3A_672] : memref<3x16x1024xf32, #tpu.memory_space<vmem>> -> memref<1x16x1024xf32, #tpu.memory_space<vmem>>
        %parallel_loop3A_674 = tpu.memref_squeeze %parallel_loop3A_673 : memref<1x16x1024xf32, #tpu.memory_space<vmem>> -> memref<16x1024xf32, #tpu.memory_space<vmem>>
        %parallel_loop3A_675 = arith.index_cast %parallel_loop3A_670 : i32 to index
        %parallel_loop3A_676 = arith.index_cast %parallel_loop3A_669 : i32 to index
        %parallel_loop3A_677 = tpu.vector_load %parallel_loop3A_674[%parallel_loop3A_675, %parallel_loop3A_676] {strides = array<i32>} : memref<16x1024xf32, #tpu.memory_space<vmem>>, vector<16xf32>,
        %parallel_loop3A_678 = vector.broadcast %parallel_loop3A_513 : i32 to vector<16xi32>
        %parallel_loop3A_679 = arith.addi %add3A_39, %parallel_loop3A_678 : vector<16xi32>
        %parallel_loop3A_680 = arith.constant 16384 : i32
        %parallel_loop3A_681 = tpu.memref_slice %arg6[%parallel_loop3A_680] : memref<49152xf32, #tpu.memory_space<vmem>> -> memref<16384xf32, #tpu.memory_space<vmem>>
        tpu.vector_store_idx %parallel_loop3A_681[%parallel_loop3A_679], %parallel_loop3A_677 : memref<16384xf32, #tpu.memory_space<vmem>>[vector<16xi32>], vector<16xf32>,
        %parallel_loop3A_682 = arith.constant 16 : i32
        %parallel_loop3A_683 = arith.muli %parallel_loop3A_511, %parallel_loop3A_682 : i32
        %parallel_loop3A_684 = arith.constant 12 : i32
        %parallel_loop3A_685 = arith.constant 0 : i32
        %parallel_loop3A_686 = arith.constant 0 : i32
        %parallel_loop3A_687 = tpu.memref_slice %arg5[%parallel_loop3A_395, %parallel_loop3A_685, %parallel_loop3A_686] : memref<3x16x1024xf32, #tpu.memory_space<vmem>> -> memref<1x16x1024xf32, #tpu.memory_space<vmem>>
        %parallel_loop3A_688 = tpu.memref_squeeze %parallel_loop3A_687 : memref<1x16x1024xf32, #tpu.memory_space<vmem>> -> memref<16x1024xf32, #tpu.memory_space<vmem>>
        %parallel_loop3A_689 = arith.index_cast %parallel_loop3A_684 : i32 to index
        %parallel_loop3A_690 = arith.index_cast %parallel_loop3A_683 : i32 to index
        %parallel_loop3A_691 = tpu.vector_load %parallel_loop3A_688[%parallel_loop3A_689, %parallel_loop3A_690] {strides = array<i32>} : memref<16x1024xf32, #tpu.memory_space<vmem>>, vector<16xf32>,
        %parallel_loop3A_692 = vector.broadcast %parallel_loop3A_513 : i32 to vector<16xi32>
        %parallel_loop3A_693 = arith.addi %add3A_42, %parallel_loop3A_692 : vector<16xi32>
        %parallel_loop3A_694 = arith.constant 16384 : i32
        %parallel_loop3A_695 = tpu.memref_slice %arg6[%parallel_loop3A_694] : memref<49152xf32, #tpu.memory_space<vmem>> -> memref<16384xf32, #tpu.memory_space<vmem>>
        tpu.vector_store_idx %parallel_loop3A_695[%parallel_loop3A_693], %parallel_loop3A_691 : memref<16384xf32, #tpu.memory_space<vmem>>[vector<16xi32>], vector<16xf32>,
        %parallel_loop3A_696 = arith.constant 16 : i32
        %parallel_loop3A_697 = arith.muli %parallel_loop3A_511, %parallel_loop3A_696 : i32
        %parallel_loop3A_698 = arith.constant 13 : i32
        %parallel_loop3A_699 = arith.constant 0 : i32
        %parallel_loop3A_700 = arith.constant 0 : i32
        %parallel_loop3A_701 = tpu.memref_slice %arg5[%parallel_loop3A_395, %parallel_loop3A_699, %parallel_loop3A_700] : memref<3x16x1024xf32, #tpu.memory_space<vmem>> -> memref<1x16x1024xf32, #tpu.memory_space<vmem>>
        %parallel_loop3A_702 = tpu.memref_squeeze %parallel_loop3A_701 : memref<1x16x1024xf32, #tpu.memory_space<vmem>> -> memref<16x1024xf32, #tpu.memory_space<vmem>>
        %parallel_loop3A_703 = arith.index_cast %parallel_loop3A_698 : i32 to index
        %parallel_loop3A_704 = arith.index_cast %parallel_loop3A_697 : i32 to index
        %parallel_loop3A_705 = tpu.vector_load %parallel_loop3A_702[%parallel_loop3A_703, %parallel_loop3A_704] {strides = array<i32>} : memref<16x1024xf32, #tpu.memory_space<vmem>>, vector<16xf32>,
        %parallel_loop3A_706 = vector.broadcast %parallel_loop3A_513 : i32 to vector<16xi32>
        %parallel_loop3A_707 = arith.addi %add3A_45, %parallel_loop3A_706 : vector<16xi32>
        %parallel_loop3A_708 = arith.constant 16384 : i32
        %parallel_loop3A_709 = tpu.memref_slice %arg6[%parallel_loop3A_708] : memref<49152xf32, #tpu.memory_space<vmem>> -> memref<16384xf32, #tpu.memory_space<vmem>>
        tpu.vector_store_idx %parallel_loop3A_709[%parallel_loop3A_707], %parallel_loop3A_705 : memref<16384xf32, #tpu.memory_space<vmem>>[vector<16xi32>], vector<16xf32>,
        %parallel_loop3A_710 = arith.constant 16 : i32
        %parallel_loop3A_711 = arith.muli %parallel_loop3A_511, %parallel_loop3A_710 : i32
        %parallel_loop3A_712 = arith.constant 14 : i32
        %parallel_loop3A_713 = arith.constant 0 : i32
        %parallel_loop3A_714 = arith.constant 0 : i32
        %parallel_loop3A_715 = tpu.memref_slice %arg5[%parallel_loop3A_395, %parallel_loop3A_713, %parallel_loop3A_714] : memref<3x16x1024xf32, #tpu.memory_space<vmem>> -> memref<1x16x1024xf32, #tpu.memory_space<vmem>>
        %parallel_loop3A_716 = tpu.memref_squeeze %parallel_loop3A_715 : memref<1x16x1024xf32, #tpu.memory_space<vmem>> -> memref<16x1024xf32, #tpu.memory_space<vmem>>
        %parallel_loop3A_717 = arith.index_cast %parallel_loop3A_712 : i32 to index
        %parallel_loop3A_718 = arith.index_cast %parallel_loop3A_711 : i32 to index
        %parallel_loop3A_719 = tpu.vector_load %parallel_loop3A_716[%parallel_loop3A_717, %parallel_loop3A_718] {strides = array<i32>} : memref<16x1024xf32, #tpu.memory_space<vmem>>, vector<16xf32>,
        %parallel_loop3A_720 = vector.broadcast %parallel_loop3A_513 : i32 to vector<16xi32>
        %parallel_loop3A_721 = arith.addi %add3A_48, %parallel_loop3A_720 : vector<16xi32>
        %parallel_loop3A_722 = arith.constant 16384 : i32
        %parallel_loop3A_723 = tpu.memref_slice %arg6[%parallel_loop3A_722] : memref<49152xf32, #tpu.memory_space<vmem>> -> memref<16384xf32, #tpu.memory_space<vmem>>
        tpu.vector_store_idx %parallel_loop3A_723[%parallel_loop3A_721], %parallel_loop3A_719 : memref<16384xf32, #tpu.memory_space<vmem>>[vector<16xi32>], vector<16xf32>,
        %parallel_loop3A_724 = arith.constant 16 : i32
        %parallel_loop3A_725 = arith.muli %parallel_loop3A_511, %parallel_loop3A_724 : i32
        %parallel_loop3A_726 = arith.constant 15 : i32
        %parallel_loop3A_727 = arith.constant 0 : i32
        %parallel_loop3A_728 = arith.constant 0 : i32
        %parallel_loop3A_729 = tpu.memref_slice %arg5[%parallel_loop3A_395, %parallel_loop3A_727, %parallel_loop3A_728] : memref<3x16x1024xf32, #tpu.memory_space<vmem>> -> memref<1x16x1024xf32, #tpu.memory_space<vmem>>
        %parallel_loop3A_730 = tpu.memref_squeeze %parallel_loop3A_729 : memref<1x16x1024xf32, #tpu.memory_space<vmem>> -> memref<16x1024xf32, #tpu.memory_space<vmem>>
        %parallel_loop3A_731 = arith.index_cast %parallel_loop3A_726 : i32 to index
        %parallel_loop3A_732 = arith.index_cast %parallel_loop3A_725 : i32 to index
        %parallel_loop3A_733 = tpu.vector_load %parallel_loop3A_730[%parallel_loop3A_731, %parallel_loop3A_732] {strides = array<i32>} : memref<16x1024xf32, #tpu.memory_space<vmem>>, vector<16xf32>,
        %parallel_loop3A_734 = vector.broadcast %parallel_loop3A_513 : i32 to vector<16xi32>
        %parallel_loop3A_735 = arith.addi %add3A_51, %parallel_loop3A_734 : vector<16xi32>
        %parallel_loop3A_736 = arith.constant 16384 : i32
        %parallel_loop3A_737 = tpu.memref_slice %arg6[%parallel_loop3A_736] : memref<49152xf32, #tpu.memory_space<vmem>> -> memref<16384xf32, #tpu.memory_space<vmem>>
        tpu.vector_store_idx %parallel_loop3A_737[%parallel_loop3A_735], %parallel_loop3A_733 : memref<16384xf32, #tpu.memory_space<vmem>>[vector<16xi32>], vector<16xf32>,
      } {sc.loop_unroll_factor = 4 : i64, sc.parallel_access}
      %dma_start3A_396 = arith.constant 1 : i32
      %dma_start3A_397 = arith.constant 16384 : i32
      %dma_start3A_398 = tpu.memref_slice %arg6[%dma_start3A_397] : memref<49152xf32, #tpu.memory_space<vmem>> -> memref<16384xf32, #tpu.memory_space<vmem>>
      %dma_start3A_399 = tpu.memref_slice %arg4[%multiple_of3A_377] : memref<41600000xf32, #tpu.memory_space<hbm>> -> memref<16384xf32, #tpu.memory_space<hbm>>
      %dma_start3A_400 = tpu.memref_slice %arg9[%dma_start3A_396] : memref<3x!tpu.dma_semaphore, #tpu.memory_space<semaphore_mem>> -> memref<1x!tpu.dma_semaphore, #tpu.memory_space<semaphore_mem>>
      %dma_start3A_401 = tpu.memref_squeeze %dma_start3A_400 : memref<1x!tpu.dma_semaphore, #tpu.memory_space<semaphore_mem>> -> memref<!tpu.dma_semaphore, #tpu.memory_space<semaphore_mem>>
      %dma_start3A_402 = tpu.memref_slice %arg4[%multiple_of3A_377] : memref<41600000xf32, #tpu.memory_space<hbm>> -> memref<16384xf32, #tpu.memory_space<hbm>>
      %dma_start3A_403 = arith.constant 16384 : i32
      %dma_start3A_404 = tpu.memref_slice %arg6[%dma_start3A_403] : memref<49152xf32, #tpu.memory_space<vmem>> -> memref<16384xf32, #tpu.memory_space<vmem>>
      tpu.enqueue_dma source(%dma_start3A_404 : memref<16384xf32, #tpu.memory_space<vmem>>) target(%dma_start3A_402 : memref<16384xf32, #tpu.memory_space<hbm>>) target_semaphore(%dma_start3A_401 : memref<!tpu.dma_semaphore, #tpu.memory_space<semaphore_mem>>)
      %mul3A_405 = arith.constant 80 : i32
      %mul3A_406 = arith.muli %add3A, %mul3A_405 : i32
      %add3A_407 = arith.addi %mul3A_406, %mul3A_61 : i32
      %add3A_408 = arith.constant 2 : i32
      %add3A_409 = arith.addi %add3A_407, %add3A_408 : i32
      %min3A_410 = arith.constant 2547 : i32
      %min3A_411 = arith.minsi %add3A_409, %min3A_410 : i32
      %jit3A_412 = arith.constant 98 : i32
      %div3A_413 = arith.divsi %min3A_411, %jit3A_412 : i32
      %sign3A_414 = arith.constant 0 : i32
      %sign3A_415 = arith.cmpi sgt, %min3A_411, %sign3A_414 : i32
      %sign3A_416 = arith.extui %sign3A_415 : i1 to i32
      %sign3A_417 = arith.constant 0 : i32
      %sign3A_418 = arith.cmpi slt, %min3A_411, %sign3A_417 : i32
      %sign3A_419 = arith.extui %sign3A_418 : i1 to i32
      %sign3A_420 = arith.subi %sign3A_416, %sign3A_419 : i32
      %sign3A_421 = arith.constant 0 : i32
      %sign3A_422 = arith.cmpi sgt, %jit3A_412, %sign3A_421 : i32
      %sign3A_423 = arith.extui %sign3A_422 : i1 to i32
      %sign3A_424 = arith.constant 0 : i32
      %sign3A_425 = arith.cmpi slt, %jit3A_412, %sign3A_424 : i32
      %sign3A_426 = arith.extui %sign3A_425 : i1 to i32
      %sign3A_427 = arith.subi %sign3A_423, %sign3A_426 : i32
      %ne3A_428 = arith.cmpi ne, %sign3A_420, %sign3A_427 : i32
      %rem3A_429 = arith.remsi %min3A_411, %jit3A_412 : i32
      %ne3A_430 = arith.constant 0 : i32
      %ne3A_431 = arith.cmpi ne, %rem3A_429, %ne3A_430 : i32
      %and3A_432 = arith.andi %ne3A_428, %ne3A_431 : i1
      %sub3A_433 = arith.constant 1 : i32
      %sub3A_434 = arith.subi %div3A_413, %sub3A_433 : i32
      %select_n3A_435 = arith.select %and3A_432, %sub3A_434, %div3A_413 : i32
      %mul3A_436 = arith.constant 98 : i32
      %mul3A_437 = arith.muli %select_n3A_435, %mul3A_436 : i32
      %sub3A_438 = arith.subi %min3A_411, %mul3A_437 : i32
      %mul3A_439 = arith.constant 8 : i32
      %mul3A_440 = arith.muli %sub3A_438, %mul3A_439 : i32
      %min3A_441 = arith.constant 773 : i32
      %min3A_442 = arith.minsi %mul3A_440, %min3A_441 : i32
      %mul3A_443 = arith.constant 16 : i32
      %mul3A_444 = arith.muli %select_n3A_435, %mul3A_443 : i32
      %multiple_of3A_445 = tpu.assume_multiple %mul3A_444, 8 : i32
      %mul3A_446 = arith.constant 128 : i32
      %mul3A_447 = arith.muli %min3A_442, %mul3A_446 : i32
      %multiple_of3A_448 = tpu.assume_multiple %mul3A_447, 128 : i32
      %mul3A_449 = arith.constant 100000 : i32
      %mul3A_450 = arith.muli %select_n3A_435, %mul3A_449 : i32
      %mul3A_451 = arith.constant 128 : i32
      %mul3A_452 = arith.muli %min3A_442, %mul3A_451 : i32
      %add3A_453 = arith.addi %mul3A_450, %mul3A_452 : i32
      %mul3A_454 = arith.constant 16 : i32
      %mul3A_455 = arith.muli %add3A_453, %mul3A_454 : i32
      %multiple_of3A_456 = tpu.assume_multiple %mul3A_455, 128 : i32
      %dma_wait3A_457 = arith.constant 2 : i32
      %dma_wait3A_458 = arith.constant 2 : i32
      %dma_wait3A_459 = arith.constant 0 : i32
      %dma_wait3A_460 = arith.constant 0 : i32
      %dma_wait3A_461 = tpu.memref_slice %arg5[%dma_wait3A_457, %dma_wait3A_459, %dma_wait3A_460] : memref<3x16x1024xf32, #tpu.memory_space<vmem>> -> memref<1x16x1024xf32, #tpu.memory_space<vmem>>
      %dma_wait3A_462 = tpu.memref_squeeze %dma_wait3A_461 : memref<1x16x1024xf32, #tpu.memory_space<vmem>> -> memref<16x1024xf32, #tpu.memory_space<vmem>>
      %dma_wait3A_463 = tpu.memref_slice %arg2[%multiple_of3A_223, %multiple_of3A_226] : memref<416x100000xf32, #tpu.memory_space<hbm>> -> memref<16x1024xf32, #tpu.memory_space<hbm>>
      %dma_wait3A_464 = tpu.memref_slice %arg8[%dma_wait3A_458] : memref<3x!tpu.dma_semaphore, #tpu.memory_space<semaphore_mem>> -> memref<1x!tpu.dma_semaphore, #tpu.memory_space<semaphore_mem>>
      %dma_wait3A_465 = tpu.memref_squeeze %dma_wait3A_464 : memref<1x!tpu.dma_semaphore, #tpu.memory_space<semaphore_mem>> -> memref<!tpu.dma_semaphore, #tpu.memory_space<semaphore_mem>>
      %dma_wait3A_466 = arith.constant 0 : i32
      %dma_wait3A_467 = arith.constant 0 : i32
      %dma_wait3A_468 = tpu.memref_slice %arg5[%dma_wait3A_457, %dma_wait3A_466, %dma_wait3A_467] : memref<3x16x1024xf32, #tpu.memory_space<vmem>> -> memref<1x16x1024xf32, #tpu.memory_space<vmem>>
      %dma_wait3A_469 = tpu.memref_squeeze %dma_wait3A_468 : memref<1x16x1024xf32, #tpu.memory_space<vmem>> -> memref<16x1024xf32, #tpu.memory_space<vmem>>
      %dma_wait3A_470 = tpu.memref_slice %arg2[%multiple_of3A_223, %multiple_of3A_226] : memref<416x100000xf32, #tpu.memory_space<hbm>> -> memref<16x1024xf32, #tpu.memory_space<hbm>>
      tpu.wait_dma2 semaphore(%dma_wait3A_465 : memref<!tpu.dma_semaphore, #tpu.memory_space<semaphore_mem>>) src(%dma_wait3A_470 : memref<16x1024xf32, #tpu.memory_space<hbm>>) dst(%dma_wait3A_469 : memref<16x1024xf32, #tpu.memory_space<vmem>>)
      %parallel_loop3A_471 = arith.constant 0 : i32
      %parallel_loop3A_472 = arith.constant 64 : i32
      %parallel_loop3A_473 = arith.constant 1 : i32
      %parallel_loop3A_474 = arith.constant 2 : i32
      scf.for %parallel_loop3A_511 = %parallel_loop3A_471 to %parallel_loop3A_472 step %parallel_loop3A_473  : i32 {
        %parallel_loop3A_512 = arith.constant 256 : i32
        %parallel_loop3A_513 = arith.muli %parallel_loop3A_511, %parallel_loop3A_512 : i32
        %parallel_loop3A_514 = arith.constant 16 : i32
        %parallel_loop3A_515 = arith.muli %parallel_loop3A_511, %parallel_loop3A_514 : i32
        %parallel_loop3A_516 = arith.constant 0 : i32
        %parallel_loop3A_517 = arith.constant 0 : i32
        %parallel_loop3A_518 = arith.constant 0 : i32
        %parallel_loop3A_519 = tpu.memref_slice %arg5[%parallel_loop3A_474, %parallel_loop3A_517, %parallel_loop3A_518] : memref<3x16x1024xf32, #tpu.memory_space<vmem>> -> memref<1x16x1024xf32, #tpu.memory_space<vmem>>
        %parallel_loop3A_520 = tpu.memref_squeeze %parallel_loop3A_519 : memref<1x16x1024xf32, #tpu.memory_space<vmem>> -> memref<16x1024xf32, #tpu.memory_space<vmem>>
        %parallel_loop3A_521 = arith.index_cast %parallel_loop3A_516 : i32 to index
        %parallel_loop3A_522 = arith.index_cast %parallel_loop3A_515 : i32 to index
        %parallel_loop3A_523 = tpu.vector_load %parallel_loop3A_520[%parallel_loop3A_521, %parallel_loop3A_522] {strides = array<i32>} : memref<16x1024xf32, #tpu.memory_space<vmem>>, vector<16xf32>,
        %parallel_loop3A_524 = vector.broadcast %parallel_loop3A_513 : i32 to vector<16xi32>
        %parallel_loop3A_525 = arith.addi %add3A_6, %parallel_loop3A_524 : vector<16xi32>
        %parallel_loop3A_526 = arith.constant 32768 : i32
        %parallel_loop3A_527 = tpu.memref_slice %arg6[%parallel_loop3A_526] : memref<49152xf32, #tpu.memory_space<vmem>> -> memref<16384xf32, #tpu.memory_space<vmem>>
        tpu.vector_store_idx %parallel_loop3A_527[%parallel_loop3A_525], %parallel_loop3A_523 : memref<16384xf32, #tpu.memory_space<vmem>>[vector<16xi32>], vector<16xf32>,
        %parallel_loop3A_528 = arith.constant 16 : i32
        %parallel_loop3A_529 = arith.muli %parallel_loop3A_511, %parallel_loop3A_528 : i32
        %parallel_loop3A_530 = arith.constant 1 : i32
        %parallel_loop3A_531 = arith.constant 0 : i32
        %parallel_loop3A_532 = arith.constant 0 : i32
        %parallel_loop3A_533 = tpu.memref_slice %arg5[%parallel_loop3A_474, %parallel_loop3A_531, %parallel_loop3A_532] : memref<3x16x1024xf32, #tpu.memory_space<vmem>> -> memref<1x16x1024xf32, #tpu.memory_space<vmem>>
        %parallel_loop3A_534 = tpu.memref_squeeze %parallel_loop3A_533 : memref<1x16x1024xf32, #tpu.memory_space<vmem>> -> memref<16x1024xf32, #tpu.memory_space<vmem>>
        %parallel_loop3A_535 = arith.index_cast %parallel_loop3A_530 : i32 to index
        %parallel_loop3A_536 = arith.index_cast %parallel_loop3A_529 : i32 to index
        %parallel_loop3A_537 = tpu.vector_load %parallel_loop3A_534[%parallel_loop3A_535, %parallel_loop3A_536] {strides = array<i32>} : memref<16x1024xf32, #tpu.memory_space<vmem>>, vector<16xf32>,
        %parallel_loop3A_538 = vector.broadcast %parallel_loop3A_513 : i32 to vector<16xi32>
        %parallel_loop3A_539 = arith.addi %add3A_9, %parallel_loop3A_538 : vector<16xi32>
        %parallel_loop3A_540 = arith.constant 32768 : i32
        %parallel_loop3A_541 = tpu.memref_slice %arg6[%parallel_loop3A_540] : memref<49152xf32, #tpu.memory_space<vmem>> -> memref<16384xf32, #tpu.memory_space<vmem>>
        tpu.vector_store_idx %parallel_loop3A_541[%parallel_loop3A_539], %parallel_loop3A_537 : memref<16384xf32, #tpu.memory_space<vmem>>[vector<16xi32>], vector<16xf32>,
        %parallel_loop3A_542 = arith.constant 16 : i32
        %parallel_loop3A_543 = arith.muli %parallel_loop3A_511, %parallel_loop3A_542 : i32
        %parallel_loop3A_544 = arith.constant 2 : i32
        %parallel_loop3A_545 = arith.constant 0 : i32
        %parallel_loop3A_546 = arith.constant 0 : i32
        %parallel_loop3A_547 = tpu.memref_slice %arg5[%parallel_loop3A_474, %parallel_loop3A_545, %parallel_loop3A_546] : memref<3x16x1024xf32, #tpu.memory_space<vmem>> -> memref<1x16x1024xf32, #tpu.memory_space<vmem>>
        %parallel_loop3A_548 = tpu.memref_squeeze %parallel_loop3A_547 : memref<1x16x1024xf32, #tpu.memory_space<vmem>> -> memref<16x1024xf32, #tpu.memory_space<vmem>>
        %parallel_loop3A_549 = arith.index_cast %parallel_loop3A_544 : i32 to index
        %parallel_loop3A_550 = arith.index_cast %parallel_loop3A_543 : i32 to index
        %parallel_loop3A_551 = tpu.vector_load %parallel_loop3A_548[%parallel_loop3A_549, %parallel_loop3A_550] {strides = array<i32>} : memref<16x1024xf32, #tpu.memory_space<vmem>>, vector<16xf32>,
        %parallel_loop3A_552 = vector.broadcast %parallel_loop3A_513 : i32 to vector<16xi32>
        %parallel_loop3A_553 = arith.addi %add3A_12, %parallel_loop3A_552 : vector<16xi32>
        %parallel_loop3A_554 = arith.constant 32768 : i32
        %parallel_loop3A_555 = tpu.memref_slice %arg6[%parallel_loop3A_554] : memref<49152xf32, #tpu.memory_space<vmem>> -> memref<16384xf32, #tpu.memory_space<vmem>>
        tpu.vector_store_idx %parallel_loop3A_555[%parallel_loop3A_553], %parallel_loop3A_551 : memref<16384xf32, #tpu.memory_space<vmem>>[vector<16xi32>], vector<16xf32>,
        %parallel_loop3A_556 = arith.constant 16 : i32
        %parallel_loop3A_557 = arith.muli %parallel_loop3A_511, %parallel_loop3A_556 : i32
        %parallel_loop3A_558 = arith.constant 3 : i32
        %parallel_loop3A_559 = arith.constant 0 : i32
        %parallel_loop3A_560 = arith.constant 0 : i32
        %parallel_loop3A_561 = tpu.memref_slice %arg5[%parallel_loop3A_474, %parallel_loop3A_559, %parallel_loop3A_560] : memref<3x16x1024xf32, #tpu.memory_space<vmem>> -> memref<1x16x1024xf32, #tpu.memory_space<vmem>>
        %parallel_loop3A_562 = tpu.memref_squeeze %parallel_loop3A_561 : memref<1x16x1024xf32, #tpu.memory_space<vmem>> -> memref<16x1024xf32, #tpu.memory_space<vmem>>
        %parallel_loop3A_563 = arith.index_cast %parallel_loop3A_558 : i32 to index
        %parallel_loop3A_564 = arith.index_cast %parallel_loop3A_557 : i32 to index
        %parallel_loop3A_565 = tpu.vector_load %parallel_loop3A_562[%parallel_loop3A_563, %parallel_loop3A_564] {strides = array<i32>} : memref<16x1024xf32, #tpu.memory_space<vmem>>, vector<16xf32>,
        %parallel_loop3A_566 = vector.broadcast %parallel_loop3A_513 : i32 to vector<16xi32>
        %parallel_loop3A_567 = arith.addi %add3A_15, %parallel_loop3A_566 : vector<16xi32>
        %parallel_loop3A_568 = arith.constant 32768 : i32
        %parallel_loop3A_569 = tpu.memref_slice %arg6[%parallel_loop3A_568] : memref<49152xf32, #tpu.memory_space<vmem>> -> memref<16384xf32, #tpu.memory_space<vmem>>
        tpu.vector_store_idx %parallel_loop3A_569[%parallel_loop3A_567], %parallel_loop3A_565 : memref<16384xf32, #tpu.memory_space<vmem>>[vector<16xi32>], vector<16xf32>,
        %parallel_loop3A_570 = arith.constant 16 : i32
        %parallel_loop3A_571 = arith.muli %parallel_loop3A_511, %parallel_loop3A_570 : i32
        %parallel_loop3A_572 = arith.constant 4 : i32
        %parallel_loop3A_573 = arith.constant 0 : i32
        %parallel_loop3A_574 = arith.constant 0 : i32
        %parallel_loop3A_575 = tpu.memref_slice %arg5[%parallel_loop3A_474, %parallel_loop3A_573, %parallel_loop3A_574] : memref<3x16x1024xf32, #tpu.memory_space<vmem>> -> memref<1x16x1024xf32, #tpu.memory_space<vmem>>
        %parallel_loop3A_576 = tpu.memref_squeeze %parallel_loop3A_575 : memref<1x16x1024xf32, #tpu.memory_space<vmem>> -> memref<16x1024xf32, #tpu.memory_space<vmem>>
        %parallel_loop3A_577 = arith.index_cast %parallel_loop3A_572 : i32 to index
        %parallel_loop3A_578 = arith.index_cast %parallel_loop3A_571 : i32 to index
        %parallel_loop3A_579 = tpu.vector_load %parallel_loop3A_576[%parallel_loop3A_577, %parallel_loop3A_578] {strides = array<i32>} : memref<16x1024xf32, #tpu.memory_space<vmem>>, vector<16xf32>,
        %parallel_loop3A_580 = vector.broadcast %parallel_loop3A_513 : i32 to vector<16xi32>
        %parallel_loop3A_581 = arith.addi %add3A_18, %parallel_loop3A_580 : vector<16xi32>
        %parallel_loop3A_582 = arith.constant 32768 : i32
        %parallel_loop3A_583 = tpu.memref_slice %arg6[%parallel_loop3A_582] : memref<49152xf32, #tpu.memory_space<vmem>> -> memref<16384xf32, #tpu.memory_space<vmem>>
        tpu.vector_store_idx %parallel_loop3A_583[%parallel_loop3A_581], %parallel_loop3A_579 : memref<16384xf32, #tpu.memory_space<vmem>>[vector<16xi32>], vector<16xf32>,
        %parallel_loop3A_584 = arith.constant 16 : i32
        %parallel_loop3A_585 = arith.muli %parallel_loop3A_511, %parallel_loop3A_584 : i32
        %parallel_loop3A_586 = arith.constant 5 : i32
        %parallel_loop3A_587 = arith.constant 0 : i32
        %parallel_loop3A_588 = arith.constant 0 : i32
        %parallel_loop3A_589 = tpu.memref_slice %arg5[%parallel_loop3A_474, %parallel_loop3A_587, %parallel_loop3A_588] : memref<3x16x1024xf32, #tpu.memory_space<vmem>> -> memref<1x16x1024xf32, #tpu.memory_space<vmem>>
        %parallel_loop3A_590 = tpu.memref_squeeze %parallel_loop3A_589 : memref<1x16x1024xf32, #tpu.memory_space<vmem>> -> memref<16x1024xf32, #tpu.memory_space<vmem>>
        %parallel_loop3A_591 = arith.index_cast %parallel_loop3A_586 : i32 to index
        %parallel_loop3A_592 = arith.index_cast %parallel_loop3A_585 : i32 to index
        %parallel_loop3A_593 = tpu.vector_load %parallel_loop3A_590[%parallel_loop3A_591, %parallel_loop3A_592] {strides = array<i32>} : memref<16x1024xf32, #tpu.memory_space<vmem>>, vector<16xf32>,
        %parallel_loop3A_594 = vector.broadcast %parallel_loop3A_513 : i32 to vector<16xi32>
        %parallel_loop3A_595 = arith.addi %add3A_21, %parallel_loop3A_594 : vector<16xi32>
        %parallel_loop3A_596 = arith.constant 32768 : i32
        %parallel_loop3A_597 = tpu.memref_slice %arg6[%parallel_loop3A_596] : memref<49152xf32, #tpu.memory_space<vmem>> -> memref<16384xf32, #tpu.memory_space<vmem>>
        tpu.vector_store_idx %parallel_loop3A_597[%parallel_loop3A_595], %parallel_loop3A_593 : memref<16384xf32, #tpu.memory_space<vmem>>[vector<16xi32>], vector<16xf32>,
        %parallel_loop3A_598 = arith.constant 16 : i32
        %parallel_loop3A_599 = arith.muli %parallel_loop3A_511, %parallel_loop3A_598 : i32
        %parallel_loop3A_600 = arith.constant 6 : i32
        %parallel_loop3A_601 = arith.constant 0 : i32
        %parallel_loop3A_602 = arith.constant 0 : i32
        %parallel_loop3A_603 = tpu.memref_slice %arg5[%parallel_loop3A_474, %parallel_loop3A_601, %parallel_loop3A_602] : memref<3x16x1024xf32, #tpu.memory_space<vmem>> -> memref<1x16x1024xf32, #tpu.memory_space<vmem>>
        %parallel_loop3A_604 = tpu.memref_squeeze %parallel_loop3A_603 : memref<1x16x1024xf32, #tpu.memory_space<vmem>> -> memref<16x1024xf32, #tpu.memory_space<vmem>>
        %parallel_loop3A_605 = arith.index_cast %parallel_loop3A_600 : i32 to index
        %parallel_loop3A_606 = arith.index_cast %parallel_loop3A_599 : i32 to index
        %parallel_loop3A_607 = tpu.vector_load %parallel_loop3A_604[%parallel_loop3A_605, %parallel_loop3A_606] {strides = array<i32>} : memref<16x1024xf32, #tpu.memory_space<vmem>>, vector<16xf32>,
        %parallel_loop3A_608 = vector.broadcast %parallel_loop3A_513 : i32 to vector<16xi32>
        %parallel_loop3A_609 = arith.addi %add3A_24, %parallel_loop3A_608 : vector<16xi32>
        %parallel_loop3A_610 = arith.constant 32768 : i32
        %parallel_loop3A_611 = tpu.memref_slice %arg6[%parallel_loop3A_610] : memref<49152xf32, #tpu.memory_space<vmem>> -> memref<16384xf32, #tpu.memory_space<vmem>>
        tpu.vector_store_idx %parallel_loop3A_611[%parallel_loop3A_609], %parallel_loop3A_607 : memref<16384xf32, #tpu.memory_space<vmem>>[vector<16xi32>], vector<16xf32>,
        %parallel_loop3A_612 = arith.constant 16 : i32
        %parallel_loop3A_613 = arith.muli %parallel_loop3A_511, %parallel_loop3A_612 : i32
        %parallel_loop3A_614 = arith.constant 7 : i32
        %parallel_loop3A_615 = arith.constant 0 : i32
        %parallel_loop3A_616 = arith.constant 0 : i32
        %parallel_loop3A_617 = tpu.memref_slice %arg5[%parallel_loop3A_474, %parallel_loop3A_615, %parallel_loop3A_616] : memref<3x16x1024xf32, #tpu.memory_space<vmem>> -> memref<1x16x1024xf32, #tpu.memory_space<vmem>>
        %parallel_loop3A_618 = tpu.memref_squeeze %parallel_loop3A_617 : memref<1x16x1024xf32, #tpu.memory_space<vmem>> -> memref<16x1024xf32, #tpu.memory_space<vmem>>
        %parallel_loop3A_619 = arith.index_cast %parallel_loop3A_614 : i32 to index
        %parallel_loop3A_620 = arith.index_cast %parallel_loop3A_613 : i32 to index
        %parallel_loop3A_621 = tpu.vector_load %parallel_loop3A_618[%parallel_loop3A_619, %parallel_loop3A_620] {strides = array<i32>} : memref<16x1024xf32, #tpu.memory_space<vmem>>, vector<16xf32>,
        %parallel_loop3A_622 = vector.broadcast %parallel_loop3A_513 : i32 to vector<16xi32>
        %parallel_loop3A_623 = arith.addi %add3A_27, %parallel_loop3A_622 : vector<16xi32>
        %parallel_loop3A_624 = arith.constant 32768 : i32
        %parallel_loop3A_625 = tpu.memref_slice %arg6[%parallel_loop3A_624] : memref<49152xf32, #tpu.memory_space<vmem>> -> memref<16384xf32, #tpu.memory_space<vmem>>
        tpu.vector_store_idx %parallel_loop3A_625[%parallel_loop3A_623], %parallel_loop3A_621 : memref<16384xf32, #tpu.memory_space<vmem>>[vector<16xi32>], vector<16xf32>,
        %parallel_loop3A_626 = arith.constant 16 : i32
        %parallel_loop3A_627 = arith.muli %parallel_loop3A_511, %parallel_loop3A_626 : i32
        %parallel_loop3A_628 = arith.constant 8 : i32
        %parallel_loop3A_629 = arith.constant 0 : i32
        %parallel_loop3A_630 = arith.constant 0 : i32
        %parallel_loop3A_631 = tpu.memref_slice %arg5[%parallel_loop3A_474, %parallel_loop3A_629, %parallel_loop3A_630] : memref<3x16x1024xf32, #tpu.memory_space<vmem>> -> memref<1x16x1024xf32, #tpu.memory_space<vmem>>
        %parallel_loop3A_632 = tpu.memref_squeeze %parallel_loop3A_631 : memref<1x16x1024xf32, #tpu.memory_space<vmem>> -> memref<16x1024xf32, #tpu.memory_space<vmem>>
        %parallel_loop3A_633 = arith.index_cast %parallel_loop3A_628 : i32 to index
        %parallel_loop3A_634 = arith.index_cast %parallel_loop3A_627 : i32 to index
        %parallel_loop3A_635 = tpu.vector_load %parallel_loop3A_632[%parallel_loop3A_633, %parallel_loop3A_634] {strides = array<i32>} : memref<16x1024xf32, #tpu.memory_space<vmem>>, vector<16xf32>,
        %parallel_loop3A_636 = vector.broadcast %parallel_loop3A_513 : i32 to vector<16xi32>
        %parallel_loop3A_637 = arith.addi %add3A_30, %parallel_loop3A_636 : vector<16xi32>
        %parallel_loop3A_638 = arith.constant 32768 : i32
        %parallel_loop3A_639 = tpu.memref_slice %arg6[%parallel_loop3A_638] : memref<49152xf32, #tpu.memory_space<vmem>> -> memref<16384xf32, #tpu.memory_space<vmem>>
        tpu.vector_store_idx %parallel_loop3A_639[%parallel_loop3A_637], %parallel_loop3A_635 : memref<16384xf32, #tpu.memory_space<vmem>>[vector<16xi32>], vector<16xf32>,
        %parallel_loop3A_640 = arith.constant 16 : i32
        %parallel_loop3A_641 = arith.muli %parallel_loop3A_511, %parallel_loop3A_640 : i32
        %parallel_loop3A_642 = arith.constant 9 : i32
        %parallel_loop3A_643 = arith.constant 0 : i32
        %parallel_loop3A_644 = arith.constant 0 : i32
        %parallel_loop3A_645 = tpu.memref_slice %arg5[%parallel_loop3A_474, %parallel_loop3A_643, %parallel_loop3A_644] : memref<3x16x1024xf32, #tpu.memory_space<vmem>> -> memref<1x16x1024xf32, #tpu.memory_space<vmem>>
        %parallel_loop3A_646 = tpu.memref_squeeze %parallel_loop3A_645 : memref<1x16x1024xf32, #tpu.memory_space<vmem>> -> memref<16x1024xf32, #tpu.memory_space<vmem>>
        %parallel_loop3A_647 = arith.index_cast %parallel_loop3A_642 : i32 to index
        %parallel_loop3A_648 = arith.index_cast %parallel_loop3A_641 : i32 to index
        %parallel_loop3A_649 = tpu.vector_load %parallel_loop3A_646[%parallel_loop3A_647, %parallel_loop3A_648] {strides = array<i32>} : memref<16x1024xf32, #tpu.memory_space<vmem>>, vector<16xf32>,
        %parallel_loop3A_650 = vector.broadcast %parallel_loop3A_513 : i32 to vector<16xi32>
        %parallel_loop3A_651 = arith.addi %add3A_33, %parallel_loop3A_650 : vector<16xi32>
        %parallel_loop3A_652 = arith.constant 32768 : i32
        %parallel_loop3A_653 = tpu.memref_slice %arg6[%parallel_loop3A_652] : memref<49152xf32, #tpu.memory_space<vmem>> -> memref<16384xf32, #tpu.memory_space<vmem>>
        tpu.vector_store_idx %parallel_loop3A_653[%parallel_loop3A_651], %parallel_loop3A_649 : memref<16384xf32, #tpu.memory_space<vmem>>[vector<16xi32>], vector<16xf32>,
        %parallel_loop3A_654 = arith.constant 16 : i32
        %parallel_loop3A_655 = arith.muli %parallel_loop3A_511, %parallel_loop3A_654 : i32
        %parallel_loop3A_656 = arith.constant 10 : i32
        %parallel_loop3A_657 = arith.constant 0 : i32
        %parallel_loop3A_658 = arith.constant 0 : i32
        %parallel_loop3A_659 = tpu.memref_slice %arg5[%parallel_loop3A_474, %parallel_loop3A_657, %parallel_loop3A_658] : memref<3x16x1024xf32, #tpu.memory_space<vmem>> -> memref<1x16x1024xf32, #tpu.memory_space<vmem>>
        %parallel_loop3A_660 = tpu.memref_squeeze %parallel_loop3A_659 : memref<1x16x1024xf32, #tpu.memory_space<vmem>> -> memref<16x1024xf32, #tpu.memory_space<vmem>>
        %parallel_loop3A_661 = arith.index_cast %parallel_loop3A_656 : i32 to index
        %parallel_loop3A_662 = arith.index_cast %parallel_loop3A_655 : i32 to index
        %parallel_loop3A_663 = tpu.vector_load %parallel_loop3A_660[%parallel_loop3A_661, %parallel_loop3A_662] {strides = array<i32>} : memref<16x1024xf32, #tpu.memory_space<vmem>>, vector<16xf32>,
        %parallel_loop3A_664 = vector.broadcast %parallel_loop3A_513 : i32 to vector<16xi32>
        %parallel_loop3A_665 = arith.addi %add3A_36, %parallel_loop3A_664 : vector<16xi32>
        %parallel_loop3A_666 = arith.constant 32768 : i32
        %parallel_loop3A_667 = tpu.memref_slice %arg6[%parallel_loop3A_666] : memref<49152xf32, #tpu.memory_space<vmem>> -> memref<16384xf32, #tpu.memory_space<vmem>>
        tpu.vector_store_idx %parallel_loop3A_667[%parallel_loop3A_665], %parallel_loop3A_663 : memref<16384xf32, #tpu.memory_space<vmem>>[vector<16xi32>], vector<16xf32>,
        %parallel_loop3A_668 = arith.constant 16 : i32
        %parallel_loop3A_669 = arith.muli %parallel_loop3A_511, %parallel_loop3A_668 : i32
        %parallel_loop3A_670 = arith.constant 11 : i32
        %parallel_loop3A_671 = arith.constant 0 : i32
        %parallel_loop3A_672 = arith.constant 0 : i32
        %parallel_loop3A_673 = tpu.memref_slice %arg5[%parallel_loop3A_474, %parallel_loop3A_671, %parallel_loop3A_672] : memref<3x16x1024xf32, #tpu.memory_space<vmem>> -> memref<1x16x1024xf32, #tpu.memory_space<vmem>>
        %parallel_loop3A_674 = tpu.memref_squeeze %parallel_loop3A_673 : memref<1x16x1024xf32, #tpu.memory_space<vmem>> -> memref<16x1024xf32, #tpu.memory_space<vmem>>
        %parallel_loop3A_675 = arith.index_cast %parallel_loop3A_670 : i32 to index
        %parallel_loop3A_676 = arith.index_cast %parallel_loop3A_669 : i32 to index
        %parallel_loop3A_677 = tpu.vector_load %parallel_loop3A_674[%parallel_loop3A_675, %parallel_loop3A_676] {strides = array<i32>} : memref<16x1024xf32, #tpu.memory_space<vmem>>, vector<16xf32>,
        %parallel_loop3A_678 = vector.broadcast %parallel_loop3A_513 : i32 to vector<16xi32>
        %parallel_loop3A_679 = arith.addi %add3A_39, %parallel_loop3A_678 : vector<16xi32>
        %parallel_loop3A_680 = arith.constant 32768 : i32
        %parallel_loop3A_681 = tpu.memref_slice %arg6[%parallel_loop3A_680] : memref<49152xf32, #tpu.memory_space<vmem>> -> memref<16384xf32, #tpu.memory_space<vmem>>
        tpu.vector_store_idx %parallel_loop3A_681[%parallel_loop3A_679], %parallel_loop3A_677 : memref<16384xf32, #tpu.memory_space<vmem>>[vector<16xi32>], vector<16xf32>,
        %parallel_loop3A_682 = arith.constant 16 : i32
        %parallel_loop3A_683 = arith.muli %parallel_loop3A_511, %parallel_loop3A_682 : i32
        %parallel_loop3A_684 = arith.constant 12 : i32
        %parallel_loop3A_685 = arith.constant 0 : i32
        %parallel_loop3A_686 = arith.constant 0 : i32
        %parallel_loop3A_687 = tpu.memref_slice %arg5[%parallel_loop3A_474, %parallel_loop3A_685, %parallel_loop3A_686] : memref<3x16x1024xf32, #tpu.memory_space<vmem>> -> memref<1x16x1024xf32, #tpu.memory_space<vmem>>
        %parallel_loop3A_688 = tpu.memref_squeeze %parallel_loop3A_687 : memref<1x16x1024xf32, #tpu.memory_space<vmem>> -> memref<16x1024xf32, #tpu.memory_space<vmem>>
        %parallel_loop3A_689 = arith.index_cast %parallel_loop3A_684 : i32 to index
        %parallel_loop3A_690 = arith.index_cast %parallel_loop3A_683 : i32 to index
        %parallel_loop3A_691 = tpu.vector_load %parallel_loop3A_688[%parallel_loop3A_689, %parallel_loop3A_690] {strides = array<i32>} : memref<16x1024xf32, #tpu.memory_space<vmem>>, vector<16xf32>,
        %parallel_loop3A_692 = vector.broadcast %parallel_loop3A_513 : i32 to vector<16xi32>
        %parallel_loop3A_693 = arith.addi %add3A_42, %parallel_loop3A_692 : vector<16xi32>
        %parallel_loop3A_694 = arith.constant 32768 : i32
        %parallel_loop3A_695 = tpu.memref_slice %arg6[%parallel_loop3A_694] : memref<49152xf32, #tpu.memory_space<vmem>> -> memref<16384xf32, #tpu.memory_space<vmem>>
        tpu.vector_store_idx %parallel_loop3A_695[%parallel_loop3A_693], %parallel_loop3A_691 : memref<16384xf32, #tpu.memory_space<vmem>>[vector<16xi32>], vector<16xf32>,
        %parallel_loop3A_696 = arith.constant 16 : i32
        %parallel_loop3A_697 = arith.muli %parallel_loop3A_511, %parallel_loop3A_696 : i32
        %parallel_loop3A_698 = arith.constant 13 : i32
        %parallel_loop3A_699 = arith.constant 0 : i32
        %parallel_loop3A_700 = arith.constant 0 : i32
        %parallel_loop3A_701 = tpu.memref_slice %arg5[%parallel_loop3A_474, %parallel_loop3A_699, %parallel_loop3A_700] : memref<3x16x1024xf32, #tpu.memory_space<vmem>> -> memref<1x16x1024xf32, #tpu.memory_space<vmem>>
        %parallel_loop3A_702 = tpu.memref_squeeze %parallel_loop3A_701 : memref<1x16x1024xf32, #tpu.memory_space<vmem>> -> memref<16x1024xf32, #tpu.memory_space<vmem>>
        %parallel_loop3A_703 = arith.index_cast %parallel_loop3A_698 : i32 to index
        %parallel_loop3A_704 = arith.index_cast %parallel_loop3A_697 : i32 to index
        %parallel_loop3A_705 = tpu.vector_load %parallel_loop3A_702[%parallel_loop3A_703, %parallel_loop3A_704] {strides = array<i32>} : memref<16x1024xf32, #tpu.memory_space<vmem>>, vector<16xf32>,
        %parallel_loop3A_706 = vector.broadcast %parallel_loop3A_513 : i32 to vector<16xi32>
        %parallel_loop3A_707 = arith.addi %add3A_45, %parallel_loop3A_706 : vector<16xi32>
        %parallel_loop3A_708 = arith.constant 32768 : i32
        %parallel_loop3A_709 = tpu.memref_slice %arg6[%parallel_loop3A_708] : memref<49152xf32, #tpu.memory_space<vmem>> -> memref<16384xf32, #tpu.memory_space<vmem>>
        tpu.vector_store_idx %parallel_loop3A_709[%parallel_loop3A_707], %parallel_loop3A_705 : memref<16384xf32, #tpu.memory_space<vmem>>[vector<16xi32>], vector<16xf32>,
        %parallel_loop3A_710 = arith.constant 16 : i32
        %parallel_loop3A_711 = arith.muli %parallel_loop3A_511, %parallel_loop3A_710 : i32
        %parallel_loop3A_712 = arith.constant 14 : i32
        %parallel_loop3A_713 = arith.constant 0 : i32
        %parallel_loop3A_714 = arith.constant 0 : i32
        %parallel_loop3A_715 = tpu.memref_slice %arg5[%parallel_loop3A_474, %parallel_loop3A_713, %parallel_loop3A_714] : memref<3x16x1024xf32, #tpu.memory_space<vmem>> -> memref<1x16x1024xf32, #tpu.memory_space<vmem>>
        %parallel_loop3A_716 = tpu.memref_squeeze %parallel_loop3A_715 : memref<1x16x1024xf32, #tpu.memory_space<vmem>> -> memref<16x1024xf32, #tpu.memory_space<vmem>>
        %parallel_loop3A_717 = arith.index_cast %parallel_loop3A_712 : i32 to index
        %parallel_loop3A_718 = arith.index_cast %parallel_loop3A_711 : i32 to index
        %parallel_loop3A_719 = tpu.vector_load %parallel_loop3A_716[%parallel_loop3A_717, %parallel_loop3A_718] {strides = array<i32>} : memref<16x1024xf32, #tpu.memory_space<vmem>>, vector<16xf32>,
        %parallel_loop3A_720 = vector.broadcast %parallel_loop3A_513 : i32 to vector<16xi32>
        %parallel_loop3A_721 = arith.addi %add3A_48, %parallel_loop3A_720 : vector<16xi32>
        %parallel_loop3A_722 = arith.constant 32768 : i32
        %parallel_loop3A_723 = tpu.memref_slice %arg6[%parallel_loop3A_722] : memref<49152xf32, #tpu.memory_space<vmem>> -> memref<16384xf32, #tpu.memory_space<vmem>>
        tpu.vector_store_idx %parallel_loop3A_723[%parallel_loop3A_721], %parallel_loop3A_719 : memref<16384xf32, #tpu.memory_space<vmem>>[vector<16xi32>], vector<16xf32>,
        %parallel_loop3A_724 = arith.constant 16 : i32
        %parallel_loop3A_725 = arith.muli %parallel_loop3A_511, %parallel_loop3A_724 : i32
        %parallel_loop3A_726 = arith.constant 15 : i32
        %parallel_loop3A_727 = arith.constant 0 : i32
        %parallel_loop3A_728 = arith.constant 0 : i32
        %parallel_loop3A_729 = tpu.memref_slice %arg5[%parallel_loop3A_474, %parallel_loop3A_727, %parallel_loop3A_728] : memref<3x16x1024xf32, #tpu.memory_space<vmem>> -> memref<1x16x1024xf32, #tpu.memory_space<vmem>>
        %parallel_loop3A_730 = tpu.memref_squeeze %parallel_loop3A_729 : memref<1x16x1024xf32, #tpu.memory_space<vmem>> -> memref<16x1024xf32, #tpu.memory_space<vmem>>
        %parallel_loop3A_731 = arith.index_cast %parallel_loop3A_726 : i32 to index
        %parallel_loop3A_732 = arith.index_cast %parallel_loop3A_725 : i32 to index
        %parallel_loop3A_733 = tpu.vector_load %parallel_loop3A_730[%parallel_loop3A_731, %parallel_loop3A_732] {strides = array<i32>} : memref<16x1024xf32, #tpu.memory_space<vmem>>, vector<16xf32>,
        %parallel_loop3A_734 = vector.broadcast %parallel_loop3A_513 : i32 to vector<16xi32>
        %parallel_loop3A_735 = arith.addi %add3A_51, %parallel_loop3A_734 : vector<16xi32>
        %parallel_loop3A_736 = arith.constant 32768 : i32
        %parallel_loop3A_737 = tpu.memref_slice %arg6[%parallel_loop3A_736] : memref<49152xf32, #tpu.memory_space<vmem>> -> memref<16384xf32, #tpu.memory_space<vmem>>
        tpu.vector_store_idx %parallel_loop3A_737[%parallel_loop3A_735], %parallel_loop3A_733 : memref<16384xf32, #tpu.memory_space<vmem>>[vector<16xi32>], vector<16xf32>,
      } {sc.loop_unroll_factor = 4 : i64, sc.parallel_access}
      %dma_start3A_475 = arith.constant 2 : i32
      %dma_start3A_476 = arith.constant 32768 : i32
      %dma_start3A_477 = tpu.memref_slice %arg6[%dma_start3A_476] : memref<49152xf32, #tpu.memory_space<vmem>> -> memref<16384xf32, #tpu.memory_space<vmem>>
      %dma_start3A_478 = tpu.memref_slice %arg4[%multiple_of3A_456] : memref<41600000xf32, #tpu.memory_space<hbm>> -> memref<16384xf32, #tpu.memory_space<hbm>>
      %dma_start3A_479 = tpu.memref_slice %arg9[%dma_start3A_475] : memref<3x!tpu.dma_semaphore, #tpu.memory_space<semaphore_mem>> -> memref<1x!tpu.dma_semaphore, #tpu.memory_space<semaphore_mem>>
      %dma_start3A_480 = tpu.memref_squeeze %dma_start3A_479 : memref<1x!tpu.dma_semaphore, #tpu.memory_space<semaphore_mem>> -> memref<!tpu.dma_semaphore, #tpu.memory_space<semaphore_mem>>
      %dma_start3A_481 = tpu.memref_slice %arg4[%multiple_of3A_456] : memref<41600000xf32, #tpu.memory_space<hbm>> -> memref<16384xf32, #tpu.memory_space<hbm>>
      %dma_start3A_482 = arith.constant 32768 : i32
      %dma_start3A_483 = tpu.memref_slice %arg6[%dma_start3A_482] : memref<49152xf32, #tpu.memory_space<vmem>> -> memref<16384xf32, #tpu.memory_space<vmem>>
      tpu.enqueue_dma source(%dma_start3A_483 : memref<16384xf32, #tpu.memory_space<vmem>>) target(%dma_start3A_481 : memref<16384xf32, #tpu.memory_space<hbm>>) target_semaphore(%dma_start3A_480 : memref<!tpu.dma_semaphore, #tpu.memory_space<semaphore_mem>>)
      %dma_wait3A_484 = arith.constant 0 : i32
      %dma_wait3A_485 = arith.constant 0 : i32
      %dma_wait3A_486 = tpu.memref_slice %arg6[%dma_wait3A_485] : memref<49152xf32, #tpu.memory_space<vmem>> -> memref<16384xf32, #tpu.memory_space<vmem>>
      %dma_wait3A_487 = tpu.memref_slice %arg4[%multiple_of3A_300] : memref<41600000xf32, #tpu.memory_space<hbm>> -> memref<16384xf32, #tpu.memory_space<hbm>>
      %dma_wait3A_488 = tpu.memref_slice %arg9[%dma_wait3A_484] : memref<3x!tpu.dma_semaphore, #tpu.memory_space<semaphore_mem>> -> memref<1x!tpu.dma_semaphore, #tpu.memory_space<semaphore_mem>>
      %dma_wait3A_489 = tpu.memref_squeeze %dma_wait3A_488 : memref<1x!tpu.dma_semaphore, #tpu.memory_space<semaphore_mem>> -> memref<!tpu.dma_semaphore, #tpu.memory_space<semaphore_mem>>
      %dma_wait3A_490 = tpu.memref_slice %arg4[%multiple_of3A_300] : memref<41600000xf32, #tpu.memory_space<hbm>> -> memref<16384xf32, #tpu.memory_space<hbm>>
      %dma_wait3A_491 = arith.constant 0 : i32
      %dma_wait3A_492 = tpu.memref_slice %arg6[%dma_wait3A_491] : memref<49152xf32, #tpu.memory_space<vmem>> -> memref<16384xf32, #tpu.memory_space<vmem>>
      tpu.wait_dma2 semaphore(%dma_wait3A_489 : memref<!tpu.dma_semaphore, #tpu.memory_space<semaphore_mem>>) src(%dma_wait3A_492 : memref<16384xf32, #tpu.memory_space<vmem>>) dst(%dma_wait3A_490 : memref<16384xf32, #tpu.memory_space<hbm>>)
      %dma_wait3A_493 = arith.constant 1 : i32
      %dma_wait3A_494 = arith.constant 16384 : i32
      %dma_wait3A_495 = tpu.memref_slice %arg6[%dma_wait3A_494] : memref<49152xf32, #tpu.memory_space<vmem>> -> memref<16384xf32, #tpu.memory_space<vmem>>
      %dma_wait3A_496 = tpu.memref_slice %arg4[%multiple_of3A_377] : memref<41600000xf32, #tpu.memory_space<hbm>> -> memref<16384xf32, #tpu.memory_space<hbm>>
      %dma_wait3A_497 = tpu.memref_slice %arg9[%dma_wait3A_493] : memref<3x!tpu.dma_semaphore, #tpu.memory_space<semaphore_mem>> -> memref<1x!tpu.dma_semaphore, #tpu.memory_space<semaphore_mem>>
      %dma_wait3A_498 = tpu.memref_squeeze %dma_wait3A_497 : memref<1x!tpu.dma_semaphore, #tpu.memory_space<semaphore_mem>> -> memref<!tpu.dma_semaphore, #tpu.memory_space<semaphore_mem>>
      %dma_wait3A_499 = tpu.memref_slice %arg4[%multiple_of3A_377] : memref<41600000xf32, #tpu.memory_space<hbm>> -> memref<16384xf32, #tpu.memory_space<hbm>>
      %dma_wait3A_500 = arith.constant 16384 : i32
      %dma_wait3A_501 = tpu.memref_slice %arg6[%dma_wait3A_500] : memref<49152xf32, #tpu.memory_space<vmem>> -> memref<16384xf32, #tpu.memory_space<vmem>>
      tpu.wait_dma2 semaphore(%dma_wait3A_498 : memref<!tpu.dma_semaphore, #tpu.memory_space<semaphore_mem>>) src(%dma_wait3A_501 : memref<16384xf32, #tpu.memory_space<vmem>>) dst(%dma_wait3A_499 : memref<16384xf32, #tpu.memory_space<hbm>>)
      %dma_wait3A_502 = arith.constant 2 : i32
      %dma_wait3A_503 = arith.constant 32768 : i32
      %dma_wait3A_504 = tpu.memref_slice %arg6[%dma_wait3A_503] : memref<49152xf32, #tpu.memory_space<vmem>> -> memref<16384xf32, #tpu.memory_space<vmem>>
      %dma_wait3A_505 = tpu.memref_slice %arg4[%multiple_of3A_456] : memref<41600000xf32, #tpu.memory_space<hbm>> -> memref<16384xf32, #tpu.memory_space<hbm>>
      %dma_wait3A_506 = tpu.memref_slice %arg9[%dma_wait3A_502] : memref<3x!tpu.dma_semaphore, #tpu.memory_space<semaphore_mem>> -> memref<1x!tpu.dma_semaphore, #tpu.memory_space<semaphore_mem>>
      %dma_wait3A_507 = tpu.memref_squeeze %dma_wait3A_506 : memref<1x!tpu.dma_semaphore, #tpu.memory_space<semaphore_mem>> -> memref<!tpu.dma_semaphore, #tpu.memory_space<semaphore_mem>>
      %dma_wait3A_508 = tpu.memref_slice %arg4[%multiple_of3A_456] : memref<41600000xf32, #tpu.memory_space<hbm>> -> memref<16384xf32, #tpu.memory_space<hbm>>
      %dma_wait3A_509 = arith.constant 32768 : i32
      %dma_wait3A_510 = tpu.memref_slice %arg6[%dma_wait3A_509] : memref<49152xf32, #tpu.memory_space<vmem>> -> memref<16384xf32, #tpu.memory_space<vmem>>
      tpu.wait_dma2 semaphore(%dma_wait3A_507 : memref<!tpu.dma_semaphore, #tpu.memory_space<semaphore_mem>>) src(%dma_wait3A_510 : memref<16384xf32, #tpu.memory_space<vmem>>) dst(%dma_wait3A_508 : memref<16384xf32, #tpu.memory_space<hbm>>)
    }
    %scan3A_56 = arith.constant 27 : i32
    %lt3A = arith.constant 26 : i32
    %lt3A_57 = arith.cmpi slt, %add3A, %lt3A : i32
    %convert_element_type3A = arith.extui %lt3A_57 : i1 to i32
    %cond3A = arith.constant 0 : i32
    %cond3A_58 = arith.cmpi ne, %convert_element_type3A, %cond3A : i32
    scf.if %cond3A_58 {
      "tpu.region"() ({
        %run_scoped3A = tpu.sem_alloc : memref<!tpu.dma_semaphore, #tpu.memory_space<semaphore_mem>>
        %dma_start3A = arith.constant 0 : i32
        %dma_start3A_65 = tpu.memref_slice %arg3[%add3A, %dma_start3A] : memref<26x512xf32, #tpu.memory_space<hbm>> -> memref<1x512xf32, #tpu.memory_space<hbm>>
        %dma_start3A_66 = tpu.memref_squeeze %dma_start3A_65 : memref<1x512xf32, #tpu.memory_space<hbm>> -> memref<512xf32, #tpu.memory_space<hbm>>
        %dma_start3A_67 = arith.constant 0 : i32
        %dma_start3A_68 = tpu.memref_slice %arg3[%add3A, %dma_start3A_67] : memref<26x512xf32, #tpu.memory_space<hbm>> -> memref<1x512xf32, #tpu.memory_space<hbm>>
        %dma_start3A_69 = tpu.memref_squeeze %dma_start3A_68 : memref<1x512xf32, #tpu.memory_space<hbm>> -> memref<512xf32, #tpu.memory_space<hbm>>
        tpu.enqueue_dma source(%dma_start3A_69 : memref<512xf32, #tpu.memory_space<hbm>>) target(%arg7 : memref<512xf32, #tpu.memory_space<vmem>>) target_semaphore(%run_scoped3A : memref<!tpu.dma_semaphore, #tpu.memory_space<semaphore_mem>>)
        %dma_wait3A = arith.constant 0 : i32
        %dma_wait3A_70 = tpu.memref_slice %arg3[%add3A, %dma_wait3A] : memref<26x512xf32, #tpu.memory_space<hbm>> -> memref<1x512xf32, #tpu.memory_space<hbm>>
        %dma_wait3A_71 = tpu.memref_squeeze %dma_wait3A_70 : memref<1x512xf32, #tpu.memory_space<hbm>> -> memref<512xf32, #tpu.memory_space<hbm>>
        %dma_wait3A_72 = arith.constant 0 : i32
        %dma_wait3A_73 = tpu.memref_slice %arg3[%add3A, %dma_wait3A_72] : memref<26x512xf32, #tpu.memory_space<hbm>> -> memref<1x512xf32, #tpu.memory_space<hbm>>
        %dma_wait3A_74 = tpu.memref_squeeze %dma_wait3A_73 : memref<1x512xf32, #tpu.memory_space<hbm>> -> memref<512xf32, #tpu.memory_space<hbm>>
        tpu.wait_dma2 semaphore(%run_scoped3A : memref<!tpu.dma_semaphore, #tpu.memory_space<semaphore_mem>>) src(%dma_wait3A_74 : memref<512xf32, #tpu.memory_space<hbm>>) dst(%arg7 : memref<512xf32, #tpu.memory_space<vmem>>)
        tpu.yield
      }) : () -> ()
      %mul3A_59 = arith.constant 100000 : i32
      %mul3A_60 = arith.muli %add3A, %mul3A_59 : i32
      %mul3A_61 = arith.constant 16 : i32
      %mul3A_62 = arith.muli %mul3A_60, %mul3A_61 : i32
      %add3A_63 = arith.constant 1599488 : i32
      %add3A_64 = arith.addi %mul3A_62, %add3A_63 : i32
      %multiple_of3A = tpu.assume_multiple %add3A_64, 128 : i32
      "tpu.region"() ({
        %run_scoped3A = tpu.sem_alloc : memref<!tpu.dma_semaphore, #tpu.memory_space<semaphore_mem>>
        %dma_start3A = tpu.memref_slice %arg4[%multiple_of3A] : memref<41600000xf32, #tpu.memory_space<hbm>> -> memref<512xf32, #tpu.memory_space<hbm>>
        %dma_start3A_65 = tpu.memref_slice %arg4[%multiple_of3A] : memref<41600000xf32, #tpu.memory_space<hbm>> -> memref<512xf32, #tpu.memory_space<hbm>>
        tpu.enqueue_dma source(%arg7 : memref<512xf32, #tpu.memory_space<vmem>>) target(%dma_start3A_65 : memref<512xf32, #tpu.memory_space<hbm>>) target_semaphore(%run_scoped3A : memref<!tpu.dma_semaphore, #tpu.memory_space<semaphore_mem>>)
        %dma_wait3A = tpu.memref_slice %arg4[%multiple_of3A] : memref<41600000xf32, #tpu.memory_space<hbm>> -> memref<512xf32, #tpu.memory_space<hbm>>
        %dma_wait3A_66 = tpu.memref_slice %arg4[%multiple_of3A] : memref<41600000xf32, #tpu.memory_space<hbm>> -> memref<512xf32, #tpu.memory_space<hbm>>
        tpu.wait_dma2 semaphore(%run_scoped3A : memref<!tpu.dma_semaphore, #tpu.memory_space<semaphore_mem>>) src(%arg7 : memref<512xf32, #tpu.memory_space<vmem>>) dst(%dma_wait3A_66 : memref<512xf32, #tpu.memory_space<hbm>>)
        tpu.yield
      }) : () -> ()
    } else {
    }
    return
  }
}

module attributes {stable_mosaic.version = 14 : i64} {
  func.func @_mm_stats_body(%arg0: i32, %arg1: memref<2048x416xf32, #tpu.memory_space<vmem>>, %arg2: memref<416x256xf32, #tpu.memory_space<vmem>>, %arg3: memref<1x256xf32, #tpu.memory_space<vmem>>, %arg4: memref<2048x256xf32, #tpu.memory_space<vmem>>, %arg5: memref<1x256xf32, #tpu.memory_space<vmem>>, %arg6: memref<1x256xf32, #tpu.memory_space<vmem>>) attributes {dimension_semantics = [#tpu.dimension_semantics<arbitrary>], iteration_bounds = array<i64: 8>, scalar_prefetch = 0 : i64, scratch_operands = 0 : i64, tpu.core_type = #tpu.core_type<tc>, window_params = [{transform_indices = @transform_0, window_bounds = array<i64: 2048, 416>}, {pipeline_mode = #tpu.pipeline_mode<synchronous>, transform_indices = @transform_1, window_bounds = array<i64: 416, 256>}, {pipeline_mode = #tpu.pipeline_mode<synchronous>, transform_indices = @transform_2, window_bounds = array<i64: 1, 256>}, {transform_indices = @transform_3, window_bounds = array<i64: 2048, 256>}, {pipeline_mode = #tpu.pipeline_mode<synchronous>, transform_indices = @transform_4, window_bounds = array<i64: 1, 256>}, {pipeline_mode = #tpu.pipeline_mode<synchronous>, transform_indices = @transform_5, window_bounds = array<i64: 1, 256>}]} {
    %get3A = arith.constant 0 : index
    %get3A_0 = arith.constant 0 : index
    %get3A_1 = vector.load %arg1[%get3A, %get3A_0] : memref<2048x416xf32, #tpu.memory_space<vmem>>, vector<2048x416xf32>
    %get3A_2 = arith.constant 0 : index
    %get3A_3 = arith.constant 0 : index
    %get3A_4 = vector.load %arg2[%get3A_2, %get3A_3] : memref<416x256xf32, #tpu.memory_space<vmem>>, vector<416x256xf32>
    %dot_general3A = arith.constant dense<0.000000e+00> : vector<2048x256xf32>
    %dot_general3A_5 = tpu.matmul %get3A_1, %get3A_4, %dot_general3A {dimension_numbers = #tpu.dot_dimension_numbers<[1], [0], [0], [1], [0, 0, 1, 1], [], []>, transpose_lhs_hint = false} : vector<2048x416xf32>, vector<416x256xf32>, vector<2048x256xf32> -> vector<2048x256xf32>
    %get3A_6 = arith.constant 0 : index
    %get3A_7 = arith.constant 0 : index
    %get3A_8 = vector.load %arg3[%get3A_6, %get3A_7] : memref<1x256xf32, #tpu.memory_space<vmem>>, vector<1x256xf32>
    %add3A = vector.broadcast %get3A_8 : vector<1x256xf32> to vector<2048x256xf32>
    %add3A_9 = arith.addf %dot_general3A_5, %add3A : vector<2048x256xf32>
    %swap3A = arith.constant 0 : index
    %swap3A_10 = arith.constant 0 : index
    %swap3A_11 = vector.load %arg4[%swap3A, %swap3A_10] : memref<2048x256xf32, #tpu.memory_space<vmem>>, vector<2048x256xf32>
    tpu.vector_store %arg4[%swap3A, %swap3A_10], %add3A_9 {strides = array<i32>} : memref<2048x256xf32, #tpu.memory_space<vmem>>, vector<2048x256xf32>,
    %eq3A = arith.constant 0 : i32
    %eq3A_12 = arith.cmpi eq, %arg0, %eq3A : i32
    %convert_element_type3A = arith.extui %eq3A_12 : i1 to i32
    %cond3A = arith.constant 0 : i32
    %cond3A_13 = arith.cmpi ne, %convert_element_type3A, %cond3A : i32
    scf.if %cond3A_13 {
      %broadcast_in_dim3A_32 = arith.constant 0.000000e+00 : f32
      %broadcast_in_dim3A_33 = vector.broadcast %broadcast_in_dim3A_32 : f32 to vector<1x256xf32>
      %swap3A_34 = arith.constant 0 : index
      %swap3A_35 = arith.constant 0 : index
      %swap3A_36 = vector.load %arg5[%swap3A_34, %swap3A_35] : memref<1x256xf32, #tpu.memory_space<vmem>>, vector<1x256xf32>
      tpu.vector_store %arg5[%swap3A_34, %swap3A_35], %broadcast_in_dim3A_33 {strides = array<i32>} : memref<1x256xf32, #tpu.memory_space<vmem>>, vector<1x256xf32>,
      %broadcast_in_dim3A_37 = arith.constant 0.000000e+00 : f32
      %broadcast_in_dim3A_38 = vector.broadcast %broadcast_in_dim3A_37 : f32 to vector<1x256xf32>
      %swap3A_39 = arith.constant 0 : index
      %swap3A_40 = arith.constant 0 : index
      %swap3A_41 = vector.load %arg6[%swap3A_39, %swap3A_40] : memref<1x256xf32, #tpu.memory_space<vmem>>, vector<1x256xf32>
      tpu.vector_store %arg6[%swap3A_39, %swap3A_40], %broadcast_in_dim3A_38 {strides = array<i32>} : memref<1x256xf32, #tpu.memory_space<vmem>>, vector<1x256xf32>,
    } else {
    }
    %get3A_14 = arith.constant 0 : index
    %get3A_15 = arith.constant 0 : index
    %get3A_16 = vector.load %arg5[%get3A_14, %get3A_15] : memref<1x256xf32, #tpu.memory_space<vmem>>, vector<1x256xf32>
    %reduce_sum3A = arith.constant dense<0.000000e+00> : vector<256xf32>
    %reduce_sum3A_17 = vector.multi_reduction <add>, %add3A_9, %reduce_sum3A [0] : vector<2048x256xf32> to vector<256xf32>
    %broadcast_in_dim3A = vector.shape_cast %reduce_sum3A_17 : vector<256xf32> to vector<1x256xf32>
    %add3A_18 = arith.addf %get3A_16, %broadcast_in_dim3A : vector<1x256xf32>
    %swap3A_19 = arith.constant 0 : index
    %swap3A_20 = arith.constant 0 : index
    %swap3A_21 = vector.load %arg5[%swap3A_19, %swap3A_20] : memref<1x256xf32, #tpu.memory_space<vmem>>, vector<1x256xf32>
    tpu.vector_store %arg5[%swap3A_19, %swap3A_20], %add3A_18 {strides = array<i32>} : memref<1x256xf32, #tpu.memory_space<vmem>>, vector<1x256xf32>,
    %get3A_22 = arith.constant 0 : index
    %get3A_23 = arith.constant 0 : index
    %get3A_24 = vector.load %arg6[%get3A_22, %get3A_23] : memref<1x256xf32, #tpu.memory_space<vmem>>, vector<1x256xf32>
    %mul3A = arith.mulf %add3A_9, %add3A_9 : vector<2048x256xf32>
    %reduce_sum3A_25 = arith.constant dense<0.000000e+00> : vector<256xf32>
    %reduce_sum3A_26 = vector.multi_reduction <add>, %mul3A, %reduce_sum3A_25 [0] : vector<2048x256xf32> to vector<256xf32>
    %broadcast_in_dim3A_27 = vector.shape_cast %reduce_sum3A_26 : vector<256xf32> to vector<1x256xf32>
    %add3A_28 = arith.addf %get3A_24, %broadcast_in_dim3A_27 : vector<1x256xf32>
    %swap3A_29 = arith.constant 0 : index
    %swap3A_30 = arith.constant 0 : index
    %swap3A_31 = vector.load %arg6[%swap3A_29, %swap3A_30] : memref<1x256xf32, #tpu.memory_space<vmem>>, vector<1x256xf32>
    tpu.vector_store %arg6[%swap3A_29, %swap3A_30], %add3A_28 {strides = array<i32>} : memref<1x256xf32, #tpu.memory_space<vmem>>, vector<1x256xf32>,
    return
  }
  func.func @transform_0(%arg0: i32) -> (i32, i32) {
    %c0_i32 = arith.constant 0 : i32
    %c0_i32_0 = arith.constant 0 : i32
    return %arg0, %c0_i32 : i32, i32
  }
  func.func @transform_1(%arg0: i32) -> (i32, i32) {
    %c0_i32 = arith.constant 0 : i32
    %c0_i32_0 = arith.constant 0 : i32
    %c0_i32_1 = arith.constant 0 : i32
    return %c0_i32, %c0_i32_0 : i32, i32
  }
  func.func @transform_2(%arg0: i32) -> (i32, i32) {
    %c0_i32 = arith.constant 0 : i32
    %c0_i32_0 = arith.constant 0 : i32
    %c0_i32_1 = arith.constant 0 : i32
    return %c0_i32, %c0_i32_0 : i32, i32
  }
  func.func @transform_3(%arg0: i32) -> (i32, i32) {
    %c0_i32 = arith.constant 0 : i32
    %c0_i32_0 = arith.constant 0 : i32
    return %arg0, %c0_i32 : i32, i32
  }
  func.func @transform_4(%arg0: i32) -> (i32, i32) {
    %c0_i32 = arith.constant 0 : i32
    %c0_i32_0 = arith.constant 0 : i32
    %c0_i32_1 = arith.constant 0 : i32
    return %c0_i32, %c0_i32_0 : i32, i32
  }
  func.func @transform_5(%arg0: i32) -> (i32, i32) {
    %c0_i32 = arith.constant 0 : i32
    %c0_i32_0 = arith.constant 0 : i32
    %c0_i32_1 = arith.constant 0 : i32
    return %c0_i32, %c0_i32_0 : i32, i32
  }
}

module attributes {stable_mosaic.version = 14 : i64} {
  func.func @_norm_out_body(%arg0: i32, %arg1: memref<2048x128xf32, #tpu.memory_space<vmem>>, %arg2: memref<1x128xf32, #tpu.memory_space<vmem>>, %arg3: memref<1x128xf32, #tpu.memory_space<vmem>>, %arg4: memref<1x128xf32, #tpu.memory_space<vmem>>, %arg5: memref<1x128xf32, #tpu.memory_space<vmem>>, %arg6: memref<1x128xf32, #tpu.memory_space<vmem>>, %arg7: memref<1x128xf32, #tpu.memory_space<vmem>>, %arg8: memref<128x1xf32, #tpu.memory_space<vmem>>, %arg9: memref<1x1xf32, #tpu.memory_space<vmem>>, %arg10: memref<2048x1xf32, #tpu.memory_space<vmem>>) attributes {dimension_semantics = [#tpu.dimension_semantics<arbitrary>], iteration_bounds = array<i64: 8>, scalar_prefetch = 0 : i64, scratch_operands = 0 : i64, tpu.core_type = #tpu.core_type<tc>, window_params = [{transform_indices = @transform_0, window_bounds = array<i64: 2048, 128>}, {pipeline_mode = #tpu.pipeline_mode<synchronous>, transform_indices = @transform_1, window_bounds = array<i64: 1, 128>}, {pipeline_mode = #tpu.pipeline_mode<synchronous>, transform_indices = @transform_2, window_bounds = array<i64: 1, 128>}, {pipeline_mode = #tpu.pipeline_mode<synchronous>, transform_indices = @transform_3, window_bounds = array<i64: 1, 128>}, {pipeline_mode = #tpu.pipeline_mode<synchronous>, transform_indices = @transform_4, window_bounds = array<i64: 1, 128>}, {pipeline_mode = #tpu.pipeline_mode<synchronous>, transform_indices = @transform_5, window_bounds = array<i64: 1, 128>}, {pipeline_mode = #tpu.pipeline_mode<synchronous>, transform_indices = @transform_6, window_bounds = array<i64: 1, 128>}, {pipeline_mode = #tpu.pipeline_mode<synchronous>, transform_indices = @transform_7, window_bounds = array<i64: 128, 1>}, {pipeline_mode = #tpu.pipeline_mode<synchronous>, transform_indices = @transform_8, window_bounds = array<i64: 1, 1>}, {transform_indices = @transform_9, window_bounds = array<i64: 2048, 1>}]} {
    %get3A = arith.constant 0 : index
    %get3A_0 = arith.constant 0 : index
    %get3A_1 = vector.load %arg2[%get3A, %get3A_0] : memref<1x128xf32, #tpu.memory_space<vmem>>, vector<1x128xf32>
    %get3A_2 = arith.constant 0 : index
    %get3A_3 = arith.constant 0 : index
    %get3A_4 = vector.load %arg3[%get3A_2, %get3A_3] : memref<1x128xf32, #tpu.memory_space<vmem>>, vector<1x128xf32>
    %get3A_5 = arith.constant 0 : index
    %get3A_6 = arith.constant 0 : index
    %get3A_7 = vector.load %arg4[%get3A_5, %get3A_6] : memref<1x128xf32, #tpu.memory_space<vmem>>, vector<1x128xf32>
    %get3A_8 = arith.constant 0 : index
    %get3A_9 = arith.constant 0 : index
    %get3A_10 = vector.load %arg6[%get3A_8, %get3A_9] : memref<1x128xf32, #tpu.memory_space<vmem>>, vector<1x128xf32>
    %div3A = arith.constant 1.638400e+04 : f32
    %div3A_11 = vector.broadcast %div3A : f32 to vector<1x128xf32>
    %div3A_12 = arith.divf %get3A_1, %div3A_11 : vector<1x128xf32>
    %div3A_13 = arith.constant 1.638400e+04 : f32
    %div3A_14 = vector.broadcast %div3A_13 : f32 to vector<1x128xf32>
    %div3A_15 = arith.divf %get3A_4, %div3A_14 : vector<1x128xf32>
    %mul3A = arith.mulf %div3A_12, %div3A_12 : vector<1x128xf32>
    %sub3A = arith.subf %div3A_15, %mul3A : vector<1x128xf32>
    %add3A = arith.constant 9.99999974E-6 : f32
    %add3A_16 = vector.broadcast %add3A : f32 to vector<1x128xf32>
    %add3A_17 = arith.addf %sub3A, %add3A_16 : vector<1x128xf32>
    %rsqrt3A = math.rsqrt %add3A_17 : vector<1x128xf32>
    %mul3A_18 = arith.mulf %get3A_7, %rsqrt3A : vector<1x128xf32>
    %mul3A_19 = arith.mulf %mul3A_18, %mul3A_18 : vector<1x128xf32>
    %mul3A_20 = arith.mulf %mul3A_19, %sub3A : vector<1x128xf32>
    %add3A_21 = arith.constant 9.99999974E-6 : f32
    %add3A_22 = vector.broadcast %add3A_21 : f32 to vector<1x128xf32>
    %add3A_23 = arith.addf %mul3A_20, %add3A_22 : vector<1x128xf32>
    %rsqrt3A_24 = math.rsqrt %add3A_23 : vector<1x128xf32>
    %mul3A_25 = arith.mulf %mul3A_18, %get3A_10 : vector<1x128xf32>
    %mul3A_26 = arith.mulf %mul3A_25, %rsqrt3A_24 : vector<1x128xf32>
    %get3A_27 = arith.constant 0 : index
    %get3A_28 = arith.constant 0 : index
    %get3A_29 = vector.load %arg1[%get3A_27, %get3A_28] : memref<2048x128xf32, #tpu.memory_space<vmem>>, vector<2048x128xf32>
    %sub3A_30 = vector.broadcast %div3A_12 : vector<1x128xf32> to vector<2048x128xf32>
    %sub3A_31 = arith.subf %get3A_29, %sub3A_30 : vector<2048x128xf32>
    %mul3A_32 = vector.broadcast %mul3A_26 : vector<1x128xf32> to vector<2048x128xf32>
    %mul3A_33 = arith.mulf %sub3A_31, %mul3A_32 : vector<2048x128xf32>
    %get3A_34 = arith.constant 0 : index
    %get3A_35 = arith.constant 0 : index
    %get3A_36 = vector.load %arg7[%get3A_34, %get3A_35] : memref<1x128xf32, #tpu.memory_space<vmem>>, vector<1x128xf32>
    %add3A_37 = vector.broadcast %get3A_36 : vector<1x128xf32> to vector<2048x128xf32>
    %add3A_38 = arith.addf %mul3A_33, %add3A_37 : vector<2048x128xf32>
    %max3A = arith.constant 0.000000e+00 : f32
    %max3A_39 = vector.broadcast %max3A : f32 to vector<2048x128xf32>
    %max3A_40 = arith.maximumf %add3A_38, %max3A_39 : vector<2048x128xf32>
    %get3A_41 = arith.constant 0 : index
    %get3A_42 = arith.constant 0 : index
    %get3A_43 = vector.load %arg8[%get3A_41, %get3A_42] : memref<128x1xf32, #tpu.memory_space<vmem>>, vector<128x1xf32>
    %dot_general3A = arith.constant dense<0.000000e+00> : vector<2048x1xf32>
    %dot_general3A_44 = tpu.matmul %max3A_40, %get3A_43, %dot_general3A {dimension_numbers = #tpu.dot_dimension_numbers<[1], [0], [0], [1], [0, 0, 1, 1], [], []>, transpose_lhs_hint = false} : vector<2048x128xf32>, vector<128x1xf32>, vector<2048x1xf32> -> vector<2048x1xf32>
    %get3A_45 = arith.constant 0 : index
    %get3A_46 = arith.constant 0 : index
    %get3A_47 = vector.load %arg9[%get3A_45, %get3A_46] : memref<1x1xf32, #tpu.memory_space<vmem>>, vector<1x1xf32>
    %add3A_48 = vector.broadcast %get3A_47 : vector<1x1xf32> to vector<2048x1xf32>
    %add3A_49 = arith.addf %dot_general3A_44, %add3A_48 : vector<2048x1xf32>
    %logistic3A = arith.negf %add3A_49 : vector<2048x1xf32>
    %logistic3A_50 = math.exp %logistic3A : vector<2048x1xf32>
    %logistic3A_51 = arith.constant 1.000000e+00 : f32
    %logistic3A_52 = vector.broadcast %logistic3A_51 : f32 to vector<2048x1xf32>
    %logistic3A_53 = arith.addf %logistic3A_52, %logistic3A_50 : vector<2048x1xf32>
    %logistic3A_54 = arith.divf %logistic3A_52, %logistic3A_53 : vector<2048x1xf32>
    %swap3A = arith.constant 0 : index
    %swap3A_55 = arith.constant 0 : index
    %swap3A_56 = vector.load %arg10[%swap3A, %swap3A_55] : memref<2048x1xf32, #tpu.memory_space<vmem>>, vector<2048x1xf32>
    tpu.vector_store %arg10[%swap3A, %swap3A_55], %logistic3A_54 {strides = array<i32>} : memref<2048x1xf32, #tpu.memory_space<vmem>>, vector<2048x1xf32>,
    return
  }
  func.func @transform_0(%arg0: i32) -> (i32, i32) {
    %c0_i32 = arith.constant 0 : i32
    %c0_i32_0 = arith.constant 0 : i32
    return %arg0, %c0_i32 : i32, i32
  }
  func.func @transform_1(%arg0: i32) -> (i32, i32) {
    %c0_i32 = arith.constant 0 : i32
    %c0_i32_0 = arith.constant 0 : i32
    %c0_i32_1 = arith.constant 0 : i32
    return %c0_i32, %c0_i32_0 : i32, i32
  }
  func.func @transform_2(%arg0: i32) -> (i32, i32) {
    %c0_i32 = arith.constant 0 : i32
    %c0_i32_0 = arith.constant 0 : i32
    %c0_i32_1 = arith.constant 0 : i32
    return %c0_i32, %c0_i32_0 : i32, i32
  }
  func.func @transform_3(%arg0: i32) -> (i32, i32) {
    %c0_i32 = arith.constant 0 : i32
    %c0_i32_0 = arith.constant 0 : i32
    %c0_i32_1 = arith.constant 0 : i32
    return %c0_i32, %c0_i32_0 : i32, i32
  }
  func.func @transform_4(%arg0: i32) -> (i32, i32) {
    %c0_i32 = arith.constant 0 : i32
    %c0_i32_0 = arith.constant 0 : i32
    %c0_i32_1 = arith.constant 0 : i32
    return %c0_i32, %c0_i32_0 : i32, i32
  }
  func.func @transform_5(%arg0: i32) -> (i32, i32) {
    %c0_i32 = arith.constant 0 : i32
    %c0_i32_0 = arith.constant 0 : i32
    %c0_i32_1 = arith.constant 0 : i32
    return %c0_i32, %c0_i32_0 : i32, i32
  }
  func.func @transform_6(%arg0: i32) -> (i32, i32) {
    %c0_i32 = arith.constant 0 : i32
    %c0_i32_0 = arith.constant 0 : i32
    %c0_i32_1 = arith.constant 0 : i32
    return %c0_i32, %c0_i32_0 : i32, i32
  }
  func.func @transform_7(%arg0: i32) -> (i32, i32) {
    %c0_i32 = arith.constant 0 : i32
    %c0_i32_0 = arith.constant 0 : i32
    %c0_i32_1 = arith.constant 0 : i32
    return %c0_i32, %c0_i32_0 : i32, i32
  }
  func.func @transform_8(%arg0: i32) -> (i32, i32) {
    %c0_i32 = arith.constant 0 : i32
    %c0_i32_0 = arith.constant 0 : i32
    %c0_i32_1 = arith.constant 0 : i32
    return %c0_i32, %c0_i32_0 : i32, i32
  }
  func.func @transform_9(%arg0: i32) -> (i32, i32) {
    %c0_i32 = arith.constant 0 : i32
    %c0_i32_0 = arith.constant 0 : i32
    return %arg0, %c0_i32 : i32, i32
  }
}

module attributes {stable_mosaic.version = 14 : i64} {
  func.func @_norm_mm_stats_body(%arg0: i32, %arg1: memref<2048x256xf32, #tpu.memory_space<vmem>>, %arg2: memref<1x256xf32, #tpu.memory_space<vmem>>, %arg3: memref<1x256xf32, #tpu.memory_space<vmem>>, %arg4: memref<1x256xf32, #tpu.memory_space<vmem>>, %arg5: memref<1x256xf32, #tpu.memory_space<vmem>>, %arg6: memref<1x256xf32, #tpu.memory_space<vmem>>, %arg7: memref<1x256xf32, #tpu.memory_space<vmem>>, %arg8: memref<256x128xf32, #tpu.memory_space<vmem>>, %arg9: memref<1x128xf32, #tpu.memory_space<vmem>>, %arg10: memref<2048x128xf32, #tpu.memory_space<vmem>>, %arg11: memref<1x128xf32, #tpu.memory_space<vmem>>, %arg12: memref<1x128xf32, #tpu.memory_space<vmem>>) attributes {dimension_semantics = [#tpu.dimension_semantics<arbitrary>], iteration_bounds = array<i64: 8>, scalar_prefetch = 0 : i64, scratch_operands = 0 : i64, tpu.core_type = #tpu.core_type<tc>, window_params = [{transform_indices = @transform_0, window_bounds = array<i64: 2048, 256>}, {pipeline_mode = #tpu.pipeline_mode<synchronous>, transform_indices = @transform_1, window_bounds = array<i64: 1, 256>}, {pipeline_mode = #tpu.pipeline_mode<synchronous>, transform_indices = @transform_2, window_bounds = array<i64: 1, 256>}, {pipeline_mode = #tpu.pipeline_mode<synchronous>, transform_indices = @transform_3, window_bounds = array<i64: 1, 256>}, {pipeline_mode = #tpu.pipeline_mode<synchronous>, transform_indices = @transform_4, window_bounds = array<i64: 1, 256>}, {pipeline_mode = #tpu.pipeline_mode<synchronous>, transform_indices = @transform_5, window_bounds = array<i64: 1, 256>}, {pipeline_mode = #tpu.pipeline_mode<synchronous>, transform_indices = @transform_6, window_bounds = array<i64: 1, 256>}, {pipeline_mode = #tpu.pipeline_mode<synchronous>, transform_indices = @transform_7, window_bounds = array<i64: 256, 128>}, {pipeline_mode = #tpu.pipeline_mode<synchronous>, transform_indices = @transform_8, window_bounds = array<i64: 1, 128>}, {transform_indices = @transform_9, window_bounds = array<i64: 2048, 128>}, {pipeline_mode = #tpu.pipeline_mode<synchronous>, transform_indices = @transform_10, window_bounds = array<i64: 1, 128>}, {pipeline_mode = #tpu.pipeline_mode<synchronous>, transform_indices = @transform_11, window_bounds = array<i64: 1, 128>}]} {
    %get3A = arith.constant 0 : index
    %get3A_0 = arith.constant 0 : index
    %get3A_1 = vector.load %arg2[%get3A, %get3A_0] : memref<1x256xf32, #tpu.memory_space<vmem>>, vector<1x256xf32>
    %get3A_2 = arith.constant 0 : index
    %get3A_3 = arith.constant 0 : index
    %get3A_4 = vector.load %arg3[%get3A_2, %get3A_3] : memref<1x256xf32, #tpu.memory_space<vmem>>, vector<1x256xf32>
    %get3A_5 = arith.constant 0 : index
    %get3A_6 = arith.constant 0 : index
    %get3A_7 = vector.load %arg4[%get3A_5, %get3A_6] : memref<1x256xf32, #tpu.memory_space<vmem>>, vector<1x256xf32>
    %get3A_8 = arith.constant 0 : index
    %get3A_9 = arith.constant 0 : index
    %get3A_10 = vector.load %arg6[%get3A_8, %get3A_9] : memref<1x256xf32, #tpu.memory_space<vmem>>, vector<1x256xf32>
    %div3A = arith.constant 1.638400e+04 : f32
    %div3A_11 = vector.broadcast %div3A : f32 to vector<1x256xf32>
    %div3A_12 = arith.divf %get3A_1, %div3A_11 : vector<1x256xf32>
    %div3A_13 = arith.constant 1.638400e+04 : f32
    %div3A_14 = vector.broadcast %div3A_13 : f32 to vector<1x256xf32>
    %div3A_15 = arith.divf %get3A_4, %div3A_14 : vector<1x256xf32>
    %mul3A = arith.mulf %div3A_12, %div3A_12 : vector<1x256xf32>
    %sub3A = arith.subf %div3A_15, %mul3A : vector<1x256xf32>
    %add3A = arith.constant 9.99999974E-6 : f32
    %add3A_16 = vector.broadcast %add3A : f32 to vector<1x256xf32>
    %add3A_17 = arith.addf %sub3A, %add3A_16 : vector<1x256xf32>
    %rsqrt3A = math.rsqrt %add3A_17 : vector<1x256xf32>
    %mul3A_18 = arith.mulf %get3A_7, %rsqrt3A : vector<1x256xf32>
    %mul3A_19 = arith.mulf %mul3A_18, %mul3A_18 : vector<1x256xf32>
    %mul3A_20 = arith.mulf %mul3A_19, %sub3A : vector<1x256xf32>
    %add3A_21 = arith.constant 9.99999974E-6 : f32
    %add3A_22 = vector.broadcast %add3A_21 : f32 to vector<1x256xf32>
    %add3A_23 = arith.addf %mul3A_20, %add3A_22 : vector<1x256xf32>
    %rsqrt3A_24 = math.rsqrt %add3A_23 : vector<1x256xf32>
    %mul3A_25 = arith.mulf %mul3A_18, %get3A_10 : vector<1x256xf32>
    %mul3A_26 = arith.mulf %mul3A_25, %rsqrt3A_24 : vector<1x256xf32>
    %get3A_27 = arith.constant 0 : index
    %get3A_28 = arith.constant 0 : index
    %get3A_29 = vector.load %arg1[%get3A_27, %get3A_28] : memref<2048x256xf32, #tpu.memory_space<vmem>>, vector<2048x256xf32>
    %sub3A_30 = vector.broadcast %div3A_12 : vector<1x256xf32> to vector<2048x256xf32>
    %sub3A_31 = arith.subf %get3A_29, %sub3A_30 : vector<2048x256xf32>
    %mul3A_32 = vector.broadcast %mul3A_26 : vector<1x256xf32> to vector<2048x256xf32>
    %mul3A_33 = arith.mulf %sub3A_31, %mul3A_32 : vector<2048x256xf32>
    %get3A_34 = arith.constant 0 : index
    %get3A_35 = arith.constant 0 : index
    %get3A_36 = vector.load %arg7[%get3A_34, %get3A_35] : memref<1x256xf32, #tpu.memory_space<vmem>>, vector<1x256xf32>
    %add3A_37 = vector.broadcast %get3A_36 : vector<1x256xf32> to vector<2048x256xf32>
    %add3A_38 = arith.addf %mul3A_33, %add3A_37 : vector<2048x256xf32>
    %max3A = arith.constant 0.000000e+00 : f32
    %max3A_39 = vector.broadcast %max3A : f32 to vector<2048x256xf32>
    %max3A_40 = arith.maximumf %add3A_38, %max3A_39 : vector<2048x256xf32>
    %get3A_41 = arith.constant 0 : index
    %get3A_42 = arith.constant 0 : index
    %get3A_43 = vector.load %arg8[%get3A_41, %get3A_42] : memref<256x128xf32, #tpu.memory_space<vmem>>, vector<256x128xf32>
    %dot_general3A = arith.constant dense<0.000000e+00> : vector<2048x128xf32>
    %dot_general3A_44 = tpu.matmul %max3A_40, %get3A_43, %dot_general3A {dimension_numbers = #tpu.dot_dimension_numbers<[1], [0], [0], [1], [0, 0, 1, 1], [], []>, transpose_lhs_hint = false} : vector<2048x256xf32>, vector<256x128xf32>, vector<2048x128xf32> -> vector<2048x128xf32>
    %get3A_45 = arith.constant 0 : index
    %get3A_46 = arith.constant 0 : index
    %get3A_47 = vector.load %arg9[%get3A_45, %get3A_46] : memref<1x128xf32, #tpu.memory_space<vmem>>, vector<1x128xf32>
    %add3A_48 = vector.broadcast %get3A_47 : vector<1x128xf32> to vector<2048x128xf32>
    %add3A_49 = arith.addf %dot_general3A_44, %add3A_48 : vector<2048x128xf32>
    %swap3A = arith.constant 0 : index
    %swap3A_50 = arith.constant 0 : index
    %swap3A_51 = vector.load %arg10[%swap3A, %swap3A_50] : memref<2048x128xf32, #tpu.memory_space<vmem>>, vector<2048x128xf32>
    tpu.vector_store %arg10[%swap3A, %swap3A_50], %add3A_49 {strides = array<i32>} : memref<2048x128xf32, #tpu.memory_space<vmem>>, vector<2048x128xf32>,
    %eq3A = arith.constant 0 : i32
    %eq3A_52 = arith.cmpi eq, %arg0, %eq3A : i32
    %convert_element_type3A = arith.extui %eq3A_52 : i1 to i32
    %cond3A = arith.constant 0 : i32
    %cond3A_53 = arith.cmpi ne, %convert_element_type3A, %cond3A : i32
    scf.if %cond3A_53 {
      %broadcast_in_dim3A_73 = arith.constant 0.000000e+00 : f32
      %broadcast_in_dim3A_74 = vector.broadcast %broadcast_in_dim3A_73 : f32 to vector<1x128xf32>
      %swap3A_75 = arith.constant 0 : index
      %swap3A_76 = arith.constant 0 : index
      %swap3A_77 = vector.load %arg11[%swap3A_75, %swap3A_76] : memref<1x128xf32, #tpu.memory_space<vmem>>, vector<1x128xf32>
      tpu.vector_store %arg11[%swap3A_75, %swap3A_76], %broadcast_in_dim3A_74 {strides = array<i32>} : memref<1x128xf32, #tpu.memory_space<vmem>>, vector<1x128xf32>,
      %broadcast_in_dim3A_78 = arith.constant 0.000000e+00 : f32
      %broadcast_in_dim3A_79 = vector.broadcast %broadcast_in_dim3A_78 : f32 to vector<1x128xf32>
      %swap3A_80 = arith.constant 0 : index
      %swap3A_81 = arith.constant 0 : index
      %swap3A_82 = vector.load %arg12[%swap3A_80, %swap3A_81] : memref<1x128xf32, #tpu.memory_space<vmem>>, vector<1x128xf32>
      tpu.vector_store %arg12[%swap3A_80, %swap3A_81], %broadcast_in_dim3A_79 {strides = array<i32>} : memref<1x128xf32, #tpu.memory_space<vmem>>, vector<1x128xf32>,
    } else {
    }
    %get3A_54 = arith.constant 0 : index
    %get3A_55 = arith.constant 0 : index
    %get3A_56 = vector.load %arg11[%get3A_54, %get3A_55] : memref<1x128xf32, #tpu.memory_space<vmem>>, vector<1x128xf32>
    %reduce_sum3A = arith.constant dense<0.000000e+00> : vector<128xf32>
    %reduce_sum3A_57 = vector.multi_reduction <add>, %add3A_49, %reduce_sum3A [0] : vector<2048x128xf32> to vector<128xf32>
    %broadcast_in_dim3A = vector.shape_cast %reduce_sum3A_57 : vector<128xf32> to vector<1x128xf32>
    %add3A_58 = arith.addf %get3A_56, %broadcast_in_dim3A : vector<1x128xf32>
    %swap3A_59 = arith.constant 0 : index
    %swap3A_60 = arith.constant 0 : index
    %swap3A_61 = vector.load %arg11[%swap3A_59, %swap3A_60] : memref<1x128xf32, #tpu.memory_space<vmem>>, vector<1x128xf32>
    tpu.vector_store %arg11[%swap3A_59, %swap3A_60], %add3A_58 {strides = array<i32>} : memref<1x128xf32, #tpu.memory_space<vmem>>, vector<1x128xf32>,
    %get3A_62 = arith.constant 0 : index
    %get3A_63 = arith.constant 0 : index
    %get3A_64 = vector.load %arg12[%get3A_62, %get3A_63] : memref<1x128xf32, #tpu.memory_space<vmem>>, vector<1x128xf32>
    %mul3A_65 = arith.mulf %add3A_49, %add3A_49 : vector<2048x128xf32>
    %reduce_sum3A_66 = arith.constant dense<0.000000e+00> : vector<128xf32>
    %reduce_sum3A_67 = vector.multi_reduction <add>, %mul3A_65, %reduce_sum3A_66 [0] : vector<2048x128xf32> to vector<128xf32>
    %broadcast_in_dim3A_68 = vector.shape_cast %reduce_sum3A_67 : vector<128xf32> to vector<1x128xf32>
    %add3A_69 = arith.addf %get3A_64, %broadcast_in_dim3A_68 : vector<1x128xf32>
    %swap3A_70 = arith.constant 0 : index
    %swap3A_71 = arith.constant 0 : index
    %swap3A_72 = vector.load %arg12[%swap3A_70, %swap3A_71] : memref<1x128xf32, #tpu.memory_space<vmem>>, vector<1x128xf32>
    tpu.vector_store %arg12[%swap3A_70, %swap3A_71], %add3A_69 {strides = array<i32>} : memref<1x128xf32, #tpu.memory_space<vmem>>, vector<1x128xf32>,
    return
  }
  func.func @transform_0(%arg0: i32) -> (i32, i32) {
    %c0_i32 = arith.constant 0 : i32
    %c0_i32_0 = arith.constant 0 : i32
    return %arg0, %c0_i32 : i32, i32
  }
  func.func @transform_1(%arg0: i32) -> (i32, i32) {
    %c0_i32 = arith.constant 0 : i32
    %c0_i32_0 = arith.constant 0 : i32
    %c0_i32_1 = arith.constant 0 : i32
    return %c0_i32, %c0_i32_0 : i32, i32
  }
  func.func @transform_2(%arg0: i32) -> (i32, i32) {
    %c0_i32 = arith.constant 0 : i32
    %c0_i32_0 = arith.constant 0 : i32
    %c0_i32_1 = arith.constant 0 : i32
    return %c0_i32, %c0_i32_0 : i32, i32
  }
  func.func @transform_3(%arg0: i32) -> (i32, i32) {
    %c0_i32 = arith.constant 0 : i32
    %c0_i32_0 = arith.constant 0 : i32
    %c0_i32_1 = arith.constant 0 : i32
    return %c0_i32, %c0_i32_0 : i32, i32
  }
  func.func @transform_4(%arg0: i32) -> (i32, i32) {
    %c0_i32 = arith.constant 0 : i32
    %c0_i32_0 = arith.constant 0 : i32
    %c0_i32_1 = arith.constant 0 : i32
    return %c0_i32, %c0_i32_0 : i32, i32
  }
  func.func @transform_5(%arg0: i32) -> (i32, i32) {
    %c0_i32 = arith.constant 0 : i32
    %c0_i32_0 = arith.constant 0 : i32
    %c0_i32_1 = arith.constant 0 : i32
    return %c0_i32, %c0_i32_0 : i32, i32
  }
  func.func @transform_6(%arg0: i32) -> (i32, i32) {
    %c0_i32 = arith.constant 0 : i32
    %c0_i32_0 = arith.constant 0 : i32
    %c0_i32_1 = arith.constant 0 : i32
    return %c0_i32, %c0_i32_0 : i32, i32
  }
  func.func @transform_7(%arg0: i32) -> (i32, i32) {
    %c0_i32 = arith.constant 0 : i32
    %c0_i32_0 = arith.constant 0 : i32
    %c0_i32_1 = arith.constant 0 : i32
    return %c0_i32, %c0_i32_0 : i32, i32
  }
  func.func @transform_8(%arg0: i32) -> (i32, i32) {
    %c0_i32 = arith.constant 0 : i32
    %c0_i32_0 = arith.constant 0 : i32
    %c0_i32_1 = arith.constant 0 : i32
    return %c0_i32, %c0_i32_0 : i32, i32
  }
  func.func @transform_9(%arg0: i32) -> (i32, i32) {
    %c0_i32 = arith.constant 0 : i32
    %c0_i32_0 = arith.constant 0 : i32
    return %arg0, %c0_i32 : i32, i32
  }
  func.func @transform_10(%arg0: i32) -> (i32, i32) {
    %c0_i32 = arith.constant 0 : i32
    %c0_i32_0 = arith.constant 0 : i32
    %c0_i32_1 = arith.constant 0 : i32
    return %c0_i32, %c0_i32_0 : i32, i32
  }
  func.func @transform_11(%arg0: i32) -> (i32, i32) {
    %c0_i32 = arith.constant 0 : i32
    %c0_i32_0 = arith.constant 0 : i32
    %c0_i32_1 = arith.constant 0 : i32
    return %c0_i32, %c0_i32_0 : i32, i32
  }
}

</mosaic_0001>

<sc_bundles>
// kernel: kernel.10.cloned.1.call-start
scs
__scs_entry_jumppad:
0x0: {  	(pc) =	sbr.rel $0x88, $3  }
0x1: {  	(tag) =	ssettag $0x0;
	lr =	simm.s32 $0x1  }
0x2: {  	[smem:$0x3F91] =	sst lr;
	_ =	strace $0xD0000000  }
0x3: {  	_ = 	snop  }
0x4: {  	_ = 	snop  }
0x5: {  	_ = 	snop  }
0x6: {  	_ = 	snop  }
0x7: {  	_ = 	snop  }
__scs_overlays_trampoline_lowered:
0x8: {  	[smem:$0x3FA0] =	sst s0  }
0x9: {  	[smem:$0x3FA1] =	sst s1  }
0xa: {  	[smem:$0x3FA2] =	sst s2  }
0xb: {  	[smem:$0x3FA3] =	sst s3  }
0xc: {  	[smem:$0x3FA4] =	sst s4  }
0xd: {  	[smem:$0x3FA5] =	sst s5  }
0xe: {  	[smem:$0x3FA6] =	sst s6  }
0xf: {  	[smem:$0x3FA7] =	sst s7  }
0x10: {  	[smem:$0x3FA8] =	sst s8  }
0x11: {  	[smem:$0x3FA9] =	sst s9;
	s0 =	simm.s32 @!p0 $0x0  }
0x12: {  	s1 =	sld [smem:$0x3F8F];
	s0 =	simm.s32 @p0 $0x1  }
0x13: {  	[smem:$0x3FAA] =	sst s0;
	s0 =	simm.s32 @!p1 $0x0  }
0x14: {  	s2 =	sld [smem:$0x3F8E];
	s0 =	simm.s32 @p1 $0x1  }
0x15: {  	[smem:$0x3FAB] =	sst s0;
	s0 =	simm.s32 @!p2 $0x0  }
0x16: {  	s3 =	sld [smem:$0x3FDB];
	s0 =	simm.s32 @p2 $0x1  }
0x17: {  	s4 =	simm.s32 $0x1BF5;
	[smem:$0x3FAD] =	sst s0  }
0x18: {  	s0 =	sld [smem:$0x3F90];
	_ =	swait.ge [sflag:s4], $0x0  }
0x19: {  	s7 =	sld [smem:$0x3F91]  }
0x1a: {  	s8 =	sadd.s32 $0xFFFFE003, lr  }
0x1b: {  	s9 =	sadd.s32 $0xFFFFFEF7, lr;
	s5 =	simm.s32 $0xFFFFFFFF;
	p2 =	slt.u32 s8, $0xFFFFF086  }
0x1c: {  	p1 =	slt.u32 s9, $0xF7A;
	s5 =	simm.s32 @!p2 $0x0  }
0x1d: {  	s5 =	simm.s32 @p1 $0x1;
	p0 =	seq.s32 s7, s2  }
0x1e: {  	s7 =	smul.u32 @!p0 $0xF7A, s2;
	p2 =	seq.s32 @!p0 s5, $0x0  }
0x1f: {  	s9 =	smul.u32 $0xF7A, s1;
	s8 =	simm.s32 @!p0 $0x1BF5;
	p2 =	por !p2, p0  }
0x20: {  	[sflag:s8] =	ssyncset.s32 @!p0 $0xFFFFF086;
	s6 =	sadd.s32 @!p0 s3, s7;
	s7 =	simm.s32 @!p0 $0x108  }
0x21: {  	s3 =	sadd.s32 s3, s9;
	s6 =	sadd.s32 @!p0 $0x88, s6;
	s7 =	simm.s32 @p2 $0x1082  }
0x22: {  	[simem:s7], [sflag:s8] =	dma.local @!p0 [hbm:s6], $0xF7A  }
0x23: {  	s9 =	sor.u32 $0xD0000000, s2;
	s6 =	simm.s32 $0x108;
	_ =	swait.ge @!p0 [sflag:s8], $0x0  }
0x24: {  	s3 =	sadd.s32 $0x88, s3;
	s6 =	simm.s32 @!p1 $0x1082;
	[sflag:s4] =	ssyncset.s32 $0xFFFFF086  }
0x25: {  	[simem:s6], [sflag:s4] =	dma.local [hbm:s3], $0xF7A  }
0x26: {  	[smem:$0x3F91] =	sst s1;
	(tag) =	ssettag s2;
	_ =	strace s9  }
0x27: {  	s1 =	sld [smem:$0x3FA1]  }
0x28: {  	s2 =	sld [smem:$0x3FA2]  }
0x29: {  	s4 =	sld [smem:$0x3FA4]  }
0x2a: {  	p0 =	seq.s32 s5, $0x0;
	s5 =	sld [smem:$0x3FA5]  }
0x2b: {  	s6 =	sld [smem:$0x3FA6]  }
0x2c: {  	s7 =	sld [smem:$0x3FA7]  }
0x2d: {  	s3 =	simm.s32 $0x108;
	s8 =	sld [smem:$0x3FA8]  }
0x2e: {  	s3 =	simm.s32 @!p0 $0x1082;
	s9 =	sld [smem:$0x3FA9]  }
0x2f: {  	lr =	sadd.s32 s0, s3;
	s0 =	sld [smem:$0x3FA0]  }
0x30: {  	s3 =	sld [smem:$0x3FA3]  }
0x31: {  	[smem:$0x3FAC] =	sst s10  }
0x32: {  	s10 =	sld [smem:$0x3FAA];
	_ =	sdelay $0x3  }
0x33: {  	p0 =	seq.s32 s10, $0x1;
	s10 =	sld [smem:$0x3FAC];
	_ =	sdelay $0x3  }
0x34: {  	[smem:$0x3FAC] =	sst s10  }
0x35: {  	s10 =	sld [smem:$0x3FAB];
	_ =	sdelay $0x3  }
0x36: {  	p1 =	seq.s32 s10, $0x1;
	s10 =	sld [smem:$0x3FAC];
	_ =	sdelay $0x3  }
0x37: {  	[smem:$0x3FAC] =	sst s10  }
0x38: {  	s10 =	sld [smem:$0x3FAD]  }
0x39: {  	_ = 	snop;
	(pc) =	sbr.ind lr, $3  }
0x3a: {  	_ = 	snop  }
0x3b: {  	_ = 	snop  }
0x3c: {  	p2 =	seq.s32 s10, $0x1;
	s10 =	sld [smem:$0x3FAC]  }
0x3d: {  	_ =	shalt  }
0x3e: {  	_ =	shalt  }
0x3f: {  	_ =	shalt  }
0x40: {  	_ =	shalt  }
0x41: {  	_ =	shalt  }
0x42: {  	_ =	shalt  }
0x43: {  	_ =	shalt  }
0x44: {  	_ =	shalt  }
0x45: {  	_ =	shalt  }
0x46: {  	_ =	shalt  }
0x47: {  	_ =	shalt  }
0x48: {  	_ =	shalt  }
0x49: {  	_ =	shalt  }
0x4a: {  	_ =	shalt  }
0x4b: {  	_ =	shalt  }
0x4c: {  	_ =	shalt  }
0x4d: {  	_ =	shalt  }
0x4e: {  	_ =	shalt  }
0x4f: {  	_ =	shalt  }
0x50: {  	_ =	shalt  }
0x51: {  	_ =	shalt  }
0x52: {  	_ =	shalt  }
0x53: {  	_ =	shalt  }
0x54: {  	_ =	shalt  }
0x55: {  	_ =	shalt  }
0x56: {  	_ =	shalt  }
0x57: {  	_ =	shalt  }
0x58: {  	_ =	shalt  }
0x59: {  	_ =	shalt  }
0x5a: {  	_ =	shalt  }
0x5b: {  	_ =	shalt  }
0x5c: {  	_ =	shalt  }
0x5d: {  	_ =	shalt  }
0x5e: {  	_ =	shalt  }
0x5f: {  	_ =	shalt  }
0x60: {  	_ =	shalt  }
0x61: {  	_ =	shalt  }
0x62: {  	_ =	shalt  }
0x63: {  	_ =	shalt  }
0x64: {  	_ =	shalt  }
0x65: {  	_ =	shalt  }
0x66: {  	_ =	shalt  }
0x67: {  	_ =	shalt  }
0x68: {  	_ =	shalt  }
0x69: {  	_ =	shalt  }
0x6a: {  	_ =	shalt  }
0x6b: {  	_ =	shalt  }
0x6c: {  	_ =	shalt  }
0x6d: {  	_ =	shalt  }
0x6e: {  	_ =	shalt  }
0x6f: {  	_ =	shalt  }
0x70: {  	_ =	shalt  }
0x71: {  	_ =	shalt  }
0x72: {  	_ =	shalt  }
0x73: {  	_ =	shalt  }
0x74: {  	_ =	shalt  }
0x75: {  	_ =	shalt  }
0x76: {  	_ =	shalt  }
0x77: {  	_ =	shalt  }
0x78: {  	_ =	shalt  }
0x79: {  	_ =	shalt  }
0x7a: {  	_ =	shalt  }
0x7b: {  	_ =	shalt  }
0x7c: {  	_ =	shalt  }
0x7d: {  	_ =	shalt  }
0x7e: {  	_ =	shalt  }
0x7f: {  	_ =	shalt  }
0x80: {  	_ =	shalt  }
0x81: {  	_ =	shalt  }
0x82: {  	_ =	shalt  }
0x83: {  	_ =	shalt  }
0x84: {  	_ =	shalt  }
0x85: {  	_ =	shalt  }
0x86: {  	_ =	shalt  }
0x87: {  	_ =	shalt  }
.Lfunc_end0:
.L_simem_size_0:
called_computation.1_lowered:
.L_overlay_start_0:
0x88: {  	s2 =	sld [smem:$0x3FD9]  }
0x89: {  	s3 =	sld [smem:$0x3FFE];
	_ =	sdelay $0x1  }
0x8a: {  	s1 =	srdreg.scid  }
0x8b: {  	s0 =	sand.u32 $0x1, s1  }
0x8c: {  	s16 =	sshll.u32 s0, $0xA;
	s2 =	sadd.s32 s3, s2  }
0x8d: {  	s2 =	sadd.s32 s2, s16  }
0x8e: {  	[smem:$0x3FB8] =	sst s2  }
0x8f: {  	_ = 	snop  }
0x90: {  	(tm) =	ssettm $0x1  }
0x91: {  	s17 =	sld [smem:$0x3FFB];
	_ =	sdelay $0x3  }
0x92: {  	_ =	strace s17  }
0x93: {  	s2 =	sld [smem:$0x3FFC];
	_ =	sdelay $0x3  }
0x94: {  	_ =	strace s2  }
0x95: {  	s2 =	sld [smem:$0x3FFD];
	_ =	sdelay $0x3  }
0x96: {  	_ =	strace s2  }
0x97: {  	_ =	strace $0x8FFFFFFF  }
0x98: {  	s18 =	sld [smem:$0x3FDB];
	_ =	sdelay $0x1  }
0x99: {  	s19 =	simm.s32 $_scs_section_size  }
0x9a: {  	s4 =	simm.s32 $_size__tile_overlayer_lowered;
	s5 =	simm.s32 $_tile_overlayer_lowered  }
0x9b: {  	s22 =	simm.s32 $0x1BFF;
	s21 =	sshll.u32 s5, $0x1;
	s2 =	sadd.s32 s19, s18  }
0x9c: {  	s6 =	simm.s32 $0x0;
	s20 =	sshll.u32 s4, $0x1;
	s4 =	sadd.s32 s21, s2  }
0x9d: {  	[timem:s6], [sflag:s22] =	dma.local [hbm:s4], s20  }
0x9e: {  	_ =	swait.ge [sflag:s22], s20  }
0x9f: {  	s3 =	ssub.s32 $0x0, s20;
	[sflag:s22] =	ssyncset.done $0x0  }
0xa0: {  	[sflag:s22] =	ssyncadd.s32 s3;
	_ =	sdelay $0x1  }
0xa1: {  	s23 =	simm.s32 $0x1B8B  }
0xa2: {  	_ =	swait.ge [sflag:s23], $0x1  }
0xa3: {  	[sflag:s23] =	ssyncset.done $0x0  }
0xa4: {  	s25 =	simm.s32 $0x1B8E;
	s24 =	sld [smem:$0x3FFE];
	[sflag:s23] =	ssyncadd.s32 $0xFFFFFFFF  }
0xa5: {  	s26 =	simm.s32 $execute0_lowered;
	[smem:$0x3FD2] =	sst s25  }
0xa6: {  	s4 =	sshll.u32 s26, $0x1;
	_ =	strace $0x80000049;
	[dreg:$0x1] =	wrdreg $0xFFFFFFFF  }
0xa7: {  	s28 =	simm.s32 $_size_execute0_lowered;
	s2 =	sadd.s32 s2, s4;
	[dreg:$0x0] =	wrdreg $0x0  }
0xa8: {  	s4 =	sshll.u32 s28, $0x1;
	[dreg:$0x2] =	wrdreg s2  }
0xa9: {  	[dreg:$0x3] =	wrdreg s4  }
0xaa: {  	[dreg:$0x4] =	wrdreg $0xC0  }
0xab: {  	_ =	task [dreg:s6], $0x5FFFF  }
0xac: {  	[dreg:$0x1] =	wrdreg $0xFFFFFFFF  }
0xad: {  	[dreg:$0x0] =	wrdreg $0x60  }
0xae: {  	[dreg:$0x2] =	wrdreg s24  }
0xaf: {  	[dreg:$0x3] =	wrdreg $0x9  }
0xb0: {  	_ =	task.clear_ibuf [dreg:s6], $0x4FFFF;
	_ =	strace $0x90000049  }
0xb1: {  	s29 =	simm.s32 $0x9;
	_ =	strace $0x8000004B  }
0xb2: {  	_ =	swait.ge [sflag:s29], $0x1  }
0xb3: {  	[sflag:s29] =	ssyncadd.s32 $0xFFFFFFFF  }
0xb4: {  	_ =	strace $0x9000004B  }
0xb5: {  	_ =	sfence  }
0xb6: {  	s30 =	sld [smem:$0x0];
	_ =	sdelay $0x2  }
0xb7: {  	s31 =	sshll.u32 s1, $0xD;
	s1 =	sshrl.u32 s1, $0x2  }
0xb8: {  	s3 =	sand.u32 $0x4000, s31;
	s1 =	sadd.s32 s1, s30  }
0xb9: {  	s0 =	sor.u32 s3, s0;
	s1 =	sshll.u32 s1, $0x11  }
0xba: {  	s0 =	sor.u32 s1, s0  }
0xbb: {  	s0 =	sadd.s32 $0x8F2B, s0  }
0xbc: {  	[sflag:s0] =	ssyncadd.remote.s32 $0x1  }
0xbd: {  	_ =	sfence.sel $0xFFFF  }
0xbe: {  	[dreg:$0x0] =	wrdreg $0xFFFFFFFF;
	(pc) =	sbr.abs _section_cstart, $3  }
0xbf: {  	[dreg:$0x1] =	wrdreg $0xFFFFFFFF  }
0xc0: {  	_ =	task.clear_ibuf [dreg:s6], $0x2FFFF;
	_ =	strace $0x9FFFFFFF  }
0xc1: {  	(tm) =	ssettm $0x7FFFFFFF  }
tec
execute0_lowered:
.L_overlay_start_1:
0x0: {  	(tag) =	ssettag $0x1  }
0x1: {  	s3 =	rddreg [dreg:$0x0]  }
0x2: {  	s0 =	rddreg [dreg:$0x1];
	s1 =	stileid.u32  }
0x3: {  	s4 =	srdreg.scid;
	s5 =	smul.u32 $0x6800, s1  }
0x4: {  	s2 =	simm.s32 $0x0;
	s4 =	sand.u32 $0x1, s4;
	s29 =	smul.u32 $0xD000, s1  }
0x5: {  	[smem:$0x7FF] =	sst s2;
	s6 =	smul.u32 $0x3400, s4  }
0x6: {  	_ =	strace $0x8000004A;
	s7 =	ssub.s32 $0x2, s4;
	s9 =	smul.u32 $0x6800, s4  }
0x7: {  	s8 =	sshrl.u32 s7, $0x1;
	s30 =	sadd.s32 s29, s3;
	s5 =	sadd.s32 s6, s5  }
0x8: {  	s31 =	ssub.s32 s7, s8;
	s7 =	simm.s32 $0x2;
	s5 =	sshrl.u32 s5, $0x3  }
0x9: {  	s8 =	simm.s32 $0x680;
	s4 =	smax.u32 s31, $0x1;
	s10 =	sadd.s32 s5, s3  }
0xa: {  	s3 =	sadd.s32 $0x2A00, s3;
	s5 =	sadd.s32 s9, s30;
	s9 =	simm.s32 $0x1  }
0xb: {  	s5 =	sadd.s32 $0x505400, s5;
	s6 =	sadd.s32 $0x4F8400, s10;
	s10 =	simm.s32 $0x0  }
.LBB2_1:
0xc: {  	s11 =	sadd.s32 $0x0, s6  }
0xd: {  	[tilespmem:s2], [sflag:$0x2] =	stream.linear.gather [hbm4b:s11+s2], $0x680, $0x38;
	[tilespmem:$0x6E80] =	vst v63  }
0xe: {  	_ =	swait.ge [sflag:s7], $0x680  }
0xf: {  	[sflag:s7] =	ssyncset.done $0x0  }
0x10: {  	[sflag:s7] =	ssyncadd.s32 $0xFFFFF980  }
0x11: {  	[tilespmem:s8], [sflag:$0x1] =	stream.indirect.gather [hbm4b:s3+s8], $0x10, s2, s8, $0xb8;
	[tilespmem:$0x6E80] =	vst v63  }
0x12: {  	_ =	swait.ge [sflag:s9], $0x6800  }
0x13: {  	[sflag:s9] =	ssyncset.done $0x0  }
0x14: {  	[sflag:s9] =	ssyncadd.s32 $0xFFFF9800  }
0x15: {  	[hbm4b:s5+s2] =	stream.linear.scatter [tilespmem:s8], [sflag:$0x2], $0x6800, $0x38;
	[tilespmem:$0x6E80] =	vst v63  }
0x16: {  	s12 =	simm.s32 $0xD0;
	_ =	swait.ge [sflag:s7], $0x6800  }
0x17: {  	s13 =	simm.s32 $0x1A0;
	s11 =	sadd.s32 $0xD00, s5;
	[sflag:s7] =	ssyncset.done $0x0  }
.LBB2_2:
0x18: {  	s14 =	sadd.s32 s12, s6  }
0x19: {  	[sflag:s7] =	ssyncadd.s32 $0xFFFF9800;
	s12 =	smov.u32 s13;
	s15 =	sadd.s32 $0xD0, s13  }
0x1a: {  	[tilespmem:s2], [sflag:$0x2] =	stream.linear.gather [hbm4b:s14+s2], $0x680, $0x38;
	[tilespmem:$0x6E80] =	vst v63  }
0x1b: {  	p0 =	sne.s32 s13, $0x5B0;
	_ =	swait.ge [sflag:s7], $0x680  }
0x1c: {  	[sflag:s7] =	ssyncset.done $0x0  }
0x1d: {  	[sflag:s7] =	ssyncadd.s32 $0xFFFFF980  }
0x1e: {  	[tilespmem:s8], [sflag:$0x1] =	stream.indirect.gather [hbm4b:s3+s8], $0x10, s2, s8, $0xb8;
	[tilespmem:$0x6E80] =	vst v63  }
0x1f: {  	_ =	swait.ge [sflag:s9], $0x6800  }
.Ltmp0:
0x20: {  	[sflag:s9] =	ssyncset.done $0x0;
	(pc) =	sbr.rel @p0 .LBB2_2-.Ltmp0, $4  }
0x21: {  	[sflag:s9] =	ssyncadd.s32 $0xFFFF9800  }
0x22: {  	[hbm4b:s11+s2] =	stream.linear.scatter [tilespmem:s8], [sflag:$0x2], $0x6800, $0x38;
	[tilespmem:$0x6E80] =	vst v63  }
0x23: {  	_ =	swait.ge [sflag:s7], $0x6800  }
0x24: {  	s13 =	smov.u32 s15;
	s11 =	sadd.s32 $0xD00, s11;
	[sflag:s7] =	ssyncset.done $0x0  }
0x25: {  	s12 =	sadd.s32 s12, s6;
	[sflag:s7] =	ssyncadd.s32 $0xFFFF9800  }
0x26: {  	[tilespmem:s2], [sflag:$0x2] =	stream.linear.gather [hbm4b:s12+s2], $0x680, $0x38;
	[tilespmem:$0x6E80] =	vst v63  }
0x27: {  	_ =	swait.ge [sflag:s7], $0x680  }
0x28: {  	[sflag:s7] =	ssyncset.done $0x0  }
0x29: {  	[sflag:s7] =	ssyncadd.s32 $0xFFFFF980  }
0x2a: {  	[tilespmem:s8], [sflag:$0x1] =	stream.indirect.gather [hbm4b:s3+s8], $0x10, s2, s8, $0xb8;
	[tilespmem:$0x6E80] =	vst v63  }
0x2b: {  	s10 =	sadd.s32 $0x1, s10;
	_ =	swait.ge [sflag:s9], $0x6800  }
0x2c: {  	p0 =	sne.s32 s10, s4;
	[sflag:s9] =	ssyncset.done $0x0  }
.Ltmp1:
0x2d: {  	[sflag:s9] =	ssyncadd.s32 $0xFFFF9800;
	(pc) =	sbr.rel @p0 .LBB2_1-.Ltmp1, $4  }
0x2e: {  	[hbm4b:s11+s2] =	stream.linear.scatter [tilespmem:s8], [sflag:$0x2], $0x6800, $0x38;
	[tilespmem:$0x6E80] =	vst v63  }
0x2f: {  	_ =	swait.ge [sflag:s7], $0x6800  }
0x30: {  	[sflag:s7] =	ssyncset.done $0x0  }
0x31: {  	[sflag:s7] =	ssyncadd.s32 $0xFFFF9800  }
0x32: {  	_ =	sfence.sel $0x180000  }
0x33: {  	[bflag:$0x0] =	sbarrier.arrive $0xFFFF  }
0x34: {  	p0 =	sne.s32 s1, $0x0;
	_ =	strace $0x9000004A  }
0x35: {  	s0 =	sadd.s32 @!p0 $0x100000, s0;
	[bflag:$0x2] =	sbarrier.arrive $0xFFFF  }
0x36: {  	[sflag:s0] =	ssyncadd.tile.s32 @!p0 $0x1;
	_ =	shalt  }
.Lfunc_end2:
_tile_overlayer_lowered:
.L_overlay_start_2:
0x37: {  	(tag) =	ssettag $0x2  }
0x38: {  	s0 =	rddreg [dreg:$0x0];
	s2 =	stileid.u32  }
0x39: {  	s1 =	rddreg [dreg:$0x1];
	p0 =	sne.s32 s2, $0x0  }
0x3a: {  	s3 =	rddreg [dreg:$0x2];
	[bflag:$0x3] =	sbarrier.arrive $0xFFFF;
	s2 =	simm.s32 @!p0 $0x1C02  }
0x3b: {  	[timem:s3], [sflag:s2] =	dma.local @!p0 [hbm:s0], s1  }
0x3c: {  	s0 =	simm.s32 @!p0 $0x2  }
0x3d: {  	_ =	swait.ge @!p0 [sflag:s0], s1  }
0x3e: {  	s1 =	ssub.s32 @!p0 $0x0, s1;
	[sflag:s0] =	ssyncset.done @!p0 $0x0  }
0x3f: {  	[sflag:s0] =	ssyncadd.s32 @!p0 s1  }
0x40: {  	[bflag:$0x3] =	sbarrier.arrive $0xFFFF  }
0x41: {  	_ =	shalt  }

// kernel: kernel.7.cloned.1.call-start
scs
__scs_entry_jumppad:
0x0: {  	(pc) =	sbr.rel $0x88, $3  }
0x1: {  	(tag) =	ssettag $0x0;
	lr =	simm.s32 $0x1  }
0x2: {  	[smem:$0x3F91] =	sst lr;
	_ =	strace $0xD0000000  }
0x3: {  	_ = 	snop  }
0x4: {  	_ = 	snop  }
0x5: {  	_ = 	snop  }
0x6: {  	_ = 	snop  }
0x7: {  	_ = 	snop  }
__scs_overlays_trampoline_lowered:
0x8: {  	[smem:$0x3FA0] =	sst s0  }
0x9: {  	[smem:$0x3FA1] =	sst s1  }
0xa: {  	[smem:$0x3FA2] =	sst s2  }
0xb: {  	[smem:$0x3FA3] =	sst s3  }
0xc: {  	[smem:$0x3FA4] =	sst s4  }
0xd: {  	[smem:$0x3FA5] =	sst s5  }
0xe: {  	[smem:$0x3FA6] =	sst s6  }
0xf: {  	[smem:$0x3FA7] =	sst s7  }
0x10: {  	[smem:$0x3FA8] =	sst s8  }
0x11: {  	[smem:$0x3FA9] =	sst s9;
	s0 =	simm.s32 @!p0 $0x0  }
0x12: {  	s1 =	sld [smem:$0x3F8F];
	s0 =	simm.s32 @p0 $0x1  }
0x13: {  	[smem:$0x3FAA] =	sst s0;
	s0 =	simm.s32 @!p1 $0x0  }
0x14: {  	s2 =	sld [smem:$0x3F8E];
	s0 =	simm.s32 @p1 $0x1  }
0x15: {  	[smem:$0x3FAB] =	sst s0;
	s0 =	simm.s32 @!p2 $0x0  }
0x16: {  	s3 =	sld [smem:$0x3FDB];
	s0 =	simm.s32 @p2 $0x1  }
0x17: {  	s4 =	simm.s32 $0x1BF5;
	[smem:$0x3FAD] =	sst s0  }
0x18: {  	s0 =	sld [smem:$0x3F90];
	_ =	swait.ge [sflag:s4], $0x0  }
0x19: {  	s7 =	sld [smem:$0x3F91]  }
0x1a: {  	s8 =	sadd.s32 $0xFFFFE003, lr  }
0x1b: {  	s9 =	sadd.s32 $0xFFFFFEF7, lr;
	s5 =	simm.s32 $0xFFFFFFFF;
	p2 =	slt.u32 s8, $0xFFFFF086  }
0x1c: {  	p1 =	slt.u32 s9, $0xF7A;
	s5 =	simm.s32 @!p2 $0x0  }
0x1d: {  	s5 =	simm.s32 @p1 $0x1;
	p0 =	seq.s32 s7, s2  }
0x1e: {  	s7 =	smul.u32 @!p0 $0xF7A, s2;
	p2 =	seq.s32 @!p0 s5, $0x0  }
0x1f: {  	s9 =	smul.u32 $0xF7A, s1;
	s8 =	simm.s32 @!p0 $0x1BF5;
	p2 =	por !p2, p0  }
0x20: {  	[sflag:s8] =	ssyncset.s32 @!p0 $0xFFFFF086;
	s6 =	sadd.s32 @!p0 s3, s7;
	s7 =	simm.s32 @!p0 $0x108  }
0x21: {  	s3 =	sadd.s32 s3, s9;
	s6 =	sadd.s32 @!p0 $0x88, s6;
	s7 =	simm.s32 @p2 $0x1082  }
0x22: {  	[simem:s7], [sflag:s8] =	dma.local @!p0 [hbm:s6], $0xF7A  }
0x23: {  	s9 =	sor.u32 $0xD0000000, s2;
	s6 =	simm.s32 $0x108;
	_ =	swait.ge @!p0 [sflag:s8], $0x0  }
0x24: {  	s3 =	sadd.s32 $0x88, s3;
	s6 =	simm.s32 @!p1 $0x1082;
	[sflag:s4] =	ssyncset.s32 $0xFFFFF086  }
0x25: {  	[simem:s6], [sflag:s4] =	dma.local [hbm:s3], $0xF7A  }
0x26: {  	[smem:$0x3F91] =	sst s1;
	(tag) =	ssettag s2;
	_ =	strace s9  }
0x27: {  	s1 =	sld [smem:$0x3FA1]  }
0x28: {  	s2 =	sld [smem:$0x3FA2]  }
0x29: {  	s4 =	sld [smem:$0x3FA4]  }
0x2a: {  	p0 =	seq.s32 s5, $0x0;
	s5 =	sld [smem:$0x3FA5]  }
0x2b: {  	s6 =	sld [smem:$0x3FA6]  }
0x2c: {  	s7 =	sld [smem:$0x3FA7]  }
0x2d: {  	s3 =	simm.s32 $0x108;
	s8 =	sld [smem:$0x3FA8]  }
0x2e: {  	s3 =	simm.s32 @!p0 $0x1082;
	s9 =	sld [smem:$0x3FA9]  }
0x2f: {  	lr =	sadd.s32 s0, s3;
	s0 =	sld [smem:$0x3FA0]  }
0x30: {  	s3 =	sld [smem:$0x3FA3]  }
0x31: {  	[smem:$0x3FAC] =	sst s10  }
0x32: {  	s10 =	sld [smem:$0x3FAA];
	_ =	sdelay $0x3  }
0x33: {  	p0 =	seq.s32 s10, $0x1;
	s10 =	sld [smem:$0x3FAC];
	_ =	sdelay $0x3  }
0x34: {  	[smem:$0x3FAC] =	sst s10  }
0x35: {  	s10 =	sld [smem:$0x3FAB];
	_ =	sdelay $0x3  }
0x36: {  	p1 =	seq.s32 s10, $0x1;
	s10 =	sld [smem:$0x3FAC];
	_ =	sdelay $0x3  }
0x37: {  	[smem:$0x3FAC] =	sst s10  }
0x38: {  	s10 =	sld [smem:$0x3FAD]  }
0x39: {  	_ = 	snop;
	(pc) =	sbr.ind lr, $3  }
0x3a: {  	_ = 	snop  }
0x3b: {  	_ = 	snop  }
0x3c: {  	p2 =	seq.s32 s10, $0x1;
	s10 =	sld [smem:$0x3FAC]  }
0x3d: {  	_ =	shalt  }
0x3e: {  	_ =	shalt  }
0x3f: {  	_ =	shalt  }
0x40: {  	_ =	shalt  }
0x41: {  	_ =	shalt  }
0x42: {  	_ =	shalt  }
0x43: {  	_ =	shalt  }
0x44: {  	_ =	shalt  }
0x45: {  	_ =	shalt  }
0x46: {  	_ =	shalt  }
0x47: {  	_ =	shalt  }
0x48: {  	_ =	shalt  }
0x49: {  	_ =	shalt  }
0x4a: {  	_ =	shalt  }
0x4b: {  	_ =	shalt  }
0x4c: {  	_ =	shalt  }
0x4d: {  	_ =	shalt  }
0x4e: {  	_ =	shalt  }
0x4f: {  	_ =	shalt  }
0x50: {  	_ =	shalt  }
0x51: {  	_ =	shalt  }
0x52: {  	_ =	shalt  }
0x53: {  	_ =	shalt  }
0x54: {  	_ =	shalt  }
0x55: {  	_ =	shalt  }
0x56: {  	_ =	shalt  }
0x57: {  	_ =	shalt  }
0x58: {  	_ =	shalt  }
0x59: {  	_ =	shalt  }
0x5a: {  	_ =	shalt  }
0x5b: {  	_ =	shalt  }
0x5c: {  	_ =	shalt  }
0x5d: {  	_ =	shalt  }
0x5e: {  	_ =	shalt  }
0x5f: {  	_ =	shalt  }
0x60: {  	_ =	shalt  }
0x61: {  	_ =	shalt  }
0x62: {  	_ =	shalt  }
0x63: {  	_ =	shalt  }
0x64: {  	_ =	shalt  }
0x65: {  	_ =	shalt  }
0x66: {  	_ =	shalt  }
0x67: {  	_ =	shalt  }
0x68: {  	_ =	shalt  }
0x69: {  	_ =	shalt  }
0x6a: {  	_ =	shalt  }
0x6b: {  	_ =	shalt  }
0x6c: {  	_ =	shalt  }
0x6d: {  	_ =	shalt  }
0x6e: {  	_ =	shalt  }
0x6f: {  	_ =	shalt  }
0x70: {  	_ =	shalt  }
0x71: {  	_ =	shalt  }
0x72: {  	_ =	shalt  }
0x73: {  	_ =	shalt  }
0x74: {  	_ =	shalt  }
0x75: {  	_ =	shalt  }
0x76: {  	_ =	shalt  }
0x77: {  	_ =	shalt  }
0x78: {  	_ =	shalt  }
0x79: {  	_ =	shalt  }
0x7a: {  	_ =	shalt  }
0x7b: {  	_ =	shalt  }
0x7c: {  	_ =	shalt  }
0x7d: {  	_ =	shalt  }
0x7e: {  	_ =	shalt  }
0x7f: {  	_ =	shalt  }
0x80: {  	_ =	shalt  }
0x81: {  	_ =	shalt  }
0x82: {  	_ =	shalt  }
0x83: {  	_ =	shalt  }
0x84: {  	_ =	shalt  }
0x85: {  	_ =	shalt  }
0x86: {  	_ =	shalt  }
0x87: {  	_ =	shalt  }
.Lfunc_end0:
.L_simem_size_0:
called_computation_lowered:
.L_overlay_start_0:
0x88: {  	s2 =	sld [smem:$0x3FD9]  }
0x89: {  	s3 =	sld [smem:$0x3FFE];
	_ =	sdelay $0x1  }
0x8a: {  	s1 =	srdreg.scid  }
0x8b: {  	s0 =	sand.u32 $0x1, s1  }
0x8c: {  	s17 =	sshll.u32 s0, $0xA;
	s2 =	sadd.s32 s3, s2  }
0x8d: {  	s2 =	sadd.s32 s2, s17  }
0x8e: {  	[smem:$0x3FB8] =	sst s2  }
0x8f: {  	_ = 	snop  }
0x90: {  	s2 =	sld [smem:$0x3FC8]  }
0x91: {  	s18 =	sld [smem:$0x3FD0];
	(tm) =	ssettm $0x1  }
0x92: {  	s4 =	sld [smem:$0x3FFB];
	_ =	sdelay $0x3  }
0x93: {  	_ =	strace s4  }
0x94: {  	s4 =	sld [smem:$0x3FFC];
	_ =	sdelay $0x3  }
0x95: {  	_ =	strace s4  }
0x96: {  	s4 =	sld [smem:$0x3FFD];
	_ =	sdelay $0x3  }
0x97: {  	_ =	strace s4  }
0x98: {  	_ =	strace $0x8FFFFFFF  }
0x99: {  	s19 =	sld [smem:$0x3FDB];
	_ =	sdelay $0x1  }
0x9a: {  	s5 =	simm.s32 $_scs_section_size  }
0x9b: {  	s6 =	simm.s32 $_size__tile_overlayer_lowered;
	s7 =	simm.s32 $_tile_overlayer_lowered  }
0x9c: {  	s22 =	simm.s32 $0x1BFF;
	s21 =	sshll.u32 s7, $0x1;
	s4 =	sadd.s32 s5, s19  }
0x9d: {  	s8 =	simm.s32 $0x0;
	s20 =	sshll.u32 s6, $0x1;
	s6 =	sadd.s32 s21, s4  }
0x9e: {  	[timem:s8], [sflag:s22] =	dma.local [hbm:s6], s20  }
0x9f: {  	_ =	swait.ge [sflag:s22], s20  }
0xa0: {  	s5 =	ssub.s32 $0x0, s20;
	[sflag:s22] =	ssyncset.done $0x0  }
0xa1: {  	[sflag:s22] =	ssyncadd.s32 s5;
	_ =	sdelay $0x1  }
0xa2: {  	s23 =	simm.s32 $0x1B8B  }
0xa3: {  	_ =	swait.ge [sflag:s23], $0x1  }
0xa4: {  	[sflag:s23] =	ssyncset.done $0x0  }
0xa5: {  	s25 =	simm.s32 $0x1B8E;
	s24 =	sld [smem:$0x3FFE];
	[sflag:s23] =	ssyncadd.s32 $0xFFFFFFFF  }
0xa6: {  	s26 =	simm.s32 $execute0_lowered;
	[smem:$0x3FD2] =	sst s25  }
0xa7: {  	s6 =	sshll.u32 s26, $0x1;
	_ =	strace $0x80000046;
	[dreg:$0x1] =	wrdreg $0xFFFFFFFF  }
0xa8: {  	s28 =	simm.s32 $_size_execute0_lowered;
	s4 =	sadd.s32 s4, s6;
	[dreg:$0x0] =	wrdreg $0x0  }
0xa9: {  	s6 =	sshll.u32 s28, $0x1;
	[dreg:$0x2] =	wrdreg s4  }
0xaa: {  	[dreg:$0x3] =	wrdreg s6  }
0xab: {  	[dreg:$0x4] =	wrdreg $0xC0  }
0xac: {  	_ =	task [dreg:s8], $0x5FFFF  }
0xad: {  	[dreg:$0x1] =	wrdreg $0xFFFFFFFF  }
0xae: {  	[dreg:$0x0] =	wrdreg $0x60  }
0xaf: {  	[dreg:$0x2] =	wrdreg s2  }
0xb0: {  	[dreg:$0x3] =	wrdreg s18  }
0xb1: {  	[dreg:$0x4] =	wrdreg s24  }
0xb2: {  	[dreg:$0x5] =	wrdreg $0x9  }
0xb3: {  	_ =	task.clear_ibuf [dreg:s8], $0x6FFFF;
	_ =	strace $0x90000046  }
0xb4: {  	s29 =	simm.s32 $0x9;
	_ =	strace $0x80000048  }
0xb5: {  	_ =	swait.ge [sflag:s29], $0x1  }
0xb6: {  	[sflag:s29] =	ssyncadd.s32 $0xFFFFFFFF  }
0xb7: {  	_ =	strace $0x90000048  }
0xb8: {  	_ =	sfence  }
0xb9: {  	s30 =	sld [smem:$0x0];
	_ =	sdelay $0x2  }
0xba: {  	s31 =	sshll.u32 s1, $0xD;
	s1 =	sshrl.u32 s1, $0x2  }
0xbb: {  	s3 =	sand.u32 $0x4000, s31;
	s1 =	sadd.s32 s1, s30  }
0xbc: {  	s0 =	sor.u32 s3, s0;
	s1 =	sshll.u32 s1, $0x11  }
0xbd: {  	s0 =	sor.u32 s1, s0  }
0xbe: {  	s0 =	sadd.s32 $0x8F2B, s0  }
0xbf: {  	[sflag:s0] =	ssyncadd.remote.s32 $0x1  }
0xc0: {  	_ =	sfence.sel $0xFFFF  }
0xc1: {  	[dreg:$0x0] =	wrdreg $0xFFFFFFFF;
	(pc) =	sbr.abs _section_cstart, $3  }
0xc2: {  	[dreg:$0x1] =	wrdreg $0xFFFFFFFF  }
0xc3: {  	_ =	task.clear_ibuf [dreg:s8], $0x2FFFF;
	_ =	strace $0x9FFFFFFF  }
0xc4: {  	(tm) =	ssettm $0x7FFFFFFF  }
0xc5: {  	_ =	shalt  }
tec
execute0_lowered:
.L_overlay_start_1:
0x0: {  	(tag) =	ssettag $0x1  }
0x1: {  	v0 =	vlaneseq.u32  }
0x2: {  	s0 =	rddreg [dreg:$0x1];
	v14 =	vmul.u32 $0x10, v0  }
0x3: {  	s1 =	rddreg [dreg:$0x2];
	s3 =	simm.s32 $0x0;
	s2 =	srdreg.scid  }
0x4: {  	s5 =	stileid.u32;
	[smem:$0x7FF] =	sst s3;
	s2 =	sand.u32 $0x1, s2;
	v24 =	vor.u32 $0x3, v14  }
0x5: {  	s25 =	sshll.u32 s5, $0x1;
	s6 =	sadd.s32 $0x2A00, s1;
	_ =	strace $0x80000047;
	v25 =	vor.u32 $0x4, v14;
	[tilespmem:$0x1FF70] =	vst v24  }
0x6: {  	s29 =	sshll.u32 s5, $0x7;
	s4 =	ssub.s32 $0x2, s2;
	s2 =	sor.u32 s2, s25;
	v26 =	vor.u32 $0x5, v14;
	[tilespmem:$0x1FF80] =	vst v25  }
0x7: {  	[smem:$0x7FA] =	sst s6;
	s26 =	sshrl.u32 s4, $0x1;
	s28 =	smul.u32 $0x50, s2;
	v32 =	vor.u32 $0xA, v14;
	[tilespmem:$0x1FF90] =	vst v26  }
0x8: {  	s3 =	smul.u32 $0x186A00, s2;
	s2 =	sshll.u32 s2, $0x4;
	v49 =	vor.u32 $0xB, v14;
	s1 =	ssub.s32 s4, s26;
	[tilespmem:$0x1FFA0] =	vst v32  }
0x9: {  	v50 =	vor.u32 $0xC, v14;
	s4 =	sand.u32 $0x600, s29;
	s2 =	sand.u32 $0x70, s2;
	[tilespmem:$0x1FFB0] =	vst v49;
	[smem:$0x7F9] =	sst s28  }
0xa: {  	v52 =	vor.u32 $0xD, v14;
	[tilespmem:$0x1FFC0] =	vst v50;
	s3 =	sshrl.u32 s3, $0x3;
	s0 =	sadd.s32 s0, s4;
	s31 =	smax.u32 s1, $0x1  }
0xb: {  	v15 =	vor.u32 $0x1, v14;
	v53 =	vor.u32 $0xE, v14;
	[tilespmem:$0x1FFD0] =	vst v52;
	s3 =	sadd.s32 s6, s3;
	s0 =	sadd.s32 s2, s0;
	[smem:$0x7FD] =	sst s31  }
0xc: {  	v45 =	vor.u32 $0x2, v14;
	v54 =	vor.u32 $0x6, v14;
	v55 =	vor.u32 $0xF, v14;
	[tilespmem:$0x1FFE0] =	vst v53;
	[smem:$0x7FB] =	sst s0;
	s30 =	sadd.s32 $0x30D00, s3  }
0xd: {  	p0 =	sgt.u32 s5, $0xC;
	v47 =	vor.u32 $0x7, v14;
	v48 =	vor.u32 $0x8, v14;
	v51 =	vor.u32 $0x9, v14;
	[tilespmem:$0x1FFF0] =	vst v55;
	s2 =	simm.s32 $0x0;
	[smem:$0x7FC] =	sst s30  }
.LBB2_1:
0xe: {  	[smem:$0x7F8] =	sst s2;
	s1 =	simm.s32 $0x0  }
.LBB2_2:
0xf: {  	s24 =	sld [smem:$0x7F9]  }
0x10: {  	s0 =	smul.u32 $0x3, s1;
	_ =	sdelay $0x1  }
0x11: {  	[smem:$0x7F1] =	sst s1;
	s1 =	sadd.s32 s24, s0  }
0x12: {  	s0 =	smin.u32 s1, $0x9F3  }
0x13: {  	s2 =	smul.u32 $0xA73, s0;
	_ =	sdelay $0x1  }
0x14: {  	s3 =	sshrl.u32 s2, $0x12  }
0x15: {  	s2 =	smul.u32 $0x1FFFFF9E, s3;
	_ =	sdelay $0x1  }
0x16: {  	s25 =	smin.u32 s1, $0x9F2;
	s0 =	sadd.s32 s0, s2  }
0x17: {  	s28 =	sadd.s32 $0x1, s25;
	s4 =	sshll.u32 s0, $0x3  }
0x18: {  	s30 =	smul.u32 $0xA73, s28;
	p1 =	slt.s32 s4, $0x305  }
0x19: {  	s5 =	rddreg [dreg:$0x0];
	s26 =	smul.u32 $0x187000, s3;
	s4 =	simm.s32 @!p1 $0x305  }
0x1a: {  	s9 =	simm.s32 $0x0;
	s8 =	sshrl.u32 s30, $0x12;
	s29 =	sshll.u32 s4, $0xA  }
0x1b: {  	[smem:$0x7F3] =	sst s4;
	s4 =	smul.u32 $0x1FFFFF9E, s8;
	s0 =	sadd.s32 s26, s29  }
0x1c: {  	s6 =	simm.s32 $0x2000;
	s7 =	simm.s32 $0xC3800;
	s0 =	sshrl.u32 s0, $0x3  }
0x1d: {  	s1 =	smin.u32 s1, $0x9F1;
	s4 =	sadd.s32 s28, s4;
	s0 =	sadd.s32 s5, s0  }
0x1e: {  	[tilespmem:s9], [sflag:$0x1] =	stream.strided.gather [hbm4b:s0+s6], $0x4000, s7, s6, $0x38;
	[tilespmem:$0x18200] =	vst v63  }
0x1f: {  	s1 =	sadd.s32 $0x2, s1;
	s0 =	sshll.u32 s4, $0x3  }
0x20: {  	s11 =	smul.u32 $0xA73, s1;
	p1 =	slt.s32 s0, $0x305  }
0x21: {  	[smem:$0x7F4] =	sst s8;
	s8 =	smul.u32 $0x187000, s8;
	s0 =	simm.s32 @!p1 $0x305  }
0x22: {  	s12 =	sshrl.u32 s11, $0x12;
	s10 =	sshll.u32 s0, $0xA  }
0x23: {  	s13 =	smul.u32 $0x1FFFFF9E, s12;
	s2 =	sadd.s32 s8, s10  }
0x24: {  	s2 =	sshrl.u32 s2, $0x3  }
0x25: {  	s14 =	simm.s32 $0x4000;
	s1 =	sadd.s32 s1, s13;
	s2 =	sadd.s32 s5, s2  }
0x26: {  	[tilespmem:s14], [sflag:$0x2] =	stream.strided.gather [hbm4b:s2+s6], $0x4000, s7, s6, $0x38;
	[tilespmem:$0x18200] =	vst v63  }
0x27: {  	s2 =	sshll.u32 s1, $0x3  }
0x28: {  	p1 =	slt.s32 s2, $0x305  }
0x29: {  	s15 =	smul.u32 $0x187000, s12;
	s2 =	simm.s32 @!p1 $0x305  }
0x2a: {  	[smem:$0x7F7] =	sst s2;
	s2 =	sshll.u32 s2, $0xA  }
0x2b: {  	[smem:$0x7F2] =	sst s3;
	s1 =	sadd.s32 s15, s2  }
0x2c: {  	s16 =	simm.s32 $0x8000;
	[smem:$0x7F6] =	sst s12;
	s1 =	sshrl.u32 s1, $0x3  }
0x2d: {  	s17 =	simm.s32 $0x1;
	[smem:$0x7F5] =	sst s0;
	s1 =	sadd.s32 s5, s1  }
0x2e: {  	[tilespmem:s16], [sflag:$0x3] =	stream.strided.gather [hbm4b:s1+s6], $0x4000, s7, s6, $0x38;
	[tilespmem:$0x18200] =	vst v63  }
0x2f: {  	s6 =	simm.s32 $0x20;
	_ =	swait.ge [sflag:s17], $0x4000  }
0x30: {  	s1 =	sand.u32 $0x1C00, s9;
	s21 =	sand.u32 $0x60, s6;
	[sflag:s17] =	ssyncset.done $0x0  }
0x31: {  	s18 =	sor.u32 s21, s1;
	[sflag:s17] =	ssyncadd.s32 $0xFFFFC000;
	s17 =	simm.s32 $0x200  }
0x32: {  	v0 =	vld [tilespmem:s18+$0x0];
	v1 =	vor.u32 s17, v14;
	_ =	sdelay $0x3  }
0x33: {  	s0 =	simm.s32 $0xC000;
	s5 =	simm.s32 $0x0  }
0x34: {  	s3 =	simm.s32 $0x10;
	s15 =	sand.u32 $0x40, s5;
	[tilespmem:v1+s0+$0x0] =	vst.idx.msk $0xffff, v0  }
0x35: {  	s22 =	sand.u32 $0x50, s3;
	s13 =	simm.s32 $0x0;
	s20 =	sor.u32 s15, s1;
	v1 =	vor.u32 s17, v15;
	v0 =	vld [tilespmem:s18+$0x80]  }
0x36: {  	s19 =	simm.s32 $0x100;
	v3 =	vor.u32 s13, v14;
	s2 =	simm.s32 $0x30;
	s23 =	sor.u32 s22, s1;
	v2 =	vld [tilespmem:s20+$0x0]  }
0x37: {  	v17 =	vor.u32 s19, v14;
	s10 =	sand.u32 $0x70, s2;
	v16 =	vld [tilespmem:s23+$0x0]  }
0x38: {  	s14 =	simm.s32 $0x300;
	s11 =	sor.u32 s10, s1  }
0x39: {  	v18 =	vor.u32 s14, v14;
	v19 =	vld [tilespmem:s11+$0x0]  }
0x3a: {  	[tilespmem:v1+s0+$0x0] =	vst.idx.msk $0xffff, v0  }
0x3b: {  	[tilespmem:v3+s0+$0x0] =	vst.idx.msk $0xffff, v2;
	v1 =	vor.u32 s17, v45;
	v0 =	vld [tilespmem:s18+$0x100]  }
0x3c: {  	v2 =	vor.u32 s13, v15;
	[tilespmem:v17+s0+$0x0] =	vst.idx.msk $0xffff, v16;
	v3 =	vld [tilespmem:s20+$0x80]  }
0x3d: {  	v16 =	vor.u32 s19, v15;
	v17 =	vld [tilespmem:s23+$0x80]  }
0x3e: {  	[tilespmem:v18+s0+$0x0] =	vst.idx.msk $0xffff, v19  }
0x3f: {  	v18 =	vor.u32 s14, v15;
	v19 =	vld [tilespmem:s11+$0x80]  }
0x40: {  	[tilespmem:v1+s0+$0x0] =	vst.idx.msk $0xffff, v0  }
0x41: {  	[tilespmem:v2+s0+$0x0] =	vst.idx.msk $0xffff, v3;
	v1 =	vor.u32 s17, v24;
	v0 =	vld [tilespmem:s18+$0x180]  }
0x42: {  	s24 =	sand.u32 $0x3, s9;
	v2 =	vor.u32 s13, v45;
	[tilespmem:v16+s0+$0x0] =	vst.idx.msk $0xffff, v17;
	v3 =	vld [tilespmem:s20+$0x100]  }
0x43: {  	s4 =	sshll.u32 s24, $0x5;
	v16 =	vor.u32 s19, v45;
	v17 =	vld [tilespmem:s23+$0x100]  }
0x44: {  	s4 =	sadd.s32 $0x0, s4;
	[tilespmem:v18+s0+$0x0] =	vst.idx.msk $0xffff, v19  }
0x45: {  	s4 =	sadd.s32 $0x20, s4;
	v18 =	vor.u32 s14, v45;
	v19 =	vld [tilespmem:s11+$0x100]  }
0x46: {  	s12 =	sor.u32 $0x200, s4;
	[tilespmem:v1+s0+$0x0] =	vst.idx.msk $0xffff, v0  }
0x47: {  	[tilespmem:v2+s0+$0x0] =	vst.idx.msk $0xffff, v3;
	v1 =	vor.u32 s17, v25;
	v0 =	vld [tilespmem:s12+$0x0]  }
0x48: {  	v2 =	vor.u32 s13, v24;
	[tilespmem:v16+s0+$0x0] =	vst.idx.msk $0xffff, v17;
	v3 =	vld [tilespmem:s20+$0x180]  }
0x49: {  	p1 =	por $0x0, $0x0;
	s7 =	simm.s32 $0x1;
	v16 =	vor.u32 s19, v24;
	v17 =	vld [tilespmem:s23+$0x180]  }
0x4a: {  	s25 =	sand.u32 $0x7, s9;
	s7 =	simm.s32 @!p1 $0x0;
	[tilespmem:v18+s0+$0x0] =	vst.idx.msk $0xffff, v19  }
0x4b: {  	s8 =	sshll.u32 s25, $0x4;
	s7 =	sshll.u32 s7, $0x6;
	v18 =	vor.u32 s14, v24;
	v19 =	vld [tilespmem:s11+$0x180]  }
0x4c: {  	s26 =	sor.u32 $0x280, s4;
	s8 =	sadd.s32 $0x0, s8;
	s7 =	sadd.s32 $0x0, s7;
	[tilespmem:v1+s0+$0x0] =	vst.idx.msk $0xffff, v0  }
0x4d: {  	s28 =	sadd.s32 $0x10, s8;
	s16 =	sor.u32 $0x200, s7;
	[tilespmem:v2+s0+$0x0] =	vst.idx.msk $0xffff, v3;
	v1 =	vor.u32 s17, v26;
	v0 =	vld [tilespmem:s26+$0x0]  }
0x4e: {  	s29 =	sor.u32 $0x200, s28;
	v2 =	vor.u32 s13, v25;
	[tilespmem:v16+s0+$0x0] =	vst.idx.msk $0xffff, v17;
	v3 =	vld [tilespmem:s16+$0x0]  }
0x4f: {  	s8 =	sadd.s32 $0x30, s8;
	v16 =	vor.u32 s19, v25;
	v17 =	vld [tilespmem:s29+$0x0]  }
0x50: {  	s30 =	sor.u32 $0x200, s8;
	[tilespmem:v18+s0+$0x0] =	vst.idx.msk $0xffff, v19  }
0x51: {  	v18 =	vor.u32 s14, v25;
	v19 =	vld [tilespmem:s30+$0x0]  }
0x52: {  	s4 =	sor.u32 $0x300, s4;
	[tilespmem:v1+s0+$0x0] =	vst.idx.msk $0xffff, v0  }
0x53: {  	s16 =	sor.u32 $0x280, s7;
	[tilespmem:v2+s0+$0x0] =	vst.idx.msk $0xffff, v3;
	v1 =	vor.u32 s17, v54;
	v0 =	vld [tilespmem:s4+$0x0]  }
0x54: {  	s18 =	sor.u32 $0x280, s28;
	v2 =	vor.u32 s13, v26;
	[tilespmem:v16+s0+$0x0] =	vst.idx.msk $0xffff, v17;
	v3 =	vld [tilespmem:s16+$0x0]  }
0x55: {  	v16 =	vor.u32 s19, v26;
	v17 =	vld [tilespmem:s18+$0x0]  }
0x56: {  	s20 =	sor.u32 $0x280, s8;
	[tilespmem:v18+s0+$0x0] =	vst.idx.msk $0xffff, v19  }
0x57: {  	s23 =	sor.u32 s6, s9;
	v18 =	vor.u32 s14, v26;
	v19 =	vld [tilespmem:s20+$0x0]  }
0x58: {  	s4 =	sor.u32 $0x380, s23;
	[tilespmem:v1+s0+$0x0] =	vst.idx.msk $0xffff, v0  }
0x59: {  	s24 =	sor.u32 $0x300, s7;
	[tilespmem:v2+s0+$0x0] =	vst.idx.msk $0xffff, v3;
	v1 =	vor.u32 s17, v47;
	v0 =	vld [tilespmem:s4+$0x0]  }
0x5a: {  	s25 =	sor.u32 $0x300, s28;
	v2 =	vor.u32 s13, v54;
	[tilespmem:v16+s0+$0x0] =	vst.idx.msk $0xffff, v17;
	v3 =	vld [tilespmem:s24+$0x0]  }
0x5b: {  	v16 =	vor.u32 s19, v54;
	v17 =	vld [tilespmem:s25+$0x0]  }
0x5c: {  	s26 =	sor.u32 $0x300, s8;
	[tilespmem:v18+s0+$0x0] =	vst.idx.msk $0xffff, v19  }
0x5d: {  	s28 =	sor.u32 $0x2000, s1;
	v18 =	vor.u32 s14, v54;
	v19 =	vld [tilespmem:s26+$0x0]  }
0x5e: {  	s5 =	sor.u32 s5, s9;
	s29 =	sor.u32 s21, s28;
	[tilespmem:v1+s0+$0x0] =	vst.idx.msk $0xffff, v0  }
0x5f: {  	s3 =	sor.u32 s3, s9;
	s5 =	sor.u32 $0x380, s5;
	[tilespmem:v2+s0+$0x0] =	vst.idx.msk $0xffff, v3;
	v1 =	vor.u32 s17, v48;
	v0 =	vld [tilespmem:s29+$0x0]  }
0x60: {  	s3 =	sor.u32 $0x380, s3;
	v2 =	vor.u32 s13, v47;
	[tilespmem:v16+s0+$0x0] =	vst.idx.msk $0xffff, v17;
	v3 =	vld [tilespmem:s5+$0x0]  }
0x61: {  	s2 =	sor.u32 s2, s9;
	v16 =	vor.u32 s19, v47;
	v17 =	vld [tilespmem:s3+$0x0]  }
0x62: {  	s2 =	sor.u32 $0x380, s2;
	[tilespmem:v18+s0+$0x0] =	vst.idx.msk $0xffff, v19  }
0x63: {  	s30 =	sor.u32 $0x2080, s1;
	v18 =	vor.u32 s14, v47;
	v19 =	vld [tilespmem:s2+$0x0]  }
0x64: {  	s3 =	sor.u32 s21, s30;
	[tilespmem:v1+s0+$0x0] =	vst.idx.msk $0xffff, v0  }
0x65: {  	s6 =	sor.u32 s15, s28;
	[tilespmem:v2+s0+$0x0] =	vst.idx.msk $0xffff, v3;
	v1 =	vor.u32 s17, v51;
	v0 =	vld [tilespmem:s3+$0x0]  }
0x66: {  	s7 =	sor.u32 s22, s28;
	v2 =	vor.u32 s13, v48;
	[tilespmem:v16+s0+$0x0] =	vst.idx.msk $0xffff, v17;
	v3 =	vld [tilespmem:s6+$0x0]  }
0x67: {  	v16 =	vor.u32 s19, v48;
	v17 =	vld [tilespmem:s7+$0x0]  }
0x68: {  	s8 =	sor.u32 s10, s28;
	[tilespmem:v18+s0+$0x0] =	vst.idx.msk $0xffff, v19  }
0x69: {  	s16 =	sor.u32 $0x2100, s1;
	v18 =	vor.u32 s14, v48;
	v19 =	vld [tilespmem:s8+$0x0]  }
0x6a: {  	s9 =	sor.u32 s21, s16;
	[tilespmem:v1+s0+$0x0] =	vst.idx.msk $0xffff, v0  }
0x6b: {  	s11 =	sor.u32 s15, s30;
	[tilespmem:v2+s0+$0x0] =	vst.idx.msk $0xffff, v3;
	v1 =	vor.u32 s17, v32;
	v0 =	vld [tilespmem:s9+$0x0]  }
0x6c: {  	s12 =	sor.u32 s22, s30;
	v2 =	vor.u32 s13, v51;
	[tilespmem:v16+s0+$0x0] =	vst.idx.msk $0xffff, v17;
	v3 =	vld [tilespmem:s11+$0x0]  }
0x6d: {  	s18 =	simm.s32 $0x60;
	v16 =	vor.u32 s19, v51;
	v17 =	vld [tilespmem:s12+$0x0];
	s11 =	simm.s32 $0x200  }
0x6e: {  	s20 =	sor.u32 s10, s30;
	s6 =	sand.u32 $0x60, s18;
	[tilespmem:v18+s0+$0x0] =	vst.idx.msk $0xffff, v19;
	s24 =	sand.u32 $0x1C00, s11  }
0x6f: {  	s2 =	simm.s32 $0x600;
	s29 =	sor.u32 $0x2180, s1;
	v18 =	vor.u32 s14, v51;
	v19 =	vld [tilespmem:s20+$0x0];
	s4 =	sor.u32 s6, s24  }
0x70: {  	v21 =	vor.u32 s2, v14;
	s23 =	sor.u32 s21, s29;
	v20 =	vld [tilespmem:s4+$0x0];
	[tilespmem:v1+s0+$0x0] =	vst.idx.msk $0xffff, v0  }
0x71: {  	s25 =	sor.u32 s15, s16;
	s20 =	simm.s32 $0x40;
	[tilespmem:v2+s0+$0x0] =	vst.idx.msk $0xffff, v3;
	v1 =	vor.u32 s17, v49;
	v0 =	vld [tilespmem:s23+$0x0]  }
0x72: {  	s28 =	simm.s32 $0x50;
	s26 =	sor.u32 s22, s16;
	s8 =	sand.u32 $0x40, s20;
	v2 =	vor.u32 s13, v32;
	[tilespmem:v16+s0+$0x0] =	vst.idx.msk $0xffff, v17;
	v3 =	vld [tilespmem:s25+$0x0]  }
0x73: {  	s7 =	sand.u32 $0x50, s28;
	s18 =	sor.u32 s8, s24;
	v17 =	vor.u32 s19, v32;
	v16 =	vld [tilespmem:s26+$0x0];
	s26 =	simm.s32 $0x400  }
0x74: {  	s31 =	sor.u32 s7, s24;
	[tilespmem:v18+s0+$0x0] =	vst.idx.msk $0xffff, v19;
	v18 =	vld [tilespmem:s18+$0x0];
	s9 =	simm.s32 $0x500;
	v19 =	vor.u32 s26, v14  }
0x75: {  	s5 =	simm.s32 $0x70;
	s28 =	sor.u32 $0x2200, s1;
	v22 =	vld [tilespmem:s31+$0x0];
	v23 =	vor.u32 s9, v14;
	[tilespmem:v21+s0+$0x0] =	vst.idx.msk $0xffff, v20  }
0x76: {  	s30 =	sor.u32 s21, s28;
	s3 =	sand.u32 $0x70, s5;
	v21 =	vor.u32 s2, v15;
	v20 =	vld [tilespmem:s4+$0x80];
	[tilespmem:v1+s0+$0x0] =	vst.idx.msk $0xffff, v0  }
0x77: {  	s12 =	simm.s32 $0x700;
	[tilespmem:v2+s0+$0x0] =	vst.idx.msk $0xffff, v3;
	v1 =	vor.u32 s17, v50;
	v0 =	vld [tilespmem:s30+$0x0];
	s30 =	sor.u32 s3, s24  }
0x78: {  	s16 =	sor.u32 s10, s16;
	v2 =	vor.u32 s12, v14;
	[tilespmem:v17+s0+$0x0] =	vst.idx.msk $0xffff, v16;
	v3 =	vld [tilespmem:s30+$0x0]  }
0x79: {  	v16 =	vld [tilespmem:s16+$0x0];
	v17 =	vor.u32 s14, v32;
	[tilespmem:v19+s0+$0x0] =	vst.idx.msk $0xffff, v18  }
0x7a: {  	v18 =	vor.u32 s26, v15;
	[tilespmem:v23+s0+$0x0] =	vst.idx.msk $0xffff, v22;
	v19 =	vld [tilespmem:s18+$0x80]  }
0x7b: {  	s16 =	sor.u32 $0x2280, s1;
	v22 =	vor.u32 s9, v15;
	v23 =	vld [tilespmem:s31+$0x80];
	[tilespmem:v21+s0+$0x0] =	vst.idx.msk $0xffff, v20  }
0x7c: {  	s25 =	sor.u32 s21, s16;
	v21 =	vor.u32 s2, v45;
	v20 =	vld [tilespmem:s4+$0x100];
	[tilespmem:v1+s0+$0x0] =	vst.idx.msk $0xffff, v0  }
0x7d: {  	v1 =	vor.u32 s17, v52;
	v0 =	vld [tilespmem:s25+$0x0];
	[tilespmem:v2+s0+$0x0] =	vst.idx.msk $0xffff, v3  }
0x7e: {  	s23 =	sor.u32 s15, s29;
	[tilespmem:v17+s0+$0x0] =	vst.idx.msk $0xffff, v16;
	v2 =	vor.u32 s12, v15;
	v3 =	vld [tilespmem:s30+$0x80]  }
0x7f: {  	v16 =	vld [tilespmem:s23+$0x0];
	[tilespmem:v18+s0+$0x0] =	vst.idx.msk $0xffff, v19  }
0x80: {  	v17 =	vor.u32 s13, v49;
	[tilespmem:v22+s0+$0x0] =	vst.idx.msk $0xffff, v23;
	v19 =	vld [tilespmem:s18+$0x100]  }
0x81: {  	v18 =	vor.u32 s26, v45;
	v23 =	vld [tilespmem:s31+$0x100];
	[tilespmem:v21+s0+$0x0] =	vst.idx.msk $0xffff, v20;
	s25 =	sor.u32 $0x2300, s1  }
0x82: {  	v22 =	vor.u32 s9, v45;
	v20 =	vld [tilespmem:s4+$0x180];
	s4 =	sor.u32 s21, s25;
	[tilespmem:v1+s0+$0x0] =	vst.idx.msk $0xffff, v0  }
0x83: {  	s23 =	simm.s32 $0x2;
	v21 =	vor.u32 s2, v24;
	v0 =	vld [tilespmem:s4+$0x0];
	[tilespmem:v2+s0+$0x0] =	vst.idx.msk $0xffff, v3;
	s4 =	simm.s32 $0x2  }
0x84: {  	s23 =	sand.u32 $0x3, s23;
	v1 =	vor.u32 s17, v53;
	[dreg:$0xa] =	wrdreg s4  }
0x85: {  	v2 =	vor.u32 s12, v45;
	s4 =	sshll.u32 s23, $0x5;
	s23 =	sor.u32 s22, s29;
	v3 =	vld [tilespmem:s30+$0x100];
	[tilespmem:v17+s0+$0x0] =	vst.idx.msk $0xffff, v16  }
0x86: {  	v16 =	vld [tilespmem:s23+$0x0];
	v17 =	vor.u32 s19, v49;
	s4 =	sadd.s32 $0x200, s4;
	[tilespmem:v18+s0+$0x0] =	vst.idx.msk $0xffff, v19  }
0x87: {  	p1 =	por !p1, !p1;
	v19 =	vor.u32 s26, v24;
	[tilespmem:v22+s0+$0x0] =	vst.idx.msk $0xffff, v23;
	v18 =	vld [tilespmem:s18+$0x180];
	s4 =	sadd.s32 $0x20, s4;
	s18 =	sor.u32 $0x2380, s1  }
0x88: {  	v23 =	vor.u32 s9, v24;
	[tilespmem:v21+s0+$0x0] =	vst.idx.msk $0xffff, v20;
	v22 =	vld [tilespmem:s31+$0x180];
	s1 =	simm.s32 $0x1;
	s31 =	simm.s32 $0x4;
	s23 =	sor.u32 $0x200, s4  }
0x89: {  	v21 =	vor.u32 s2, v25;
	s1 =	simm.s32 @!p1 $0x0;
	s21 =	sor.u32 s21, s18;
	v20 =	vld [tilespmem:s23+$0x0];
	[tilespmem:v1+s0+$0x0] =	vst.idx.msk $0xffff, v0;
	s23 =	sand.u32 $0x7, s31  }
0x8a: {  	v1 =	vor.u32 s17, v55;
	s1 =	sshll.u32 s1, $0x6;
	v0 =	vld [tilespmem:s21+$0x0];
	s21 =	sshll.u32 s23, $0x4;
	s23 =	sor.u32 s10, s29;
	[tilespmem:v2+s0+$0x0] =	vst.idx.msk $0xffff, v3  }
0x8b: {  	s1 =	sadd.s32 $0x200, s1;
	s17 =	sadd.s32 $0x200, s21;
	[tilespmem:v17+s0+$0x0] =	vst.idx.msk $0xffff, v16;
	v16 =	vld [tilespmem:s23+$0x0];
	v17 =	vor.u32 s14, v49  }
0x8c: {  	v3 =	vor.u32 s12, v24;
	s29 =	sor.u32 $0x200, s1;
	v2 =	vld [tilespmem:s30+$0x180];
	[tilespmem:v19+s0+$0x0] =	vst.idx.msk $0xffff, v18;
	s21 =	sadd.s32 $0x10, s17  }
0x8d: {  	v19 =	vor.u32 s26, v25;
	[tilespmem:v23+s0+$0x0] =	vst.idx.msk $0xffff, v22;
	v18 =	vld [tilespmem:s29+$0x0];
	s30 =	sor.u32 $0x200, s21  }
0x8e: {  	v23 =	vor.u32 s9, v25;
	s29 =	sor.u32 $0x280, s4;
	v22 =	vld [tilespmem:s30+$0x0];
	[tilespmem:v21+s0+$0x0] =	vst.idx.msk $0xffff, v20  }
0x8f: {  	v21 =	vor.u32 s2, v26;
	s30 =	sor.u32 s15, s28;
	v20 =	vld [tilespmem:s29+$0x0];
	[tilespmem:v1+s0+$0x0] =	vst.idx.msk $0xffff, v0  }
0x90: {  	s17 =	sadd.s32 $0x30, s17;
	v0 =	vld [tilespmem:s30+$0x0];
	v1 =	vor.u32 s13, v50;
	s30 =	sor.u32 s22, s28;
	[tilespmem:v17+s0+$0x0] =	vst.idx.msk $0xffff, v16  }
0x91: {  	s29 =	sor.u32 $0x200, s17;
	v16 =	vld [tilespmem:s30+$0x0];
	v17 =	vor.u32 s19, v50;
	[tilespmem:v3+s0+$0x0] =	vst.idx.msk $0xffff, v2  }
0x92: {  	v3 =	vor.u32 s12, v25;
	v2 =	vld [tilespmem:s29+$0x0];
	[tilespmem:v19+s0+$0x0] =	vst.idx.msk $0xffff, v18;
	s29 =	sor.u32 $0x280, s1  }
0x93: {  	s30 =	sor.u32 $0x280, s21;
	v19 =	vor.u32 s26, v26;
	v18 =	vld [tilespmem:s29+$0x0];
	[tilespmem:v23+s0+$0x0] =	vst.idx.msk $0xffff, v22  }
0x94: {  	s4 =	sor.u32 $0x300, s4;
	v23 =	vor.u32 s9, v26;
	v22 =	vld [tilespmem:s30+$0x0];
	[tilespmem:v21+s0+$0x0] =	vst.idx.msk $0xffff, v20  }
0x95: {  	s29 =	sor.u32 s10, s28;
	v21 =	vor.u32 s2, v54;
	[tilespmem:v1+s0+$0x0] =	vst.idx.msk $0xffff, v0;
	v20 =	vld [tilespmem:s4+$0x0]  }
0x96: {  	s23 =	sor.u32 s15, s16;
	v0 =	vld [tilespmem:s29+$0x0];
	v1 =	vor.u32 s14, v50;
	[tilespmem:v17+s0+$0x0] =	vst.idx.msk $0xffff, v16  }
0x97: {  	s30 =	sor.u32 $0x280, s17;
	v16 =	vld [tilespmem:s23+$0x0];
	v17 =	vor.u32 s13, v52;
	[tilespmem:v3+s0+$0x0] =	vst.idx.msk $0xffff, v2  }
0x98: {  	s1 =	sor.u32 $0x300, s1;
	s29 =	simm.s32 $0x60;
	v3 =	vor.u32 s12, v26;
	v2 =	vld [tilespmem:s30+$0x0];
	[tilespmem:v19+s0+$0x0] =	vst.idx.msk $0xffff, v18  }
0x99: {  	s28 =	sor.u32 $0x300, s21;
	s4 =	sor.u32 s29, s11;
	v19 =	vor.u32 s26, v54;
	v18 =	vld [tilespmem:s1+$0x0];
	[tilespmem:v23+s0+$0x0] =	vst.idx.msk $0xffff, v22  }
0x9a: {  	s30 =	sor.u32 $0x380, s4;
	v23 =	vor.u32 s9, v54;
	v22 =	vld [tilespmem:s28+$0x0];
	[tilespmem:v21+s0+$0x0] =	vst.idx.msk $0xffff, v20  }
0x9b: {  	s4 =	sor.u32 $0x300, s17;
	s17 =	simm.s32 $0xC000;
	[tilespmem:v1+s0+$0x0] =	vst.idx.msk $0xffff, v0;
	v21 =	vor.u32 s2, v47;
	s0 =	sor.u32 s22, s16;
	v20 =	vld [tilespmem:s30+$0x0]  }
0x9c: {  	s23 =	sor.u32 s10, s16;
	v1 =	vor.u32 s19, v52;
	[tilespmem:v17+s17+$0x0] =	vst.idx.msk $0xffff, v16;
	v0 =	vld [tilespmem:s0+$0x0]  }
0x9d: {  	v25 =	vor.u32 s14, v52;
	s21 =	sor.u32 s20, s11;
	v24 =	vld [tilespmem:s23+$0x0];
	s28 =	simm.s32 $0x50;
	[tilespmem:v3+s17+$0x0] =	vst.idx.msk $0xffff, v2  }
0x9e: {  	s1 =	sor.u32 $0x380, s21;
	s29 =	sor.u32 s28, s11;
	v3 =	vor.u32 s12, v54;
	v2 =	vld [tilespmem:s4+$0x0];
	[tilespmem:v19+s17+$0x0] =	vst.idx.msk $0xffff, v18  }
0x9f: {  	v33 =	vor.u32 s19, v53;
	v8 =	vor.u32 s19, v55;
	v28 =	vor.u32 s26, v47;
	s30 =	sor.u32 $0x380, s29;
	v26 =	vld [tilespmem:s1+$0x0];
	[tilespmem:v23+s17+$0x0] =	vst.idx.msk $0xffff, v22  }
0xa0: {  	v10 =	vor.u32 s13, v55;
	v30 =	vor.u32 s9, v47;
	s19 =	sor.u32 s15, s25;
	s0 =	sor.u32 $0x2000, s24;
	v29 =	vld [tilespmem:s30+$0x0];
	[tilespmem:v21+s17+$0x0] =	vst.idx.msk $0xffff, v20  }
0xa1: {  	v9 =	vor.u32 s14, v53;
	v7 =	vor.u32 s14, v55;
	s14 =	sor.u32 s6, s0;
	v23 =	vor.u32 s13, v53;
	[tilespmem:v1+s17+$0x0] =	vst.idx.msk $0xffff, v0;
	v0 =	vld [tilespmem:s19+$0x0]  }
0xa2: {  	v31 =	vor.u32 s2, v48;
	v38 =	vor.u32 s12, v48;
	v34 =	vor.u32 s12, v51;
	s20 =	sor.u32 s22, s25;
	s16 =	sor.u32 s5, s11;
	[tilespmem:v25+s17+$0x0] =	vst.idx.msk $0xffff, v24;
	v21 =	vld [tilespmem:s14+$0x0]  }
0xa3: {  	v43 =	vor.u32 s26, v48;
	v40 =	vor.u32 s26, v51;
	v36 =	vor.u32 s26, v32;
	s1 =	sor.u32 $0x380, s16;
	v4 =	vld [tilespmem:s20+$0x0];
	[tilespmem:v3+s17+$0x0] =	vst.idx.msk $0xffff, v2  }
0xa4: {  	v44 =	vor.u32 s9, v48;
	v41 =	vor.u32 s9, v51;
	s21 =	sor.u32 s8, s0;
	v1 =	vor.u32 s12, v47;
	v42 =	vld [tilespmem:s1+$0x0];
	[tilespmem:v28+s17+$0x0] =	vst.idx.msk $0xffff, v26  }
0xa5: {  	v13 =	vor.u32 s26, v52;
	v11 =	vor.u32 s26, v53;
	v39 =	vor.u32 s26, v55;
	s29 =	sor.u32 s10, s25;
	v46 =	vld [tilespmem:s21+$0x0];
	[tilespmem:v30+s17+$0x0] =	vst.idx.msk $0xffff, v29  }
0xa6: {  	v35 =	vor.u32 s9, v32;
	v16 =	vor.u32 s26, v50;
	s23 =	sor.u32 s7, s0;
	v20 =	vor.u32 s26, v49;
	s26 =	sor.u32 $0x2080, s24;
	[tilespmem:v23+s17+$0x0] =	vst.idx.msk $0xffff, v0;
	v0 =	vld [tilespmem:s29+$0x0]  }
0xa7: {  	v12 =	vor.u32 s9, v53;
	v37 =	vor.u32 s9, v55;
	v32 =	vor.u32 s12, v32;
	s28 =	sor.u32 s6, s26;
	v2 =	vld [tilespmem:s23+$0x0];
	[tilespmem:v31+s17+$0x0] =	vst.idx.msk $0xffff, v21  }
0xa8: {  	p1 =	por !p1, !p1;
	v17 =	vor.u32 s9, v52;
	s10 =	sor.u32 s10, s18;
	v24 =	vor.u32 s9, v49;
	s30 =	sor.u32 s15, s18;
	v30 =	vor.u32 s9, v50;
	[tilespmem:v33+s17+$0x0] =	vst.idx.msk $0xffff, v4;
	v3 =	vld [tilespmem:s28+$0x0]  }
0xa9: {  	s4 =	sor.u32 s3, s0;
	s13 =	sor.u32 s22, s18;
	s14 =	sor.u32 s7, s26;
	v23 =	vor.u32 s12, v50;
	v29 =	vor.u32 s12, v55;
	v31 =	vor.u32 s12, v49;
	[tilespmem:v1+s17+$0x0] =	vst.idx.msk $0xffff, v42;
	v1 =	vld [tilespmem:s30+$0x0]  }
0xaa: {  	s1 =	sor.u32 s3, s26;
	s9 =	simm.s32 $0x4;
	v21 =	vor.u32 s12, v52;
	v33 =	vor.u32 s12, v53;
	v42 =	vld [tilespmem:s4+$0x0];
	s4 =	sor.u32 s8, s26;
	[tilespmem:v43+s17+$0x0] =	vst.idx.msk $0xffff, v46;
	v43 =	vor.u32 s2, v51  }
.LBB2_3:
0xab: {  	[tilespmem:$0x1FF50] =	vst v12  }
0xac: {  	[tilespmem:$0x1FF30] =	vst v11  }
0xad: {  	[tilespmem:$0x1FEE0] =	vst v17  }
0xae: {  	[tilespmem:$0x1FEA0] =	vst v23  }
0xaf: {  	[tilespmem:$0x1FF10] =	vst v21  }
0xb0: {  	[tilespmem:$0x1FED0] =	vst v13;
	s12 =	sadd.s32 $0x400, s12;
	v4 =	vmov v37  }
0xb1: {  	v46 =	vld [tilespmem:s4+$0x0];
	v5 =	vor.u32 s12, v47;
	[tilespmem:$0x1FF00] =	vst v4  }
0xb2: {  	v13 =	vld [tilespmem:$0x1FFA0];
	[tilespmem:$0x1FF40] =	vst v5  }
0xb3: {  	v23 =	vld [tilespmem:$0x1FF70];
	[tilespmem:v44+s17+$0x0] =	vst.idx.msk $0xffff, v2  }
0xb4: {  	s20 =	simm.s32 $0xC000;
	v49 =	vld [tilespmem:$0x1FF90];
	[tilespmem:v43+s17+$0x0] =	vst.idx.msk $0xffff, v3  }
0xb5: {  	s15 =	simm.s32 $0x1;
	v25 =	vld [tilespmem:$0x1FFD0];
	[tilespmem:v9+s20+$0x0] =	vst.idx.msk $0xffff, v0  }
0xb6: {  	s26 =	sor.u32 $0x2100, s24;
	s31 =	sadd.s32 $0x4, s31;
	s5 =	sadd.s32 $0x40, s5;
	[tilespmem:v38+s20+$0x0] =	vst.idx.msk $0xffff, v42;
	v42 =	vmov v24;
	v24 =	vld [tilespmem:$0x1FF80]  }
0xb7: {  	s11 =	sadd.s32 $0x200, s11;
	s19 =	sor.u32 $0x2180, s24;
	v17 =	vld [tilespmem:$0x1FFC0];
	s15 =	simm.s32 @!p1 $0x0;
	v0 =	vmov v33;
	[tilespmem:v10+s20+$0x0] =	vst.idx.msk $0xffff, v1  }
0xb8: {  	[dreg:$0xd] =	wrdreg s31;
	s18 =	sor.u32 s8, s26;
	s16 =	sor.u32 s6, s26;
	v2 =	vld [tilespmem:s14+$0x0];
	[tilespmem:$0x1FE70] =	vst v0  }
0xb9: {  	s22 =	sor.u32 s7, s26;
	s28 =	sand.u32 $0x7, s31;
	s0 =	sadd.s32 $0xFFFFFFF0, s5;
	v3 =	vld [tilespmem:s16+$0x0];
	v1 =	vor.u32 s12, v23;
	[tilespmem:v40+s20+$0x0] =	vst.idx.msk $0xffff, v46  }
0xba: {  	s21 =	sadd.s32 $0xFFFFFFD0, s5;
	s30 =	sand.u32 $0x70, s5;
	[smem:$0x7EB] =	sst s0;
	v63 =	vld [tilespmem:s13+$0x0];
	v4 =	vor.u32 s12, v25;
	[tilespmem:$0x1FE80] =	vst v1  }
0xbb: {  	s29 =	sor.u32 s6, s19;
	s0 =	sand.u32 $0x60, s0;
	[smem:$0x7E3] =	sst s30;
	v44 =	vor.u32 s2, v13;
	v46 =	vmov v16;
	v16 =	vld [tilespmem:$0x1FFB0];
	[tilespmem:$0x1FF20] =	vst v4;
	v1 =	vor.u32 s12, v24  }
0xbc: {  	s31 =	sadd.s32 $0xFFFFFE00, s12;
	[smem:$0x7E2] =	sst s0;
	s13 =	sand.u32 $0x1C00, s11;
	v50 =	vld [tilespmem:s1+$0x0];
	[tilespmem:$0x1FE90] =	vst v1;
	v1 =	vor.u32 s12, v49  }
0xbd: {  	s17 =	sadd.s32 $0xFFFFFF00, s12;
	s14 =	sshll.u32 s15, $0x6;
	[tilespmem:$0x1FEC0] =	vst v1;
	v1 =	vld [tilespmem:s10+$0x0];
	s10 =	sor.u32 s0, s13  }
0xbe: {  	s16 =	sor.u32 s3, s26;
	s26 =	sshll.u32 s28, $0x4;
	v61 =	vor.u32 s17, v14;
	s15 =	sand.u32 $0x40, s21;
	[tilespmem:v41+s20+$0x0] =	vst.idx.msk $0xffff, v2;
	v2 =	vld [tilespmem:s10+$0x0]  }
0xbf: {  	s28 =	sadd.s32 $0xFFFFFD00, s12;
	v60 =	vld [tilespmem:s18+$0x0];
	s1 =	sadd.s32 $0xFFFFFFE0, s5;
	s18 =	sor.u32 s15, s13;
	[tilespmem:v8+s20+$0x0] =	vst.idx.msk $0xffff, v63  }
0xc0: {  	s23 =	sand.u32 $0x50, s1;
	s1 =	sor.u32 s1, s11;
	v55 =	vld [tilespmem:s22+$0x0];
	s0 =	sadd.s32 s11, s26;
	[tilespmem:v44+s20+$0x0] =	vst.idx.msk $0xffff, v3;
	v3 =	vor.u32 s12, v17  }
0xc1: {  	s14 =	sadd.s32 s14, s11;
	s1 =	sor.u32 $0x380, s1;
	v44 =	vor.u32 s2, v16;
	s22 =	sadd.s32 $0x10, s0;
	[tilespmem:$0x1FEB0] =	vst v3;
	v3 =	vld [tilespmem:s29+$0x0]  }
0xc2: {  	[smem:$0x7EF] =	sst s1;
	v41 =	vld [tilespmem:s18+$0x0];
	[tilespmem:v34+s20+$0x0] =	vst.idx.msk $0xffff, v50;
	v50 =	vor.u32 s28, v14;
	s4 =	sadd.s32 $0x30, s0;
	s26 =	sor.u32 $0x200, s22  }
0xc3: {  	s29 =	sor.u32 s30, s13;
	s30 =	sor.u32 $0x200, s4;
	[smem:$0x7E5] =	sst s26;
	[tilespmem:v61+s20+$0x0] =	vst.idx.msk $0xffff, v2  }
0xc4: {  	v43 =	vmov v39;
	v9 =	vor.u32 s17, v15;
	s25 =	sor.u32 s23, s13;
	[tilespmem:v36+s20+$0x0] =	vst.idx.msk $0xffff, v60;
	[smem:$0x7E6] =	sst s30;
	s26 =	sor.u32 $0x200, s14;
	v39 =	vld [tilespmem:s10+$0x80]  }
0xc5: {  	v5 =	vor.u32 s31, v14;
	v57 =	vld [tilespmem:s25+$0x0];
	s30 =	sor.u32 $0x2200, s24;
	[smem:$0x7E4] =	sst s26;
	s26 =	sor.u32 $0x280, s22;
	[tilespmem:v7+s20+$0x0] =	vst.idx.msk $0xffff, v1  }
0xc6: {  	s0 =	sor.u32 $0x280, s14;
	[smem:$0x7E8] =	sst s26;
	s26 =	sor.u32 s6, s30;
	v2 =	vld [tilespmem:s29+$0x0];
	[tilespmem:v44+s20+$0x0] =	vst.idx.msk $0xffff, v3  }
0xc7: {  	v11 =	vor.u32 s2, v17;
	[smem:$0x7E7] =	sst s0;
	s22 =	sor.u32 $0x300, s22;
	[tilespmem:v50+s20+$0x0] =	vst.idx.msk $0xffff, v41;
	v10 =	vld [tilespmem:s26+$0x0]  }
0xc8: {  	v4 =	vor.u32 s28, v15;
	[smem:$0x7EC] =	sst s22;
	s22 =	sor.u32 $0x280, s4;
	[tilespmem:v35+s20+$0x0] =	vst.idx.msk $0xffff, v55;
	v37 =	vld [tilespmem:s18+$0x80]  }
0xc9: {  	v59 =	vor.u32 s12, v15;
	v6 =	vor.u32 s12, v54;
	v0 =	vor.u32 s12, v14;
	s1 =	sor.u32 s3, s19;
	[smem:$0x7E9] =	sst s22;
	s22 =	sor.u32 $0x300, s14;
	v12 =	vld [tilespmem:s16+$0x0];
	[tilespmem:v9+s20+$0x0] =	vst.idx.msk $0xffff, v39  }
0xca: {  	v18 =	vmovc v14;
	v19 =	vmov v15;
	v7 =	vor.u32 s31, v15;
	v15 =	vor.u32 s17, v45;
	[tilespmem:v5+s20+$0x0] =	vst.idx.msk $0xffff, v57;
	[smem:$0x7EA] =	sst s22;
	s26 =	sor.u32 s21, s11;
	s21 =	sor.u32 $0x300, s4;
	v14 =	vld [tilespmem:s10+$0x100]  }
0xcb: {  	v52 =	vor.u32 s12, v45;
	[tilespmem:$0x1FEF0] =	vst v6;
	v6 =	vor.u32 s28, v45;
	s0 =	sor.u32 $0x2280, s24;
	s16 =	sor.u32 s8, s19;
	v5 =	vld [tilespmem:s25+$0x80];
	[smem:$0x7ED] =	sst s21  }
0xcc: {  	v26 =	vld [tilespmem:$0x1FFE0];
	v28 =	vmovc v20;
	v20 =	vmovc v45;
	v21 =	vor.u32 s12, v16;
	v8 =	vor.u32 s31, v45;
	v45 =	vor.u32 s2, v25;
	s22 =	sor.u32 $0x380, s26;
	s26 =	sor.u32 s5, s11;
	s21 =	sor.u32 s6, s0;
	[tilespmem:v11+s20+$0x0] =	vst.idx.msk $0xffff, v10  }
0xcd: {  	s4 =	sor.u32 s7, s19;
	[smem:$0x7EE] =	sst s22;
	s14 =	sor.u32 $0x380, s26;
	[tilespmem:v4+s20+$0x0] =	vst.idx.msk $0xffff, v37;
	v9 =	vor.u32 s28, v16;
	v10 =	vor.u32 s31, v16;
	v16 =	vld [tilespmem:s21+$0x0]  }
0xce: {  	v58 =	vor.u32 s12, v13;
	v36 =	vor.u32 s28, v13;
	s19 =	sor.u32 s7, s30;
	s26 =	sor.u32 s8, s0;
	[smem:$0x7F0] =	sst s14;
	[tilespmem:v0+s20+$0x0] =	vst.idx.msk $0xffff, v2;
	v4 =	vld [tilespmem:s16+$0x0]  }
0xcf: {  	v35 =	vor.u32 s31, v13;
	v13 =	vor.u32 s28, v17;
	s22 =	sor.u32 s7, s0;
	s14 =	sor.u32 s8, s30;
	s16 =	rddreg [dreg:$0xa];
	v11 =	vor.u32 s31, v17;
	v17 =	vld [tilespmem:s29+$0x80];
	[tilespmem:v15+s20+$0x0] =	vst.idx.msk $0xffff, v14  }
0xd0: {  	[tilespmem:v7+s20+$0x0] =	vst.idx.msk $0xffff, v5;
	s16 =	sadd.s32 $0x2, s16;
	s21 =	sor.u32 s3, s30;
	s30 =	sor.u32 s3, s0;
	v14 =	vor.u32 s17, v23;
	v7 =	vld [tilespmem:s10+$0x180]  }
0xd1: {  	[tilespmem:v32+s20+$0x0] =	vst.idx.msk $0xffff, v12;
	v5 =	vld [tilespmem:s25+$0x100];
	s0 =	sor.u32 $0x2300, s24;
	[dreg:$0xa] =	wrdreg s16;
	s16 =	sand.u32 $0x3, s16  }
0xd2: {  	v12 =	vld [tilespmem:s18+$0x100];
	s16 =	sshll.u32 s16, $0x5;
	[tilespmem:v45+s20+$0x0] =	vst.idx.msk $0xffff, v16;
	s10 =	sor.u32 s6, s0  }
0xd3: {  	[tilespmem:v28+s20+$0x0] =	vst.idx.msk $0xffff, v4;
	v15 =	vld [tilespmem:s10+$0x0];
	s10 =	sadd.s32 s11, s16  }
0xd4: {  	v4 =	vld [tilespmem:s4+$0x0];
	[tilespmem:v59+s20+$0x0] =	vst.idx.msk $0xffff, v17;
	v16 =	vor.u32 s2, v26;
	s4 =	sadd.s32 $0x20, s10  }
0xd5: {  	v27 =	vld [tilespmem:$0x1FFF0];
	s10 =	sor.u32 $0x200, s4;
	[tilespmem:v14+s20+$0x0] =	vst.idx.msk $0xffff, v7  }
0xd6: {  	[tilespmem:v8+s20+$0x0] =	vst.idx.msk $0xffff, v5;
	v8 =	vor.u32 s17, v24;
	v7 =	vld [tilespmem:s10+$0x0]  }
0xd7: {  	v17 =	vld [tilespmem:s29+$0x100]  }
0xd8: {  	[tilespmem:v6+s20+$0x0] =	vst.idx.msk $0xffff, v12;
	v5 =	vld [tilespmem:s25+$0x180];
	s25 =	sor.u32 $0x2380, s24  }
0xd9: {  	v1 =	vmov v29;
	v6 =	vld [tilespmem:s18+$0x180];
	[tilespmem:v16+s20+$0x0] =	vst.idx.msk $0xffff, v15;
	s10 =	sor.u32 s6, s25  }
0xda: {  	[tilespmem:$0x1FF60] =	vst v1;
	v12 =	vor.u32 s2, v27;
	v45 =	vmov v20;
	v20 =	vmov v9;
	s2 =	smov.u32 s17;
	s17 =	simm.s32 $0xC000;
	v9 =	vld [tilespmem:s10+$0x0]  }
0xdb: {  	v1 =	vor.u32 s28, v23;
	[tilespmem:v8+s17+$0x0] =	vst.idx.msk $0xffff, v7;
	v7 =	vld [tilespmem:$0x1FE80];
	_ =	sdelay $0x1  }
0xdc: {  	s24 =	smov.u32 s13;
	s18 =	sor.u32 s8, s25;
	[tilespmem:v52+s20+$0x0] =	vst.idx.msk $0xffff, v17  }
0xdd: {  	s13 =	sor.u32 s7, s25;
	v14 =	vld [tilespmem:s29+$0x180];
	s10 =	sor.u32 s3, s25;
	s25 =	sld [smem:$0x7E4]  }
0xde: {  	v3 =	vor.u32 s31, v23  }
0xdf: {  	v62 =	vor.u32 s12, v51;
	[tilespmem:v1+s17+$0x0] =	vst.idx.msk $0xffff, v6  }
0xe0: {  	v34 =	vmov v62;
	v62 =	vor.u32 s28, v24;
	[tilespmem:v42+s17+$0x0] =	vst.idx.msk $0xffff, v4;
	s20 =	sld [smem:$0x7E2];
	v4 =	vld [tilespmem:s25+$0x0]  }
0xe1: {  	v1 =	vld [tilespmem:s1+$0x0];
	s29 =	sld [smem:$0x7E5]  }
0xe2: {  	s16 =	sld [smem:$0x7E6];
	[tilespmem:v7+s17+$0x0] =	vst.idx.msk $0xffff, v14;
	v7 =	vld [tilespmem:s14+$0x0]  }
0xe3: {  	v22 =	vmovc v51;
	v56 =	vor.u32 s31, v54;
	v51 =	vor.u32 s31, v47;
	v63 =	vor.u32 s12, v27;
	[tilespmem:v3+s17+$0x0] =	vst.idx.msk $0xffff, v5;
	s6 =	smov.u32 s20;
	s20 =	sld [smem:$0x7E7]  }
0xe4: {  	v53 =	vor.u32 s28, v47;
	v40 =	vor.u32 s28, v22;
	v29 =	vmovc v63;
	v63 =	vor.u32 s31, v24;
	v3 =	vld [tilespmem:s29+$0x0]  }
0xe5: {  	v41 =	vor.u32 s31, v22;
	v61 =	vor.u32 s31, v49;
	v44 =	vor.u32 s31, v48;
	[tilespmem:v62+s17+$0x0] =	vst.idx.msk $0xffff, v4;
	v8 =	vld [tilespmem:s16+$0x0]  }
0xe6: {  	v0 =	vor.u32 s31, v25;
	v37 =	vor.u32 s31, v27;
	v32 =	vmovc v58;
	v58 =	vor.u32 s31, v26;
	s31 =	sor.u32 s7, s0;
	s7 =	smov.u32 s23;
	s23 =	sld [smem:$0x7E3];
	v4 =	vld [tilespmem:s20+$0x0]  }
0xe7: {  	v60 =	vor.u32 s28, v49;
	v55 =	vor.u32 s28, v54;
	v50 =	vor.u32 s28, v48;
	[tilespmem:v46+s17+$0x0] =	vst.idx.msk $0xffff, v7;
	v7 =	vld [tilespmem:$0x1FE90]  }
0xe8: {  	v57 =	vor.u32 s28, v26;
	v2 =	vor.u32 s28, v25;
	v39 =	vor.u32 s28, v27;
	s28 =	sor.u32 s8, s0;
	[tilespmem:v31+s17+$0x0] =	vst.idx.msk $0xffff, v1;
	v1 =	vld [tilespmem:s19+$0x0]  }
0xe9: {  	s0 =	sor.u32 s3, s0;
	s3 =	smov.u32 s23;
	s23 =	sld [smem:$0x7E8]  }
0xea: {  	s8 =	smov.u32 s15;
	s15 =	sor.u32 $0x280, s4  }
0xeb: {  	v5 =	vld [tilespmem:s15+$0x0];
	[tilespmem:v63+s17+$0x0] =	vst.idx.msk $0xffff, v3  }
0xec: {  	v3 =	vld [tilespmem:s23+$0x0]  }
0xed: {  	v6 =	vor.u32 s2, v49;
	[tilespmem:v30+s17+$0x0] =	vst.idx.msk $0xffff, v1;
	v30 =	vmov v11;
	v11 =	vld [tilespmem:$0x1FEA0];
	_ =	sdelay $0x1  }
0xee: {  	[tilespmem:v7+s17+$0x0] =	vst.idx.msk $0xffff, v8  }
0xef: {  	v7 =	vld [tilespmem:s21+$0x0]  }
0xf0: {  	s29 =	sld [smem:$0x7E9];
	[tilespmem:v12+s17+$0x0] =	vst.idx.msk $0xffff, v9  }
0xf1: {  	s25 =	sor.u32 $0x300, s4;
	[tilespmem:v6+s17+$0x0] =	vst.idx.msk $0xffff, v5  }
0xf2: {  	v6 =	vor.u32 s2, v54;
	v5 =	vld [tilespmem:s25+$0x0]  }
0xf3: {  	s14 =	sld [smem:$0x7EB];
	v8 =	vld [tilespmem:s29+$0x0]  }
0xf4: {  	[tilespmem:v11+s17+$0x0] =	vst.idx.msk $0xffff, v7;
	v7 =	vld [tilespmem:$0x1FEB0];
	_ =	sdelay $0x1  }
0xf5: {  	s1 =	sor.u32 s14, s11  }
0xf6: {  	[tilespmem:v6+s17+$0x0] =	vst.idx.msk $0xffff, v5;
	s1 =	sor.u32 $0x380, s1  }
0xf7: {  	v5 =	vld [tilespmem:s1+$0x0]  }
0xf8: {  	v6 =	vor.u32 s2, v47;
	v23 =	vmov v7;
	v7 =	vld [tilespmem:$0x1FEC0]  }
0xf9: {  	s4 =	sld [smem:$0x7EA];
	v11 =	vld [tilespmem:$0x1FED0]  }
0xfa: {  	[tilespmem:v60+s17+$0x0] =	vst.idx.msk $0xffff, v4  }
0xfb: {  	s15 =	sld [smem:$0x7EC];
	v1 =	vld [tilespmem:s26+$0x0]  }
0xfc: {  	v4 =	vld [tilespmem:s4+$0x0];
	[tilespmem:v61+s17+$0x0] =	vst.idx.msk $0xffff, v3  }
0xfd: {  	[tilespmem:v6+s17+$0x0] =	vst.idx.msk $0xffff, v5;
	v6 =	vld [tilespmem:$0x1FEE0]  }
0xfe: {  	v3 =	vld [tilespmem:s15+$0x0];
	_ =	sdelay $0x1  }
0xff: {  	s16 =	sld [smem:$0x7ED];
	s20 =	sor.u32 $0x2000, s24;
	[tilespmem:v7+s17+$0x0] =	vst.idx.msk $0xffff, v8;
	v7 =	vld [tilespmem:s22+$0x0]  }
0x100: {  	v17 =	vmov v0;
	v0 =	vld [tilespmem:$0x1FEF0];
	s25 =	sor.u32 s6, s20;
	[tilespmem:v11+s17+$0x0] =	vst.idx.msk $0xffff, v1;
	s22 =	sld [smem:$0x7EF]  }
0x101: {  	v5 =	vor.u32 s2, v48;
	[tilespmem:v55+s17+$0x0] =	vst.idx.msk $0xffff, v4;
	v4 =	vld [tilespmem:s25+$0x0]  }
0x102: {  	s19 =	sld [smem:$0x7EE];
	[tilespmem:v56+s17+$0x0] =	vst.idx.msk $0xffff, v3;
	v8 =	vld [tilespmem:s16+$0x0]  }
0x103: {  	v3 =	vld [tilespmem:s22+$0x0]  }
0x104: {  	[tilespmem:v6+s17+$0x0] =	vst.idx.msk $0xffff, v7;
	v7 =	vld [tilespmem:$0x1FF10]  }
0x105: {  	v16 =	vmov v13;
	v13 =	vmov v2;
	v2 =	vld [tilespmem:s19+$0x0]  }
0x106: {  	[tilespmem:v5+s17+$0x0] =	vst.idx.msk $0xffff, v4;
	v4 =	vld [tilespmem:$0x1FF30]  }
0x107: {  	v1 =	vld [tilespmem:s30+$0x0]  }
0x108: {  	[tilespmem:v0+s17+$0x0] =	vst.idx.msk $0xffff, v8;
	v0 =	vld [tilespmem:s28+$0x0];
	s28 =	sld [smem:$0x7F0];
	_ =	sdelay $0x2  }
0x109: {  	[tilespmem:v53+s17+$0x0] =	vst.idx.msk $0xffff, v2;
	v6 =	vld [tilespmem:s28+$0x0]  }
0x10a: {  	s21 =	sor.u32 s8, s20;
	[tilespmem:v7+s17+$0x0] =	vst.idx.msk $0xffff, v1;
	v1 =	vld [tilespmem:$0x1FF20]  }
0x10b: {  	v7 =	vld [tilespmem:s21+$0x0]  }
0x10c: {  	[tilespmem:v4+s17+$0x0] =	vst.idx.msk $0xffff, v0;
	v0 =	vld [tilespmem:$0x1FF40];
	_ =	sdelay $0x1  }
0x10d: {  	v9 =	vld [tilespmem:$0x1FE70]  }
0x10e: {  	v4 =	vld [tilespmem:$0x1FF50]  }
0x10f: {  	s29 =	sor.u32 $0x2080, s24;
	v8 =	vld [tilespmem:$0x1FF00]  }
0x110: {  	s9 =	sadd.s32 $0x4, s9;
	v31 =	vmov v21;
	s30 =	sor.u32 s6, s29;
	v21 =	vmov v1;
	v1 =	vld [tilespmem:s31+$0x0]  }
0x111: {  	p2 =	slt.u32 s9, $0x3C;
	[tilespmem:v51+s17+$0x0] =	vst.idx.msk $0xffff, v3;
	v3 =	vld [tilespmem:s30+$0x0]  }
.Ltmp0:
0x112: {  	s23 =	sor.u32 s7, s20;
	[tilespmem:v50+s17+$0x0] =	vst.idx.msk $0xffff, v7;
	v7 =	vld [tilespmem:$0x1FF60];
	(pc) =	sbr.rel @p2 .LBB2_3-.Ltmp0, $4  }
0x113: {  	v2 =	vld [tilespmem:s23+$0x0];
	[tilespmem:v0+s17+$0x0] =	vst.idx.msk $0xffff, v6  }
0x114: {  	s26 =	sor.u32 s3, s20;
	v0 =	vld [tilespmem:s0+$0x0]  }
0x115: {  	p1 =	por !p1, !p1;
	v38 =	vor.u32 s12, v48;
	v33 =	vor.u32 s12, v26;
	v24 =	vmovc v10;
	v10 =	vmovc v43;
	v43 =	vor.u32 s2, v22;
	s4 =	sor.u32 s8, s29;
	v42 =	vld [tilespmem:s26+$0x0]  }
0x116: {  	v15 =	vmovc v19;
	v12 =	vmovc v58;
	v14 =	vmov v18;
	s14 =	sor.u32 s7, s29;
	s1 =	sor.u32 s3, s29;
	v11 =	vmov v57;
	s31 =	rddreg [dreg:$0xd];
	v51 =	vmov v22;
	[tilespmem:v4+s17+$0x0] =	vst.idx.msk $0xffff, v1;
	v1 =	vld [tilespmem:s18+$0x0]  }
0x117: {  	_ =	sdelay $0x3  }
0x118: {  	[tilespmem:v43+s17+$0x0] =	vst.idx.msk $0xffff, v3  }
0x119: {  	[tilespmem:v44+s17+$0x0] =	vst.idx.msk $0xffff, v2  }
0x11a: {  	[tilespmem:v38+s17+$0x0] =	vst.idx.msk $0xffff, v42  }
0x11b: {  	v38 =	vld [tilespmem:$0x1FFA0];
	_ =	sdelay $0x1  }
0x11c: {  	v4 =	vld [tilespmem:s4+$0x0]  }
0x11d: {  	s0 =	sor.u32 $0x2100, s24;
	v2 =	vld [tilespmem:s14+$0x0]  }
0x11e: {  	s4 =	sor.u32 s6, s0;
	v5 =	vld [tilespmem:s1+$0x0]  }
0x11f: {  	v3 =	vld [tilespmem:s4+$0x0];
	v6 =	vor.u32 s2, v38;
	_ =	sdelay $0x1  }
0x120: {  	[tilespmem:v40+s17+$0x0] =	vst.idx.msk $0xffff, v4  }
0x121: {  	[tilespmem:v41+s17+$0x0] =	vst.idx.msk $0xffff, v2  }
0x122: {  	[tilespmem:v34+s17+$0x0] =	vst.idx.msk $0xffff, v5  }
0x123: {  	[tilespmem:v6+s17+$0x0] =	vst.idx.msk $0xffff, v3  }
0x124: {  	v49 =	vld [tilespmem:$0x1FFB0]  }
0x125: {  	s5 =	sor.u32 s8, s0  }
0x126: {  	s9 =	sor.u32 s7, s0;
	v4 =	vld [tilespmem:s5+$0x0]  }
0x127: {  	s11 =	sor.u32 $0x2180, s24;
	s0 =	sor.u32 s3, s0;
	v2 =	vld [tilespmem:s9+$0x0]  }
0x128: {  	s12 =	sor.u32 s6, s11;
	v5 =	vld [tilespmem:s0+$0x0]  }
0x129: {  	v3 =	vld [tilespmem:s12+$0x0];
	v34 =	vor.u32 s2, v49;
	_ =	sdelay $0x1  }
0x12a: {  	[tilespmem:v36+s17+$0x0] =	vst.idx.msk $0xffff, v4  }
0x12b: {  	[tilespmem:v35+s17+$0x0] =	vst.idx.msk $0xffff, v2  }
0x12c: {  	[tilespmem:v32+s17+$0x0] =	vst.idx.msk $0xffff, v5  }
0x12d: {  	[tilespmem:v34+s17+$0x0] =	vst.idx.msk $0xffff, v3  }
0x12e: {  	v50 =	vld [tilespmem:$0x1FFC0]  }
0x12f: {  	s14 =	sor.u32 s8, s11  }
0x130: {  	s15 =	sor.u32 s7, s11;
	v2 =	vld [tilespmem:s14+$0x0]  }
0x131: {  	s16 =	sor.u32 $0x2200, s24;
	s0 =	sor.u32 s3, s11;
	v4 =	vld [tilespmem:s15+$0x0]  }
0x132: {  	s18 =	sor.u32 s6, s16;
	v5 =	vld [tilespmem:s0+$0x0]  }
0x133: {  	v3 =	vld [tilespmem:s18+$0x0];
	v35 =	vor.u32 s2, v50;
	_ =	sdelay $0x1  }
0x134: {  	[tilespmem:v20+s17+$0x0] =	vst.idx.msk $0xffff, v2  }
0x135: {  	[tilespmem:v24+s17+$0x0] =	vst.idx.msk $0xffff, v4  }
0x136: {  	[tilespmem:v31+s17+$0x0] =	vst.idx.msk $0xffff, v5  }
0x137: {  	[tilespmem:v35+s17+$0x0] =	vst.idx.msk $0xffff, v3  }
0x138: {  	v52 =	vld [tilespmem:$0x1FFD0]  }
0x139: {  	s19 =	sor.u32 s8, s16  }
0x13a: {  	s20 =	sor.u32 s7, s16;
	v2 =	vld [tilespmem:s19+$0x0]  }
0x13b: {  	s21 =	sor.u32 $0x2280, s24;
	s0 =	sor.u32 s3, s16;
	v4 =	vld [tilespmem:s20+$0x0]  }
0x13c: {  	s22 =	sor.u32 s6, s21;
	v5 =	vld [tilespmem:s0+$0x0]  }
0x13d: {  	v3 =	vld [tilespmem:s22+$0x0];
	v36 =	vor.u32 s2, v52;
	_ =	sdelay $0x1  }
0x13e: {  	[tilespmem:v16+s17+$0x0] =	vst.idx.msk $0xffff, v2  }
0x13f: {  	[tilespmem:v30+s17+$0x0] =	vst.idx.msk $0xffff, v4  }
0x140: {  	s23 =	sor.u32 s8, s21;
	[tilespmem:v23+s17+$0x0] =	vst.idx.msk $0xffff, v5  }
0x141: {  	v2 =	vld [tilespmem:s23+$0x0];
	[tilespmem:v36+s17+$0x0] =	vst.idx.msk $0xffff, v3  }
0x142: {  	s25 =	sor.u32 s7, s21;
	v53 =	vld [tilespmem:$0x1FFE0]  }
0x143: {  	s0 =	sor.u32 s3, s21;
	v4 =	vld [tilespmem:s25+$0x0]  }
0x144: {  	v5 =	vld [tilespmem:s0+$0x0]  }
0x145: {  	s26 =	sor.u32 $0x2300, s24  }
0x146: {  	s28 =	sor.u32 s6, s26  }
0x147: {  	v3 =	vld [tilespmem:s28+$0x0];
	[tilespmem:v13+s17+$0x0] =	vst.idx.msk $0xffff, v2;
	v40 =	vor.u32 s2, v53  }
0x148: {  	[tilespmem:v17+s17+$0x0] =	vst.idx.msk $0xffff, v4  }
0x149: {  	[tilespmem:v21+s17+$0x0] =	vst.idx.msk $0xffff, v5  }
0x14a: {  	[tilespmem:v9+s17+$0x0] =	vst.idx.msk $0xffff, v0  }
0x14b: {  	s31 =	sor.u32 s8, s26;
	[tilespmem:v10+s17+$0x0] =	vst.idx.msk $0xffff, v1  }
0x14c: {  	v2 =	vld [tilespmem:s31+$0x0];
	[tilespmem:v40+s17+$0x0] =	vst.idx.msk $0xffff, v3  }
0x14d: {  	s5 =	sor.u32 s7, s26;
	v55 =	vld [tilespmem:$0x1FFF0]  }
0x14e: {  	s0 =	sor.u32 s3, s26;
	v4 =	vld [tilespmem:s5+$0x0]  }
0x14f: {  	v0 =	vld [tilespmem:s0+$0x0]  }
0x150: {  	s9 =	sor.u32 $0x2380, s24;
	v5 =	vld [tilespmem:s13+$0x0]  }
0x151: {  	s11 =	sor.u32 s6, s9;
	v1 =	vld [tilespmem:s10+$0x0]  }
0x152: {  	s12 =	sor.u32 s8, s9;
	v3 =	vld [tilespmem:s11+$0x0];
	[tilespmem:v11+s17+$0x0] =	vst.idx.msk $0xffff, v2;
	v41 =	vor.u32 s2, v55  }
0x153: {  	s13 =	sor.u32 s7, s9;
	[tilespmem:v12+s17+$0x0] =	vst.idx.msk $0xffff, v4;
	v2 =	vld [tilespmem:s12+$0x0]  }
0x154: {  	s0 =	sor.u32 s3, s9;
	[tilespmem:v33+s17+$0x0] =	vst.idx.msk $0xffff, v0;
	v0 =	vld [tilespmem:s13+$0x0]  }
0x155: {  	[tilespmem:v8+s17+$0x0] =	vst.idx.msk $0xffff, v5;
	v4 =	vld [tilespmem:s0+$0x0]  }
0x156: {  	[tilespmem:v7+s17+$0x0] =	vst.idx.msk $0xffff, v1  }
0x157: {  	s14 =	sld [smem:$0x7F2];
	[tilespmem:v41+s17+$0x0] =	vst.idx.msk $0xffff, v3  }
0x158: {  	s15 =	sld [smem:$0x7F3];
	[tilespmem:v39+s17+$0x0] =	vst.idx.msk $0xffff, v2  }
0x159: {  	[tilespmem:v37+s17+$0x0] =	vst.idx.msk $0xffff, v0  }
0x15a: {  	s0 =	smul.u32 $0x186A00, s14;
	[tilespmem:v29+s17+$0x0] =	vst.idx.msk $0xffff, v4  }
0x15b: {  	s16 =	sld [smem:$0x7FA];
	s1 =	sshll.u32 s15, $0xB  }
0x15c: {  	s0 =	sadd.s32 s0, s1  }
0x15d: {  	s0 =	sshrl.u32 s0, $0x3  }
0x15e: {  	s1 =	simm.s32 $0x0;
	s0 =	sadd.s32 s16, s0  }
0x15f: {  	[hbm4b:s0+s1] =	stream.linear.scatter [tilespmem:s17], [sflag:$0x4], $0x4000, $0x38;
	[tilespmem:$0x18200] =	vst v63  }
0x160: {  	s17 =	simm.s32 $0x2  }
0x161: {  	s6 =	simm.s32 $0x10;
	s5 =	sand.u32 $0x1C00, s1;
	_ =	swait.ge [sflag:s17], $0x4000  }
0x162: {  	s2 =	sand.u32 $0x50, s6;
	s18 =	sor.u32 $0x4000, s5;
	[sflag:s17] =	ssyncset.done $0x0  }
0x163: {  	s21 =	sor.u32 s2, s18;
	[sflag:s17] =	ssyncadd.s32 $0xFFFFC000;
	s17 =	simm.s32 $0x100  }
0x164: {  	v0 =	vor.u32 s17, v14;
	v1 =	vld [tilespmem:s21+$0x0];
	_ =	sdelay $0x1  }
0x165: {  	s3 =	simm.s32 $0x0  }
0x166: {  	s13 =	sand.u32 $0x40, s3  }
0x167: {  	s22 =	simm.s32 $0x10000;
	s28 =	simm.s32 $0x0;
	s9 =	sor.u32 s13, s18  }
0x168: {  	v3 =	vor.u32 s28, v14;
	v2 =	vld [tilespmem:s9+$0x0];
	[tilespmem:v0+s22+$0x0] =	vst.idx.msk $0xffff, v1  }
0x169: {  	v0 =	vor.u32 s17, v15;
	v1 =	vld [tilespmem:s21+$0x80]  }
0x16a: {  	s0 =	simm.s32 $0x20  }
0x16b: {  	s19 =	sand.u32 $0x60, s0  }
0x16c: {  	s20 =	simm.s32 $0x200;
	s23 =	sor.u32 s19, s18  }
0x16d: {  	v4 =	vor.u32 s20, v14;
	v5 =	vld [tilespmem:s23+$0x0];
	[tilespmem:v3+s22+$0x0] =	vst.idx.msk $0xffff, v2  }
0x16e: {  	v3 =	vor.u32 s28, v15;
	v2 =	vld [tilespmem:s9+$0x80];
	[tilespmem:v0+s22+$0x0] =	vst.idx.msk $0xffff, v1  }
0x16f: {  	v0 =	vor.u32 s17, v45;
	v1 =	vld [tilespmem:s21+$0x100];
	_ =	sdelay $0x2  }
0x170: {  	[tilespmem:v4+s22+$0x0] =	vst.idx.msk $0xffff, v5  }
0x171: {  	[tilespmem:v3+s22+$0x0] =	vst.idx.msk $0xffff, v2  }
0x172: {  	[tilespmem:v0+s22+$0x0] =	vst.idx.msk $0xffff, v1  }
0x173: {  	v24 =	vld [tilespmem:$0x1FF70];
	_ =	sdelay $0x2  }
0x174: {  	v3 =	vor.u32 s28, v45;
	v2 =	vld [tilespmem:s9+$0x100]  }
0x175: {  	v4 =	vor.u32 s20, v15;
	v5 =	vld [tilespmem:s23+$0x80]  }
0x176: {  	v1 =	vld [tilespmem:s21+$0x180];
	v0 =	vor.u32 s17, v24;
	_ =	sdelay $0x2  }
0x177: {  	[tilespmem:v3+s22+$0x0] =	vst.idx.msk $0xffff, v2  }
0x178: {  	[tilespmem:v4+s22+$0x0] =	vst.idx.msk $0xffff, v5  }
0x179: {  	[tilespmem:v0+s22+$0x0] =	vst.idx.msk $0xffff, v1  }
0x17a: {  	s24 =	sand.u32 $0x7, s1;
	v25 =	vld [tilespmem:$0x1FF80]  }
0x17b: {  	s4 =	sshll.u32 s24, $0x4  }
0x17c: {  	s7 =	sadd.s32 $0x0, s4  }
0x17d: {  	s11 =	sadd.s32 $0x10, s7;
	v2 =	vld [tilespmem:s9+$0x180];
	v3 =	vor.u32 s28, v24  }
0x17e: {  	s25 =	sor.u32 $0x200, s11;
	v4 =	vor.u32 s20, v45;
	v5 =	vld [tilespmem:s23+$0x100]  }
0x17f: {  	v0 =	vld [tilespmem:s25+$0x4000];
	v1 =	vor.u32 s17, v25;
	_ =	sdelay $0x2  }
0x180: {  	[tilespmem:v3+s22+$0x0] =	vst.idx.msk $0xffff, v2  }
0x181: {  	p1 =	por $0x0, $0x0;
	s4 =	simm.s32 $0x1;
	[tilespmem:v4+s22+$0x0] =	vst.idx.msk $0xffff, v5  }
0x182: {  	s4 =	simm.s32 @!p1 $0x0;
	[tilespmem:v1+s22+$0x0] =	vst.idx.msk $0xffff, v0  }
0x183: {  	s4 =	sshll.u32 s4, $0x6;
	v26 =	vld [tilespmem:$0x1FF90]  }
0x184: {  	s12 =	sadd.s32 $0x0, s4  }
0x185: {  	s4 =	sor.u32 $0x200, s12  }
0x186: {  	v2 =	vld [tilespmem:s4+$0x4000];
	v3 =	vor.u32 s28, v25  }
0x187: {  	s26 =	sor.u32 $0x280, s11;
	v4 =	vor.u32 s20, v24;
	v5 =	vld [tilespmem:s23+$0x180]  }
0x188: {  	s31 =	sand.u32 $0x3, s1;
	s9 =	simm.s32 $0x30;
	v0 =	vld [tilespmem:s26+$0x4000];
	v1 =	vor.u32 s17, v26  }
0x189: {  	s14 =	sshll.u32 s31, $0x5;
	s4 =	sand.u32 $0x70, s9  }
0x18a: {  	s30 =	simm.s32 $0x300;
	s10 =	sadd.s32 $0x0, s14;
	s8 =	sor.u32 s4, s18  }
0x18b: {  	v42 =	vor.u32 s30, v14;
	s10 =	sadd.s32 $0x20, s10;
	s15 =	sor.u32 $0x280, s12;
	v43 =	vld [tilespmem:s8+$0x0];
	[tilespmem:v3+s22+$0x0] =	vst.idx.msk $0xffff, v2  }
0x18c: {  	s16 =	sor.u32 $0x200, s10;
	[tilespmem:v4+s22+$0x0] =	vst.idx.msk $0xffff, v5;
	v2 =	vld [tilespmem:s15+$0x4000];
	v3 =	vor.u32 s28, v26  }
0x18d: {  	s11 =	sor.u32 $0x300, s11;
	v5 =	vor.u32 s20, v25;
	v4 =	vld [tilespmem:s16+$0x4000];
	[tilespmem:v1+s22+$0x0] =	vst.idx.msk $0xffff, v0  }
0x18e: {  	v1 =	vor.u32 s17, v54;
	v0 =	vld [tilespmem:s11+$0x4000];
	_ =	sdelay $0x1  }
0x18f: {  	[tilespmem:v42+s22+$0x0] =	vst.idx.msk $0xffff, v43  }
0x190: {  	v44 =	vor.u32 s30, v15;
	s18 =	sor.u32 $0x300, s12;
	v7 =	vld [tilespmem:s8+$0x80];
	[tilespmem:v3+s22+$0x0] =	vst.idx.msk $0xffff, v2  }
0x191: {  	s6 =	sor.u32 s6, s1;
	s21 =	sor.u32 $0x280, s10;
	[tilespmem:v5+s22+$0x0] =	vst.idx.msk $0xffff, v4;
	v3 =	vor.u32 s28, v54;
	v2 =	vld [tilespmem:s18+$0x4000]  }
0x192: {  	s6 =	sor.u32 $0x380, s6;
	v5 =	vor.u32 s20, v26;
	v4 =	vld [tilespmem:s21+$0x4000];
	[tilespmem:v1+s22+$0x0] =	vst.idx.msk $0xffff, v0  }
0x193: {  	v1 =	vor.u32 s17, v47;
	v0 =	vld [tilespmem:s6+$0x4000];
	_ =	sdelay $0x1  }
0x194: {  	s3 =	sor.u32 s3, s1;
	[tilespmem:v44+s22+$0x0] =	vst.idx.msk $0xffff, v7  }
0x195: {  	v46 =	vor.u32 s30, v45;
	s3 =	sor.u32 $0x380, s3;
	v7 =	vld [tilespmem:s8+$0x100];
	[tilespmem:v3+s22+$0x0] =	vst.idx.msk $0xffff, v2  }
0x196: {  	s14 =	sor.u32 $0x6000, s5;
	s23 =	sor.u32 $0x300, s10;
	[tilespmem:v5+s22+$0x0] =	vst.idx.msk $0xffff, v4;
	v3 =	vor.u32 s28, v47;
	v2 =	vld [tilespmem:s3+$0x4000]  }
0x197: {  	s24 =	sor.u32 s2, s14;
	v5 =	vor.u32 s20, v54;
	v4 =	vld [tilespmem:s23+$0x4000];
	[tilespmem:v1+s22+$0x0] =	vst.idx.msk $0xffff, v0  }
0x198: {  	v1 =	vor.u32 s17, v48;
	v0 =	vld [tilespmem:s24+$0x0];
	_ =	sdelay $0x1  }
0x199: {  	[tilespmem:v46+s22+$0x0] =	vst.idx.msk $0xffff, v7  }
0x19a: {  	s0 =	sor.u32 s0, s1;
	v56 =	vor.u32 s30, v24;
	s25 =	sor.u32 s13, s14;
	v6 =	vld [tilespmem:s8+$0x180];
	[tilespmem:v3+s22+$0x0] =	vst.idx.msk $0xffff, v2  }
0x19b: {  	s0 =	sor.u32 $0x380, s0;
	s10 =	sor.u32 $0x6080, s5;
	[tilespmem:v5+s22+$0x0] =	vst.idx.msk $0xffff, v4;
	v3 =	vor.u32 s28, v48;
	v2 =	vld [tilespmem:s25+$0x0]  }
0x19c: {  	s26 =	sor.u32 s2, s10;
	v5 =	vor.u32 s20, v47;
	v4 =	vld [tilespmem:s0+$0x4000];
	[tilespmem:v1+s22+$0x0] =	vst.idx.msk $0xffff, v0  }
0x19d: {  	v1 =	vor.u32 s17, v51;
	v0 =	vld [tilespmem:s26+$0x0]  }
0x19e: {  	s3 =	sadd.s32 $0x30, s7  }
0x19f: {  	[tilespmem:v56+s22+$0x0] =	vst.idx.msk $0xffff, v6;
	s31 =	sor.u32 $0x200, s3  }
0x1a0: {  	v57 =	vor.u32 s30, v25;
	s6 =	sor.u32 s13, s10;
	v6 =	vld [tilespmem:s31+$0x4000];
	[tilespmem:v3+s22+$0x0] =	vst.idx.msk $0xffff, v2  }
0x1a1: {  	s21 =	sor.u32 $0x6100, s5;
	s11 =	simm.s32 $0x200;
	s7 =	sor.u32 s19, s14;
	[tilespmem:v5+s22+$0x0] =	vst.idx.msk $0xffff, v4;
	v3 =	vor.u32 s28, v51;
	v2 =	vld [tilespmem:s6+$0x0]  }
0x1a2: {  	s15 =	simm.s32 $0x40;
	s8 =	sor.u32 s2, s21;
	v5 =	vor.u32 s20, v48;
	v4 =	vld [tilespmem:s7+$0x0];
	s26 =	sand.u32 $0x1C00, s11;
	[tilespmem:v1+s22+$0x0] =	vst.idx.msk $0xffff, v0  }
0x1a3: {  	s16 =	simm.s32 $0x50;
	s29 =	sand.u32 $0x40, s15;
	s11 =	sor.u32 $0x4000, s26;
	v1 =	vor.u32 s17, v38;
	v0 =	vld [tilespmem:s8+$0x0]  }
0x1a4: {  	s31 =	simm.s32 $0x400;
	s0 =	sand.u32 $0x50, s16;
	s18 =	sor.u32 s29, s11  }
0x1a5: {  	s15 =	simm.s32 $0x500;
	v59 =	vor.u32 s31, v14;
	[tilespmem:v57+s22+$0x0] =	vst.idx.msk $0xffff, v6;
	s25 =	sor.u32 s0, s11;
	v58 =	vld [tilespmem:s18+$0x0]  }
0x1a6: {  	s12 =	sor.u32 $0x280, s3;
	[tilespmem:v3+s22+$0x0] =	vst.idx.msk $0xffff, v2;
	v2 =	vor.u32 s15, v14;
	v3 =	vld [tilespmem:s25+$0x0]  }
0x1a7: {  	v60 =	vor.u32 s30, v26;
	s23 =	sor.u32 s13, s21;
	s16 =	simm.s32 $0x70;
	v6 =	vld [tilespmem:s12+$0x4000];
	[tilespmem:v5+s22+$0x0] =	vst.idx.msk $0xffff, v4  }
0x1a8: {  	s24 =	sor.u32 s19, s10;
	s6 =	sor.u32 $0x6180, s5;
	v16 =	vld [tilespmem:s23+$0x0];
	s23 =	simm.s32 $0x70;
	[tilespmem:v1+s22+$0x0] =	vst.idx.msk $0xffff, v0  }
0x1a9: {  	v30 =	vor.u32 s20, v51;
	s7 =	sor.u32 s2, s6;
	v4 =	vld [tilespmem:s24+$0x0];
	[dreg:$0x8] =	wrdreg s23;
	s23 =	sand.u32 $0x70, s16  }
0x1aa: {  	s12 =	simm.s32 $0x700;
	v1 =	vor.u32 s17, v49;
	v0 =	vld [tilespmem:s7+$0x0];
	s16 =	sor.u32 s23, s11;
	[tilespmem:v59+s22+$0x0] =	vst.idx.msk $0xffff, v58  }
0x1ab: {  	v5 =	vor.u32 s12, v14;
	s24 =	simm.s32 $0x60;
	[tilespmem:v2+s22+$0x0] =	vst.idx.msk $0xffff, v3;
	v61 =	vld [tilespmem:s16+$0x0]  }
0x1ac: {  	v62 =	vor.u32 s31, v15;
	s24 =	sand.u32 $0x60, s24;
	[tilespmem:v60+s22+$0x0] =	vst.idx.msk $0xffff, v6;
	v8 =	vld [tilespmem:s18+$0x80]  }
0x1ad: {  	s8 =	sor.u32 s24, s11;
	v2 =	vor.u32 s15, v15;
	s7 =	simm.s32 $0x600;
	v3 =	vld [tilespmem:s25+$0x80];
	[smem:$0x7E1] =	sst s24  }
0x1ae: {  	s3 =	sor.u32 $0x300, s3;
	s24 =	sor.u32 $0x6200, s5;
	v28 =	vor.u32 s7, v14;
	v12 =	vld [tilespmem:s8+$0x0];
	[tilespmem:v30+s22+$0x0] =	vst.idx.msk $0xffff, v4  }
0x1af: {  	v63 =	vor.u32 s30, v54;
	v6 =	vld [tilespmem:s3+$0x4000];
	s3 =	sor.u32 s2, s24;
	[tilespmem:v1+s22+$0x0] =	vst.idx.msk $0xffff, v0  }
0x1b0: {  	v1 =	vor.u32 s17, v50;
	v0 =	vld [tilespmem:s3+$0x0];
	[tilespmem:v5+s22+$0x0] =	vst.idx.msk $0xffff, v61  }
0x1b1: {  	v5 =	vor.u32 s12, v15;
	[tilespmem:v62+s22+$0x0] =	vst.idx.msk $0xffff, v8;
	v7 =	vld [tilespmem:s16+$0x80]  }
0x1b2: {  	v29 =	vor.u32 s31, v45;
	[tilespmem:v2+s22+$0x0] =	vst.idx.msk $0xffff, v3;
	v8 =	vld [tilespmem:s18+$0x100]  }
0x1b3: {  	s1 =	sor.u32 s9, s1;
	v2 =	vor.u32 s15, v45;
	v3 =	vld [tilespmem:s25+$0x100];
	[tilespmem:v28+s22+$0x0] =	vst.idx.msk $0xffff, v12  }
0x1b4: {  	s1 =	sor.u32 $0x380, s1;
	v31 =	vor.u32 s7, v15;
	s3 =	sor.u32 $0x6280, s5;
	[tilespmem:v63+s22+$0x0] =	vst.idx.msk $0xffff, v6;
	v12 =	vld [tilespmem:s8+$0x80]  }
0x1b5: {  	s9 =	sor.u32 s2, s3;
	v6 =	vld [tilespmem:s1+$0x4000];
	[tilespmem:v1+s22+$0x0] =	vst.idx.msk $0xffff, v0;
	v1 =	vor.u32 s30, v47  }
0x1b6: {  	v0 =	vld [tilespmem:s9+$0x0];
	[tilespmem:v5+s22+$0x0] =	vst.idx.msk $0xffff, v7  }
0x1b7: {  	v5 =	vor.u32 s12, v45;
	[tilespmem:v29+s22+$0x0] =	vst.idx.msk $0xffff, v8;
	v7 =	vld [tilespmem:s16+$0x100]  }
0x1b8: {  	v32 =	vor.u32 s31, v24;
	[tilespmem:v2+s22+$0x0] =	vst.idx.msk $0xffff, v3;
	v8 =	vld [tilespmem:s18+$0x180]  }
0x1b9: {  	p1 =	por !p1, !p1;
	s14 =	sor.u32 s4, s14;
	v3 =	vor.u32 s17, v52;
	v2 =	vld [tilespmem:s25+$0x180];
	s18 =	sor.u32 s19, s21;
	[tilespmem:v31+s22+$0x0] =	vst.idx.msk $0xffff, v12  }
0x1ba: {  	v33 =	vor.u32 s15, v24;
	s11 =	smov.u32 s23;
	s9 =	simm.s32 $0x1;
	s25 =	simm.s32 $0x4;
	v4 =	vld [tilespmem:s18+$0x0];
	[tilespmem:v1+s22+$0x0] =	vst.idx.msk $0xffff, v6  }
0x1bb: {  	s23 =	simm.s32 $0x4;
	v34 =	vor.u32 s7, v45;
	s9 =	simm.s32 @!p1 $0x0;
	v12 =	vld [tilespmem:s8+$0x100];
	[dreg:$0xb] =	wrdreg s25  }
0x1bc: {  	s9 =	sshll.u32 s9, $0x6;
	s18 =	sand.u32 $0x7, s23;
	v1 =	vld [tilespmem:s14+$0x0];
	[tilespmem:v5+s22+$0x0] =	vst.idx.msk $0xffff, v7;
	v5 =	vor.u32 s30, v48  }
0x1bd: {  	v36 =	vor.u32 s12, v24;
	s23 =	sshll.u32 s18, $0x4;
	s18 =	sadd.s32 $0x200, s9;
	[tilespmem:v32+s22+$0x0] =	vst.idx.msk $0xffff, v8;
	v35 =	vld [tilespmem:s16+$0x180]  }
0x1be: {  	s9 =	sadd.s32 $0x200, s23;
	s25 =	sor.u32 $0x200, s18;
	s14 =	sor.u32 $0x6300, s5;
	[tilespmem:v3+s22+$0x0] =	vst.idx.msk $0xffff, v0  }
0x1bf: {  	v0 =	vor.u32 s31, v25;
	[tilespmem:v33+s22+$0x0] =	vst.idx.msk $0xffff, v2;
	v8 =	vld [tilespmem:s25+$0x4000];
	s16 =	sadd.s32 $0x10, s9;
	s1 =	sor.u32 s2, s14  }
0x1c0: {  	v2 =	vor.u32 s17, v53;
	[tilespmem:v34+s22+$0x0] =	vst.idx.msk $0xffff, v12;
	v3 =	vld [tilespmem:s1+$0x0];
	s23 =	sor.u32 $0x200, s16  }
0x1c1: {  	v37 =	vor.u32 s15, v25;
	s25 =	simm.s32 $0x2;
	v9 =	vld [tilespmem:s23+$0x4000];
	[tilespmem:v5+s22+$0x0] =	vst.idx.msk $0xffff, v1  }
0x1c2: {  	v12 =	vor.u32 s7, v24;
	v11 =	vld [tilespmem:s8+$0x180];
	s1 =	sor.u32 s4, s10;
	s10 =	sadd.s32 $0x30, s9;
	s9 =	simm.s32 $0x2;
	[tilespmem:v36+s22+$0x0] =	vst.idx.msk $0xffff, v35  }
0x1c3: {  	v5 =	vor.u32 s30, v51;
	v1 =	vld [tilespmem:s1+$0x0];
	s1 =	sand.u32 $0x3, s9;
	s9 =	sor.u32 $0x200, s10;
	[dreg:$0xe] =	wrdreg s25  }
0x1c4: {  	s5 =	sor.u32 $0x6380, s5;
	v6 =	vld [tilespmem:s9+$0x4000];
	[tilespmem:v0+s22+$0x0] =	vst.idx.msk $0xffff, v8;
	v0 =	vor.u32 s12, v25  }
0x1c5: {  	s23 =	smov.u32 s0;
	s0 =	sor.u32 $0x280, s18;
	s8 =	sshll.u32 s1, $0x5;
	[tilespmem:v2+s22+$0x0] =	vst.idx.msk $0xffff, v3  }
0x1c6: {  	v40 =	vor.u32 s31, v26;
	s2 =	sor.u32 s2, s5;
	s8 =	sadd.s32 $0x200, s8;
	[tilespmem:v37+s22+$0x0] =	vst.idx.msk $0xffff, v9;
	v39 =	vld [tilespmem:s0+$0x4000]  }
0x1c7: {  	s1 =	sor.u32 $0x280, s16;
	v3 =	vor.u32 s20, v38;
	[tilespmem:v12+s22+$0x0] =	vst.idx.msk $0xffff, v11;
	v2 =	vld [tilespmem:s2+$0x0];
	s2 =	sadd.s32 $0x20, s8  }
0x1c8: {  	v41 =	vor.u32 s15, v26;
	v9 =	vld [tilespmem:s1+$0x4000];
	s9 =	sor.u32 $0x200, s2;
	[tilespmem:v5+s22+$0x0] =	vst.idx.msk $0xffff, v1  }
0x1c9: {  	v42 =	vor.u32 s28, v38;
	s25 =	sor.u32 s4, s21;
	v11 =	vld [tilespmem:s9+$0x4000];
	[tilespmem:v0+s22+$0x0] =	vst.idx.msk $0xffff, v6  }
0x1ca: {  	v12 =	vor.u32 s7, v25;
	s0 =	sor.u32 $0x280, s10;
	v1 =	vld [tilespmem:s25+$0x0];
	[dreg:$0x10] =	wrdreg s10  }
0x1cb: {  	s1 =	sor.u32 $0x300, s18;
	v0 =	vor.u32 s30, v38;
	v5 =	vld [tilespmem:s0+$0x4000];
	[tilespmem:v40+s22+$0x0] =	vst.idx.msk $0xffff, v39  }
0x1cc: {  	s9 =	sor.u32 s19, s6;
	[tilespmem:v3+s22+$0x0] =	vst.idx.msk $0xffff, v4;
	v3 =	vor.u32 s31, v54;
	v7 =	vld [tilespmem:s1+$0x4000]  }
0x1cd: {  	v43 =	vor.u32 s20, v49;
	s10 =	sor.u32 $0x300, s16;
	[tilespmem:v41+s22+$0x0] =	vst.idx.msk $0xffff, v9;
	v4 =	vld [tilespmem:s9+$0x0]  }
0x1ce: {  	v44 =	vor.u32 s15, v54;
	s18 =	sor.u32 s4, s6;
	s6 =	sor.u32 s13, s6;
	[tilespmem:v42+s22+$0x0] =	vst.idx.msk $0xffff, v16;
	v9 =	vld [tilespmem:s10+$0x4000]  }
0x1cf: {  	v13 =	vor.u32 s28, v49;
	s21 =	simm.s32 $0x200;
	s25 =	simm.s32 $0x40;
	s16 =	sor.u32 $0x280, s2;
	[tilespmem:v12+s22+$0x0] =	vst.idx.msk $0xffff, v11;
	v6 =	vld [tilespmem:s6+$0x0]  }
0x1d0: {  	v12 =	vor.u32 s7, v26;
	s1 =	sor.u32 s25, s21;
	v11 =	vld [tilespmem:s16+$0x4000];
	[tilespmem:v0+s22+$0x0] =	vst.idx.msk $0xffff, v1  }
0x1d1: {  	s9 =	simm.s32 $0x50;
	s8 =	sor.u32 $0x380, s1;
	v1 =	vor.u32 s30, v49;
	v0 =	vld [tilespmem:s18+$0x0];
	[tilespmem:v3+s22+$0x0] =	vst.idx.msk $0xffff, v7  }
0x1d2: {  	v46 =	vor.u32 s31, v47;
	s0 =	sor.u32 s9, s21;
	s16 =	sor.u32 s19, s24;
	[tilespmem:v43+s22+$0x0] =	vst.idx.msk $0xffff, v4;
	v3 =	vld [tilespmem:s8+$0x4000]  }
0x1d3: {  	v56 =	vor.u32 s20, v50;
	s0 =	sor.u32 $0x380, s0;
	[tilespmem:v44+s22+$0x0] =	vst.idx.msk $0xffff, v9;
	v4 =	vld [tilespmem:s16+$0x0]  }
0x1d4: {  	s21 =	sor.u32 s4, s24;
	s24 =	sor.u32 s13, s24;
	[tilespmem:v13+s22+$0x0] =	vst.idx.msk $0xffff, v6;
	v9 =	vld [tilespmem:s0+$0x4000]  }
0x1d5: {  	v57 =	vor.u32 s15, v47;
	s18 =	sor.u32 $0x300, s2;
	[tilespmem:v12+s22+$0x0] =	vst.idx.msk $0xffff, v11;
	v6 =	vld [tilespmem:s24+$0x0]  }
0x1d6: {  	s2 =	sor.u32 $0x6000, s26;
	v12 =	vor.u32 s7, v54;
	v11 =	vld [tilespmem:s18+$0x4000];
	[tilespmem:v1+s22+$0x0] =	vst.idx.msk $0xffff, v0  }
0x1d7: {  	s25 =	sor.u32 s29, s2;
	v13 =	vor.u32 s28, v50;
	v0 =	vld [tilespmem:s21+$0x0];
	[tilespmem:v46+s22+$0x0] =	vst.idx.msk $0xffff, v3  }
0x1d8: {  	s6 =	sor.u32 s19, s3;
	s8 =	simm.s32 $0x200;
	v1 =	vor.u32 s30, v50;
	[tilespmem:v56+s22+$0x0] =	vst.idx.msk $0xffff, v4;
	v3 =	vld [tilespmem:s25+$0x0]  }
0x1d9: {  	v58 =	vor.u32 s31, v48;
	s10 =	simm.s32 $0x200;
	s9 =	simm.s32 $0x60;
	v4 =	vld [tilespmem:s6+$0x0];
	[dreg:$0x6] =	wrdreg s8  }
0x1da: {  	v59 =	vor.u32 s20, v52;
	s0 =	sor.u32 s9, s10;
	s10 =	sor.u32 s23, s2;
	[tilespmem:v57+s22+$0x0] =	vst.idx.msk $0xffff, v9  }
0x1db: {  	v60 =	vor.u32 s15, v48;
	s0 =	sor.u32 $0x380, s0;
	[tilespmem:v12+s22+$0x0] =	vst.idx.msk $0xffff, v11;
	v9 =	vld [tilespmem:s10+$0x0]  }
0x1dc: {  	s18 =	sor.u32 s13, s3;
	[tilespmem:v13+s22+$0x0] =	vst.idx.msk $0xffff, v6;
	v11 =	vld [tilespmem:s0+$0x4000]  }
0x1dd: {  	s16 =	sor.u32 s4, s3;
	[tilespmem:v1+s22+$0x0] =	vst.idx.msk $0xffff, v0;
	s0 =	sor.u32 $0x6080, s26;
	v6 =	vld [tilespmem:s18+$0x0]  }
0x1de: {  	v12 =	vor.u32 s7, v47;
	v0 =	vld [tilespmem:s16+$0x0];
	s21 =	sor.u32 s29, s0;
	[tilespmem:v58+s22+$0x0] =	vst.idx.msk $0xffff, v3  }
0x1df: {  	s24 =	sor.u32 s19, s14;
	[tilespmem:v59+s22+$0x0] =	vst.idx.msk $0xffff, v4;
	v3 =	vld [tilespmem:s21+$0x0]  }
0x1e0: {  	v1 =	vor.u32 s30, v52;
	s10 =	sor.u32 s4, s5;
	s3 =	sor.u32 s23, s0;
	s9 =	sld [smem:$0x7E1];
	v8 =	vld [tilespmem:s24+$0x0];
	[tilespmem:v60+s22+$0x0] =	vst.idx.msk $0xffff, v9  }
0x1e1: {  	s15 =	simm.s32 $0x700;
	v19 =	vld [tilespmem:s3+$0x0];
	[dreg:$0x1b] =	wrdreg s10  }
0x1e2: {  	[dreg:$0x4] =	wrdreg s15  }
0x1e3: {  	v17 =	vor.u32 s20, v55;
	v13 =	vor.u32 s28, v52;
	s16 =	sor.u32 s13, s5;
	[tilespmem:v12+s22+$0x0] =	vst.idx.msk $0xffff, v11  }
0x1e4: {  	v61 =	vor.u32 s31, v51;
	v62 =	vor.u32 s12, v26;
	v63 =	vor.u32 s20, v53;
	s20 =	simm.s32 $0x4;
	s12 =	simm.s32 $0x300;
	[dreg:$0x19] =	wrdreg s16  }
0x1e5: {  	s7 =	sor.u32 s13, s14;
	s21 =	sor.u32 s11, s2;
	s25 =	sor.u32 s9, s2;
	[tilespmem:v1+s22+$0x0] =	vst.idx.msk $0xffff, v0  }
0x1e6: {  	v4 =	vor.u32 s17, v55;
	s18 =	sor.u32 s9, s0;
	s0 =	sor.u32 s11, s0;
	v20 =	vld [tilespmem:s25+$0x0];
	[dreg:$0x15] =	wrdreg s21  }
0x1e7: {  	s14 =	sor.u32 s4, s14;
	s4 =	simm.s32 $0xB00;
	[dreg:$0x11] =	wrdreg s0  }
0x1e8: {  	s13 =	sor.u32 s19, s5;
	s19 =	simm.s32 $0x500;
	s17 =	sor.u32 $0x6100, s26;
	[tilespmem:v13+s22+$0x0] =	vst.idx.msk $0xffff, v6  }
0x1e9: {  	s5 =	smov.u32 s26;
	s24 =	sor.u32 s29, s17;
	s25 =	sor.u32 s9, s17;
	v1 =	vld [tilespmem:s14+$0x0];
	[tilespmem:v61+s22+$0x0] =	vst.idx.msk $0xffff, v3  }
0x1ea: {  	s15 =	simm.s32 $0x600;
	s10 =	simm.s32 $0x0;
	v0 =	vld [tilespmem:s7+$0x0];
	[dreg:$0x13] =	wrdreg s25  }
0x1eb: {  	s2 =	sor.u32 s23, s17;
	s16 =	sor.u32 $0x6180, s26;
	s26 =	simm.s32 $0x400;
	[tilespmem:v4+s22+$0x0] =	vst.idx.msk $0xffff, v2  }
0x1ec: {  	v18 =	vor.u32 s28, v53;
	v21 =	vor.u32 s31, v38;
	v22 =	vor.u32 s19, v51;
	s6 =	sor.u32 s29, s16;
	s8 =	sor.u32 s23, s16;
	s21 =	simm.s32 $0xB0;
	[tilespmem:v62+s22+$0x0] =	vst.idx.msk $0xffff, v5  }
0x1ed: {  	v32 =	vmovc v38;
	v16 =	vor.u32 s15, v55;
	v23 =	vor.u32 s15, v48;
	s14 =	sor.u32 s9, s16;
	s7 =	sor.u32 s11, s17;
	v3 =	vld [tilespmem:s24+$0x0];
	v2 =	vor.u32 s30, v53;
	s30 =	simm.s32 $0x400;
	[tilespmem:v63+s22+$0x0] =	vst.idx.msk $0xffff, v8  }
.LBB2_5:
0x1ee: {  	[smem:$0x7E1] =	sst s9  }
0x1ef: {  	[smem:$0x7C9] =	sst s29  }
0x1f0: {  	[smem:$0x7CA] =	sst s15  }
0x1f1: {  	[smem:$0x7CC] =	sst s7  }
0x1f2: {  	[smem:$0x7CE] =	sst s14  }
0x1f3: {  	[smem:$0x7D1] =	sst s6;
	s14 =	sadd.s32 $0xFFFFFD00, s4;
	s6 =	sadd.s32 $0xFFFFFFD0, s21  }
0x1f4: {  	s0 =	smov.u32 s23;
	s29 =	sand.u32 $0x1C00, s26;
	s1 =	simm.s32 $0x10000  }
0x1f5: {  	s3 =	sadd.s32 $0xFFFFFFF0, s21;
	v8 =	vor.u32 s15, v51;
	s15 =	sand.u32 $0x70, s21;
	s31 =	rddreg [dreg:$0x1b]  }
0x1f6: {  	s20 =	sadd.s32 $0x4, s20;
	s7 =	sand.u32 $0x40, s6;
	s23 =	sor.u32 $0x4000, s29  }
0x1f7: {  	s17 =	sand.u32 $0x60, s3;
	s6 =	sor.u32 s6, s26;
	[dreg:$0x17] =	wrdreg s20  }
0x1f8: {  	v9 =	vor.u32 s12, v55;
	s12 =	sor.u32 $0x6000, s29;
	s3 =	sor.u32 s3, s26;
	[smem:$0x7D0] =	sst s6  }
0x1f9: {  	v4 =	vld [tilespmem:s13+$0x0];
	p2 =	slt.u32 s20, $0x3C;
	s25 =	sor.u32 s7, s23;
	[smem:$0x7DA] =	sst s3;
	[tilespmem:v22+s22+$0x0] =	vst.idx.msk $0xffff, v19  }
0x1fa: {  	s20 =	smov.u32 s14;
	[smem:$0x7CB] =	sst s7;
	s22 =	sadd.s32 $0xFFFFFFE0, s21;
	[tilespmem:v2+s1+$0x0] =	vst.idx.msk $0xffff, v1;
	v1 =	vld [tilespmem:s25+$0x0]  }
0x1fb: {  	v57 =	vor.u32 s14, v15;
	[tilespmem:v23+s1+$0x0] =	vst.idx.msk $0xffff, v20;
	v2 =	vor.u32 s14, v14;
	s14 =	rddreg [dreg:$0x8];
	v5 =	vld [tilespmem:s2+$0x0];
	s28 =	sand.u32 $0x50, s22;
	s22 =	sor.u32 s22, s26  }
0x1fc: {  	s13 =	sor.u32 s17, s23;
	s6 =	sor.u32 s15, s23;
	[tilespmem:v18+s1+$0x0] =	vst.idx.msk $0xffff, v0;
	v7 =	vld [tilespmem:s18+$0x0];
	[smem:$0x7D2] =	sst s22  }
0x1fd: {  	v6 =	vor.u32 s19, v32;
	[tilespmem:v21+s1+$0x0] =	vst.idx.msk $0xffff, v3;
	v3 =	vld [tilespmem:s31+$0x0];
	s31 =	sor.u32 s7, s12;
	s18 =	sor.u32 s28, s23;
	s23 =	rddreg [dreg:$0x19]  }
0x1fe: {  	v12 =	vor.u32 s10, v55;
	s22 =	sor.u32 $0x6080, s29;
	[smem:$0x7D7] =	sst s31;
	s10 =	sor.u32 s28, s12  }
0x1ff: {  	[smem:$0x7D9] =	sst s10;
	s31 =	sor.u32 s7, s22  }
0x200: {  	s3 =	sor.u32 $0x6100, s29;
	s10 =	sor.u32 s17, s22;
	[smem:$0x7DD] =	sst s31  }
0x201: {  	v10 =	vld [tilespmem:s18+$0x0];
	[smem:$0x7D4] =	sst s10;
	s31 =	sor.u32 s28, s3  }
0x202: {  	[smem:$0x7DE] =	sst s31;
	[tilespmem:v6+s1+$0x0] =	vst.idx.msk $0xffff, v5;
	v5 =	vld [tilespmem:s23+$0x0];
	s23 =	sor.u32 s17, s12  }
0x203: {  	s9 =	smov.u32 s5;
	[dreg:$0x1d] =	wrdreg s23;
	v6 =	vld [tilespmem:s8+$0x0];
	s8 =	sor.u32 s28, s22  }
0x204: {  	s24 =	sadd.s32 $0xFFFFFE00, s4;
	s23 =	sor.u32 s7, s3;
	[smem:$0x7DF] =	sst s8  }
0x205: {  	s7 =	sor.u32 s11, s16;
	s8 =	sor.u32 s15, s12;
	[dreg:$0x1f] =	wrdreg s23  }
0x206: {  	s12 =	sor.u32 s15, s22;
	s22 =	sor.u32 $0x6200, s5;
	s5 =	rddreg [dreg:$0x10]  }
0x207: {  	v0 =	vor.u32 s24, v14;
	[smem:$0x7CF] =	sst s7  }
0x208: {  	[tilespmem:v17+s1+$0x0] =	vst.idx.msk $0xffff, v4;
	s23 =	sor.u32 s17, s3;
	s3 =	sor.u32 s15, s3;
	s7 =	sld [smem:$0x7C9]  }
0x209: {  	v13 =	vor.u32 s19, v49;
	[tilespmem:v2+s1+$0x0] =	vst.idx.msk $0xffff, v1;
	v1 =	vld [tilespmem:s6+$0x0];
	s10 =	sor.u32 $0x300, s5;
	[smem:$0x7CD] =	sst s3  }
0x20a: {  	v4 =	vor.u32 s4, v14;
	[tilespmem:v9+s1+$0x0] =	vst.idx.msk $0xffff, v3;
	v2 =	vld [tilespmem:s25+$0x80];
	s5 =	smov.u32 s0;
	s3 =	sor.u32 s0, s22;
	s0 =	sld [smem:$0x7E1]  }
0x20b: {  	s2 =	sadd.s32 $0xFFFFFF00, s4;
	[tilespmem:v8+s1+$0x0] =	vst.idx.msk $0xffff, v7;
	s16 =	sor.u32 s11, s22;
	v60 =	vld [tilespmem:s10+$0x4000];
	s10 =	rddreg [dreg:$0x4]  }
0x20c: {  	v11 =	vor.u32 s2, v14;
	v3 =	vld [tilespmem:s13+$0x0];
	[tilespmem:v0+s1+$0x0] =	vst.idx.msk $0xffff, v10;
	[smem:$0x7D5] =	sst s16;
	s31 =	sor.u32 s7, s22  }
0x20d: {  	v0 =	vor.u32 s24, v15;
	v58 =	vld [tilespmem:s18+$0x80];
	[tilespmem:v12+s1+$0x0] =	vst.idx.msk $0xffff, v5;
	[smem:$0x7D6] =	sst s31  }
0x20e: {  	v61 =	vor.u32 s10, v54;
	[tilespmem:v13+s1+$0x0] =	vst.idx.msk $0xffff, v6;
	s16 =	sor.u32 s0, s22;
	s31 =	smov.u32 s10;
	s10 =	rddreg [dreg:$0x6]  }
0x20f: {  	[tilespmem:v4+s1+$0x0] =	vst.idx.msk $0xffff, v1;
	v4 =	vor.u32 s19, v50;
	s22 =	smov.u32 s4;
	v1 =	vld [tilespmem:s3+$0x0];
	[smem:$0x7D3] =	sst s16  }
0x210: {  	v5 =	vor.u32 s4, v15;
	[tilespmem:v57+s1+$0x0] =	vst.idx.msk $0xffff, v2;
	v2 =	vld [tilespmem:s6+$0x80];
	s16 =	smov.u32 s30;
	[dreg:$0x4] =	wrdreg s22  }
0x211: {  	v12 =	vor.u32 s20, v45;
	[tilespmem:v11+s1+$0x0] =	vst.idx.msk $0xffff, v3;
	v7 =	vld [tilespmem:s25+$0x100];
	s3 =	sor.u32 s14, s10;
	s22 =	smov.u32 s21;
	s30 =	sld [smem:$0x7CA]  }
0x212: {  	v59 =	vor.u32 s2, v15;
	v3 =	vld [tilespmem:s13+$0x80];
	s14 =	smov.u32 s26;
	s10 =	sor.u32 $0x6280, s9;
	[tilespmem:v0+s1+$0x0] =	vst.idx.msk $0xffff, v58;
	[dreg:$0x8] =	wrdreg s22  }
0x213: {  	v0 =	vor.u32 s24, v45;
	[dreg:$0x6] =	wrdreg s14;
	s3 =	sor.u32 $0x380, s3;
	s22 =	sor.u32 s7, s10;
	v8 =	vld [tilespmem:s18+$0x100];
	[tilespmem:v61+s1+$0x0] =	vst.idx.msk $0xffff, v60  }
0x214: {  	s14 =	sor.u32 s5, s10;
	[smem:$0x7DC] =	sst s22;
	s22 =	sor.u32 s11, s10;
	[tilespmem:v4+s1+$0x0] =	vst.idx.msk $0xffff, v1;
	v1 =	vld [tilespmem:s3+$0x4000]  }
0x215: {  	s10 =	sor.u32 s0, s10;
	[smem:$0x7DB] =	sst s22;
	v4 =	vor.u32 s31, v47;
	[tilespmem:v5+s1+$0x0] =	vst.idx.msk $0xffff, v2;
	v5 =	vld [tilespmem:s14+$0x0]  }
0x216: {  	[smem:$0x7D8] =	sst s10;
	v2 =	vor.u32 s4, v45;
	[tilespmem:v12+s1+$0x0] =	vst.idx.msk $0xffff, v7;
	v28 =	vld [tilespmem:s6+$0x100]  }
0x217: {  	v63 =	vor.u32 s19, v52;
	[tilespmem:v59+s1+$0x0] =	vst.idx.msk $0xffff, v3;
	v29 =	vld [tilespmem:s25+$0x180];
	s14 =	rddreg [dreg:$0xb]  }
0x218: {  	p1 =	por !p1, !p1;
	v12 =	vor.u32 s20, v24;
	v3 =	vld [tilespmem:s13+$0x100];
	s25 =	rddreg [dreg:$0x13];
	[tilespmem:v0+s1+$0x0] =	vst.idx.msk $0xffff, v8  }
0x219: {  	v62 =	vor.u32 s2, v45;
	s3 =	simm.s32 $0x1;
	s10 =	sadd.s32 $0x4, s14;
	v8 =	vld [tilespmem:s18+$0x180];
	s18 =	rddreg [dreg:$0xe]  }
0x21a: {  	s3 =	simm.s32 @!p1 $0x0;
	v0 =	vor.u32 s24, v24;
	[dreg:$0xb] =	wrdreg s10;
	[tilespmem:v4+s1+$0x0] =	vst.idx.msk $0xffff, v1  }
0x21b: {  	s3 =	sshll.u32 s3, $0x6;
	s10 =	sand.u32 $0x7, s10;
	v1 =	vld [tilespmem:s25+$0x0];
	v4 =	vor.u32 s30, v32;
	s25 =	rddreg [dreg:$0x15];
	[tilespmem:v2+s1+$0x0] =	vst.idx.msk $0xffff, v28  }
0x21c: {  	s14 =	sadd.s32 s3, s26;
	s22 =	sadd.s32 $0x2, s18;
	s18 =	smov.u32 s23;
	[tilespmem:v63+s1+$0x0] =	vst.idx.msk $0xffff, v5;
	v5 =	vor.u32 s31, v48;
	v2 =	vld [tilespmem:s25+$0x0]  }
0x21d: {  	v33 =	vor.u32 s4, v24;
	s10 =	sshll.u32 s10, $0x4;
	s23 =	sor.u32 $0x200, s14;
	[dreg:$0x13] =	wrdreg s18;
	[tilespmem:v12+s1+$0x0] =	vst.idx.msk $0xffff, v29;
	v31 =	vld [tilespmem:s6+$0x180]  }
0x21e: {  	s18 =	smov.u32 s8;
	s3 =	sadd.s32 s26, s10;
	[tilespmem:v62+s1+$0x0] =	vst.idx.msk $0xffff, v3;
	s6 =	sor.u32 $0x6300, s9  }
0x21f: {  	[dreg:$0x15] =	wrdreg s18;
	v12 =	vor.u32 s20, v25;
	s8 =	sadd.s32 $0x10, s3;
	v10 =	vld [tilespmem:s23+$0x4000];
	s18 =	sor.u32 s5, s6;
	[tilespmem:v0+s1+$0x0] =	vst.idx.msk $0xffff, v8  }
0x220: {  	v3 =	vor.u32 s19, v53;
	s23 =	sor.u32 $0x200, s8;
	v0 =	vld [tilespmem:s18+$0x0];
	[tilespmem:v4+s1+$0x0] =	vst.idx.msk $0xffff, v1  }
0x221: {  	v34 =	vor.u32 s24, v25;
	[dreg:$0xe] =	wrdreg s22;
	s10 =	sadd.s32 $0x30, s3;
	s3 =	sand.u32 $0x3, s22;
	v8 =	vld [tilespmem:s23+$0x4000];
	[tilespmem:v5+s1+$0x0] =	vst.idx.msk $0xffff, v2  }
0x222: {  	v30 =	vor.u32 s2, v24;
	s22 =	smov.u32 s12;
	s3 =	sshll.u32 s3, $0x5;
	s23 =	rddreg [dreg:$0x11];
	v1 =	vld [tilespmem:s13+$0x180];
	[tilespmem:v33+s1+$0x0] =	vst.idx.msk $0xffff, v31  }
0x223: {  	s9 =	sor.u32 $0x6380, s9;
	s25 =	sor.u32 s7, s6;
	v4 =	vor.u32 s31, v51;
	s13 =	sor.u32 $0x200, s10;
	v2 =	vld [tilespmem:s23+$0x0]  }
0x224: {  	v35 =	vor.u32 s4, v25;
	s3 =	sadd.s32 s26, s3;
	s12 =	sor.u32 s5, s9;
	[tilespmem:v12+s1+$0x0] =	vst.idx.msk $0xffff, v10;
	s23 =	sor.u32 $0x280, s14;
	v5 =	vld [tilespmem:s13+$0x4000]  }
0x225: {  	v37 =	vor.u32 s20, v26;
	s7 =	sor.u32 s7, s9;
	[dreg:$0x11] =	wrdreg s22;
	s22 =	simm.s32 $0x10000;
	[tilespmem:v3+s1+$0x0] =	vst.idx.msk $0xffff, v0;
	v36 =	vld [tilespmem:s23+$0x4000]  }
0x226: {  	s13 =	sor.u32 s0, s9;
	s23 =	sor.u32 s11, s9;
	[tilespmem:v34+s1+$0x0] =	vst.idx.msk $0xffff, v8;
	s9 =	sld [smem:$0x7CB]  }
0x227: {  	s5 =	sor.u32 $0x280, s8;
	s18 =	sadd.s32 $0x20, s3;
	v3 =	vor.u32 s19, v55;
	v0 =	vld [tilespmem:s12+$0x0];
	[tilespmem:v30+s22+$0x0] =	vst.idx.msk $0xffff, v1;
	s12 =	sld [smem:$0x7CC]  }
0x228: {  	v38 =	vor.u32 s24, v26;
	s3 =	sor.u32 $0x200, s18;
	v8 =	vld [tilespmem:s5+$0x4000];
	[tilespmem:v4+s22+$0x0] =	vst.idx.msk $0xffff, v2  }
0x229: {  	[dreg:$0x10] =	wrdreg s10;
	v12 =	vor.u32 s2, v25;
	s5 =	smov.u32 s29;
	v9 =	vld [tilespmem:s3+$0x4000];
	[tilespmem:v35+s22+$0x0] =	vst.idx.msk $0xffff, v5  }
0x22a: {  	s29 =	smov.u32 s9;
	s9 =	smov.u32 s17;
	s17 =	sor.u32 $0x300, s14;
	v4 =	vor.u32 s31, v32;
	[tilespmem:v37+s22+$0x0] =	vst.idx.msk $0xffff, v36;
	v2 =	vld [tilespmem:s12+$0x0]  }
0x22b: {  	v40 =	vor.u32 s20, v54;
	s10 =	sor.u32 $0x280, s10;
	s3 =	sld [smem:$0x7CE];
	v7 =	vld [tilespmem:s17+$0x4000]  }
0x22c: {  	v39 =	vor.u32 s4, v26;
	[dreg:$0x1b] =	wrdreg s23;
	v5 =	vld [tilespmem:s10+$0x4000];
	[tilespmem:v3+s22+$0x0] =	vst.idx.msk $0xffff, v0  }
0x22d: {  	s19 =	smov.u32 s24;
	s14 =	sld [smem:$0x7D1];
	[tilespmem:v38+s22+$0x0] =	vst.idx.msk $0xffff, v8  }
0x22e: {  	s23 =	smov.u32 s28;
	s28 =	sor.u32 $0x300, s8;
	v0 =	vld [tilespmem:s3+$0x0];
	v3 =	vor.u32 s30, v49;
	s10 =	sld [smem:$0x7CF];
	[tilespmem:v12+s22+$0x0] =	vst.idx.msk $0xffff, v9  }
0x22f: {  	v41 =	vor.u32 s19, v54;
	s8 =	sor.u32 $0x280, s18;
	s12 =	sld [smem:$0x7D0];
	v8 =	vld [tilespmem:s28+$0x4000];
	[tilespmem:v4+s22+$0x0] =	vst.idx.msk $0xffff, v2  }
0x230: {  	v13 =	vor.u32 s2, v26;
	[smem:$0x7E0] =	sst s25;
	s25 =	sor.u32 s0, s6;
	v12 =	vld [tilespmem:s8+$0x4000];
	[tilespmem:v40+s22+$0x0] =	vst.idx.msk $0xffff, v7  }
0x231: {  	s6 =	sor.u32 s11, s6;
	s11 =	smov.u32 s15;
	s15 =	sld [smem:$0x7D2];
	v1 =	vor.u32 s16, v49;
	[tilespmem:v39+s22+$0x0] =	vst.idx.msk $0xffff, v5;
	v5 =	vld [tilespmem:s14+$0x0]  }
0x232: {  	s17 =	sld [smem:$0x7D3];
	s0 =	sor.u32 $0x380, s12;
	v4 =	vor.u32 s31, v49;
	v2 =	vld [tilespmem:s10+$0x0]  }
0x233: {  	v44 =	vor.u32 s20, v47;
	s24 =	sld [smem:$0x7CD];
	[tilespmem:v3+s22+$0x0] =	vst.idx.msk $0xffff, v0;
	v43 =	vld [tilespmem:s0+$0x4000]  }
0x234: {  	[dreg:$0x19] =	wrdreg s7;
	[tilespmem:v41+s22+$0x0] =	vst.idx.msk $0xffff, v8  }
0x235: {  	s28 =	sld [smem:$0x7D5];
	v3 =	vor.u32 s30, v50;
	s0 =	sor.u32 $0x380, s15;
	v0 =	vld [tilespmem:s17+$0x0];
	[tilespmem:v13+s22+$0x0] =	vst.idx.msk $0xffff, v12  }
0x236: {  	v46 =	vor.u32 s19, v47;
	s1 =	sld [smem:$0x7D6];
	s7 =	smov.u32 s24;
	s24 =	sor.u32 $0x300, s18;
	v8 =	vld [tilespmem:s0+$0x4000];
	[tilespmem:v1+s22+$0x0] =	vst.idx.msk $0xffff, v5  }
0x237: {  	s3 =	sld [smem:$0x7D7];
	v13 =	vor.u32 s2, v54;
	v12 =	vld [tilespmem:s24+$0x4000];
	[tilespmem:v4+s22+$0x0] =	vst.idx.msk $0xffff, v2  }
0x238: {  	s8 =	sld [smem:$0x7D8];
	v2 =	vor.u32 s31, v50;
	[tilespmem:v44+s22+$0x0] =	vst.idx.msk $0xffff, v43;
	v1 =	vld [tilespmem:s28+$0x0]  }
0x239: {  	v42 =	vor.u32 s16, v50;
	s12 =	sld [smem:$0x7DA];
	v4 =	vld [tilespmem:s1+$0x0]  }
0x23a: {  	v57 =	vor.u32 s20, v48;
	s10 =	sld [smem:$0x7D9];
	[tilespmem:v3+s22+$0x0] =	vst.idx.msk $0xffff, v0;
	v5 =	vld [tilespmem:s3+$0x0]  }
0x23b: {  	[tilespmem:v46+s22+$0x0] =	vst.idx.msk $0xffff, v8  }
0x23c: {  	s14 =	sld [smem:$0x7DB];
	v3 =	vor.u32 s30, v52;
	v0 =	vld [tilespmem:s8+$0x0];
	[tilespmem:v13+s22+$0x0] =	vst.idx.msk $0xffff, v12  }
0x23d: {  	v59 =	vor.u32 s19, v48;
	s15 =	sld [smem:$0x7DC];
	s0 =	sor.u32 $0x380, s12;
	v58 =	vld [tilespmem:s10+$0x0];
	[tilespmem:v2+s22+$0x0] =	vst.idx.msk $0xffff, v1  }
0x23e: {  	v56 =	vor.u32 s16, v52;
	v18 =	vor.u32 s16, v53;
	v12 =	vor.u32 s2, v47;
	s10 =	smov.u32 s16;
	v60 =	vld [tilespmem:s0+$0x4000];
	s16 =	sld [smem:$0x7DD];
	[tilespmem:v42+s22+$0x0] =	vst.idx.msk $0xffff, v4  }
0x23f: {  	v2 =	vor.u32 s31, v52;
	v1 =	vld [tilespmem:s14+$0x0];
	[tilespmem:v57+s22+$0x0] =	vst.idx.msk $0xffff, v5  }
0x240: {  	v4 =	vld [tilespmem:s15+$0x0]  }
0x241: {  	v61 =	vor.u32 s20, v51;
	s17 =	sld [smem:$0x7DF];
	[tilespmem:v3+s22+$0x0] =	vst.idx.msk $0xffff, v0;
	v5 =	vld [tilespmem:s16+$0x0]  }
0x242: {  	s18 =	sld [smem:$0x7D4];
	[tilespmem:v59+s22+$0x0] =	vst.idx.msk $0xffff, v58  }
0x243: {  	s21 =	sadd.s32 $0x40, s21;
	v63 =	vor.u32 s30, v53;
	s24 =	rddreg [dreg:$0x1d];
	v62 =	vld [tilespmem:s25+$0x0];
	[tilespmem:v12+s22+$0x0] =	vst.idx.msk $0xffff, v60  }
.Ltmp1:
0x244: {  	s4 =	sadd.s32 $0x400, s4;
	s28 =	sld [smem:$0x7E0];
	v19 =	vld [tilespmem:s17+$0x0];
	[tilespmem:v2+s22+$0x0] =	vst.idx.msk $0xffff, v1;
	(pc) =	sbr.rel @p2 .LBB2_5-.Ltmp1, $4  }
0x245: {  	s26 =	sadd.s32 $0x200, s26;
	s25 =	smov.u32 s20;
	s20 =	rddreg [dreg:$0x17];
	v20 =	vld [tilespmem:s24+$0x0];
	[tilespmem:v56+s22+$0x0] =	vst.idx.msk $0xffff, v4  }
0x246: {  	v17 =	vmov v16;
	v16 =	vor.u32 s2, v55;
	s12 =	smov.u32 s31;
	s15 =	smov.u32 s2;
	s2 =	sld [smem:$0x7DE];
	v1 =	vld [tilespmem:s6+$0x0];
	[tilespmem:v61+s22+$0x0] =	vst.idx.msk $0xffff, v5  }
0x247: {  	v22 =	vor.u32 s19, v51;
	s30 =	smov.u32 s25;
	s16 =	sor.u32 $0x6180, s5;
	v2 =	vor.u32 s31, v53;
	s31 =	rddreg [dreg:$0x1f];
	v0 =	vld [tilespmem:s28+$0x0]  }
0x248: {  	v21 =	vor.u32 s25, v32;
	v23 =	vor.u32 s15, v48;
	s8 =	sor.u32 s23, s16;
	s14 =	sor.u32 s9, s16;
	[tilespmem:v63+s22+$0x0] =	vst.idx.msk $0xffff, v62;
	s6 =	sor.u32 s29, s16;
	v3 =	vld [tilespmem:s31+$0x0]  }
0x249: {  	s0 =	rddreg [dreg:$0x10]  }
0x24a: {  	s3 =	rddreg [dreg:$0x4];
	s0 =	sor.u32 $0x300, s0  }
0x24b: {  	v5 =	vor.u32 s3, v54;
	v4 =	vld [tilespmem:s0+$0x4000];
	_ =	sdelay $0x1  }
0x24c: {  	s25 =	rddreg [dreg:$0x6]  }
0x24d: {  	s1 =	rddreg [dreg:$0x8]  }
0x24e: {  	s0 =	sor.u32 s1, s25  }
0x24f: {  	s0 =	sor.u32 $0x380, s0;
	[tilespmem:v5+s22+$0x0] =	vst.idx.msk $0xffff, v4  }
0x250: {  	v5 =	vor.u32 s3, v47;
	v4 =	vld [tilespmem:s0+$0x4000];
	_ =	sdelay $0x4  }
0x251: {  	[tilespmem:v5+s22+$0x0] =	vst.idx.msk $0xffff, v4  }
0x252: {  	s26 =	rddreg [dreg:$0x15]  }
0x253: {  	v5 =	vor.u32 s3, v48;
	v4 =	vld [tilespmem:s26+$0x0];
	_ =	sdelay $0x2  }
0x254: {  	[tilespmem:v23+s22+$0x0] =	vst.idx.msk $0xffff, v20  }
0x255: {  	v7 =	vor.u32 s15, v51;
	v6 =	vld [tilespmem:s18+$0x0]  }
0x256: {  	[tilespmem:v5+s22+$0x0] =	vst.idx.msk $0xffff, v4  }
0x257: {  	s1 =	rddreg [dreg:$0x11]  }
0x258: {  	v5 =	vor.u32 s3, v51;
	v4 =	vld [tilespmem:s1+$0x0]  }
0x259: {  	[tilespmem:v22+s22+$0x0] =	vst.idx.msk $0xffff, v19  }
0x25a: {  	[tilespmem:v7+s22+$0x0] =	vst.idx.msk $0xffff, v6  }
0x25b: {  	v9 =	vor.u32 s19, v32;
	v8 =	vld [tilespmem:s2+$0x0];
	s2 =	rddreg [dreg:$0x13]  }
0x25c: {  	v29 =	vor.u32 s15, v32;
	v6 =	vld [tilespmem:s2+$0x0]  }
0x25d: {  	[tilespmem:v5+s22+$0x0] =	vst.idx.msk $0xffff, v4  }
0x25e: {  	v5 =	vor.u32 s3, v32;
	v4 =	vld [tilespmem:s7+$0x0];
	_ =	sdelay $0x1  }
0x25f: {  	[tilespmem:v9+s22+$0x0] =	vst.idx.msk $0xffff, v8  }
0x260: {  	v30 =	vor.u32 s19, v49;
	v8 =	vld [tilespmem:s8+$0x0];
	[tilespmem:v29+s22+$0x0] =	vst.idx.msk $0xffff, v6  }
0x261: {  	v31 =	vor.u32 s15, v49;
	[tilespmem:v21+s22+$0x0] =	vst.idx.msk $0xffff, v3;
	v6 =	vld [tilespmem:s14+$0x0]  }
0x262: {  	s4 =	sor.u32 s11, s16;
	v10 =	vld [tilespmem:s6+$0x0];
	[tilespmem:v5+s22+$0x0] =	vst.idx.msk $0xffff, v4;
	v5 =	vor.u32 s30, v49  }
0x263: {  	v4 =	vor.u32 s3, v49;
	v3 =	vld [tilespmem:s4+$0x0]  }
0x264: {  	s6 =	sor.u32 $0x6200, s5  }
0x265: {  	s7 =	sor.u32 s23, s6;
	[tilespmem:v30+s22+$0x0] =	vst.idx.msk $0xffff, v8  }
0x266: {  	v33 =	vor.u32 s19, v50;
	s8 =	sor.u32 s9, s6;
	v8 =	vld [tilespmem:s7+$0x0];
	[tilespmem:v31+s22+$0x0] =	vst.idx.msk $0xffff, v6  }
0x267: {  	v34 =	vor.u32 s15, v50;
	s0 =	sor.u32 s29, s6;
	v6 =	vld [tilespmem:s8+$0x0];
	[tilespmem:v5+s22+$0x0] =	vst.idx.msk $0xffff, v10  }
0x268: {  	s14 =	sor.u32 s11, s6;
	v5 =	vor.u32 s30, v50;
	[tilespmem:v4+s22+$0x0] =	vst.idx.msk $0xffff, v3;
	v10 =	vld [tilespmem:s0+$0x0]  }
0x269: {  	v4 =	vor.u32 s3, v50;
	v3 =	vld [tilespmem:s14+$0x0]  }
0x26a: {  	s16 =	sor.u32 $0x6280, s5  }
0x26b: {  	s17 =	sor.u32 s23, s16;
	[tilespmem:v33+s22+$0x0] =	vst.idx.msk $0xffff, v8  }
0x26c: {  	v35 =	vor.u32 s19, v52;
	s18 =	sor.u32 s9, s16;
	v8 =	vld [tilespmem:s17+$0x0];
	[tilespmem:v34+s22+$0x0] =	vst.idx.msk $0xffff, v6  }
0x26d: {  	v36 =	vor.u32 s15, v52;
	s0 =	sor.u32 s29, s16;
	v6 =	vld [tilespmem:s18+$0x0];
	[tilespmem:v5+s22+$0x0] =	vst.idx.msk $0xffff, v10  }
0x26e: {  	s20 =	sor.u32 s11, s16;
	v5 =	vor.u32 s30, v52;
	[tilespmem:v4+s22+$0x0] =	vst.idx.msk $0xffff, v3;
	v10 =	vld [tilespmem:s0+$0x0]  }
0x26f: {  	[tilespmem:v2+s22+$0x0] =	vst.idx.msk $0xffff, v1;
	v4 =	vor.u32 s3, v52;
	v3 =	vld [tilespmem:s20+$0x0]  }
0x270: {  	s21 =	sor.u32 $0x6300, s5;
	v1 =	vld [tilespmem:s13+$0x0];
	[tilespmem:v18+s22+$0x0] =	vst.idx.msk $0xffff, v0  }
0x271: {  	s24 =	sor.u32 s23, s21;
	[tilespmem:v35+s22+$0x0] =	vst.idx.msk $0xffff, v8  }
0x272: {  	v37 =	vor.u32 s19, v53;
	s25 =	sor.u32 s9, s21;
	v2 =	vld [tilespmem:s24+$0x0];
	[tilespmem:v36+s22+$0x0] =	vst.idx.msk $0xffff, v6  }
0x273: {  	v38 =	vor.u32 s15, v53;
	s0 =	sor.u32 s29, s21;
	v6 =	vld [tilespmem:s25+$0x0];
	[tilespmem:v5+s22+$0x0] =	vst.idx.msk $0xffff, v10  }
0x274: {  	s26 =	sor.u32 s11, s21;
	v0 =	vor.u32 s30, v53;
	[tilespmem:v4+s22+$0x0] =	vst.idx.msk $0xffff, v3;
	v5 =	vld [tilespmem:s0+$0x0]  }
0x275: {  	v4 =	vor.u32 s3, v53;
	v3 =	vld [tilespmem:s26+$0x0];
	s4 =	rddreg [dreg:$0x1b];
	[tilespmem:v17+s22+$0x0] =	vst.idx.msk $0xffff, v1  }
0x276: {  	v40 =	vor.u32 s12, v55;
	s5 =	sor.u32 $0x6380, s5;
	v39 =	vld [tilespmem:s4+$0x0];
	s6 =	rddreg [dreg:$0x19]  }
0x277: {  	s7 =	sor.u32 s23, s5;
	v1 =	vor.u32 s10, v55;
	[tilespmem:v37+s22+$0x0] =	vst.idx.msk $0xffff, v2;
	v11 =	vld [tilespmem:s6+$0x0]  }
0x278: {  	v41 =	vor.u32 s19, v55;
	s8 =	sor.u32 s9, s5;
	[tilespmem:v38+s22+$0x0] =	vst.idx.msk $0xffff, v6;
	v2 =	vld [tilespmem:s7+$0x0]  }
0x279: {  	s0 =	sor.u32 s29, s5;
	v6 =	vld [tilespmem:s8+$0x0];
	[tilespmem:v0+s22+$0x0] =	vst.idx.msk $0xffff, v5  }
0x27a: {  	s9 =	sor.u32 s11, s5;
	[tilespmem:v4+s22+$0x0] =	vst.idx.msk $0xffff, v3;
	v4 =	vor.u32 s30, v55;
	v5 =	vld [tilespmem:s0+$0x0]  }
0x27b: {  	v3 =	vor.u32 s3, v55;
	v0 =	vld [tilespmem:s9+$0x0];
	[tilespmem:v40+s22+$0x0] =	vst.idx.msk $0xffff, v39  }
0x27c: {  	[tilespmem:v1+s22+$0x0] =	vst.idx.msk $0xffff, v11  }
0x27d: {  	s10 =	sld [smem:$0x7F4];
	[tilespmem:v41+s22+$0x0] =	vst.idx.msk $0xffff, v2  }
0x27e: {  	s11 =	sld [smem:$0x7F5];
	[tilespmem:v16+s22+$0x0] =	vst.idx.msk $0xffff, v6  }
0x27f: {  	[tilespmem:v4+s22+$0x0] =	vst.idx.msk $0xffff, v5  }
0x280: {  	s0 =	smul.u32 $0x186A00, s10;
	[tilespmem:v3+s22+$0x0] =	vst.idx.msk $0xffff, v0  }
0x281: {  	s1 =	sshll.u32 s11, $0xB;
	s12 =	sld [smem:$0x7FA]  }
0x282: {  	s0 =	sadd.s32 s0, s1  }
0x283: {  	s0 =	sshrl.u32 s0, $0x3  }
0x284: {  	s13 =	simm.s32 $0x3;
	s1 =	simm.s32 $0x0;
	s0 =	sadd.s32 s12, s0  }
0x285: {  	[hbm4b:s0+s1] =	stream.linear.scatter [tilespmem:s22], [sflag:$0x5], $0x4000, $0x38;
	[tilespmem:$0x18200] =	vst v63  }
0x286: {  	s6 =	simm.s32 $0x10;
	s5 =	sand.u32 $0x1C00, s1;
	_ =	swait.ge [sflag:s13], $0x4000  }
0x287: {  	s2 =	sand.u32 $0x50, s6;
	s14 =	sor.u32 $0x8000, s5;
	[sflag:s13] =	ssyncset.done $0x0  }
0x288: {  	s15 =	simm.s32 $0x100;
	s4 =	sor.u32 s2, s14;
	[sflag:s13] =	ssyncadd.s32 $0xFFFFC000  }
0x289: {  	v0 =	vor.u32 s15, v14;
	v1 =	vld [tilespmem:s4+$0x0];
	_ =	sdelay $0x1  }
0x28a: {  	s3 =	simm.s32 $0x0  }
0x28b: {  	s13 =	sand.u32 $0x40, s3  }
0x28c: {  	s20 =	simm.s32 $0x0;
	s25 =	simm.s32 $0x14000;
	s21 =	sor.u32 s13, s14  }
0x28d: {  	v3 =	vor.u32 s20, v14;
	s0 =	simm.s32 $0x20;
	v2 =	vld [tilespmem:s21+$0x0];
	[tilespmem:v0+s25+$0x0] =	vst.idx.msk $0xffff, v1  }
0x28e: {  	s19 =	sand.u32 $0x60, s0;
	v0 =	vor.u32 s15, v15;
	v1 =	vld [tilespmem:s4+$0x80]  }
0x28f: {  	s17 =	simm.s32 $0x200;
	s22 =	sor.u32 s19, s14  }
0x290: {  	v4 =	vor.u32 s17, v14;
	v5 =	vld [tilespmem:s22+$0x0];
	_ =	sdelay $0x1  }
0x291: {  	[tilespmem:v3+s25+$0x0] =	vst.idx.msk $0xffff, v2  }
0x292: {  	v3 =	vor.u32 s20, v15;
	v2 =	vld [tilespmem:s21+$0x80];
	[tilespmem:v0+s25+$0x0] =	vst.idx.msk $0xffff, v1  }
0x293: {  	v0 =	vor.u32 s15, v45;
	v1 =	vld [tilespmem:s4+$0x100]  }
0x294: {  	[tilespmem:v4+s25+$0x0] =	vst.idx.msk $0xffff, v5  }
0x295: {  	v4 =	vor.u32 s17, v15;
	v5 =	vld [tilespmem:s22+$0x80];
	_ =	sdelay $0x1  }
0x296: {  	[tilespmem:v3+s25+$0x0] =	vst.idx.msk $0xffff, v2  }
0x297: {  	v3 =	vor.u32 s20, v45;
	v2 =	vld [tilespmem:s21+$0x100];
	[tilespmem:v0+s25+$0x0] =	vst.idx.msk $0xffff, v1  }
0x298: {  	v0 =	vor.u32 s15, v24;
	v1 =	vld [tilespmem:s4+$0x180]  }
0x299: {  	s23 =	sand.u32 $0x7, s1;
	[tilespmem:v4+s25+$0x0] =	vst.idx.msk $0xffff, v5  }
0x29a: {  	v4 =	vor.u32 s17, v45;
	v5 =	vld [tilespmem:s22+$0x100];
	s4 =	sshll.u32 s23, $0x4  }
0x29b: {  	s7 =	sadd.s32 $0x0, s4  }
0x29c: {  	s16 =	simm.s32 $0x0;
	[tilespmem:v3+s25+$0x0] =	vst.idx.msk $0xffff, v2;
	s24 =	sadd.s32 $0x10, s7  }
0x29d: {  	v3 =	vor.u32 s16, v24;
	v2 =	vld [tilespmem:s21+$0x180];
	s26 =	sor.u32 $0x200, s24;
	[tilespmem:v0+s25+$0x0] =	vst.idx.msk $0xffff, v1  }
0x29e: {  	p1 =	por $0x0, $0x0;
	s4 =	simm.s32 $0x1;
	v1 =	vor.u32 s15, v25;
	v0 =	vld [tilespmem:s26+$0x8000]  }
0x29f: {  	[tilespmem:v4+s25+$0x0] =	vst.idx.msk $0xffff, v5;
	s4 =	simm.s32 @!p1 $0x0  }
0x2a0: {  	v4 =	vor.u32 s17, v24;
	v5 =	vld [tilespmem:s22+$0x180];
	s4 =	sshll.u32 s4, $0x6  }
0x2a1: {  	s20 =	sand.u32 $0x3, s1;
	s30 =	sadd.s32 $0x0, s4  }
0x2a2: {  	s21 =	sshll.u32 s20, $0x5;
	s4 =	sor.u32 $0x200, s30;
	[tilespmem:v3+s25+$0x0] =	vst.idx.msk $0xffff, v2  }
0x2a3: {  	s10 =	sadd.s32 $0x0, s21;
	s18 =	sor.u32 $0x280, s24;
	v3 =	vor.u32 s16, v25;
	v2 =	vld [tilespmem:s4+$0x8000];
	[tilespmem:v1+s25+$0x0] =	vst.idx.msk $0xffff, v0  }
0x2a4: {  	s9 =	simm.s32 $0x30;
	s10 =	sadd.s32 $0x20, s10;
	v1 =	vor.u32 s15, v26;
	v0 =	vld [tilespmem:s18+$0x8000]  }
0x2a5: {  	s23 =	sor.u32 $0x200, s10;
	[tilespmem:v4+s25+$0x0] =	vst.idx.msk $0xffff, v5;
	s4 =	sand.u32 $0x70, s9  }
0x2a6: {  	s28 =	simm.s32 $0x300;
	v5 =	vor.u32 s17, v25;
	v4 =	vld [tilespmem:s23+$0x8000];
	s8 =	sor.u32 s4, s14  }
0x2a7: {  	v42 =	vor.u32 s28, v14;
	v43 =	vld [tilespmem:s8+$0x0]  }
0x2a8: {  	s22 =	sor.u32 $0x280, s30;
	[tilespmem:v3+s25+$0x0] =	vst.idx.msk $0xffff, v2  }
0x2a9: {  	s11 =	sor.u32 $0x300, s24;
	v3 =	vor.u32 s16, v26;
	v2 =	vld [tilespmem:s22+$0x8000];
	[tilespmem:v1+s25+$0x0] =	vst.idx.msk $0xffff, v0  }
0x2aa: {  	v1 =	vor.u32 s15, v54;
	v0 =	vld [tilespmem:s11+$0x8000]  }
0x2ab: {  	s26 =	sor.u32 $0x280, s10;
	[tilespmem:v5+s25+$0x0] =	vst.idx.msk $0xffff, v4  }
0x2ac: {  	v5 =	vor.u32 s17, v26;
	v4 =	vld [tilespmem:s26+$0x8000];
	[tilespmem:v42+s25+$0x0] =	vst.idx.msk $0xffff, v43  }
0x2ad: {  	v44 =	vor.u32 s28, v15;
	v7 =	vld [tilespmem:s8+$0x80]  }
0x2ae: {  	s6 =	sor.u32 s6, s1;
	s24 =	sor.u32 $0x300, s30;
	[tilespmem:v3+s25+$0x0] =	vst.idx.msk $0xffff, v2  }
0x2af: {  	s6 =	sor.u32 $0x380, s6;
	v3 =	vor.u32 s16, v54;
	v2 =	vld [tilespmem:s24+$0x8000];
	[tilespmem:v1+s25+$0x0] =	vst.idx.msk $0xffff, v0  }
0x2b0: {  	v1 =	vor.u32 s15, v47;
	v0 =	vld [tilespmem:s6+$0x8000]  }
0x2b1: {  	s10 =	sor.u32 $0x300, s10;
	[tilespmem:v5+s25+$0x0] =	vst.idx.msk $0xffff, v4  }
0x2b2: {  	v5 =	vor.u32 s17, v54;
	v4 =	vld [tilespmem:s10+$0x8000];
	[tilespmem:v44+s25+$0x0] =	vst.idx.msk $0xffff, v7  }
0x2b3: {  	v46 =	vor.u32 s28, v45;
	s3 =	sor.u32 s3, s1;
	v7 =	vld [tilespmem:s8+$0x100]  }
0x2b4: {  	s3 =	sor.u32 $0x380, s3;
	s30 =	simm.s32 $0x0;
	s14 =	sor.u32 $0xA000, s5;
	[tilespmem:v3+s25+$0x0] =	vst.idx.msk $0xffff, v2  }
0x2b5: {  	s12 =	sor.u32 s2, s14;
	v3 =	vor.u32 s30, v47;
	v2 =	vld [tilespmem:s3+$0x8000];
	[tilespmem:v1+s25+$0x0] =	vst.idx.msk $0xffff, v0  }
0x2b6: {  	s0 =	sor.u32 s0, s1;
	v1 =	vor.u32 s15, v48;
	v0 =	vld [tilespmem:s12+$0x0]  }
0x2b7: {  	s0 =	sor.u32 $0x380, s0;
	[tilespmem:v5+s25+$0x0] =	vst.idx.msk $0xffff, v4  }
0x2b8: {  	v5 =	vor.u32 s17, v47;
	v4 =	vld [tilespmem:s0+$0x8000];
	[tilespmem:v46+s25+$0x0] =	vst.idx.msk $0xffff, v7  }
0x2b9: {  	v56 =	vor.u32 s28, v24;
	v6 =	vld [tilespmem:s8+$0x180]  }
0x2ba: {  	s16 =	sor.u32 s13, s14;
	s10 =	sor.u32 $0xA080, s5;
	[tilespmem:v3+s25+$0x0] =	vst.idx.msk $0xffff, v2  }
0x2bb: {  	s20 =	sor.u32 s2, s10;
	v3 =	vor.u32 s30, v48;
	v2 =	vld [tilespmem:s16+$0x0];
	[tilespmem:v1+s25+$0x0] =	vst.idx.msk $0xffff, v0  }
0x2bc: {  	v1 =	vor.u32 s15, v51;
	v0 =	vld [tilespmem:s20+$0x0]  }
0x2bd: {  	s23 =	sor.u32 s19, s14;
	s3 =	sadd.s32 $0x30, s7;
	[tilespmem:v5+s25+$0x0] =	vst.idx.msk $0xffff, v4  }
0x2be: {  	s21 =	sor.u32 $0x200, s3;
	v5 =	vor.u32 s17, v48;
	v4 =	vld [tilespmem:s23+$0x0];
	[tilespmem:v56+s25+$0x0] =	vst.idx.msk $0xffff, v6  }
0x2bf: {  	v57 =	vor.u32 s28, v25;
	v6 =	vld [tilespmem:s21+$0x8000]  }
0x2c0: {  	s18 =	simm.s32 $0x0;
	s22 =	sor.u32 s13, s10;
	s21 =	sor.u32 $0xA100, s5;
	[tilespmem:v3+s25+$0x0] =	vst.idx.msk $0xffff, v2  }
0x2c1: {  	s24 =	sor.u32 s2, s21;
	v3 =	vor.u32 s18, v51;
	v2 =	vld [tilespmem:s22+$0x0];
	[tilespmem:v1+s25+$0x0] =	vst.idx.msk $0xffff, v0  }
0x2c2: {  	s26 =	simm.s32 $0x200;
	s6 =	sor.u32 $0xA180, s5;
	s30 =	sor.u32 $0x280, s3;
	v1 =	vor.u32 s15, v32;
	v0 =	vld [tilespmem:s24+$0x0]  }
0x2c3: {  	s12 =	simm.s32 $0x40;
	s23 =	sor.u32 s19, s10;
	[tilespmem:v5+s25+$0x0] =	vst.idx.msk $0xffff, v4;
	s20 =	sand.u32 $0x1C00, s26  }
0x2c4: {  	s16 =	simm.s32 $0x50;
	s26 =	sand.u32 $0x40, s12;
	v4 =	vld [tilespmem:s23+$0x0];
	s11 =	sor.u32 $0x8000, s20;
	[tilespmem:v57+s25+$0x0] =	vst.idx.msk $0xffff, v6  }
0x2c5: {  	s29 =	sand.u32 $0x50, s16;
	s18 =	sor.u32 s26, s11;
	v6 =	vld [tilespmem:s30+$0x8000];
	s30 =	simm.s32 $0x400  }
0x2c6: {  	s0 =	simm.s32 $0x70;
	s7 =	simm.s32 $0x500;
	v58 =	vld [tilespmem:s18+$0x0];
	v59 =	vor.u32 s30, v14;
	s24 =	sor.u32 s29, s11;
	[tilespmem:v3+s25+$0x0] =	vst.idx.msk $0xffff, v2  }
0x2c7: {  	s0 =	sand.u32 $0x70, s0;
	s23 =	simm.s32 $0x70;
	s22 =	sor.u32 s13, s21;
	v2 =	vor.u32 s7, v14;
	v3 =	vld [tilespmem:s24+$0x0];
	[tilespmem:v1+s25+$0x0] =	vst.idx.msk $0xffff, v0  }
0x2c8: {  	v60 =	vor.u32 s28, v26;
	s8 =	simm.s32 $0x60;
	v16 =	vld [tilespmem:s22+$0x0];
	s22 =	sor.u32 s2, s6;
	[dreg:$0x9] =	wrdreg s23  }
0x2c9: {  	v30 =	vor.u32 s17, v51;
	s12 =	sand.u32 $0x60, s8;
	s16 =	sor.u32 s0, s11;
	v0 =	vld [tilespmem:s22+$0x0]  }
0x2ca: {  	s31 =	simm.s32 $0x700;
	s8 =	sor.u32 s12, s11;
	v1 =	vor.u32 s15, v49;
	v61 =	vld [tilespmem:s16+$0x0]  }
0x2cb: {  	v5 =	vor.u32 s31, v14;
	[tilespmem:v59+s25+$0x0] =	vst.idx.msk $0xffff, v58;
	v12 =	vld [tilespmem:s8+$0x0]  }
0x2cc: {  	v62 =	vor.u32 s30, v15;
	s23 =	sor.u32 $0x300, s3;
	s3 =	simm.s32 $0x600;
	[tilespmem:v2+s25+$0x0] =	vst.idx.msk $0xffff, v3;
	v8 =	vld [tilespmem:s18+$0x80]  }
0x2cd: {  	[tilespmem:v60+s25+$0x0] =	vst.idx.msk $0xffff, v6;
	v28 =	vor.u32 s3, v14;
	v3 =	vld [tilespmem:s24+$0x80]  }
0x2ce: {  	v2 =	vor.u32 s7, v15;
	[tilespmem:v30+s25+$0x0] =	vst.idx.msk $0xffff, v4;
	v6 =	vld [tilespmem:s23+$0x8000];
	s23 =	sor.u32 $0xA200, s5  }
0x2cf: {  	v63 =	vor.u32 s28, v54;
	s11 =	smov.u32 s0;
	s0 =	sor.u32 s2, s23;
	[tilespmem:v1+s25+$0x0] =	vst.idx.msk $0xffff, v0  }
0x2d0: {  	[tilespmem:v5+s25+$0x0] =	vst.idx.msk $0xffff, v61;
	v1 =	vor.u32 s15, v50;
	v0 =	vld [tilespmem:s0+$0x0]  }
0x2d1: {  	v5 =	vor.u32 s31, v15;
	[tilespmem:v62+s25+$0x0] =	vst.idx.msk $0xffff, v8;
	v7 =	vld [tilespmem:s16+$0x80]  }
0x2d2: {  	v29 =	vor.u32 s30, v45;
	[tilespmem:v28+s25+$0x0] =	vst.idx.msk $0xffff, v12;
	v8 =	vld [tilespmem:s18+$0x100]  }
0x2d3: {  	s1 =	sor.u32 s9, s1;
	v31 =	vor.u32 s3, v15;
	[tilespmem:v2+s25+$0x0] =	vst.idx.msk $0xffff, v3;
	v12 =	vld [tilespmem:s8+$0x80]  }
0x2d4: {  	s1 =	sor.u32 $0x380, s1;
	s22 =	sor.u32 $0xA280, s5;
	v2 =	vor.u32 s7, v45;
	[tilespmem:v63+s25+$0x0] =	vst.idx.msk $0xffff, v6;
	v3 =	vld [tilespmem:s24+$0x100]  }
0x2d5: {  	s9 =	sor.u32 s2, s22;
	v6 =	vld [tilespmem:s1+$0x8000];
	[tilespmem:v1+s25+$0x0] =	vst.idx.msk $0xffff, v0;
	v1 =	vor.u32 s28, v47  }
0x2d6: {  	[tilespmem:v5+s25+$0x0] =	vst.idx.msk $0xffff, v7;
	v0 =	vld [tilespmem:s9+$0x0]  }
0x2d7: {  	v5 =	vor.u32 s31, v45;
	[tilespmem:v29+s25+$0x0] =	vst.idx.msk $0xffff, v8;
	v7 =	vld [tilespmem:s16+$0x100]  }
0x2d8: {  	v33 =	vor.u32 s30, v24;
	[tilespmem:v31+s25+$0x0] =	vst.idx.msk $0xffff, v12;
	v8 =	vld [tilespmem:s18+$0x180]  }
0x2d9: {  	p1 =	por !p1, !p1;
	s14 =	sor.u32 s4, s14;
	[tilespmem:v2+s25+$0x0] =	vst.idx.msk $0xffff, v3;
	v3 =	vor.u32 s15, v52;
	v12 =	vld [tilespmem:s8+$0x100]  }
0x2da: {  	v34 =	vor.u32 s7, v24;
	s0 =	simm.s32 $0x4;
	s9 =	simm.s32 $0x1;
	v2 =	vld [tilespmem:s24+$0x180];
	s18 =	sor.u32 s19, s21;
	[tilespmem:v1+s25+$0x0] =	vst.idx.msk $0xffff, v6  }
0x2db: {  	v35 =	vor.u32 s3, v45;
	s9 =	simm.s32 @!p1 $0x0;
	s24 =	simm.s32 $0x4;
	v4 =	vld [tilespmem:s18+$0x0];
	[dreg:$0xc] =	wrdreg s0  }
0x2dc: {  	s9 =	sshll.u32 s9, $0x6;
	s18 =	sand.u32 $0x7, s24;
	v1 =	vld [tilespmem:s14+$0x0];
	[tilespmem:v5+s25+$0x0] =	vst.idx.msk $0xffff, v7;
	v5 =	vor.u32 s28, v48  }
0x2dd: {  	v37 =	vor.u32 s31, v24;
	s24 =	sshll.u32 s18, $0x4;
	s18 =	sadd.s32 $0x200, s9;
	[tilespmem:v33+s25+$0x0] =	vst.idx.msk $0xffff, v8;
	v36 =	vld [tilespmem:s16+$0x180]  }
0x2de: {  	s9 =	sadd.s32 $0x200, s24;
	s0 =	sor.u32 $0x200, s18;
	s14 =	sor.u32 $0xA300, s5;
	[tilespmem:v3+s25+$0x0] =	vst.idx.msk $0xffff, v0  }
0x2df: {  	v0 =	vor.u32 s30, v25;
	[tilespmem:v34+s25+$0x0] =	vst.idx.msk $0xffff, v2;
	v8 =	vld [tilespmem:s0+$0x8000];
	s16 =	sadd.s32 $0x10, s9;
	s1 =	sor.u32 s2, s14  }
0x2e0: {  	v2 =	vor.u32 s15, v53;
	[tilespmem:v35+s25+$0x0] =	vst.idx.msk $0xffff, v12;
	v3 =	vld [tilespmem:s1+$0x0];
	s0 =	sor.u32 $0x200, s16  }
0x2e1: {  	v38 =	vor.u32 s7, v25;
	s24 =	simm.s32 $0x2;
	v9 =	vld [tilespmem:s0+$0x8000];
	[tilespmem:v5+s25+$0x0] =	vst.idx.msk $0xffff, v1  }
0x2e2: {  	v12 =	vor.u32 s3, v24;
	v11 =	vld [tilespmem:s8+$0x180];
	s1 =	sor.u32 s4, s10;
	s10 =	sadd.s32 $0x30, s9;
	s9 =	simm.s32 $0x2;
	[tilespmem:v37+s25+$0x0] =	vst.idx.msk $0xffff, v36  }
0x2e3: {  	s0 =	sand.u32 $0x3, s9;
	v5 =	vor.u32 s28, v51;
	v1 =	vld [tilespmem:s1+$0x0];
	s1 =	sor.u32 $0x200, s10;
	[dreg:$0xf] =	wrdreg s24  }
0x2e4: {  	s5 =	sor.u32 $0xA380, s5;
	s9 =	sor.u32 $0x280, s18;
	s8 =	sshll.u32 s0, $0x5;
	v6 =	vld [tilespmem:s1+$0x8000];
	[tilespmem:v0+s25+$0x0] =	vst.idx.msk $0xffff, v8;
	v0 =	vor.u32 s31, v25  }
0x2e5: {  	s2 =	sor.u32 s2, s5;
	s8 =	sadd.s32 $0x200, s8;
	[tilespmem:v2+s25+$0x0] =	vst.idx.msk $0xffff, v3;
	v3 =	vor.u32 s17, v32;
	v39 =	vld [tilespmem:s9+$0x8000]  }
0x2e6: {  	v40 =	vor.u32 s30, v26;
	s0 =	sor.u32 $0x280, s16;
	[tilespmem:v38+s25+$0x0] =	vst.idx.msk $0xffff, v9;
	v2 =	vld [tilespmem:s2+$0x0];
	s2 =	sadd.s32 $0x20, s8  }
0x2e7: {  	v41 =	vor.u32 s7, v26;
	[tilespmem:v12+s25+$0x0] =	vst.idx.msk $0xffff, v11;
	v9 =	vld [tilespmem:s0+$0x8000];
	s1 =	sor.u32 $0x200, s2  }
0x2e8: {  	v12 =	vor.u32 s3, v25;
	s9 =	sor.u32 s4, s21;
	v11 =	vld [tilespmem:s1+$0x8000];
	[tilespmem:v5+s25+$0x0] =	vst.idx.msk $0xffff, v1;
	s1 =	simm.s32 $0x0  }
0x2e9: {  	s21 =	sor.u32 $0x280, s10;
	v1 =	vld [tilespmem:s9+$0x0];
	v42 =	vor.u32 s1, v32;
	[tilespmem:v0+s25+$0x0] =	vst.idx.msk $0xffff, v6  }
0x2ea: {  	s0 =	sor.u32 s19, s6;
	v0 =	vor.u32 s28, v32;
	[tilespmem:v3+s25+$0x0] =	vst.idx.msk $0xffff, v4;
	v5 =	vld [tilespmem:s21+$0x8000]  }
0x2eb: {  	v43 =	vor.u32 s17, v49;
	s24 =	sor.u32 $0x300, s18;
	[tilespmem:v40+s25+$0x0] =	vst.idx.msk $0xffff, v39;
	v4 =	vld [tilespmem:s0+$0x0]  }
0x2ec: {  	s9 =	sor.u32 $0x300, s16;
	v3 =	vor.u32 s30, v54;
	[tilespmem:v41+s25+$0x0] =	vst.idx.msk $0xffff, v9;
	v7 =	vld [tilespmem:s24+$0x8000]  }
0x2ed: {  	v44 =	vor.u32 s7, v54;
	s18 =	sor.u32 s4, s6;
	s16 =	sor.u32 $0x280, s2;
	v9 =	vld [tilespmem:s9+$0x8000];
	[tilespmem:v12+s25+$0x0] =	vst.idx.msk $0xffff, v11  }
0x2ee: {  	s6 =	sor.u32 s13, s6;
	s21 =	simm.s32 $0x200;
	s24 =	simm.s32 $0x40;
	v12 =	vor.u32 s3, v26;
	v11 =	vld [tilespmem:s16+$0x8000];
	[tilespmem:v42+s25+$0x0] =	vst.idx.msk $0xffff, v16  }
0x2ef: {  	v13 =	vor.u32 s1, v49;
	s8 =	sor.u32 s24, s21;
	[tilespmem:v0+s25+$0x0] =	vst.idx.msk $0xffff, v1;
	v6 =	vld [tilespmem:s6+$0x0]  }
0x2f0: {  	s1 =	sor.u32 $0x380, s8;
	s8 =	sor.u32 s19, s23;
	v1 =	vor.u32 s28, v49;
	s6 =	simm.s32 $0x50;
	v0 =	vld [tilespmem:s18+$0x0];
	[tilespmem:v43+s25+$0x0] =	vst.idx.msk $0xffff, v4  }
0x2f1: {  	v56 =	vor.u32 s17, v50;
	s0 =	sor.u32 s6, s21;
	[tilespmem:v3+s25+$0x0] =	vst.idx.msk $0xffff, v7;
	v4 =	vld [tilespmem:s8+$0x0]  }
0x2f2: {  	v46 =	vor.u32 s30, v47;
	[tilespmem:v44+s25+$0x0] =	vst.idx.msk $0xffff, v9;
	s0 =	sor.u32 $0x380, s0;
	v3 =	vld [tilespmem:s1+$0x8000]  }
0x2f3: {  	s16 =	sor.u32 $0x300, s2;
	v9 =	vld [tilespmem:s0+$0x8000];
	[tilespmem:v12+s25+$0x0] =	vst.idx.msk $0xffff, v11  }
0x2f4: {  	v57 =	vor.u32 s7, v47;
	s21 =	sor.u32 s13, s23;
	v11 =	vld [tilespmem:s16+$0x8000];
	[tilespmem:v13+s25+$0x0] =	vst.idx.msk $0xffff, v6  }
0x2f5: {  	s9 =	simm.s32 $0x0;
	s18 =	sor.u32 s4, s23;
	v12 =	vor.u32 s3, v54;
	[tilespmem:v1+s25+$0x0] =	vst.idx.msk $0xffff, v0;
	v6 =	vld [tilespmem:s21+$0x0]  }
0x2f6: {  	s24 =	sor.u32 s19, s22;
	s2 =	sor.u32 $0xA000, s20;
	v13 =	vor.u32 s9, v50;
	v0 =	vld [tilespmem:s18+$0x0];
	[tilespmem:v56+s25+$0x0] =	vst.idx.msk $0xffff, v4  }
0x2f7: {  	s23 =	sor.u32 s26, s2;
	s6 =	simm.s32 $0x200;
	v1 =	vor.u32 s28, v50;
	[tilespmem:v46+s25+$0x0] =	vst.idx.msk $0xffff, v3;
	v4 =	vld [tilespmem:s24+$0x0]  }
0x2f8: {  	v59 =	vor.u32 s17, v52;
	s8 =	simm.s32 $0x60;
	s1 =	simm.s32 $0x200;
	v3 =	vld [tilespmem:s23+$0x0];
	[dreg:$0x7] =	wrdreg s6  }
0x2f9: {  	v58 =	vor.u32 s30, v48;
	s0 =	sor.u32 s8, s1;
	s16 =	sor.u32 s29, s2;
	[tilespmem:v57+s25+$0x0] =	vst.idx.msk $0xffff, v9  }
0x2fa: {  	v60 =	vor.u32 s7, v48;
	s0 =	sor.u32 $0x380, s0;
	[tilespmem:v12+s25+$0x0] =	vst.idx.msk $0xffff, v11;
	v9 =	vld [tilespmem:s16+$0x0]  }
0x2fb: {  	s21 =	sor.u32 s13, s22;
	v11 =	vld [tilespmem:s0+$0x8000];
	[tilespmem:v13+s25+$0x0] =	vst.idx.msk $0xffff, v6  }
0x2fc: {  	s18 =	sor.u32 s4, s22;
	[tilespmem:v1+s25+$0x0] =	vst.idx.msk $0xffff, v0;
	v6 =	vld [tilespmem:s21+$0x0]  }
0x2fd: {  	s23 =	sor.u32 s19, s14;
	v12 =	vor.u32 s3, v47;
	s0 =	sor.u32 $0xA080, s20;
	v0 =	vld [tilespmem:s18+$0x0];
	[tilespmem:v59+s25+$0x0] =	vst.idx.msk $0xffff, v4  }
0x2fe: {  	s22 =	sor.u32 s26, s0;
	[tilespmem:v58+s25+$0x0] =	vst.idx.msk $0xffff, v3;
	v8 =	vld [tilespmem:s23+$0x0]  }
0x2ff: {  	s7 =	sor.u32 s4, s5;
	v1 =	vor.u32 s28, v52;
	s1 =	sor.u32 s29, s0;
	v3 =	vld [tilespmem:s22+$0x0];
	[tilespmem:v60+s25+$0x0] =	vst.idx.msk $0xffff, v9  }
0x300: {  	s16 =	simm.s32 $0x700;
	v19 =	vld [tilespmem:s1+$0x0];
	[dreg:$0x1c] =	wrdreg s7  }
0x301: {  	[dreg:$0x5] =	wrdreg s16  }
0x302: {  	v17 =	vor.u32 s17, v55;
	v63 =	vor.u32 s17, v53;
	s17 =	simm.s32 $0x600;
	v13 =	vor.u32 s9, v52;
	s18 =	sor.u32 s13, s5;
	[tilespmem:v12+s25+$0x0] =	vst.idx.msk $0xffff, v11  }
0x303: {  	v61 =	vor.u32 s30, v51;
	v62 =	vor.u32 s31, v26;
	s31 =	simm.s32 $0x0;
	s24 =	sor.u32 s12, s2;
	[dreg:$0x1a] =	wrdreg s18  }
0x304: {  	s3 =	sor.u32 s13, s14;
	s14 =	sor.u32 s4, s14;
	s22 =	sor.u32 s11, s2;
	[tilespmem:v1+s25+$0x0] =	vst.idx.msk $0xffff, v0  }
0x305: {  	v4 =	vor.u32 s15, v55;
	s18 =	sor.u32 s12, s0;
	s0 =	sor.u32 s11, s0;
	v20 =	vld [tilespmem:s24+$0x0];
	[dreg:$0x16] =	wrdreg s22  }
0x306: {  	s4 =	simm.s32 $0xB00;
	s21 =	sor.u32 $0xA100, s20;
	[dreg:$0x12] =	wrdreg s0  }
0x307: {  	s15 =	smov.u32 s12;
	s13 =	sor.u32 s19, s5;
	s19 =	simm.s32 $0x500;
	[tilespmem:v13+s25+$0x0] =	vst.idx.msk $0xffff, v6  }
0x308: {  	s5 =	smov.u32 s20;
	s20 =	simm.s32 $0x4;
	s24 =	sor.u32 s12, s21;
	v1 =	vld [tilespmem:s14+$0x0];
	[tilespmem:v61+s25+$0x0] =	vst.idx.msk $0xffff, v3  }
0x309: {  	s23 =	sor.u32 s26, s21;
	s16 =	sor.u32 $0xA180, s5;
	v0 =	vld [tilespmem:s3+$0x0];
	[dreg:$0x14] =	wrdreg s24  }
0x30a: {  	v21 =	vor.u32 s30, v32;
	s7 =	sor.u32 s29, s21;
	s6 =	sor.u32 s26, s16;
	s8 =	sor.u32 s29, s16;
	[tilespmem:v4+s25+$0x0] =	vst.idx.msk $0xffff, v2  }
0x30b: {  	v23 =	vor.u32 s17, v48;
	v18 =	vor.u32 s9, v53;
	v16 =	vor.u32 s17, v55;
	s14 =	sor.u32 s12, s16;
	s12 =	simm.s32 $0x300;
	s3 =	sor.u32 s11, s21;
	[tilespmem:v62+s25+$0x0] =	vst.idx.msk $0xffff, v5  }
0x30c: {  	v22 =	vor.u32 s19, v51;
	s21 =	simm.s32 $0xB0;
	s24 =	simm.s32 $0x400;
	v3 =	vld [tilespmem:s23+$0x0];
	v2 =	vor.u32 s28, v53;
	s28 =	simm.s32 $0x400;
	[tilespmem:v63+s25+$0x0] =	vst.idx.msk $0xffff, v8  }
.LBB2_7:
0x30d: {  	[smem:$0x7AD] =	sst s29  }
0x30e: {  	[smem:$0x7AE] =	sst s26  }
0x30f: {  	[smem:$0x7AF] =	sst s15  }
0x310: {  	[smem:$0x7B0] =	sst s17  }
0x311: {  	[smem:$0x7B3] =	sst s3  }
0x312: {  	[smem:$0x7B5] =	sst s14  }
0x313: {  	[smem:$0x7B8] =	sst s6  }
0x314: {  	s14 =	sadd.s32 $0xFFFFFD00, s4;
	s6 =	sadd.s32 $0xFFFFFFD0, s21;
	s26 =	sand.u32 $0x1C00, s24  }
0x315: {  	s23 =	sadd.s32 $0xFFFFFFE0, s21;
	s3 =	sadd.s32 $0xFFFFFFF0, s21;
	s20 =	sadd.s32 $0x4, s20  }
0x316: {  	s0 =	sand.u32 $0x40, s6;
	s6 =	sor.u32 s6, s24;
	[dreg:$0x18] =	wrdreg s20  }
0x317: {  	s15 =	sand.u32 $0x50, s23;
	s23 =	sor.u32 s23, s24;
	[smem:$0x7B7] =	sst s6  }
0x318: {  	v8 =	vor.u32 s17, v51;
	s17 =	sand.u32 $0x60, s3;
	s3 =	sor.u32 s3, s24;
	[smem:$0x7B9] =	sst s23  }
0x319: {  	s1 =	simm.s32 $0x14000;
	v9 =	vor.u32 s12, v55;
	s12 =	sor.u32 $0xA000, s26;
	[smem:$0x7C1] =	sst s3  }
0x31a: {  	s29 =	smov.u32 s10;
	s10 =	sor.u32 s0, s12;
	[smem:$0x7B1] =	sst s0  }
0x31b: {  	s9 =	sand.u32 $0x70, s21;
	s23 =	sor.u32 $0xA080, s26;
	[tilespmem:v22+s25+$0x0] =	vst.idx.msk $0xffff, v19;
	[smem:$0x7BE] =	sst s10  }
0x31c: {  	s30 =	sor.u32 $0x8000, s26;
	s10 =	sor.u32 s15, s23;
	v5 =	vld [tilespmem:s7+$0x0];
	s7 =	rddreg [dreg:$0x1c]  }
0x31d: {  	v4 =	vld [tilespmem:s13+$0x0];
	p2 =	slt.u32 s20, $0x3C;
	s20 =	smov.u32 s14;
	[tilespmem:v23+s25+$0x0] =	vst.idx.msk $0xffff, v20;
	[smem:$0x7C6] =	sst s10  }
0x31e: {  	v6 =	vor.u32 s19, v32;
	s25 =	sor.u32 s0, s30;
	[tilespmem:v2+s1+$0x0] =	vst.idx.msk $0xffff, v1;
	s10 =	sor.u32 $0x300, s29;
	s29 =	sld [smem:$0x7AF];
	v7 =	vld [tilespmem:s18+$0x0]  }
0x31f: {  	v57 =	vor.u32 s14, v15;
	s13 =	sor.u32 s17, s30;
	s6 =	sor.u32 s9, s30;
	v2 =	vor.u32 s14, v14;
	s14 =	rddreg [dreg:$0x9];
	v1 =	vld [tilespmem:s25+$0x0];
	[tilespmem:v18+s1+$0x0] =	vst.idx.msk $0xffff, v0  }
0x320: {  	s18 =	sor.u32 s15, s30;
	s30 =	sor.u32 s15, s12;
	[tilespmem:v21+s1+$0x0] =	vst.idx.msk $0xffff, v3;
	v3 =	vld [tilespmem:s7+$0x0];
	s7 =	rddreg [dreg:$0x1a]  }
0x321: {  	[smem:$0x7C0] =	sst s30;
	s30 =	sor.u32 s17, s23  }
0x322: {  	v10 =	vld [tilespmem:s18+$0x0];
	[smem:$0x7BB] =	sst s30;
	s30 =	sor.u32 s11, s16  }
0x323: {  	[smem:$0x7B6] =	sst s30;
	[tilespmem:v6+s1+$0x0] =	vst.idx.msk $0xffff, v5;
	v5 =	vld [tilespmem:s7+$0x0];
	s7 =	sor.u32 s17, s12  }
0x324: {  	s3 =	sor.u32 $0xA100, s26;
	[dreg:$0x1e] =	wrdreg s7  }
0x325: {  	v6 =	vld [tilespmem:s8+$0x0];
	s8 =	sor.u32 s0, s23;
	s7 =	sor.u32 s0, s3;
	s0 =	sld [smem:$0x7AD]  }
0x326: {  	s22 =	sadd.s32 $0xFFFFFE00, s4;
	[smem:$0x7C4] =	sst s8;
	s8 =	sor.u32 s9, s12  }
0x327: {  	v0 =	vor.u32 s22, v14;
	s12 =	sor.u32 s9, s23;
	[smem:$0x7C8] =	sst s7;
	s23 =	sor.u32 s15, s3  }
0x328: {  	v12 =	vor.u32 s31, v55;
	[tilespmem:v2+s1+$0x0] =	vst.idx.msk $0xffff, v1;
	s7 =	sor.u32 s9, s3;
	[smem:$0x7B2] =	sst s23  }
0x329: {  	v13 =	vor.u32 s19, v49;
	v1 =	vld [tilespmem:s6+$0x0];
	[tilespmem:v9+s1+$0x0] =	vst.idx.msk $0xffff, v3;
	[smem:$0x7B4] =	sst s7  }
0x32a: {  	[tilespmem:v17+s1+$0x0] =	vst.idx.msk $0xffff, v4;
	v4 =	vor.u32 s4, v14;
	s23 =	sor.u32 $0xA200, s5;
	v60 =	vld [tilespmem:s10+$0x8000];
	s10 =	rddreg [dreg:$0x5]  }
0x32b: {  	s2 =	sadd.s32 $0xFFFFFF00, s4;
	[tilespmem:v8+s1+$0x0] =	vst.idx.msk $0xffff, v7;
	v2 =	vld [tilespmem:s25+$0x80];
	s7 =	sld [smem:$0x7AE];
	s16 =	sor.u32 s11, s23  }
0x32c: {  	v11 =	vor.u32 s2, v14;
	[tilespmem:v0+s1+$0x0] =	vst.idx.msk $0xffff, v10;
	v3 =	vld [tilespmem:s13+$0x0];
	[smem:$0x7BC] =	sst s16;
	s16 =	sor.u32 s29, s23  }
0x32d: {  	s31 =	sor.u32 s17, s3;
	v0 =	vor.u32 s22, v15;
	v58 =	vld [tilespmem:s18+$0x80];
	s3 =	sor.u32 s0, s23;
	[tilespmem:v12+s1+$0x0] =	vst.idx.msk $0xffff, v5;
	[smem:$0x7BA] =	sst s16  }
0x32e: {  	v61 =	vor.u32 s10, v54;
	[tilespmem:v13+s1+$0x0] =	vst.idx.msk $0xffff, v6;
	s30 =	sor.u32 s7, s23;
	s16 =	smov.u32 s28;
	s28 =	sld [smem:$0x7B0]  }
0x32f: {  	[tilespmem:v4+s1+$0x0] =	vst.idx.msk $0xffff, v1;
	v4 =	vor.u32 s19, v50;
	[smem:$0x7BD] =	sst s30;
	v1 =	vld [tilespmem:s3+$0x0]  }
0x330: {  	v5 =	vor.u32 s4, v15;
	s23 =	smov.u32 s4;
	[tilespmem:v57+s1+$0x0] =	vst.idx.msk $0xffff, v2;
	v2 =	vld [tilespmem:s6+$0x80];
	s30 =	smov.u32 s10;
	s10 =	rddreg [dreg:$0x7]  }
0x331: {  	[tilespmem:v11+s1+$0x0] =	vst.idx.msk $0xffff, v3;
	[dreg:$0x5] =	wrdreg s23;
	s23 =	smov.u32 s21;
	s3 =	sor.u32 s14, s10  }
0x332: {  	v12 =	vor.u32 s20, v45;
	v7 =	vld [tilespmem:s25+$0x100];
	[tilespmem:v0+s1+$0x0] =	vst.idx.msk $0xffff, v58;
	[dreg:$0x9] =	wrdreg s23;
	s14 =	smov.u32 s24;
	s10 =	sor.u32 $0xA280, s5  }
0x333: {  	v59 =	vor.u32 s2, v15;
	v3 =	vld [tilespmem:s13+$0x80];
	[dreg:$0x7] =	wrdreg s14;
	[tilespmem:v61+s1+$0x0] =	vst.idx.msk $0xffff, v60;
	s23 =	sor.u32 s7, s10  }
0x334: {  	v0 =	vor.u32 s22, v45;
	v8 =	vld [tilespmem:s18+$0x100];
	s3 =	sor.u32 $0x380, s3;
	[smem:$0x7C3] =	sst s23;
	s23 =	sor.u32 s11, s10;
	[tilespmem:v4+s1+$0x0] =	vst.idx.msk $0xffff, v1  }
0x335: {  	[smem:$0x7C2] =	sst s23;
	s23 =	sor.u32 s29, s10;
	v1 =	vld [tilespmem:s3+$0x8000];
	v4 =	vor.u32 s30, v47;
	[tilespmem:v5+s1+$0x0] =	vst.idx.msk $0xffff, v2  }
0x336: {  	s14 =	sor.u32 s0, s10;
	v2 =	vor.u32 s4, v45;
	[smem:$0x7BF] =	sst s23;
	v28 =	vld [tilespmem:s6+$0x100]  }
0x337: {  	v63 =	vor.u32 s19, v52;
	s3 =	rddreg [dreg:$0xc];
	v5 =	vld [tilespmem:s14+$0x0];
	[tilespmem:v12+s1+$0x0] =	vst.idx.msk $0xffff, v7  }
0x338: {  	v12 =	vor.u32 s20, v24;
	[tilespmem:v59+s1+$0x0] =	vst.idx.msk $0xffff, v3;
	s10 =	sadd.s32 $0x4, s3;
	s14 =	rddreg [dreg:$0xf];
	v29 =	vld [tilespmem:s25+$0x180]  }
0x339: {  	p1 =	por !p1, !p1;
	v62 =	vor.u32 s2, v45;
	s3 =	simm.s32 $0x1;
	[tilespmem:v0+s1+$0x0] =	vst.idx.msk $0xffff, v8;
	v3 =	vld [tilespmem:s13+$0x100];
	[dreg:$0xc] =	wrdreg s10  }
0x33a: {  	v0 =	vor.u32 s22, v24;
	s3 =	simm.s32 @!p1 $0x0;
	s23 =	sadd.s32 $0x2, s14;
	v8 =	vld [tilespmem:s18+$0x180];
	s18 =	rddreg [dreg:$0x14];
	[tilespmem:v4+s1+$0x0] =	vst.idx.msk $0xffff, v1  }
0x33b: {  	s10 =	sand.u32 $0x7, s10;
	s25 =	smov.u32 s31;
	v1 =	vld [tilespmem:s18+$0x0];
	v4 =	vor.u32 s28, v32;
	s18 =	rddreg [dreg:$0x16];
	[tilespmem:v2+s1+$0x0] =	vst.idx.msk $0xffff, v28  }
0x33c: {  	s3 =	sshll.u32 s3, $0x6;
	[dreg:$0x14] =	wrdreg s25;
	s10 =	sshll.u32 s10, $0x4;
	[tilespmem:v63+s1+$0x0] =	vst.idx.msk $0xffff, v5;
	v5 =	vor.u32 s30, v48;
	v2 =	vld [tilespmem:s18+$0x0]  }
0x33d: {  	v33 =	vor.u32 s4, v24;
	s25 =	smov.u32 s8;
	s14 =	sadd.s32 s3, s24;
	s3 =	sadd.s32 s24, s10;
	[tilespmem:v12+s1+$0x0] =	vst.idx.msk $0xffff, v29;
	v31 =	vld [tilespmem:s6+$0x180]  }
0x33e: {  	[dreg:$0x16] =	wrdreg s25;
	s10 =	sor.u32 $0x200, s14;
	s6 =	sor.u32 $0xA300, s5;
	[tilespmem:v62+s1+$0x0] =	vst.idx.msk $0xffff, v3  }
0x33f: {  	s8 =	sadd.s32 $0x10, s3;
	v10 =	vld [tilespmem:s10+$0x8000];
	s18 =	sor.u32 s7, s6;
	s25 =	sor.u32 s0, s6;
	[tilespmem:v0+s1+$0x0] =	vst.idx.msk $0xffff, v8  }
0x340: {  	v12 =	vor.u32 s20, v25;
	[smem:$0x7C7] =	sst s18;
	s18 =	sor.u32 $0x200, s8;
	v0 =	vld [tilespmem:s25+$0x0];
	s25 =	sor.u32 s29, s6;
	[tilespmem:v4+s1+$0x0] =	vst.idx.msk $0xffff, v1  }
0x341: {  	v3 =	vor.u32 s19, v53;
	[smem:$0x7C5] =	sst s25;
	v8 =	vld [tilespmem:s18+$0x8000];
	[tilespmem:v5+s1+$0x0] =	vst.idx.msk $0xffff, v2  }
0x342: {  	v34 =	vor.u32 s22, v25;
	s10 =	sadd.s32 $0x30, s3;
	s25 =	rddreg [dreg:$0x12];
	v1 =	vld [tilespmem:s13+$0x180];
	[tilespmem:v33+s1+$0x0] =	vst.idx.msk $0xffff, v31  }
0x343: {  	v30 =	vor.u32 s2, v24;
	[dreg:$0xf] =	wrdreg s23;
	s3 =	sand.u32 $0x3, s23;
	s13 =	sor.u32 $0x200, s10;
	v2 =	vld [tilespmem:s25+$0x0]  }
0x344: {  	s23 =	smov.u32 s12;
	s3 =	sshll.u32 s3, $0x5;
	v4 =	vor.u32 s30, v51;
	v5 =	vld [tilespmem:s13+$0x8000];
	s13 =	sor.u32 $0xA380, s5  }
0x345: {  	v35 =	vor.u32 s4, v25;
	s3 =	sadd.s32 s24, s3;
	[tilespmem:v12+s1+$0x0] =	vst.idx.msk $0xffff, v10;
	s25 =	sor.u32 $0x280, s14;
	s0 =	sor.u32 s0, s13  }
0x346: {  	v37 =	vor.u32 s20, v26;
	[tilespmem:v3+s1+$0x0] =	vst.idx.msk $0xffff, v0;
	v36 =	vld [tilespmem:s25+$0x8000];
	s5 =	sor.u32 s11, s13;
	s7 =	sor.u32 s7, s13;
	s25 =	simm.s32 $0x14000  }
0x347: {  	[tilespmem:v34+s1+$0x0] =	vst.idx.msk $0xffff, v8;
	s13 =	sor.u32 s29, s13;
	s29 =	smov.u32 s15;
	s15 =	sld [smem:$0x7B3]  }
0x348: {  	s18 =	sadd.s32 $0x20, s3;
	v3 =	vor.u32 s19, v55;
	[dreg:$0x1c] =	wrdreg s5;
	s5 =	sor.u32 $0x280, s8;
	v0 =	vld [tilespmem:s0+$0x0];
	[tilespmem:v30+s25+$0x0] =	vst.idx.msk $0xffff, v1  }
0x349: {  	v38 =	vor.u32 s22, v26;
	s6 =	sor.u32 s11, s6;
	s3 =	sor.u32 $0x200, s18;
	s11 =	sld [smem:$0x7B1];
	v8 =	vld [tilespmem:s5+$0x8000];
	[tilespmem:v4+s25+$0x0] =	vst.idx.msk $0xffff, v2  }
0x34a: {  	s12 =	sor.u32 $0x280, s10;
	[dreg:$0x12] =	wrdreg s23;
	v12 =	vor.u32 s2, v25;
	v9 =	vld [tilespmem:s3+$0x8000];
	[tilespmem:v35+s25+$0x0] =	vst.idx.msk $0xffff, v5  }
0x34b: {  	s19 =	smov.u32 s22;
	s22 =	sor.u32 $0x300, s14;
	s5 =	smov.u32 s26;
	v4 =	vor.u32 s30, v32;
	[tilespmem:v37+s25+$0x0] =	vst.idx.msk $0xffff, v36;
	v2 =	vld [tilespmem:s15+$0x0]  }
0x34c: {  	v40 =	vor.u32 s20, v54;
	s26 =	smov.u32 s11;
	s11 =	smov.u32 s9;
	s9 =	sld [smem:$0x7B5];
	v7 =	vld [tilespmem:s22+$0x8000]  }
0x34d: {  	v39 =	vor.u32 s4, v26;
	s23 =	sld [smem:$0x7B4];
	v5 =	vld [tilespmem:s12+$0x8000];
	[tilespmem:v3+s25+$0x0] =	vst.idx.msk $0xffff, v0  }
0x34e: {  	s14 =	sld [smem:$0x7B6];
	[tilespmem:v38+s25+$0x0] =	vst.idx.msk $0xffff, v8  }
0x34f: {  	s8 =	sor.u32 $0x300, s8;
	v0 =	vld [tilespmem:s9+$0x0];
	v3 =	vor.u32 s28, v49;
	s22 =	sld [smem:$0x7B8];
	[tilespmem:v12+s25+$0x0] =	vst.idx.msk $0xffff, v9  }
0x350: {  	v41 =	vor.u32 s19, v54;
	s15 =	smov.u32 s17;
	s12 =	sor.u32 $0x280, s18;
	s17 =	sld [smem:$0x7B7];
	v8 =	vld [tilespmem:s8+$0x8000];
	[tilespmem:v4+s25+$0x0] =	vst.idx.msk $0xffff, v2  }
0x351: {  	v13 =	vor.u32 s2, v26;
	v12 =	vld [tilespmem:s12+$0x8000];
	[tilespmem:v40+s25+$0x0] =	vst.idx.msk $0xffff, v7  }
0x352: {  	s1 =	sld [smem:$0x7BA];
	v1 =	vor.u32 s16, v49;
	[tilespmem:v39+s25+$0x0] =	vst.idx.msk $0xffff, v5;
	v5 =	vld [tilespmem:s22+$0x0]  }
0x353: {  	s3 =	smov.u32 s23;
	s23 =	sld [smem:$0x7B9];
	s0 =	sor.u32 $0x380, s17;
	v4 =	vor.u32 s30, v49;
	v2 =	vld [tilespmem:s14+$0x0]  }
0x354: {  	v44 =	vor.u32 s20, v47;
	[tilespmem:v3+s25+$0x0] =	vst.idx.msk $0xffff, v0;
	v43 =	vld [tilespmem:s0+$0x8000]  }
0x355: {  	[tilespmem:v41+s25+$0x0] =	vst.idx.msk $0xffff, v8  }
0x356: {  	s12 =	sld [smem:$0x7BC];
	v3 =	vor.u32 s28, v50;
	s0 =	sor.u32 $0x380, s23;
	v0 =	vld [tilespmem:s1+$0x0];
	[tilespmem:v13+s25+$0x0] =	vst.idx.msk $0xffff, v12  }
0x357: {  	v46 =	vor.u32 s19, v47;
	s9 =	sor.u32 $0x300, s18;
	s14 =	sld [smem:$0x7BD];
	v8 =	vld [tilespmem:s0+$0x8000];
	[tilespmem:v1+s25+$0x0] =	vst.idx.msk $0xffff, v5  }
0x358: {  	s17 =	sld [smem:$0x7BE];
	v13 =	vor.u32 s2, v54;
	v12 =	vld [tilespmem:s9+$0x8000];
	[tilespmem:v4+s25+$0x0] =	vst.idx.msk $0xffff, v2  }
0x359: {  	s22 =	sld [smem:$0x7BF];
	v2 =	vor.u32 s30, v50;
	[tilespmem:v44+s25+$0x0] =	vst.idx.msk $0xffff, v43;
	v1 =	vld [tilespmem:s12+$0x0]  }
0x35a: {  	v42 =	vor.u32 s16, v50;
	s23 =	sld [smem:$0x7C0];
	v4 =	vld [tilespmem:s14+$0x0]  }
0x35b: {  	v57 =	vor.u32 s20, v48;
	s1 =	sld [smem:$0x7C1];
	[tilespmem:v3+s25+$0x0] =	vst.idx.msk $0xffff, v0;
	v5 =	vld [tilespmem:s17+$0x0]  }
0x35c: {  	[tilespmem:v46+s25+$0x0] =	vst.idx.msk $0xffff, v8  }
0x35d: {  	s8 =	sld [smem:$0x7C2];
	v3 =	vor.u32 s28, v52;
	v0 =	vld [tilespmem:s22+$0x0];
	[tilespmem:v13+s25+$0x0] =	vst.idx.msk $0xffff, v12  }
0x35e: {  	v59 =	vor.u32 s19, v48;
	s9 =	sld [smem:$0x7C3];
	s0 =	sor.u32 $0x380, s1;
	v58 =	vld [tilespmem:s23+$0x0];
	[tilespmem:v2+s25+$0x0] =	vst.idx.msk $0xffff, v1  }
0x35f: {  	v12 =	vor.u32 s2, v47;
	s12 =	sld [smem:$0x7C4];
	v60 =	vld [tilespmem:s0+$0x8000];
	[tilespmem:v42+s25+$0x0] =	vst.idx.msk $0xffff, v4  }
0x360: {  	[dreg:$0x1a] =	wrdreg s7;
	v2 =	vor.u32 s30, v52;
	v1 =	vld [tilespmem:s8+$0x0];
	[tilespmem:v57+s25+$0x0] =	vst.idx.msk $0xffff, v5  }
0x361: {  	v56 =	vor.u32 s16, v52;
	s14 =	sld [smem:$0x7C5];
	v4 =	vld [tilespmem:s9+$0x0]  }
0x362: {  	v18 =	vor.u32 s16, v53;
	v61 =	vor.u32 s20, v51;
	s31 =	smov.u32 s16;
	s16 =	sld [smem:$0x7C6];
	[tilespmem:v3+s25+$0x0] =	vst.idx.msk $0xffff, v0;
	v5 =	vld [tilespmem:s12+$0x0]  }
0x363: {  	s7 =	sld [smem:$0x7B2];
	[tilespmem:v59+s25+$0x0] =	vst.idx.msk $0xffff, v58  }
0x364: {  	v63 =	vor.u32 s28, v53;
	s22 =	rddreg [dreg:$0x1e];
	v62 =	vld [tilespmem:s14+$0x0];
	[tilespmem:v12+s25+$0x0] =	vst.idx.msk $0xffff, v60  }
.Ltmp2:
0x365: {  	s21 =	sadd.s32 $0x40, s21;
	s23 =	sld [smem:$0x7C7];
	v19 =	vld [tilespmem:s16+$0x0];
	[tilespmem:v2+s25+$0x0] =	vst.idx.msk $0xffff, v1;
	(pc) =	sbr.rel @p2 .LBB2_7-.Ltmp2, $4  }
0x366: {  	s4 =	sadd.s32 $0x400, s4;
	v20 =	vld [tilespmem:s22+$0x0];
	s12 =	smov.u32 s30;
	v2 =	vor.u32 s30, v53;
	s30 =	sld [smem:$0x7C8];
	[tilespmem:v56+s25+$0x0] =	vst.idx.msk $0xffff, v4  }
0x367: {  	s24 =	sadd.s32 $0x200, s24;
	s18 =	sld [smem:$0x7BB];
	s28 =	smov.u32 s20;
	v1 =	vld [tilespmem:s6+$0x0];
	[tilespmem:v61+s25+$0x0] =	vst.idx.msk $0xffff, v5  }
0x368: {  	v17 =	vmov v16;
	v16 =	vor.u32 s2, v55;
	v21 =	vor.u32 s20, v32;
	s20 =	rddreg [dreg:$0x18];
	s17 =	smov.u32 s2;
	s16 =	sor.u32 $0xA180, s5;
	v0 =	vld [tilespmem:s23+$0x0]  }
0x369: {  	v22 =	vor.u32 s19, v51;
	v23 =	vor.u32 s17, v48;
	s8 =	sor.u32 s29, s16;
	s14 =	sor.u32 s15, s16;
	[tilespmem:v63+s25+$0x0] =	vst.idx.msk $0xffff, v62;
	s6 =	sor.u32 s26, s16;
	v3 =	vld [tilespmem:s30+$0x0]  }
0x36a: {  	s0 =	sor.u32 $0x300, s10;
	s2 =	rddreg [dreg:$0x5]  }
0x36b: {  	v4 =	vld [tilespmem:s0+$0x8000];
	v5 =	vor.u32 s2, v54;
	_ =	sdelay $0x1  }
0x36c: {  	s9 =	rddreg [dreg:$0x7]  }
0x36d: {  	s1 =	rddreg [dreg:$0x9]  }
0x36e: {  	s0 =	sor.u32 s1, s9  }
0x36f: {  	s0 =	sor.u32 $0x380, s0;
	[tilespmem:v5+s25+$0x0] =	vst.idx.msk $0xffff, v4  }
0x370: {  	v10 =	vor.u32 s2, v47;
	v4 =	vld [tilespmem:s0+$0x8000];
	_ =	sdelay $0x4  }
0x371: {  	[tilespmem:v10+s25+$0x0] =	vst.idx.msk $0xffff, v4  }
0x372: {  	s10 =	rddreg [dreg:$0x16]  }
0x373: {  	v11 =	vor.u32 s2, v48;
	v4 =	vld [tilespmem:s10+$0x0];
	_ =	sdelay $0x2  }
0x374: {  	[tilespmem:v23+s25+$0x0] =	vst.idx.msk $0xffff, v20  }
0x375: {  	v7 =	vor.u32 s17, v51;
	v6 =	vld [tilespmem:s18+$0x0]  }
0x376: {  	[tilespmem:v11+s25+$0x0] =	vst.idx.msk $0xffff, v4  }
0x377: {  	s18 =	rddreg [dreg:$0x12]  }
0x378: {  	v20 =	vor.u32 s2, v51;
	v4 =	vld [tilespmem:s18+$0x0]  }
0x379: {  	[tilespmem:v22+s25+$0x0] =	vst.idx.msk $0xffff, v19  }
0x37a: {  	[tilespmem:v7+s25+$0x0] =	vst.idx.msk $0xffff, v6  }
0x37b: {  	v9 =	vor.u32 s19, v32;
	v8 =	vld [tilespmem:s7+$0x0];
	s20 =	rddreg [dreg:$0x14]  }
0x37c: {  	v22 =	vor.u32 s17, v32;
	v6 =	vld [tilespmem:s20+$0x0]  }
0x37d: {  	[tilespmem:v20+s25+$0x0] =	vst.idx.msk $0xffff, v4  }
0x37e: {  	v23 =	vor.u32 s2, v32;
	v4 =	vld [tilespmem:s3+$0x0];
	_ =	sdelay $0x1  }
0x37f: {  	[tilespmem:v9+s25+$0x0] =	vst.idx.msk $0xffff, v8  }
0x380: {  	v28 =	vor.u32 s19, v49;
	v8 =	vld [tilespmem:s8+$0x0];
	[tilespmem:v22+s25+$0x0] =	vst.idx.msk $0xffff, v6  }
0x381: {  	v29 =	vor.u32 s17, v49;
	[tilespmem:v21+s25+$0x0] =	vst.idx.msk $0xffff, v3;
	v6 =	vld [tilespmem:s14+$0x0]  }
0x382: {  	s21 =	sor.u32 s11, s16;
	v33 =	vor.u32 s28, v49;
	v10 =	vld [tilespmem:s6+$0x0];
	[tilespmem:v23+s25+$0x0] =	vst.idx.msk $0xffff, v4  }
0x383: {  	v31 =	vor.u32 s2, v49;
	v30 =	vld [tilespmem:s21+$0x0]  }
0x384: {  	s22 =	sor.u32 $0xA200, s5  }
0x385: {  	s23 =	sor.u32 s29, s22;
	[tilespmem:v28+s25+$0x0] =	vst.idx.msk $0xffff, v8  }
0x386: {  	v34 =	vor.u32 s19, v50;
	s24 =	sor.u32 s15, s22;
	v8 =	vld [tilespmem:s23+$0x0];
	[tilespmem:v29+s25+$0x0] =	vst.idx.msk $0xffff, v6  }
0x387: {  	v35 =	vor.u32 s17, v50;
	s0 =	sor.u32 s26, s22;
	[tilespmem:v33+s25+$0x0] =	vst.idx.msk $0xffff, v10;
	v6 =	vld [tilespmem:s24+$0x0]  }
0x388: {  	v37 =	vor.u32 s28, v50;
	s30 =	sor.u32 s11, s22;
	v10 =	vld [tilespmem:s0+$0x0];
	[tilespmem:v31+s25+$0x0] =	vst.idx.msk $0xffff, v30  }
0x389: {  	v36 =	vor.u32 s2, v50;
	v3 =	vld [tilespmem:s30+$0x0]  }
0x38a: {  	s3 =	sor.u32 $0xA280, s5  }
0x38b: {  	s4 =	sor.u32 s29, s3;
	[tilespmem:v34+s25+$0x0] =	vst.idx.msk $0xffff, v8  }
0x38c: {  	v38 =	vor.u32 s19, v52;
	s6 =	sor.u32 s15, s3;
	v8 =	vld [tilespmem:s4+$0x0];
	[tilespmem:v35+s25+$0x0] =	vst.idx.msk $0xffff, v6  }
0x38d: {  	v39 =	vor.u32 s17, v52;
	s0 =	sor.u32 s26, s3;
	[tilespmem:v37+s25+$0x0] =	vst.idx.msk $0xffff, v10;
	v6 =	vld [tilespmem:s6+$0x0]  }
0x38e: {  	v41 =	vor.u32 s28, v52;
	s7 =	sor.u32 s11, s3;
	v10 =	vld [tilespmem:s0+$0x0];
	[tilespmem:v36+s25+$0x0] =	vst.idx.msk $0xffff, v3  }
0x38f: {  	v40 =	vor.u32 s2, v52;
	[tilespmem:v2+s25+$0x0] =	vst.idx.msk $0xffff, v1;
	v3 =	vld [tilespmem:s7+$0x0]  }
0x390: {  	v42 =	vld [tilespmem:s13+$0x0];
	[tilespmem:v18+s25+$0x0] =	vst.idx.msk $0xffff, v0;
	s8 =	sor.u32 $0xA300, s5  }
0x391: {  	s9 =	sor.u32 s29, s8;
	[tilespmem:v38+s25+$0x0] =	vst.idx.msk $0xffff, v8  }
0x392: {  	v44 =	vor.u32 s19, v53;
	s10 =	sor.u32 s15, s8;
	v43 =	vld [tilespmem:s9+$0x0];
	[tilespmem:v39+s25+$0x0] =	vst.idx.msk $0xffff, v6  }
0x393: {  	v46 =	vor.u32 s17, v53;
	s0 =	sor.u32 s26, s8;
	[tilespmem:v41+s25+$0x0] =	vst.idx.msk $0xffff, v10;
	v6 =	vld [tilespmem:s10+$0x0]  }
0x394: {  	v57 =	vor.u32 s28, v53;
	s13 =	sor.u32 s11, s8;
	v5 =	vld [tilespmem:s0+$0x0];
	[tilespmem:v40+s25+$0x0] =	vst.idx.msk $0xffff, v3  }
0x395: {  	v56 =	vor.u32 s2, v53;
	v3 =	vld [tilespmem:s13+$0x0];
	s14 =	rddreg [dreg:$0x1c];
	[tilespmem:v17+s25+$0x0] =	vst.idx.msk $0xffff, v42  }
0x396: {  	v59 =	vor.u32 s12, v55;
	s16 =	sor.u32 $0xA380, s5;
	v58 =	vld [tilespmem:s14+$0x0];
	s17 =	rddreg [dreg:$0x1a]  }
0x397: {  	v60 =	vor.u32 s31, v55;
	s18 =	sor.u32 s29, s16;
	[tilespmem:v44+s25+$0x0] =	vst.idx.msk $0xffff, v43;
	v11 =	vld [tilespmem:s17+$0x0]  }
0x398: {  	v61 =	vor.u32 s19, v55;
	s20 =	sor.u32 s15, s16;
	[tilespmem:v46+s25+$0x0] =	vst.idx.msk $0xffff, v6;
	v2 =	vld [tilespmem:s18+$0x0]  }
0x399: {  	s0 =	sor.u32 s26, s16;
	[tilespmem:v57+s25+$0x0] =	vst.idx.msk $0xffff, v5;
	v6 =	vld [tilespmem:s20+$0x0]  }
0x39a: {  	v63 =	vor.u32 s28, v55;
	s21 =	sor.u32 s11, s16;
	v5 =	vld [tilespmem:s0+$0x0];
	[tilespmem:v56+s25+$0x0] =	vst.idx.msk $0xffff, v3  }
0x39b: {  	v62 =	vor.u32 s2, v55;
	v3 =	vld [tilespmem:s21+$0x0];
	[tilespmem:v59+s25+$0x0] =	vst.idx.msk $0xffff, v58  }
0x39c: {  	[tilespmem:v60+s25+$0x0] =	vst.idx.msk $0xffff, v11  }
0x39d: {  	s22 =	sld [smem:$0x7F6];
	[tilespmem:v61+s25+$0x0] =	vst.idx.msk $0xffff, v2  }
0x39e: {  	s23 =	sld [smem:$0x7F7];
	[tilespmem:v16+s25+$0x0] =	vst.idx.msk $0xffff, v6  }
0x39f: {  	[tilespmem:v63+s25+$0x0] =	vst.idx.msk $0xffff, v5  }
0x3a0: {  	s0 =	smul.u32 $0x186A00, s22;
	[tilespmem:v62+s25+$0x0] =	vst.idx.msk $0xffff, v3  }
0x3a1: {  	s1 =	sshll.u32 s23, $0xB;
	s24 =	sld [smem:$0x7FA]  }
0x3a2: {  	s0 =	sadd.s32 s0, s1  }
0x3a3: {  	s0 =	sshrl.u32 s0, $0x3  }
0x3a4: {  	s28 =	simm.s32 $0x4;
	s26 =	simm.s32 $0x0;
	s0 =	sadd.s32 s24, s0  }
0x3a5: {  	[hbm4b:s0+s26] =	stream.linear.scatter [tilespmem:s25], [sflag:$0x6], $0x4000, $0x38;
	[tilespmem:$0x18200] =	vst v63  }
0x3a6: {  	_ =	swait.ge [sflag:s28], $0x4000  }
0x3a7: {  	[sflag:s28] =	ssyncset.done $0x0  }
0x3a8: {  	s29 =	simm.s32 $0x5;
	[sflag:s28] =	ssyncadd.s32 $0xFFFFC000  }
0x3a9: {  	_ =	swait.ge [sflag:s29], $0x4000  }
0x3aa: {  	[sflag:s29] =	ssyncset.done $0x0  }
0x3ab: {  	s30 =	simm.s32 $0x6;
	[sflag:s29] =	ssyncadd.s32 $0xFFFFC000  }
0x3ac: {  	_ =	swait.ge [sflag:s30], $0x4000  }
0x3ad: {  	s31 =	sld [smem:$0x7F1];
	_ =	sdelay $0x2  }
0x3ae: {  	s1 =	sadd.s32 $0x1, s31  }
0x3af: {  	p1 =	sne.s32 s1, $0x1B  }
.Ltmp3:
0x3b0: {  	_ = 	snop;
	(pc) =	sbr.rel @p1 .LBB2_2-.Ltmp3, $3  }
0x3b1: {  	_ =	sdelay $0x1  }
0x3b2: {  	[sflag:s30] =	ssyncset.done $0x0  }
0x3b3: {  	[sflag:s30] =	ssyncadd.s32 $0xFFFFC000  }
0x3b4: {  	s3 =	sld [smem:$0x7FB];
	_ =	sdelay $0x1  }
0x3b5: {  	s0 =	simm.s32 @!p0 $0x80;
	s1 =	simm.s32 @!p0 $0x400;
	s2 =	simm.s32 @!p0 $0x18000  }
0x3b6: {  	[tilespmem:s2], [sflag:$0x7] =	stream.strided.gather @!p0 [hbm4b:s3+s0], $0x200, s1, s0, $0x38;
	[tilespmem:$0x18200] =	vst v63  }
0x3b7: {  	s0 =	simm.s32 @!p0 $0x7  }
0x3b8: {  	_ =	swait.ge @!p0 [sflag:s0], $0x200  }
0x3b9: {  	s3 =	sld [smem:$0x7FC]  }
0x3ba: {  	[sflag:s0] =	ssyncset.done @!p0 $0x0  }
0x3bb: {  	s1 =	simm.s32 @!p0 $0x0;
	[sflag:s0] =	ssyncadd.s32 @!p0 $0xFFFFFE00  }
0x3bc: {  	[hbm4b:s3+s1] =	stream.linear.scatter @!p0 [tilespmem:s2], [sflag:$0x7], $0x200, $0x38;
	[tilespmem:$0x18200] =	vst v63  }
0x3bd: {  	_ =	swait.ge @!p0 [sflag:s0], $0x200  }
0x3be: {  	s30 =	sld [smem:$0x7F8]  }
0x3bf: {  	s31 =	sld [smem:$0x7FD];
	_ =	sdelay $0x1  }
0x3c0: {  	s2 =	sadd.s32 $0x1, s30  }
0x3c1: {  	p1 =	sne.s32 s2, s31  }
.Ltmp4:
0x3c2: {  	_ = 	snop;
	(pc) =	sbr.rel @p1 .LBB2_1-.Ltmp4, $3  }
0x3c3: {  	_ =	sdelay $0x1  }
0x3c4: {  	[sflag:s0] =	ssyncset.done @!p0 $0x0  }
0x3c5: {  	[sflag:s0] =	ssyncadd.s32 @!p0 $0xFFFFFE00  }
0x3c6: {  	_ =	sfence.sel $0x180000  }
0x3c7: {  	[bflag:$0x0] =	sbarrier.arrive $0xFFFF  }
0x3c8: {  	_ =	strace $0x90000047  }
0x3c9: {  	s0 =	stileid.u32;
	[bflag:$0x2] =	sbarrier.arrive $0xFFFF  }
0x3ca: {  	p0 =	sne.s32 s0, $0x0;
	s0 =	rddreg [dreg:$0x3]  }
0x3cb: {  	s0 =	sadd.s32 @!p0 $0x100000, s0  }
0x3cc: {  	[sflag:s0] =	ssyncadd.tile.s32 @!p0 $0x1;
	_ =	shalt  }
.Lfunc_end2:
_tile_overlayer_lowered:
.L_overlay_start_2:
0x3cd: {  	(tag) =	ssettag $0x2  }
0x3ce: {  	s0 =	rddreg [dreg:$0x0];
	s2 =	stileid.u32  }
0x3cf: {  	s1 =	rddreg [dreg:$0x1];
	p0 =	sne.s32 s2, $0x0  }
0x3d0: {  	s3 =	rddreg [dreg:$0x2];
	[bflag:$0x3] =	sbarrier.arrive $0xFFFF;
	s2 =	simm.s32 @!p0 $0x1C07  }
0x3d1: {  	[timem:s3], [sflag:s2] =	dma.local @!p0 [hbm:s0], s1  }
0x3d2: {  	s0 =	simm.s32 @!p0 $0x7  }
0x3d3: {  	_ =	swait.ge @!p0 [sflag:s0], s1  }
0x3d4: {  	s1 =	ssub.s32 @!p0 $0x0, s1;
	[sflag:s0] =	ssyncset.done @!p0 $0x0  }
0x3d5: {  	[sflag:s0] =	ssyncadd.s32 @!p0 s1  }
0x3d6: {  	[bflag:$0x3] =	sbarrier.arrive $0xFFFF  }
0x3d7: {  	_ =	shalt  }

</sc_bundles>
